<compile_context>
chip_gen: v7x
topology: tpu7x:2x2x1
jax: 0.10.2.dev20260603
libtpu: 0.0.44.dev20260713+nightly
codegen_flags: <defaults>
</compile_context>

<pallas_src>
import functools

import jax
import jax.numpy as jnp
from jax import lax
from jax.experimental import pallas as pl
from jax.experimental.pallas import tpu as pltpu
from jax.experimental.pallas import tpu_sc as plsc

BATCH = 4096
HIST = 200
EMBED = 64
VOCAB = 1000000
SPLIT = 104

NBUF = 4
RB = 8192
HB = RB // 2
HBLOG = HB.bit_length() - 1
N_BLOCKS = (VOCAB + RB - 1) // RB
VOCAB_PAD = N_BLOCKS * RB


def _repack_kernel(tt_ref, eye_ref, out_ref):
  r = jax.lax.dot_general(
      tt_ref[...], eye_ref[...], (((0,), (0,)), ((), ())),
      precision=jax.lax.Precision.HIGHEST,
      preferred_element_type=jnp.float32)
  top = jax.lax.slice(r, (0, 0), (HB, EMBED))
  bot = jax.lax.slice(r, (HB, 0), (RB, EMBED))
  out_ref[...] = jnp.concatenate([top, bot], axis=1)


def _repack(table_t):
  eye = jnp.eye(EMBED, EMBED, dtype=jnp.float32)
  return pl.pallas_call(
      _repack_kernel,
      grid=(N_BLOCKS,),
      in_specs=[
          pl.BlockSpec((EMBED, RB), lambda c: (0, c)),
          pl.BlockSpec((EMBED, EMBED), lambda c: (0, 0)),
      ],
      out_specs=pl.BlockSpec((HB, 2 * EMBED), lambda c: (c, 0)),
      out_shape=jax.ShapeDtypeStruct((VOCAB_PAD // 2, 2 * EMBED), jnp.float32),
  )(table_t, eye)


def _make_pooling_kernel():
  info = plsc.get_sparse_core_info()
  nw = info.num_cores * info.num_subcores
  b_per_w = BATCH // nw

  mesh = plsc.VectorSubcoreMesh(core_axis_name="c", subcore_axis_name="s")

  @functools.partial(
      pl.kernel,
      mesh=mesh,
      compiler_params=pltpu.CompilerParams(use_tc_tiling_on_sc=False),
      out_type=jax.ShapeDtypeStruct((BATCH * EMBED,), jnp.float32),
      scratch_types=[
          pltpu.VMEM((b_per_w * HIST,), jnp.int32),
          pltpu.VMEM((NBUF, HIST, EMBED), jnp.float32),
          pltpu.VMEM((b_per_w * EMBED,), jnp.float32),
          [pltpu.SemaphoreType.DMA] * NBUF,
      ],
  )
  def pool(x_hbm, table_hbm, out_hbm, idx_v, rows_v, pooled_v, sems):
    wid = lax.axis_index("s") * info.num_cores + lax.axis_index("c")
    base = wid * b_per_w

    pltpu.sync_copy(x_hbm.at[pl.ds(base * HIST, b_per_w * HIST)], idx_v)

    def remap_body(k, _):
      o = k * 128
      for u in range(8):
        v = idx_v[pl.ds(o + u * 16, 16)]
        idx_v[pl.ds(o + u * 16, 16)] = (
            (v & (-RB)) | ((v & (HB - 1)) << 1) | ((v & HB) >> HBLOG))
      return ()

    lax.fori_loop(0, b_per_w * HIST // 128, remap_body, ())

    def fire(b, p):
      pltpu.async_copy(
          table_hbm.at[idx_v.at[pl.ds(b * HIST, SPLIT)]],
          rows_v.at[p, pl.ds(0, SPLIT)], sems[p])
      pltpu.async_copy(
          table_hbm.at[idx_v.at[pl.ds(b * HIST + SPLIT, HIST - SPLIT)]],
          rows_v.at[p, pl.ds(SPLIT, HIST - SPLIT)], sems[p])

    def consume(b, p):
      pltpu.make_async_copy(
          table_hbm.at[pl.ds(0, HIST)], rows_v.at[p], sems[p]).wait()

      def sum_body(i, acc):
        a0, a1, a2, a3 = acc
        l0 = i * 8
        for u in range(8):
          a0 = a0 + rows_v[p, l0 + u, pl.ds(0, 16)]
          a1 = a1 + rows_v[p, l0 + u, pl.ds(16, 16)]
          a2 = a2 + rows_v[p, l0 + u, pl.ds(32, 16)]
          a3 = a3 + rows_v[p, l0 + u, pl.ds(48, 16)]
        return (a0, a1, a2, a3)

      zero = jnp.zeros((16,), jnp.float32)
      a0, a1, a2, a3 = lax.fori_loop(
          0, HIST // 8, sum_body, (zero, zero, zero, zero))
      pooled_v[pl.ds(b * EMBED, 16)] = a0
      pooled_v[pl.ds(b * EMBED + 16, 16)] = a1
      pooled_v[pl.ds(b * EMBED + 32, 16)] = a2
      pooled_v[pl.ds(b * EMBED + 48, 16)] = a3

    for p in range(NBUF):
      fire(p, p)

    def group_body(g, _):
      for p in range(NBUF):
        b = g * NBUF + p
        consume(b, p)
        fire(b + NBUF, p)
      return ()

    n_full = (b_per_w - NBUF) // NBUF
    lax.fori_loop(0, n_full, group_body, ())

    for b in range(n_full * NBUF, b_per_w):
      consume(b, b % NBUF)
      if b + NBUF < b_per_w:
        fire(b + NBUF, b % NBUF)

    pltpu.sync_copy(pooled_v, out_hbm.at[pl.ds(base * EMBED, b_per_w * EMBED)])

  return pool


_pooling_kernel = _make_pooling_kernel()


def _mlp_kernel(pooled_ref, w1_ref, b1_ref, w2_ref, b2_ref, out_ref):
  h = jnp.dot(pooled_ref[...], w1_ref[...],
              preferred_element_type=jnp.float32)
  h = jnp.maximum(h + b1_ref[...], 0.0)
  out_ref[...] = jnp.dot(h, w2_ref[...],
                         preferred_element_type=jnp.float32) + b2_ref[...]


@jax.jit
def kernel(x, table, W1, b1, W2, b2):
  table_lin = _repack(table.T).reshape(VOCAB_PAD, EMBED)
  pooled = _pooling_kernel(x.reshape(-1), table_lin).reshape(BATCH, EMBED)
  out = pl.pallas_call(
      _mlp_kernel,
      out_shape=jax.ShapeDtypeStruct((BATCH, 4), jnp.float32),
  )(pooled, W1, b1.reshape(1, 100), W2, b2.reshape(1, 4))
  return out

# --- scband reference (transcript-rebuilt; emitter-appended) ---
"""Pipeline reference for scband-dense-network-76321568850326 (READ-ONLY COPY).

The authoritative reference and input builder live on the scoring server;
editing this copy changes nothing except your own understanding.
"""

import jax, jax.numpy as jnp
import numpy as np

VOCAB = 1000000
EMBED_DIM = 64
BATCH = 4096
HIST_LEN = 200


def setup_inputs(seed: int = 0) -> dict:
    key = jax.random.key(seed)
    k_idx, k_tab, k_w1, k_b1, k_w2, k_b2 = jax.random.split(key, 6)
    x = jax.random.randint(k_idx, (BATCH, HIST_LEN), 0, VOCAB, dtype=jnp.int64 if jax.config.jax_enable_x64 else jnp.int32).astype(jnp.int32)
    table = jax.random.normal(k_tab, (VOCAB, EMBED_DIM), dtype=jnp.float32)
    # fc1: Linear(embed_dim, 100); fc2: Linear(100, 4)
    W1 = jax.random.normal(k_w1, (EMBED_DIM, 100), dtype=jnp.float32) * (1.0 / np.sqrt(EMBED_DIM))
    b1 = jax.random.normal(k_b1, (100,), dtype=jnp.float32) * 0.01
    W2 = jax.random.normal(k_w2, (100, 4), dtype=jnp.float32) * (1.0 / np.sqrt(100))
    b2 = jax.random.normal(k_b2, (4,), dtype=jnp.float32) * 0.01
    return {"x": x, "table": table, "W1": W1, "b1": b1, "W2": W2, "b2": b2}


def reference(x, table, W1, b1, W2, b2):
    # nn.Embedding lookup -> gather rows
    emb = jnp.take(table, x, axis=0)            # [B, L, D]
    pooled = jnp.sum(emb, axis=1)               # [B, D] (torch.sum(x, 1))
    h = jax.nn.relu(pooled.astype(jnp.float32) @ W1 + b1)  # fc1 + relu
    out = h @ W2 + b2                            # fc2
    return out

if __name__ == "__main__":
    import jax
    _d = setup_inputs()
    print(jax.jit(kernel)(*tuple(_d.values())))

</pallas_src>

<mosaic_0001>
#map = affine_map<(d0, d1) -> (0)>
#map1 = affine_map<(d0, d1) -> (0, 0)>
module attributes {stable_mosaic.version = 14 : i64} {
  func.func @pool(%arg0: i32, %arg1: i32, %arg2: memref<819200xi32, #tpu.memory_space<hbm>>, %arg3: memref<1007616x64xf32, #tpu.memory_space<hbm>>, %arg4: memref<262144xf32, #tpu.memory_space<hbm>>, %arg5: memref<25600xi32, #tpu.memory_space<vmem>>, %arg6: memref<4x200x64xf32, #tpu.memory_space<vmem>>, %arg7: memref<8192xf32, #tpu.memory_space<vmem>>, %arg8: memref<!tpu.dma_semaphore, #tpu.memory_space<semaphore_mem>>, %arg9: memref<!tpu.dma_semaphore, #tpu.memory_space<semaphore_mem>>, %arg10: memref<!tpu.dma_semaphore, #tpu.memory_space<semaphore_mem>>, %arg11: memref<!tpu.dma_semaphore, #tpu.memory_space<semaphore_mem>>) attributes {dimension_semantics = [#tpu.dimension_semantics<core_parallel>, #tpu.dimension_semantics<subcore_parallel>], iteration_bounds = array<i64: 2, 16>, scalar_prefetch = 0 : i64, scratch_operands = 7 : i64, tpu.core_type = #tpu.core_type<sc_vector_subcore>, window_params = [{transform_indices = #map}, {transform_indices = #map1}, {transform_indices = #map}]} {
    %mul3A = arith.constant 2 : i32
    %mul3A_0 = arith.muli %arg1, %mul3A : i32
    %add3A = arith.addi %mul3A_0, %arg0 : i32
    %mul3A_1 = arith.constant 128 : i32
    %mul3A_2 = arith.muli %add3A, %mul3A_1 : i32
    %mul3A_3 = arith.constant 200 : i32
    %mul3A_4 = arith.muli %mul3A_2, %mul3A_3 : i32
    "tpu.region"() ({
      %run_scoped3A = tpu.sem_alloc : memref<!tpu.dma_semaphore, #tpu.memory_space<semaphore_mem>>
      %dma_start3A_248 = tpu.memref_slice %arg2[%mul3A_4] : memref<819200xi32, #tpu.memory_space<hbm>> -> memref<25600xi32, #tpu.memory_space<hbm>>
      %dma_start3A_249 = tpu.memref_slice %arg2[%mul3A_4] : memref<819200xi32, #tpu.memory_space<hbm>> -> memref<25600xi32, #tpu.memory_space<hbm>>
      tpu.enqueue_dma source(%dma_start3A_249 : memref<25600xi32, #tpu.memory_space<hbm>>) target(%arg5 : memref<25600xi32, #tpu.memory_space<vmem>>) target_semaphore(%run_scoped3A : memref<!tpu.dma_semaphore, #tpu.memory_space<semaphore_mem>>)
      %dma_wait3A_250 = tpu.memref_slice %arg2[%mul3A_4] : memref<819200xi32, #tpu.memory_space<hbm>> -> memref<25600xi32, #tpu.memory_space<hbm>>
      %dma_wait3A_251 = tpu.memref_slice %arg2[%mul3A_4] : memref<819200xi32, #tpu.memory_space<hbm>> -> memref<25600xi32, #tpu.memory_space<hbm>>
      tpu.wait_dma2 semaphore(%run_scoped3A : memref<!tpu.dma_semaphore, #tpu.memory_space<semaphore_mem>>) src(%dma_wait3A_251 : memref<25600xi32, #tpu.memory_space<hbm>>) dst(%arg5 : memref<25600xi32, #tpu.memory_space<vmem>>)
      tpu.yield
    }) : () -> ()
    %scan3A = arith.constant 0 : i32
    %scan3A_5 = arith.constant 200 : i32
    %scan3A_6 = arith.addi %scan3A, %scan3A_5 : i32
    %scan3A_7 = arith.constant 1 : i32
    scf.for %scan3A_248 = %scan3A to %scan3A_6 step %scan3A_7  : i32 {
      %mul3A_249 = arith.constant 128 : i32
      %mul3A_250 = arith.muli %scan3A_248, %mul3A_249 : i32
      %add3A_251 = arith.constant 0 : i32
      %add3A_252 = arith.addi %mul3A_250, %add3A_251 : i32
      %get3A = arith.index_cast %add3A_252 : i32 to index
      %get3A_253 = tpu.vector_load %arg5[%get3A] {strides = array<i32>} : memref<25600xi32, #tpu.memory_space<vmem>>, vector<16xi32>,
      %get3A_254 = vector.shape_cast %get3A_253 : vector<16xi32> to vector<16xi32>
      %and3A = arith.constant -8192 : i32
      %and3A_255 = vector.broadcast %and3A : i32 to vector<16xi32>
      %and3A_256 = arith.andi %get3A_254, %and3A_255 : vector<16xi32>
      %and3A_257 = arith.constant 4095 : i32
      %and3A_258 = vector.broadcast %and3A_257 : i32 to vector<16xi32>
      %and3A_259 = arith.andi %get3A_254, %and3A_258 : vector<16xi32>
      %shift_left3A = arith.constant 1 : i32
      %shift_left3A_260 = vector.broadcast %shift_left3A : i32 to vector<16xi32>
      %shift_left3A_261 = arith.shli %and3A_259, %shift_left3A_260 : vector<16xi32>
      %or3A = arith.ori %and3A_256, %shift_left3A_261 : vector<16xi32>
      %and3A_262 = arith.constant 4096 : i32
      %and3A_263 = vector.broadcast %and3A_262 : i32 to vector<16xi32>
      %and3A_264 = arith.andi %get3A_254, %and3A_263 : vector<16xi32>
      %shift_right_arithmetic3A = arith.constant 12 : i32
      %shift_right_arithmetic3A_265 = vector.broadcast %shift_right_arithmetic3A : i32 to vector<16xi32>
      %shift_right_arithmetic3A_266 = arith.shrsi %and3A_264, %shift_right_arithmetic3A_265 : vector<16xi32>
      %or3A_267 = arith.ori %or3A, %shift_right_arithmetic3A_266 : vector<16xi32>
      %add3A_268 = arith.constant 0 : i32
      %add3A_269 = arith.addi %mul3A_250, %add3A_268 : i32
      %swap3A_270 = arith.index_cast %add3A_269 : i32 to index
      %swap3A_271 = tpu.vector_load %arg5[%swap3A_270] {strides = array<i32>} : memref<25600xi32, #tpu.memory_space<vmem>>, vector<16xi32>,
      %swap3A_272 = vector.shape_cast %swap3A_271 : vector<16xi32> to vector<16xi32>
      %swap3A_273 = vector.shape_cast %or3A_267 : vector<16xi32> to vector<16xi32>
      tpu.vector_store %arg5[%swap3A_270], %swap3A_273 {strides = array<i32>} : memref<25600xi32, #tpu.memory_space<vmem>>, vector<16xi32>,
      %add3A_274 = arith.constant 16 : i32
      %add3A_275 = arith.addi %mul3A_250, %add3A_274 : i32
      %get3A_276 = arith.index_cast %add3A_275 : i32 to index
      %get3A_277 = tpu.vector_load %arg5[%get3A_276] {strides = array<i32>} : memref<25600xi32, #tpu.memory_space<vmem>>, vector<16xi32>,
      %get3A_278 = vector.shape_cast %get3A_277 : vector<16xi32> to vector<16xi32>
      %and3A_279 = arith.constant -8192 : i32
      %and3A_280 = vector.broadcast %and3A_279 : i32 to vector<16xi32>
      %and3A_281 = arith.andi %get3A_278, %and3A_280 : vector<16xi32>
      %and3A_282 = arith.constant 4095 : i32
      %and3A_283 = vector.broadcast %and3A_282 : i32 to vector<16xi32>
      %and3A_284 = arith.andi %get3A_278, %and3A_283 : vector<16xi32>
      %shift_left3A_285 = arith.constant 1 : i32
      %shift_left3A_286 = vector.broadcast %shift_left3A_285 : i32 to vector<16xi32>
      %shift_left3A_287 = arith.shli %and3A_284, %shift_left3A_286 : vector<16xi32>
      %or3A_288 = arith.ori %and3A_281, %shift_left3A_287 : vector<16xi32>
      %and3A_289 = arith.constant 4096 : i32
      %and3A_290 = vector.broadcast %and3A_289 : i32 to vector<16xi32>
      %and3A_291 = arith.andi %get3A_278, %and3A_290 : vector<16xi32>
      %shift_right_arithmetic3A_292 = arith.constant 12 : i32
      %shift_right_arithmetic3A_293 = vector.broadcast %shift_right_arithmetic3A_292 : i32 to vector<16xi32>
      %shift_right_arithmetic3A_294 = arith.shrsi %and3A_291, %shift_right_arithmetic3A_293 : vector<16xi32>
      %or3A_295 = arith.ori %or3A_288, %shift_right_arithmetic3A_294 : vector<16xi32>
      %add3A_296 = arith.constant 16 : i32
      %add3A_297 = arith.addi %mul3A_250, %add3A_296 : i32
      %swap3A_298 = arith.index_cast %add3A_297 : i32 to index
      %swap3A_299 = tpu.vector_load %arg5[%swap3A_298] {strides = array<i32>} : memref<25600xi32, #tpu.memory_space<vmem>>, vector<16xi32>,
      %swap3A_300 = vector.shape_cast %swap3A_299 : vector<16xi32> to vector<16xi32>
      %swap3A_301 = vector.shape_cast %or3A_295 : vector<16xi32> to vector<16xi32>
      tpu.vector_store %arg5[%swap3A_298], %swap3A_301 {strides = array<i32>} : memref<25600xi32, #tpu.memory_space<vmem>>, vector<16xi32>,
      %add3A_302 = arith.constant 32 : i32
      %add3A_303 = arith.addi %mul3A_250, %add3A_302 : i32
      %get3A_304 = arith.index_cast %add3A_303 : i32 to index
      %get3A_305 = tpu.vector_load %arg5[%get3A_304] {strides = array<i32>} : memref<25600xi32, #tpu.memory_space<vmem>>, vector<16xi32>,
      %get3A_306 = vector.shape_cast %get3A_305 : vector<16xi32> to vector<16xi32>
      %and3A_307 = arith.constant -8192 : i32
      %and3A_308 = vector.broadcast %and3A_307 : i32 to vector<16xi32>
      %and3A_309 = arith.andi %get3A_306, %and3A_308 : vector<16xi32>
      %and3A_310 = arith.constant 4095 : i32
      %and3A_311 = vector.broadcast %and3A_310 : i32 to vector<16xi32>
      %and3A_312 = arith.andi %get3A_306, %and3A_311 : vector<16xi32>
      %shift_left3A_313 = arith.constant 1 : i32
      %shift_left3A_314 = vector.broadcast %shift_left3A_313 : i32 to vector<16xi32>
      %shift_left3A_315 = arith.shli %and3A_312, %shift_left3A_314 : vector<16xi32>
      %or3A_316 = arith.ori %and3A_309, %shift_left3A_315 : vector<16xi32>
      %and3A_317 = arith.constant 4096 : i32
      %and3A_318 = vector.broadcast %and3A_317 : i32 to vector<16xi32>
      %and3A_319 = arith.andi %get3A_306, %and3A_318 : vector<16xi32>
      %shift_right_arithmetic3A_320 = arith.constant 12 : i32
      %shift_right_arithmetic3A_321 = vector.broadcast %shift_right_arithmetic3A_320 : i32 to vector<16xi32>
      %shift_right_arithmetic3A_322 = arith.shrsi %and3A_319, %shift_right_arithmetic3A_321 : vector<16xi32>
      %or3A_323 = arith.ori %or3A_316, %shift_right_arithmetic3A_322 : vector<16xi32>
      %add3A_324 = arith.constant 32 : i32
      %add3A_325 = arith.addi %mul3A_250, %add3A_324 : i32
      %swap3A_326 = arith.index_cast %add3A_325 : i32 to index
      %swap3A_327 = tpu.vector_load %arg5[%swap3A_326] {strides = array<i32>} : memref<25600xi32, #tpu.memory_space<vmem>>, vector<16xi32>,
      %swap3A_328 = vector.shape_cast %swap3A_327 : vector<16xi32> to vector<16xi32>
      %swap3A_329 = vector.shape_cast %or3A_323 : vector<16xi32> to vector<16xi32>
      tpu.vector_store %arg5[%swap3A_326], %swap3A_329 {strides = array<i32>} : memref<25600xi32, #tpu.memory_space<vmem>>, vector<16xi32>,
      %add3A_330 = arith.constant 48 : i32
      %add3A_331 = arith.addi %mul3A_250, %add3A_330 : i32
      %get3A_332 = arith.index_cast %add3A_331 : i32 to index
      %get3A_333 = tpu.vector_load %arg5[%get3A_332] {strides = array<i32>} : memref<25600xi32, #tpu.memory_space<vmem>>, vector<16xi32>,
      %get3A_334 = vector.shape_cast %get3A_333 : vector<16xi32> to vector<16xi32>
      %and3A_335 = arith.constant -8192 : i32
      %and3A_336 = vector.broadcast %and3A_335 : i32 to vector<16xi32>
      %and3A_337 = arith.andi %get3A_334, %and3A_336 : vector<16xi32>
      %and3A_338 = arith.constant 4095 : i32
      %and3A_339 = vector.broadcast %and3A_338 : i32 to vector<16xi32>
      %and3A_340 = arith.andi %get3A_334, %and3A_339 : vector<16xi32>
      %shift_left3A_341 = arith.constant 1 : i32
      %shift_left3A_342 = vector.broadcast %shift_left3A_341 : i32 to vector<16xi32>
      %shift_left3A_343 = arith.shli %and3A_340, %shift_left3A_342 : vector<16xi32>
      %or3A_344 = arith.ori %and3A_337, %shift_left3A_343 : vector<16xi32>
      %and3A_345 = arith.constant 4096 : i32
      %and3A_346 = vector.broadcast %and3A_345 : i32 to vector<16xi32>
      %and3A_347 = arith.andi %get3A_334, %and3A_346 : vector<16xi32>
      %shift_right_arithmetic3A_348 = arith.constant 12 : i32
      %shift_right_arithmetic3A_349 = vector.broadcast %shift_right_arithmetic3A_348 : i32 to vector<16xi32>
      %shift_right_arithmetic3A_350 = arith.shrsi %and3A_347, %shift_right_arithmetic3A_349 : vector<16xi32>
      %or3A_351 = arith.ori %or3A_344, %shift_right_arithmetic3A_350 : vector<16xi32>
      %add3A_352 = arith.constant 48 : i32
      %add3A_353 = arith.addi %mul3A_250, %add3A_352 : i32
      %swap3A_354 = arith.index_cast %add3A_353 : i32 to index
      %swap3A_355 = tpu.vector_load %arg5[%swap3A_354] {strides = array<i32>} : memref<25600xi32, #tpu.memory_space<vmem>>, vector<16xi32>,
      %swap3A_356 = vector.shape_cast %swap3A_355 : vector<16xi32> to vector<16xi32>
      %swap3A_357 = vector.shape_cast %or3A_351 : vector<16xi32> to vector<16xi32>
      tpu.vector_store %arg5[%swap3A_354], %swap3A_357 {strides = array<i32>} : memref<25600xi32, #tpu.memory_space<vmem>>, vector<16xi32>,
      %add3A_358 = arith.constant 64 : i32
      %add3A_359 = arith.addi %mul3A_250, %add3A_358 : i32
      %get3A_360 = arith.index_cast %add3A_359 : i32 to index
      %get3A_361 = tpu.vector_load %arg5[%get3A_360] {strides = array<i32>} : memref<25600xi32, #tpu.memory_space<vmem>>, vector<16xi32>,
      %get3A_362 = vector.shape_cast %get3A_361 : vector<16xi32> to vector<16xi32>
      %and3A_363 = arith.constant -8192 : i32
      %and3A_364 = vector.broadcast %and3A_363 : i32 to vector<16xi32>
      %and3A_365 = arith.andi %get3A_362, %and3A_364 : vector<16xi32>
      %and3A_366 = arith.constant 4095 : i32
      %and3A_367 = vector.broadcast %and3A_366 : i32 to vector<16xi32>
      %and3A_368 = arith.andi %get3A_362, %and3A_367 : vector<16xi32>
      %shift_left3A_369 = arith.constant 1 : i32
      %shift_left3A_370 = vector.broadcast %shift_left3A_369 : i32 to vector<16xi32>
      %shift_left3A_371 = arith.shli %and3A_368, %shift_left3A_370 : vector<16xi32>
      %or3A_372 = arith.ori %and3A_365, %shift_left3A_371 : vector<16xi32>
      %and3A_373 = arith.constant 4096 : i32
      %and3A_374 = vector.broadcast %and3A_373 : i32 to vector<16xi32>
      %and3A_375 = arith.andi %get3A_362, %and3A_374 : vector<16xi32>
      %shift_right_arithmetic3A_376 = arith.constant 12 : i32
      %shift_right_arithmetic3A_377 = vector.broadcast %shift_right_arithmetic3A_376 : i32 to vector<16xi32>
      %shift_right_arithmetic3A_378 = arith.shrsi %and3A_375, %shift_right_arithmetic3A_377 : vector<16xi32>
      %or3A_379 = arith.ori %or3A_372, %shift_right_arithmetic3A_378 : vector<16xi32>
      %add3A_380 = arith.constant 64 : i32
      %add3A_381 = arith.addi %mul3A_250, %add3A_380 : i32
      %swap3A_382 = arith.index_cast %add3A_381 : i32 to index
      %swap3A_383 = tpu.vector_load %arg5[%swap3A_382] {strides = array<i32>} : memref<25600xi32, #tpu.memory_space<vmem>>, vector<16xi32>,
      %swap3A_384 = vector.shape_cast %swap3A_383 : vector<16xi32> to vector<16xi32>
      %swap3A_385 = vector.shape_cast %or3A_379 : vector<16xi32> to vector<16xi32>
      tpu.vector_store %arg5[%swap3A_382], %swap3A_385 {strides = array<i32>} : memref<25600xi32, #tpu.memory_space<vmem>>, vector<16xi32>,
      %add3A_386 = arith.constant 80 : i32
      %add3A_387 = arith.addi %mul3A_250, %add3A_386 : i32
      %get3A_388 = arith.index_cast %add3A_387 : i32 to index
      %get3A_389 = tpu.vector_load %arg5[%get3A_388] {strides = array<i32>} : memref<25600xi32, #tpu.memory_space<vmem>>, vector<16xi32>,
      %get3A_390 = vector.shape_cast %get3A_389 : vector<16xi32> to vector<16xi32>
      %and3A_391 = arith.constant -8192 : i32
      %and3A_392 = vector.broadcast %and3A_391 : i32 to vector<16xi32>
      %and3A_393 = arith.andi %get3A_390, %and3A_392 : vector<16xi32>
      %and3A_394 = arith.constant 4095 : i32
      %and3A_395 = vector.broadcast %and3A_394 : i32 to vector<16xi32>
      %and3A_396 = arith.andi %get3A_390, %and3A_395 : vector<16xi32>
      %shift_left3A_397 = arith.constant 1 : i32
      %shift_left3A_398 = vector.broadcast %shift_left3A_397 : i32 to vector<16xi32>
      %shift_left3A_399 = arith.shli %and3A_396, %shift_left3A_398 : vector<16xi32>
      %or3A_400 = arith.ori %and3A_393, %shift_left3A_399 : vector<16xi32>
      %and3A_401 = arith.constant 4096 : i32
      %and3A_402 = vector.broadcast %and3A_401 : i32 to vector<16xi32>
      %and3A_403 = arith.andi %get3A_390, %and3A_402 : vector<16xi32>
      %shift_right_arithmetic3A_404 = arith.constant 12 : i32
      %shift_right_arithmetic3A_405 = vector.broadcast %shift_right_arithmetic3A_404 : i32 to vector<16xi32>
      %shift_right_arithmetic3A_406 = arith.shrsi %and3A_403, %shift_right_arithmetic3A_405 : vector<16xi32>
      %or3A_407 = arith.ori %or3A_400, %shift_right_arithmetic3A_406 : vector<16xi32>
      %add3A_408 = arith.constant 80 : i32
      %add3A_409 = arith.addi %mul3A_250, %add3A_408 : i32
      %swap3A_410 = arith.index_cast %add3A_409 : i32 to index
      %swap3A_411 = tpu.vector_load %arg5[%swap3A_410] {strides = array<i32>} : memref<25600xi32, #tpu.memory_space<vmem>>, vector<16xi32>,
      %swap3A_412 = vector.shape_cast %swap3A_411 : vector<16xi32> to vector<16xi32>
      %swap3A_413 = vector.shape_cast %or3A_407 : vector<16xi32> to vector<16xi32>
      tpu.vector_store %arg5[%swap3A_410], %swap3A_413 {strides = array<i32>} : memref<25600xi32, #tpu.memory_space<vmem>>, vector<16xi32>,
      %add3A_414 = arith.constant 96 : i32
      %add3A_415 = arith.addi %mul3A_250, %add3A_414 : i32
      %get3A_416 = arith.index_cast %add3A_415 : i32 to index
      %get3A_417 = tpu.vector_load %arg5[%get3A_416] {strides = array<i32>} : memref<25600xi32, #tpu.memory_space<vmem>>, vector<16xi32>,
      %get3A_418 = vector.shape_cast %get3A_417 : vector<16xi32> to vector<16xi32>
      %and3A_419 = arith.constant -8192 : i32
      %and3A_420 = vector.broadcast %and3A_419 : i32 to vector<16xi32>
      %and3A_421 = arith.andi %get3A_418, %and3A_420 : vector<16xi32>
      %and3A_422 = arith.constant 4095 : i32
      %and3A_423 = vector.broadcast %and3A_422 : i32 to vector<16xi32>
      %and3A_424 = arith.andi %get3A_418, %and3A_423 : vector<16xi32>
      %shift_left3A_425 = arith.constant 1 : i32
      %shift_left3A_426 = vector.broadcast %shift_left3A_425 : i32 to vector<16xi32>
      %shift_left3A_427 = arith.shli %and3A_424, %shift_left3A_426 : vector<16xi32>
      %or3A_428 = arith.ori %and3A_421, %shift_left3A_427 : vector<16xi32>
      %and3A_429 = arith.constant 4096 : i32
      %and3A_430 = vector.broadcast %and3A_429 : i32 to vector<16xi32>
      %and3A_431 = arith.andi %get3A_418, %and3A_430 : vector<16xi32>
      %shift_right_arithmetic3A_432 = arith.constant 12 : i32
      %shift_right_arithmetic3A_433 = vector.broadcast %shift_right_arithmetic3A_432 : i32 to vector<16xi32>
      %shift_right_arithmetic3A_434 = arith.shrsi %and3A_431, %shift_right_arithmetic3A_433 : vector<16xi32>
      %or3A_435 = arith.ori %or3A_428, %shift_right_arithmetic3A_434 : vector<16xi32>
      %add3A_436 = arith.constant 96 : i32
      %add3A_437 = arith.addi %mul3A_250, %add3A_436 : i32
      %swap3A_438 = arith.index_cast %add3A_437 : i32 to index
      %swap3A_439 = tpu.vector_load %arg5[%swap3A_438] {strides = array<i32>} : memref<25600xi32, #tpu.memory_space<vmem>>, vector<16xi32>,
      %swap3A_440 = vector.shape_cast %swap3A_439 : vector<16xi32> to vector<16xi32>
      %swap3A_441 = vector.shape_cast %or3A_435 : vector<16xi32> to vector<16xi32>
      tpu.vector_store %arg5[%swap3A_438], %swap3A_441 {strides = array<i32>} : memref<25600xi32, #tpu.memory_space<vmem>>, vector<16xi32>,
      %add3A_442 = arith.constant 112 : i32
      %add3A_443 = arith.addi %mul3A_250, %add3A_442 : i32
      %get3A_444 = arith.index_cast %add3A_443 : i32 to index
      %get3A_445 = tpu.vector_load %arg5[%get3A_444] {strides = array<i32>} : memref<25600xi32, #tpu.memory_space<vmem>>, vector<16xi32>,
      %get3A_446 = vector.shape_cast %get3A_445 : vector<16xi32> to vector<16xi32>
      %and3A_447 = arith.constant -8192 : i32
      %and3A_448 = vector.broadcast %and3A_447 : i32 to vector<16xi32>
      %and3A_449 = arith.andi %get3A_446, %and3A_448 : vector<16xi32>
      %and3A_450 = arith.constant 4095 : i32
      %and3A_451 = vector.broadcast %and3A_450 : i32 to vector<16xi32>
      %and3A_452 = arith.andi %get3A_446, %and3A_451 : vector<16xi32>
      %shift_left3A_453 = arith.constant 1 : i32
      %shift_left3A_454 = vector.broadcast %shift_left3A_453 : i32 to vector<16xi32>
      %shift_left3A_455 = arith.shli %and3A_452, %shift_left3A_454 : vector<16xi32>
      %or3A_456 = arith.ori %and3A_449, %shift_left3A_455 : vector<16xi32>
      %and3A_457 = arith.constant 4096 : i32
      %and3A_458 = vector.broadcast %and3A_457 : i32 to vector<16xi32>
      %and3A_459 = arith.andi %get3A_446, %and3A_458 : vector<16xi32>
      %shift_right_arithmetic3A_460 = arith.constant 12 : i32
      %shift_right_arithmetic3A_461 = vector.broadcast %shift_right_arithmetic3A_460 : i32 to vector<16xi32>
      %shift_right_arithmetic3A_462 = arith.shrsi %and3A_459, %shift_right_arithmetic3A_461 : vector<16xi32>
      %or3A_463 = arith.ori %or3A_456, %shift_right_arithmetic3A_462 : vector<16xi32>
      %add3A_464 = arith.constant 112 : i32
      %add3A_465 = arith.addi %mul3A_250, %add3A_464 : i32
      %swap3A_466 = arith.index_cast %add3A_465 : i32 to index
      %swap3A_467 = tpu.vector_load %arg5[%swap3A_466] {strides = array<i32>} : memref<25600xi32, #tpu.memory_space<vmem>>, vector<16xi32>,
      %swap3A_468 = vector.shape_cast %swap3A_467 : vector<16xi32> to vector<16xi32>
      %swap3A_469 = vector.shape_cast %or3A_463 : vector<16xi32> to vector<16xi32>
      tpu.vector_store %arg5[%swap3A_466], %swap3A_469 {strides = array<i32>} : memref<25600xi32, #tpu.memory_space<vmem>>, vector<16xi32>,
    }
    %scan3A_8 = arith.constant 200 : i32
    %dma_start3A = arith.constant 0 : i32
    %dma_start3A_9 = arith.constant 0 : i32
    %dma_start3A_10 = arith.constant 0 : i32
    %dma_start3A_11 = tpu.memref_slice %arg6[%dma_start3A, %dma_start3A_9, %dma_start3A_10] : memref<4x200x64xf32, #tpu.memory_space<vmem>> -> memref<1x104x64xf32, #tpu.memory_space<vmem>>
    %dma_start3A_12 = tpu.memref_squeeze %dma_start3A_11 : memref<1x104x64xf32, #tpu.memory_space<vmem>> -> memref<104x64xf32, #tpu.memory_space<vmem>>
    %dma_start3A_13 = arith.constant 0 : i32
    %dma_start3A_14 = tpu.memref_slice %arg5[%dma_start3A_13] : memref<25600xi32, #tpu.memory_space<vmem>> -> memref<104xi32, #tpu.memory_space<vmem>>
    %dma_start3A_15 = arith.constant 0 : i32
    %dma_start3A_16 = arith.constant 0 : i32
    %dma_start3A_17 = tpu.memref_slice %arg3[%dma_start3A_15, %dma_start3A_16] : memref<1007616x64xf32, #tpu.memory_space<hbm>> -> memref<1007616x64xf32, #tpu.memory_space<hbm>>
    tpu.enqueue_indirect_dma source(%dma_start3A_17 : memref<1007616x64xf32, #tpu.memory_space<hbm>>) target(%dma_start3A_12 : memref<104x64xf32, #tpu.memory_space<vmem>>) offsets(%dma_start3A_14 : memref<104xi32, #tpu.memory_space<vmem>>) semaphore(%arg8 : memref<!tpu.dma_semaphore, #tpu.memory_space<semaphore_mem>>)
    %dma_start3A_18 = arith.constant 0 : i32
    %dma_start3A_19 = arith.constant 104 : i32
    %dma_start3A_20 = arith.constant 0 : i32
    %dma_start3A_21 = tpu.memref_slice %arg6[%dma_start3A_18, %dma_start3A_19, %dma_start3A_20] : memref<4x200x64xf32, #tpu.memory_space<vmem>> -> memref<1x96x64xf32, #tpu.memory_space<vmem>>
    %dma_start3A_22 = tpu.memref_squeeze %dma_start3A_21 : memref<1x96x64xf32, #tpu.memory_space<vmem>> -> memref<96x64xf32, #tpu.memory_space<vmem>>
    %dma_start3A_23 = arith.constant 104 : i32
    %dma_start3A_24 = tpu.memref_slice %arg5[%dma_start3A_23] : memref<25600xi32, #tpu.memory_space<vmem>> -> memref<96xi32, #tpu.memory_space<vmem>>
    %dma_start3A_25 = arith.constant 0 : i32
    %dma_start3A_26 = arith.constant 0 : i32
    %dma_start3A_27 = tpu.memref_slice %arg3[%dma_start3A_25, %dma_start3A_26] : memref<1007616x64xf32, #tpu.memory_space<hbm>> -> memref<1007616x64xf32, #tpu.memory_space<hbm>>
    tpu.enqueue_indirect_dma source(%dma_start3A_27 : memref<1007616x64xf32, #tpu.memory_space<hbm>>) target(%dma_start3A_22 : memref<96x64xf32, #tpu.memory_space<vmem>>) offsets(%dma_start3A_24 : memref<96xi32, #tpu.memory_space<vmem>>) semaphore(%arg8 : memref<!tpu.dma_semaphore, #tpu.memory_space<semaphore_mem>>)
    %dma_start3A_28 = arith.constant 1 : i32
    %dma_start3A_29 = arith.constant 0 : i32
    %dma_start3A_30 = arith.constant 0 : i32
    %dma_start3A_31 = tpu.memref_slice %arg6[%dma_start3A_28, %dma_start3A_29, %dma_start3A_30] : memref<4x200x64xf32, #tpu.memory_space<vmem>> -> memref<1x104x64xf32, #tpu.memory_space<vmem>>
    %dma_start3A_32 = tpu.memref_squeeze %dma_start3A_31 : memref<1x104x64xf32, #tpu.memory_space<vmem>> -> memref<104x64xf32, #tpu.memory_space<vmem>>
    %dma_start3A_33 = arith.constant 200 : i32
    %dma_start3A_34 = tpu.memref_slice %arg5[%dma_start3A_33] : memref<25600xi32, #tpu.memory_space<vmem>> -> memref<104xi32, #tpu.memory_space<vmem>>
    %dma_start3A_35 = arith.constant 0 : i32
    %dma_start3A_36 = arith.constant 0 : i32
    %dma_start3A_37 = tpu.memref_slice %arg3[%dma_start3A_35, %dma_start3A_36] : memref<1007616x64xf32, #tpu.memory_space<hbm>> -> memref<1007616x64xf32, #tpu.memory_space<hbm>>
    tpu.enqueue_indirect_dma source(%dma_start3A_37 : memref<1007616x64xf32, #tpu.memory_space<hbm>>) target(%dma_start3A_32 : memref<104x64xf32, #tpu.memory_space<vmem>>) offsets(%dma_start3A_34 : memref<104xi32, #tpu.memory_space<vmem>>) semaphore(%arg9 : memref<!tpu.dma_semaphore, #tpu.memory_space<semaphore_mem>>)
    %dma_start3A_38 = arith.constant 1 : i32
    %dma_start3A_39 = arith.constant 104 : i32
    %dma_start3A_40 = arith.constant 0 : i32
    %dma_start3A_41 = tpu.memref_slice %arg6[%dma_start3A_38, %dma_start3A_39, %dma_start3A_40] : memref<4x200x64xf32, #tpu.memory_space<vmem>> -> memref<1x96x64xf32, #tpu.memory_space<vmem>>
    %dma_start3A_42 = tpu.memref_squeeze %dma_start3A_41 : memref<1x96x64xf32, #tpu.memory_space<vmem>> -> memref<96x64xf32, #tpu.memory_space<vmem>>
    %dma_start3A_43 = arith.constant 304 : i32
    %dma_start3A_44 = tpu.memref_slice %arg5[%dma_start3A_43] : memref<25600xi32, #tpu.memory_space<vmem>> -> memref<96xi32, #tpu.memory_space<vmem>>
    %dma_start3A_45 = arith.constant 0 : i32
    %dma_start3A_46 = arith.constant 0 : i32
    %dma_start3A_47 = tpu.memref_slice %arg3[%dma_start3A_45, %dma_start3A_46] : memref<1007616x64xf32, #tpu.memory_space<hbm>> -> memref<1007616x64xf32, #tpu.memory_space<hbm>>
    tpu.enqueue_indirect_dma source(%dma_start3A_47 : memref<1007616x64xf32, #tpu.memory_space<hbm>>) target(%dma_start3A_42 : memref<96x64xf32, #tpu.memory_space<vmem>>) offsets(%dma_start3A_44 : memref<96xi32, #tpu.memory_space<vmem>>) semaphore(%arg9 : memref<!tpu.dma_semaphore, #tpu.memory_space<semaphore_mem>>)
    %dma_start3A_48 = arith.constant 2 : i32
    %dma_start3A_49 = arith.constant 0 : i32
    %dma_start3A_50 = arith.constant 0 : i32
    %dma_start3A_51 = tpu.memref_slice %arg6[%dma_start3A_48, %dma_start3A_49, %dma_start3A_50] : memref<4x200x64xf32, #tpu.memory_space<vmem>> -> memref<1x104x64xf32, #tpu.memory_space<vmem>>
    %dma_start3A_52 = tpu.memref_squeeze %dma_start3A_51 : memref<1x104x64xf32, #tpu.memory_space<vmem>> -> memref<104x64xf32, #tpu.memory_space<vmem>>
    %dma_start3A_53 = arith.constant 400 : i32
    %dma_start3A_54 = tpu.memref_slice %arg5[%dma_start3A_53] : memref<25600xi32, #tpu.memory_space<vmem>> -> memref<104xi32, #tpu.memory_space<vmem>>
    %dma_start3A_55 = arith.constant 0 : i32
    %dma_start3A_56 = arith.constant 0 : i32
    %dma_start3A_57 = tpu.memref_slice %arg3[%dma_start3A_55, %dma_start3A_56] : memref<1007616x64xf32, #tpu.memory_space<hbm>> -> memref<1007616x64xf32, #tpu.memory_space<hbm>>
    tpu.enqueue_indirect_dma source(%dma_start3A_57 : memref<1007616x64xf32, #tpu.memory_space<hbm>>) target(%dma_start3A_52 : memref<104x64xf32, #tpu.memory_space<vmem>>) offsets(%dma_start3A_54 : memref<104xi32, #tpu.memory_space<vmem>>) semaphore(%arg10 : memref<!tpu.dma_semaphore, #tpu.memory_space<semaphore_mem>>)
    %dma_start3A_58 = arith.constant 2 : i32
    %dma_start3A_59 = arith.constant 104 : i32
    %dma_start3A_60 = arith.constant 0 : i32
    %dma_start3A_61 = tpu.memref_slice %arg6[%dma_start3A_58, %dma_start3A_59, %dma_start3A_60] : memref<4x200x64xf32, #tpu.memory_space<vmem>> -> memref<1x96x64xf32, #tpu.memory_space<vmem>>
    %dma_start3A_62 = tpu.memref_squeeze %dma_start3A_61 : memref<1x96x64xf32, #tpu.memory_space<vmem>> -> memref<96x64xf32, #tpu.memory_space<vmem>>
    %dma_start3A_63 = arith.constant 504 : i32
    %dma_start3A_64 = tpu.memref_slice %arg5[%dma_start3A_63] : memref<25600xi32, #tpu.memory_space<vmem>> -> memref<96xi32, #tpu.memory_space<vmem>>
    %dma_start3A_65 = arith.constant 0 : i32
    %dma_start3A_66 = arith.constant 0 : i32
    %dma_start3A_67 = tpu.memref_slice %arg3[%dma_start3A_65, %dma_start3A_66] : memref<1007616x64xf32, #tpu.memory_space<hbm>> -> memref<1007616x64xf32, #tpu.memory_space<hbm>>
    tpu.enqueue_indirect_dma source(%dma_start3A_67 : memref<1007616x64xf32, #tpu.memory_space<hbm>>) target(%dma_start3A_62 : memref<96x64xf32, #tpu.memory_space<vmem>>) offsets(%dma_start3A_64 : memref<96xi32, #tpu.memory_space<vmem>>) semaphore(%arg10 : memref<!tpu.dma_semaphore, #tpu.memory_space<semaphore_mem>>)
    %dma_start3A_68 = arith.constant 3 : i32
    %dma_start3A_69 = arith.constant 0 : i32
    %dma_start3A_70 = arith.constant 0 : i32
    %dma_start3A_71 = tpu.memref_slice %arg6[%dma_start3A_68, %dma_start3A_69, %dma_start3A_70] : memref<4x200x64xf32, #tpu.memory_space<vmem>> -> memref<1x104x64xf32, #tpu.memory_space<vmem>>
    %dma_start3A_72 = tpu.memref_squeeze %dma_start3A_71 : memref<1x104x64xf32, #tpu.memory_space<vmem>> -> memref<104x64xf32, #tpu.memory_space<vmem>>
    %dma_start3A_73 = arith.constant 600 : i32
    %dma_start3A_74 = tpu.memref_slice %arg5[%dma_start3A_73] : memref<25600xi32, #tpu.memory_space<vmem>> -> memref<104xi32, #tpu.memory_space<vmem>>
    %dma_start3A_75 = arith.constant 0 : i32
    %dma_start3A_76 = arith.constant 0 : i32
    %dma_start3A_77 = tpu.memref_slice %arg3[%dma_start3A_75, %dma_start3A_76] : memref<1007616x64xf32, #tpu.memory_space<hbm>> -> memref<1007616x64xf32, #tpu.memory_space<hbm>>
    tpu.enqueue_indirect_dma source(%dma_start3A_77 : memref<1007616x64xf32, #tpu.memory_space<hbm>>) target(%dma_start3A_72 : memref<104x64xf32, #tpu.memory_space<vmem>>) offsets(%dma_start3A_74 : memref<104xi32, #tpu.memory_space<vmem>>) semaphore(%arg11 : memref<!tpu.dma_semaphore, #tpu.memory_space<semaphore_mem>>)
    %dma_start3A_78 = arith.constant 3 : i32
    %dma_start3A_79 = arith.constant 104 : i32
    %dma_start3A_80 = arith.constant 0 : i32
    %dma_start3A_81 = tpu.memref_slice %arg6[%dma_start3A_78, %dma_start3A_79, %dma_start3A_80] : memref<4x200x64xf32, #tpu.memory_space<vmem>> -> memref<1x96x64xf32, #tpu.memory_space<vmem>>
    %dma_start3A_82 = tpu.memref_squeeze %dma_start3A_81 : memref<1x96x64xf32, #tpu.memory_space<vmem>> -> memref<96x64xf32, #tpu.memory_space<vmem>>
    %dma_start3A_83 = arith.constant 704 : i32
    %dma_start3A_84 = tpu.memref_slice %arg5[%dma_start3A_83] : memref<25600xi32, #tpu.memory_space<vmem>> -> memref<96xi32, #tpu.memory_space<vmem>>
    %dma_start3A_85 = arith.constant 0 : i32
    %dma_start3A_86 = arith.constant 0 : i32
    %dma_start3A_87 = tpu.memref_slice %arg3[%dma_start3A_85, %dma_start3A_86] : memref<1007616x64xf32, #tpu.memory_space<hbm>> -> memref<1007616x64xf32, #tpu.memory_space<hbm>>
    tpu.enqueue_indirect_dma source(%dma_start3A_87 : memref<1007616x64xf32, #tpu.memory_space<hbm>>) target(%dma_start3A_82 : memref<96x64xf32, #tpu.memory_space<vmem>>) offsets(%dma_start3A_84 : memref<96xi32, #tpu.memory_space<vmem>>) semaphore(%arg11 : memref<!tpu.dma_semaphore, #tpu.memory_space<semaphore_mem>>)
    %scan3A_88 = arith.constant 0 : i32
    %scan3A_89 = arith.constant 31 : i32
    %scan3A_90 = arith.addi %scan3A_88, %scan3A_89 : i32
    %scan3A_91 = arith.constant 1 : i32
    scf.for %scan3A_248 = %scan3A_88 to %scan3A_90 step %scan3A_91  : i32 {
      %mul3A_249 = arith.constant 4 : i32
      %mul3A_250 = arith.muli %scan3A_248, %mul3A_249 : i32
      %add3A_251 = arith.constant 0 : i32
      %add3A_252 = arith.addi %mul3A_250, %add3A_251 : i32
      %dma_wait3A_253 = arith.constant 0 : i32
      %dma_wait3A_254 = arith.constant 0 : i32
      %dma_wait3A_255 = arith.constant 0 : i32
      %dma_wait3A_256 = tpu.memref_slice %arg6[%dma_wait3A_253, %dma_wait3A_254, %dma_wait3A_255] : memref<4x200x64xf32, #tpu.memory_space<vmem>> -> memref<1x200x64xf32, #tpu.memory_space<vmem>>
      %dma_wait3A_257 = tpu.memref_squeeze %dma_wait3A_256 : memref<1x200x64xf32, #tpu.memory_space<vmem>> -> memref<200x64xf32, #tpu.memory_space<vmem>>
      %dma_wait3A_258 = arith.constant 0 : i32
      %dma_wait3A_259 = arith.constant 0 : i32
      %dma_wait3A_260 = tpu.memref_slice %arg3[%dma_wait3A_258, %dma_wait3A_259] : memref<1007616x64xf32, #tpu.memory_space<hbm>> -> memref<200x64xf32, #tpu.memory_space<hbm>>
      %dma_wait3A_261 = arith.constant 0 : i32
      %dma_wait3A_262 = arith.constant 0 : i32
      %dma_wait3A_263 = tpu.memref_slice %arg6[%dma_wait3A_253, %dma_wait3A_261, %dma_wait3A_262] : memref<4x200x64xf32, #tpu.memory_space<vmem>> -> memref<1x200x64xf32, #tpu.memory_space<vmem>>
      %dma_wait3A_264 = tpu.memref_squeeze %dma_wait3A_263 : memref<1x200x64xf32, #tpu.memory_space<vmem>> -> memref<200x64xf32, #tpu.memory_space<vmem>>
      %dma_wait3A_265 = arith.constant 0 : i32
      %dma_wait3A_266 = arith.constant 0 : i32
      %dma_wait3A_267 = tpu.memref_slice %arg3[%dma_wait3A_265, %dma_wait3A_266] : memref<1007616x64xf32, #tpu.memory_space<hbm>> -> memref<200x64xf32, #tpu.memory_space<hbm>>
      tpu.wait_dma2 semaphore(%arg8 : memref<!tpu.dma_semaphore, #tpu.memory_space<semaphore_mem>>) src(%dma_wait3A_267 : memref<200x64xf32, #tpu.memory_space<hbm>>) dst(%dma_wait3A_264 : memref<200x64xf32, #tpu.memory_space<vmem>>)
      %broadcast_in_dim3A_268 = arith.constant 0.000000e+00 : f32
      %broadcast_in_dim3A_269 = vector.broadcast %broadcast_in_dim3A_268 : f32 to vector<16xf32>
      %scan3A_270 = arith.constant 0 : i32
      %scan3A_271 = arith.constant 25 : i32
      %scan3A_272 = arith.addi %scan3A_270, %scan3A_271 : i32
      %scan3A_273 = arith.constant 1 : i32
      %scan3A_274:4 = scf.for %scan3A_581 = %scan3A_270 to %scan3A_272 step %scan3A_273 iter_args(%scan3A_582 = %broadcast_in_dim3A_269, %scan3A_583 = %broadcast_in_dim3A_269, %scan3A_584 = %broadcast_in_dim3A_269, %scan3A_585 = %broadcast_in_dim3A_269) -> (vector<16xf32>, vector<16xf32>, vector<16xf32>, vector<16xf32>)  : i32 {
        %mul3A_586 = arith.constant 8 : i32
        %mul3A_587 = arith.muli %scan3A_581, %mul3A_586 : i32
        %add3A_588 = arith.constant 0 : i32
        %add3A_589 = arith.addi %mul3A_587, %add3A_588 : i32
        %get3A = arith.constant 0 : i32
        %get3A_590 = arith.index_cast %get3A : i32 to index
        %get3A_591 = arith.index_cast %add3A_589 : i32 to index
        %get3A_592 = arith.constant 0 : index
        %get3A_593 = tpu.vector_load %arg6[%get3A_590, %get3A_591, %get3A_592] {strides = array<i32>} : memref<4x200x64xf32, #tpu.memory_space<vmem>>, vector<1x1x16xf32>,
        %get3A_594 = vector.shape_cast %get3A_593 : vector<1x1x16xf32> to vector<16xf32>
        %add3A_595 = arith.addf %scan3A_582, %get3A_594 : vector<16xf32>
        %add3A_596 = arith.constant 0 : i32
        %add3A_597 = arith.addi %mul3A_587, %add3A_596 : i32
        %get3A_598 = arith.constant 0 : i32
        %get3A_599 = arith.index_cast %get3A_598 : i32 to index
        %get3A_600 = arith.index_cast %add3A_597 : i32 to index
        %get3A_601 = arith.constant 16 : index
        %get3A_602 = tpu.vector_load %arg6[%get3A_599, %get3A_600, %get3A_601] {strides = array<i32>} : memref<4x200x64xf32, #tpu.memory_space<vmem>>, vector<1x1x16xf32>,
        %get3A_603 = vector.shape_cast %get3A_602 : vector<1x1x16xf32> to vector<16xf32>
        %add3A_604 = arith.addf %scan3A_583, %get3A_603 : vector<16xf32>
        %add3A_605 = arith.constant 0 : i32
        %add3A_606 = arith.addi %mul3A_587, %add3A_605 : i32
        %get3A_607 = arith.constant 0 : i32
        %get3A_608 = arith.index_cast %get3A_607 : i32 to index
        %get3A_609 = arith.index_cast %add3A_606 : i32 to index
        %get3A_610 = arith.constant 32 : index
        %get3A_611 = tpu.vector_load %arg6[%get3A_608, %get3A_609, %get3A_610] {strides = array<i32>} : memref<4x200x64xf32, #tpu.memory_space<vmem>>, vector<1x1x16xf32>,
        %get3A_612 = vector.shape_cast %get3A_611 : vector<1x1x16xf32> to vector<16xf32>
        %add3A_613 = arith.addf %scan3A_584, %get3A_612 : vector<16xf32>
        %add3A_614 = arith.constant 0 : i32
        %add3A_615 = arith.addi %mul3A_587, %add3A_614 : i32
        %get3A_616 = arith.constant 0 : i32
        %get3A_617 = arith.index_cast %get3A_616 : i32 to index
        %get3A_618 = arith.index_cast %add3A_615 : i32 to index
        %get3A_619 = arith.constant 48 : index
        %get3A_620 = tpu.vector_load %arg6[%get3A_617, %get3A_618, %get3A_619] {strides = array<i32>} : memref<4x200x64xf32, #tpu.memory_space<vmem>>, vector<1x1x16xf32>,
        %get3A_621 = vector.shape_cast %get3A_620 : vector<1x1x16xf32> to vector<16xf32>
        %add3A_622 = arith.addf %scan3A_585, %get3A_621 : vector<16xf32>
        %add3A_623 = arith.constant 1 : i32
        %add3A_624 = arith.addi %mul3A_587, %add3A_623 : i32
        %get3A_625 = arith.constant 0 : i32
        %get3A_626 = arith.index_cast %get3A_625 : i32 to index
        %get3A_627 = arith.index_cast %add3A_624 : i32 to index
        %get3A_628 = arith.constant 0 : index
        %get3A_629 = tpu.vector_load %arg6[%get3A_626, %get3A_627, %get3A_628] {strides = array<i32>} : memref<4x200x64xf32, #tpu.memory_space<vmem>>, vector<1x1x16xf32>,
        %get3A_630 = vector.shape_cast %get3A_629 : vector<1x1x16xf32> to vector<16xf32>
        %add3A_631 = arith.addf %add3A_595, %get3A_630 : vector<16xf32>
        %add3A_632 = arith.constant 1 : i32
        %add3A_633 = arith.addi %mul3A_587, %add3A_632 : i32
        %get3A_634 = arith.constant 0 : i32
        %get3A_635 = arith.index_cast %get3A_634 : i32 to index
        %get3A_636 = arith.index_cast %add3A_633 : i32 to index
        %get3A_637 = arith.constant 16 : index
        %get3A_638 = tpu.vector_load %arg6[%get3A_635, %get3A_636, %get3A_637] {strides = array<i32>} : memref<4x200x64xf32, #tpu.memory_space<vmem>>, vector<1x1x16xf32>,
        %get3A_639 = vector.shape_cast %get3A_638 : vector<1x1x16xf32> to vector<16xf32>
        %add3A_640 = arith.addf %add3A_604, %get3A_639 : vector<16xf32>
        %add3A_641 = arith.constant 1 : i32
        %add3A_642 = arith.addi %mul3A_587, %add3A_641 : i32
        %get3A_643 = arith.constant 0 : i32
        %get3A_644 = arith.index_cast %get3A_643 : i32 to index
        %get3A_645 = arith.index_cast %add3A_642 : i32 to index
        %get3A_646 = arith.constant 32 : index
        %get3A_647 = tpu.vector_load %arg6[%get3A_644, %get3A_645, %get3A_646] {strides = array<i32>} : memref<4x200x64xf32, #tpu.memory_space<vmem>>, vector<1x1x16xf32>,
        %get3A_648 = vector.shape_cast %get3A_647 : vector<1x1x16xf32> to vector<16xf32>
        %add3A_649 = arith.addf %add3A_613, %get3A_648 : vector<16xf32>
        %add3A_650 = arith.constant 1 : i32
        %add3A_651 = arith.addi %mul3A_587, %add3A_650 : i32
        %get3A_652 = arith.constant 0 : i32
        %get3A_653 = arith.index_cast %get3A_652 : i32 to index
        %get3A_654 = arith.index_cast %add3A_651 : i32 to index
        %get3A_655 = arith.constant 48 : index
        %get3A_656 = tpu.vector_load %arg6[%get3A_653, %get3A_654, %get3A_655] {strides = array<i32>} : memref<4x200x64xf32, #tpu.memory_space<vmem>>, vector<1x1x16xf32>,
        %get3A_657 = vector.shape_cast %get3A_656 : vector<1x1x16xf32> to vector<16xf32>
        %add3A_658 = arith.addf %add3A_622, %get3A_657 : vector<16xf32>
        %add3A_659 = arith.constant 2 : i32
        %add3A_660 = arith.addi %mul3A_587, %add3A_659 : i32
        %get3A_661 = arith.constant 0 : i32
        %get3A_662 = arith.index_cast %get3A_661 : i32 to index
        %get3A_663 = arith.index_cast %add3A_660 : i32 to index
        %get3A_664 = arith.constant 0 : index
        %get3A_665 = tpu.vector_load %arg6[%get3A_662, %get3A_663, %get3A_664] {strides = array<i32>} : memref<4x200x64xf32, #tpu.memory_space<vmem>>, vector<1x1x16xf32>,
        %get3A_666 = vector.shape_cast %get3A_665 : vector<1x1x16xf32> to vector<16xf32>
        %add3A_667 = arith.addf %add3A_631, %get3A_666 : vector<16xf32>
        %add3A_668 = arith.constant 2 : i32
        %add3A_669 = arith.addi %mul3A_587, %add3A_668 : i32
        %get3A_670 = arith.constant 0 : i32
        %get3A_671 = arith.index_cast %get3A_670 : i32 to index
        %get3A_672 = arith.index_cast %add3A_669 : i32 to index
        %get3A_673 = arith.constant 16 : index
        %get3A_674 = tpu.vector_load %arg6[%get3A_671, %get3A_672, %get3A_673] {strides = array<i32>} : memref<4x200x64xf32, #tpu.memory_space<vmem>>, vector<1x1x16xf32>,
        %get3A_675 = vector.shape_cast %get3A_674 : vector<1x1x16xf32> to vector<16xf32>
        %add3A_676 = arith.addf %add3A_640, %get3A_675 : vector<16xf32>
        %add3A_677 = arith.constant 2 : i32
        %add3A_678 = arith.addi %mul3A_587, %add3A_677 : i32
        %get3A_679 = arith.constant 0 : i32
        %get3A_680 = arith.index_cast %get3A_679 : i32 to index
        %get3A_681 = arith.index_cast %add3A_678 : i32 to index
        %get3A_682 = arith.constant 32 : index
        %get3A_683 = tpu.vector_load %arg6[%get3A_680, %get3A_681, %get3A_682] {strides = array<i32>} : memref<4x200x64xf32, #tpu.memory_space<vmem>>, vector<1x1x16xf32>,
        %get3A_684 = vector.shape_cast %get3A_683 : vector<1x1x16xf32> to vector<16xf32>
        %add3A_685 = arith.addf %add3A_649, %get3A_684 : vector<16xf32>
        %add3A_686 = arith.constant 2 : i32
        %add3A_687 = arith.addi %mul3A_587, %add3A_686 : i32
        %get3A_688 = arith.constant 0 : i32
        %get3A_689 = arith.index_cast %get3A_688 : i32 to index
        %get3A_690 = arith.index_cast %add3A_687 : i32 to index
        %get3A_691 = arith.constant 48 : index
        %get3A_692 = tpu.vector_load %arg6[%get3A_689, %get3A_690, %get3A_691] {strides = array<i32>} : memref<4x200x64xf32, #tpu.memory_space<vmem>>, vector<1x1x16xf32>,
        %get3A_693 = vector.shape_cast %get3A_692 : vector<1x1x16xf32> to vector<16xf32>
        %add3A_694 = arith.addf %add3A_658, %get3A_693 : vector<16xf32>
        %add3A_695 = arith.constant 3 : i32
        %add3A_696 = arith.addi %mul3A_587, %add3A_695 : i32
        %get3A_697 = arith.constant 0 : i32
        %get3A_698 = arith.index_cast %get3A_697 : i32 to index
        %get3A_699 = arith.index_cast %add3A_696 : i32 to index
        %get3A_700 = arith.constant 0 : index
        %get3A_701 = tpu.vector_load %arg6[%get3A_698, %get3A_699, %get3A_700] {strides = array<i32>} : memref<4x200x64xf32, #tpu.memory_space<vmem>>, vector<1x1x16xf32>,
        %get3A_702 = vector.shape_cast %get3A_701 : vector<1x1x16xf32> to vector<16xf32>
        %add3A_703 = arith.addf %add3A_667, %get3A_702 : vector<16xf32>
        %add3A_704 = arith.constant 3 : i32
        %add3A_705 = arith.addi %mul3A_587, %add3A_704 : i32
        %get3A_706 = arith.constant 0 : i32
        %get3A_707 = arith.index_cast %get3A_706 : i32 to index
        %get3A_708 = arith.index_cast %add3A_705 : i32 to index
        %get3A_709 = arith.constant 16 : index
        %get3A_710 = tpu.vector_load %arg6[%get3A_707, %get3A_708, %get3A_709] {strides = array<i32>} : memref<4x200x64xf32, #tpu.memory_space<vmem>>, vector<1x1x16xf32>,
        %get3A_711 = vector.shape_cast %get3A_710 : vector<1x1x16xf32> to vector<16xf32>
        %add3A_712 = arith.addf %add3A_676, %get3A_711 : vector<16xf32>
        %add3A_713 = arith.constant 3 : i32
        %add3A_714 = arith.addi %mul3A_587, %add3A_713 : i32
        %get3A_715 = arith.constant 0 : i32
        %get3A_716 = arith.index_cast %get3A_715 : i32 to index
        %get3A_717 = arith.index_cast %add3A_714 : i32 to index
        %get3A_718 = arith.constant 32 : index
        %get3A_719 = tpu.vector_load %arg6[%get3A_716, %get3A_717, %get3A_718] {strides = array<i32>} : memref<4x200x64xf32, #tpu.memory_space<vmem>>, vector<1x1x16xf32>,
        %get3A_720 = vector.shape_cast %get3A_719 : vector<1x1x16xf32> to vector<16xf32>
        %add3A_721 = arith.addf %add3A_685, %get3A_720 : vector<16xf32>
        %add3A_722 = arith.constant 3 : i32
        %add3A_723 = arith.addi %mul3A_587, %add3A_722 : i32
        %get3A_724 = arith.constant 0 : i32
        %get3A_725 = arith.index_cast %get3A_724 : i32 to index
        %get3A_726 = arith.index_cast %add3A_723 : i32 to index
        %get3A_727 = arith.constant 48 : index
        %get3A_728 = tpu.vector_load %arg6[%get3A_725, %get3A_726, %get3A_727] {strides = array<i32>} : memref<4x200x64xf32, #tpu.memory_space<vmem>>, vector<1x1x16xf32>,
        %get3A_729 = vector.shape_cast %get3A_728 : vector<1x1x16xf32> to vector<16xf32>
        %add3A_730 = arith.addf %add3A_694, %get3A_729 : vector<16xf32>
        %add3A_731 = arith.constant 4 : i32
        %add3A_732 = arith.addi %mul3A_587, %add3A_731 : i32
        %get3A_733 = arith.constant 0 : i32
        %get3A_734 = arith.index_cast %get3A_733 : i32 to index
        %get3A_735 = arith.index_cast %add3A_732 : i32 to index
        %get3A_736 = arith.constant 0 : index
        %get3A_737 = tpu.vector_load %arg6[%get3A_734, %get3A_735, %get3A_736] {strides = array<i32>} : memref<4x200x64xf32, #tpu.memory_space<vmem>>, vector<1x1x16xf32>,
        %get3A_738 = vector.shape_cast %get3A_737 : vector<1x1x16xf32> to vector<16xf32>
        %add3A_739 = arith.addf %add3A_703, %get3A_738 : vector<16xf32>
        %add3A_740 = arith.constant 4 : i32
        %add3A_741 = arith.addi %mul3A_587, %add3A_740 : i32
        %get3A_742 = arith.constant 0 : i32
        %get3A_743 = arith.index_cast %get3A_742 : i32 to index
        %get3A_744 = arith.index_cast %add3A_741 : i32 to index
        %get3A_745 = arith.constant 16 : index
        %get3A_746 = tpu.vector_load %arg6[%get3A_743, %get3A_744, %get3A_745] {strides = array<i32>} : memref<4x200x64xf32, #tpu.memory_space<vmem>>, vector<1x1x16xf32>,
        %get3A_747 = vector.shape_cast %get3A_746 : vector<1x1x16xf32> to vector<16xf32>
        %add3A_748 = arith.addf %add3A_712, %get3A_747 : vector<16xf32>
        %add3A_749 = arith.constant 4 : i32
        %add3A_750 = arith.addi %mul3A_587, %add3A_749 : i32
        %get3A_751 = arith.constant 0 : i32
        %get3A_752 = arith.index_cast %get3A_751 : i32 to index
        %get3A_753 = arith.index_cast %add3A_750 : i32 to index
        %get3A_754 = arith.constant 32 : index
        %get3A_755 = tpu.vector_load %arg6[%get3A_752, %get3A_753, %get3A_754] {strides = array<i32>} : memref<4x200x64xf32, #tpu.memory_space<vmem>>, vector<1x1x16xf32>,
        %get3A_756 = vector.shape_cast %get3A_755 : vector<1x1x16xf32> to vector<16xf32>
        %add3A_757 = arith.addf %add3A_721, %get3A_756 : vector<16xf32>
        %add3A_758 = arith.constant 4 : i32
        %add3A_759 = arith.addi %mul3A_587, %add3A_758 : i32
        %get3A_760 = arith.constant 0 : i32
        %get3A_761 = arith.index_cast %get3A_760 : i32 to index
        %get3A_762 = arith.index_cast %add3A_759 : i32 to index
        %get3A_763 = arith.constant 48 : index
        %get3A_764 = tpu.vector_load %arg6[%get3A_761, %get3A_762, %get3A_763] {strides = array<i32>} : memref<4x200x64xf32, #tpu.memory_space<vmem>>, vector<1x1x16xf32>,
        %get3A_765 = vector.shape_cast %get3A_764 : vector<1x1x16xf32> to vector<16xf32>
        %add3A_766 = arith.addf %add3A_730, %get3A_765 : vector<16xf32>
        %add3A_767 = arith.constant 5 : i32
        %add3A_768 = arith.addi %mul3A_587, %add3A_767 : i32
        %get3A_769 = arith.constant 0 : i32
        %get3A_770 = arith.index_cast %get3A_769 : i32 to index
        %get3A_771 = arith.index_cast %add3A_768 : i32 to index
        %get3A_772 = arith.constant 0 : index
        %get3A_773 = tpu.vector_load %arg6[%get3A_770, %get3A_771, %get3A_772] {strides = array<i32>} : memref<4x200x64xf32, #tpu.memory_space<vmem>>, vector<1x1x16xf32>,
        %get3A_774 = vector.shape_cast %get3A_773 : vector<1x1x16xf32> to vector<16xf32>
        %add3A_775 = arith.addf %add3A_739, %get3A_774 : vector<16xf32>
        %add3A_776 = arith.constant 5 : i32
        %add3A_777 = arith.addi %mul3A_587, %add3A_776 : i32
        %get3A_778 = arith.constant 0 : i32
        %get3A_779 = arith.index_cast %get3A_778 : i32 to index
        %get3A_780 = arith.index_cast %add3A_777 : i32 to index
        %get3A_781 = arith.constant 16 : index
        %get3A_782 = tpu.vector_load %arg6[%get3A_779, %get3A_780, %get3A_781] {strides = array<i32>} : memref<4x200x64xf32, #tpu.memory_space<vmem>>, vector<1x1x16xf32>,
        %get3A_783 = vector.shape_cast %get3A_782 : vector<1x1x16xf32> to vector<16xf32>
        %add3A_784 = arith.addf %add3A_748, %get3A_783 : vector<16xf32>
        %add3A_785 = arith.constant 5 : i32
        %add3A_786 = arith.addi %mul3A_587, %add3A_785 : i32
        %get3A_787 = arith.constant 0 : i32
        %get3A_788 = arith.index_cast %get3A_787 : i32 to index
        %get3A_789 = arith.index_cast %add3A_786 : i32 to index
        %get3A_790 = arith.constant 32 : index
        %get3A_791 = tpu.vector_load %arg6[%get3A_788, %get3A_789, %get3A_790] {strides = array<i32>} : memref<4x200x64xf32, #tpu.memory_space<vmem>>, vector<1x1x16xf32>,
        %get3A_792 = vector.shape_cast %get3A_791 : vector<1x1x16xf32> to vector<16xf32>
        %add3A_793 = arith.addf %add3A_757, %get3A_792 : vector<16xf32>
        %add3A_794 = arith.constant 5 : i32
        %add3A_795 = arith.addi %mul3A_587, %add3A_794 : i32
        %get3A_796 = arith.constant 0 : i32
        %get3A_797 = arith.index_cast %get3A_796 : i32 to index
        %get3A_798 = arith.index_cast %add3A_795 : i32 to index
        %get3A_799 = arith.constant 48 : index
        %get3A_800 = tpu.vector_load %arg6[%get3A_797, %get3A_798, %get3A_799] {strides = array<i32>} : memref<4x200x64xf32, #tpu.memory_space<vmem>>, vector<1x1x16xf32>,
        %get3A_801 = vector.shape_cast %get3A_800 : vector<1x1x16xf32> to vector<16xf32>
        %add3A_802 = arith.addf %add3A_766, %get3A_801 : vector<16xf32>
        %add3A_803 = arith.constant 6 : i32
        %add3A_804 = arith.addi %mul3A_587, %add3A_803 : i32
        %get3A_805 = arith.constant 0 : i32
        %get3A_806 = arith.index_cast %get3A_805 : i32 to index
        %get3A_807 = arith.index_cast %add3A_804 : i32 to index
        %get3A_808 = arith.constant 0 : index
        %get3A_809 = tpu.vector_load %arg6[%get3A_806, %get3A_807, %get3A_808] {strides = array<i32>} : memref<4x200x64xf32, #tpu.memory_space<vmem>>, vector<1x1x16xf32>,
        %get3A_810 = vector.shape_cast %get3A_809 : vector<1x1x16xf32> to vector<16xf32>
        %add3A_811 = arith.addf %add3A_775, %get3A_810 : vector<16xf32>
        %add3A_812 = arith.constant 6 : i32
        %add3A_813 = arith.addi %mul3A_587, %add3A_812 : i32
        %get3A_814 = arith.constant 0 : i32
        %get3A_815 = arith.index_cast %get3A_814 : i32 to index
        %get3A_816 = arith.index_cast %add3A_813 : i32 to index
        %get3A_817 = arith.constant 16 : index
        %get3A_818 = tpu.vector_load %arg6[%get3A_815, %get3A_816, %get3A_817] {strides = array<i32>} : memref<4x200x64xf32, #tpu.memory_space<vmem>>, vector<1x1x16xf32>,
        %get3A_819 = vector.shape_cast %get3A_818 : vector<1x1x16xf32> to vector<16xf32>
        %add3A_820 = arith.addf %add3A_784, %get3A_819 : vector<16xf32>
        %add3A_821 = arith.constant 6 : i32
        %add3A_822 = arith.addi %mul3A_587, %add3A_821 : i32
        %get3A_823 = arith.constant 0 : i32
        %get3A_824 = arith.index_cast %get3A_823 : i32 to index
        %get3A_825 = arith.index_cast %add3A_822 : i32 to index
        %get3A_826 = arith.constant 32 : index
        %get3A_827 = tpu.vector_load %arg6[%get3A_824, %get3A_825, %get3A_826] {strides = array<i32>} : memref<4x200x64xf32, #tpu.memory_space<vmem>>, vector<1x1x16xf32>,
        %get3A_828 = vector.shape_cast %get3A_827 : vector<1x1x16xf32> to vector<16xf32>
        %add3A_829 = arith.addf %add3A_793, %get3A_828 : vector<16xf32>
        %add3A_830 = arith.constant 6 : i32
        %add3A_831 = arith.addi %mul3A_587, %add3A_830 : i32
        %get3A_832 = arith.constant 0 : i32
        %get3A_833 = arith.index_cast %get3A_832 : i32 to index
        %get3A_834 = arith.index_cast %add3A_831 : i32 to index
        %get3A_835 = arith.constant 48 : index
        %get3A_836 = tpu.vector_load %arg6[%get3A_833, %get3A_834, %get3A_835] {strides = array<i32>} : memref<4x200x64xf32, #tpu.memory_space<vmem>>, vector<1x1x16xf32>,
        %get3A_837 = vector.shape_cast %get3A_836 : vector<1x1x16xf32> to vector<16xf32>
        %add3A_838 = arith.addf %add3A_802, %get3A_837 : vector<16xf32>
        %add3A_839 = arith.constant 7 : i32
        %add3A_840 = arith.addi %mul3A_587, %add3A_839 : i32
        %get3A_841 = arith.constant 0 : i32
        %get3A_842 = arith.index_cast %get3A_841 : i32 to index
        %get3A_843 = arith.index_cast %add3A_840 : i32 to index
        %get3A_844 = arith.constant 0 : index
        %get3A_845 = tpu.vector_load %arg6[%get3A_842, %get3A_843, %get3A_844] {strides = array<i32>} : memref<4x200x64xf32, #tpu.memory_space<vmem>>, vector<1x1x16xf32>,
        %get3A_846 = vector.shape_cast %get3A_845 : vector<1x1x16xf32> to vector<16xf32>
        %add3A_847 = arith.addf %add3A_811, %get3A_846 : vector<16xf32>
        %add3A_848 = arith.constant 7 : i32
        %add3A_849 = arith.addi %mul3A_587, %add3A_848 : i32
        %get3A_850 = arith.constant 0 : i32
        %get3A_851 = arith.index_cast %get3A_850 : i32 to index
        %get3A_852 = arith.index_cast %add3A_849 : i32 to index
        %get3A_853 = arith.constant 16 : index
        %get3A_854 = tpu.vector_load %arg6[%get3A_851, %get3A_852, %get3A_853] {strides = array<i32>} : memref<4x200x64xf32, #tpu.memory_space<vmem>>, vector<1x1x16xf32>,
        %get3A_855 = vector.shape_cast %get3A_854 : vector<1x1x16xf32> to vector<16xf32>
        %add3A_856 = arith.addf %add3A_820, %get3A_855 : vector<16xf32>
        %add3A_857 = arith.constant 7 : i32
        %add3A_858 = arith.addi %mul3A_587, %add3A_857 : i32
        %get3A_859 = arith.constant 0 : i32
        %get3A_860 = arith.index_cast %get3A_859 : i32 to index
        %get3A_861 = arith.index_cast %add3A_858 : i32 to index
        %get3A_862 = arith.constant 32 : index
        %get3A_863 = tpu.vector_load %arg6[%get3A_860, %get3A_861, %get3A_862] {strides = array<i32>} : memref<4x200x64xf32, #tpu.memory_space<vmem>>, vector<1x1x16xf32>,
        %get3A_864 = vector.shape_cast %get3A_863 : vector<1x1x16xf32> to vector<16xf32>
        %add3A_865 = arith.addf %add3A_829, %get3A_864 : vector<16xf32>
        %add3A_866 = arith.constant 7 : i32
        %add3A_867 = arith.addi %mul3A_587, %add3A_866 : i32
        %get3A_868 = arith.constant 0 : i32
        %get3A_869 = arith.index_cast %get3A_868 : i32 to index
        %get3A_870 = arith.index_cast %add3A_867 : i32 to index
        %get3A_871 = arith.constant 48 : index
        %get3A_872 = tpu.vector_load %arg6[%get3A_869, %get3A_870, %get3A_871] {strides = array<i32>} : memref<4x200x64xf32, #tpu.memory_space<vmem>>, vector<1x1x16xf32>,
        %get3A_873 = vector.shape_cast %get3A_872 : vector<1x1x16xf32> to vector<16xf32>
        %add3A_874 = arith.addf %add3A_838, %get3A_873 : vector<16xf32>
        scf.yield %add3A_847, %add3A_856, %add3A_865, %add3A_874 : vector<16xf32>, vector<16xf32>, vector<16xf32>, vector<16xf32>
      }
      %scan3A_275 = arith.constant 25 : i32
      %mul3A_276 = arith.constant 64 : i32
      %mul3A_277 = arith.muli %add3A_252, %mul3A_276 : i32
      %swap3A_278 = arith.index_cast %mul3A_277 : i32 to index
      %swap3A_279 = tpu.vector_load %arg7[%swap3A_278] {strides = array<i32>} : memref<8192xf32, #tpu.memory_space<vmem>>, vector<16xf32>,
      %swap3A_280 = vector.shape_cast %swap3A_279 : vector<16xf32> to vector<16xf32>
      %swap3A_281 = vector.shape_cast %scan3A_274#0 : vector<16xf32> to vector<16xf32>
      tpu.vector_store %arg7[%swap3A_278], %swap3A_281 {strides = array<i32>} : memref<8192xf32, #tpu.memory_space<vmem>>, vector<16xf32>,
      %mul3A_282 = arith.constant 64 : i32
      %mul3A_283 = arith.muli %add3A_252, %mul3A_282 : i32
      %add3A_284 = arith.constant 16 : i32
      %add3A_285 = arith.addi %mul3A_283, %add3A_284 : i32
      %swap3A_286 = arith.index_cast %add3A_285 : i32 to index
      %swap3A_287 = tpu.vector_load %arg7[%swap3A_286] {strides = array<i32>} : memref<8192xf32, #tpu.memory_space<vmem>>, vector<16xf32>,
      %swap3A_288 = vector.shape_cast %swap3A_287 : vector<16xf32> to vector<16xf32>
      %swap3A_289 = vector.shape_cast %scan3A_274#1 : vector<16xf32> to vector<16xf32>
      tpu.vector_store %arg7[%swap3A_286], %swap3A_289 {strides = array<i32>} : memref<8192xf32, #tpu.memory_space<vmem>>, vector<16xf32>,
      %mul3A_290 = arith.constant 64 : i32
      %mul3A_291 = arith.muli %add3A_252, %mul3A_290 : i32
      %add3A_292 = arith.constant 32 : i32
      %add3A_293 = arith.addi %mul3A_291, %add3A_292 : i32
      %swap3A_294 = arith.index_cast %add3A_293 : i32 to index
      %swap3A_295 = tpu.vector_load %arg7[%swap3A_294] {strides = array<i32>} : memref<8192xf32, #tpu.memory_space<vmem>>, vector<16xf32>,
      %swap3A_296 = vector.shape_cast %swap3A_295 : vector<16xf32> to vector<16xf32>
      %swap3A_297 = vector.shape_cast %scan3A_274#2 : vector<16xf32> to vector<16xf32>
      tpu.vector_store %arg7[%swap3A_294], %swap3A_297 {strides = array<i32>} : memref<8192xf32, #tpu.memory_space<vmem>>, vector<16xf32>,
      %mul3A_298 = arith.constant 64 : i32
      %mul3A_299 = arith.muli %add3A_252, %mul3A_298 : i32
      %add3A_300 = arith.constant 48 : i32
      %add3A_301 = arith.addi %mul3A_299, %add3A_300 : i32
      %swap3A_302 = arith.index_cast %add3A_301 : i32 to index
      %swap3A_303 = tpu.vector_load %arg7[%swap3A_302] {strides = array<i32>} : memref<8192xf32, #tpu.memory_space<vmem>>, vector<16xf32>,
      %swap3A_304 = vector.shape_cast %swap3A_303 : vector<16xf32> to vector<16xf32>
      %swap3A_305 = vector.shape_cast %scan3A_274#3 : vector<16xf32> to vector<16xf32>
      tpu.vector_store %arg7[%swap3A_302], %swap3A_305 {strides = array<i32>} : memref<8192xf32, #tpu.memory_space<vmem>>, vector<16xf32>,
      %add3A_306 = arith.constant 4 : i32
      %add3A_307 = arith.addi %add3A_252, %add3A_306 : i32
      %mul3A_308 = arith.constant 200 : i32
      %mul3A_309 = arith.muli %add3A_307, %mul3A_308 : i32
      %dma_start3A_310 = arith.constant 0 : i32
      %dma_start3A_311 = arith.constant 0 : i32
      %dma_start3A_312 = arith.constant 0 : i32
      %dma_start3A_313 = tpu.memref_slice %arg6[%dma_start3A_310, %dma_start3A_311, %dma_start3A_312] : memref<4x200x64xf32, #tpu.memory_space<vmem>> -> memref<1x104x64xf32, #tpu.memory_space<vmem>>
      %dma_start3A_314 = tpu.memref_squeeze %dma_start3A_313 : memref<1x104x64xf32, #tpu.memory_space<vmem>> -> memref<104x64xf32, #tpu.memory_space<vmem>>
      %dma_start3A_315 = tpu.memref_slice %arg5[%mul3A_309] : memref<25600xi32, #tpu.memory_space<vmem>> -> memref<104xi32, #tpu.memory_space<vmem>>
      %dma_start3A_316 = arith.constant 0 : i32
      %dma_start3A_317 = arith.constant 0 : i32
      %dma_start3A_318 = tpu.memref_slice %arg3[%dma_start3A_316, %dma_start3A_317] : memref<1007616x64xf32, #tpu.memory_space<hbm>> -> memref<1007616x64xf32, #tpu.memory_space<hbm>>
      tpu.enqueue_indirect_dma source(%dma_start3A_318 : memref<1007616x64xf32, #tpu.memory_space<hbm>>) target(%dma_start3A_314 : memref<104x64xf32, #tpu.memory_space<vmem>>) offsets(%dma_start3A_315 : memref<104xi32, #tpu.memory_space<vmem>>) semaphore(%arg8 : memref<!tpu.dma_semaphore, #tpu.memory_space<semaphore_mem>>)
      %mul3A_319 = arith.constant 200 : i32
      %mul3A_320 = arith.muli %add3A_307, %mul3A_319 : i32
      %add3A_321 = arith.constant 104 : i32
      %add3A_322 = arith.addi %mul3A_320, %add3A_321 : i32
      %dma_start3A_323 = arith.constant 0 : i32
      %dma_start3A_324 = arith.constant 104 : i32
      %dma_start3A_325 = arith.constant 0 : i32
      %dma_start3A_326 = tpu.memref_slice %arg6[%dma_start3A_323, %dma_start3A_324, %dma_start3A_325] : memref<4x200x64xf32, #tpu.memory_space<vmem>> -> memref<1x96x64xf32, #tpu.memory_space<vmem>>
      %dma_start3A_327 = tpu.memref_squeeze %dma_start3A_326 : memref<1x96x64xf32, #tpu.memory_space<vmem>> -> memref<96x64xf32, #tpu.memory_space<vmem>>
      %dma_start3A_328 = tpu.memref_slice %arg5[%add3A_322] : memref<25600xi32, #tpu.memory_space<vmem>> -> memref<96xi32, #tpu.memory_space<vmem>>
      %dma_start3A_329 = arith.constant 0 : i32
      %dma_start3A_330 = arith.constant 0 : i32
      %dma_start3A_331 = tpu.memref_slice %arg3[%dma_start3A_329, %dma_start3A_330] : memref<1007616x64xf32, #tpu.memory_space<hbm>> -> memref<1007616x64xf32, #tpu.memory_space<hbm>>
      tpu.enqueue_indirect_dma source(%dma_start3A_331 : memref<1007616x64xf32, #tpu.memory_space<hbm>>) target(%dma_start3A_327 : memref<96x64xf32, #tpu.memory_space<vmem>>) offsets(%dma_start3A_328 : memref<96xi32, #tpu.memory_space<vmem>>) semaphore(%arg8 : memref<!tpu.dma_semaphore, #tpu.memory_space<semaphore_mem>>)
      %mul3A_332 = arith.constant 4 : i32
      %mul3A_333 = arith.muli %scan3A_248, %mul3A_332 : i32
      %add3A_334 = arith.constant 1 : i32
      %add3A_335 = arith.addi %mul3A_333, %add3A_334 : i32
      %dma_wait3A_336 = arith.constant 1 : i32
      %dma_wait3A_337 = arith.constant 0 : i32
      %dma_wait3A_338 = arith.constant 0 : i32
      %dma_wait3A_339 = tpu.memref_slice %arg6[%dma_wait3A_336, %dma_wait3A_337, %dma_wait3A_338] : memref<4x200x64xf32, #tpu.memory_space<vmem>> -> memref<1x200x64xf32, #tpu.memory_space<vmem>>
      %dma_wait3A_340 = tpu.memref_squeeze %dma_wait3A_339 : memref<1x200x64xf32, #tpu.memory_space<vmem>> -> memref<200x64xf32, #tpu.memory_space<vmem>>
      %dma_wait3A_341 = arith.constant 0 : i32
      %dma_wait3A_342 = arith.constant 0 : i32
      %dma_wait3A_343 = tpu.memref_slice %arg3[%dma_wait3A_341, %dma_wait3A_342] : memref<1007616x64xf32, #tpu.memory_space<hbm>> -> memref<200x64xf32, #tpu.memory_space<hbm>>
      %dma_wait3A_344 = arith.constant 0 : i32
      %dma_wait3A_345 = arith.constant 0 : i32
      %dma_wait3A_346 = tpu.memref_slice %arg6[%dma_wait3A_336, %dma_wait3A_344, %dma_wait3A_345] : memref<4x200x64xf32, #tpu.memory_space<vmem>> -> memref<1x200x64xf32, #tpu.memory_space<vmem>>
      %dma_wait3A_347 = tpu.memref_squeeze %dma_wait3A_346 : memref<1x200x64xf32, #tpu.memory_space<vmem>> -> memref<200x64xf32, #tpu.memory_space<vmem>>
      %dma_wait3A_348 = arith.constant 0 : i32
      %dma_wait3A_349 = arith.constant 0 : i32
      %dma_wait3A_350 = tpu.memref_slice %arg3[%dma_wait3A_348, %dma_wait3A_349] : memref<1007616x64xf32, #tpu.memory_space<hbm>> -> memref<200x64xf32, #tpu.memory_space<hbm>>
      tpu.wait_dma2 semaphore(%arg9 : memref<!tpu.dma_semaphore, #tpu.memory_space<semaphore_mem>>) src(%dma_wait3A_350 : memref<200x64xf32, #tpu.memory_space<hbm>>) dst(%dma_wait3A_347 : memref<200x64xf32, #tpu.memory_space<vmem>>)
      %broadcast_in_dim3A_351 = arith.constant 0.000000e+00 : f32
      %broadcast_in_dim3A_352 = vector.broadcast %broadcast_in_dim3A_351 : f32 to vector<16xf32>
      %scan3A_353 = arith.constant 0 : i32
      %scan3A_354 = arith.constant 25 : i32
      %scan3A_355 = arith.addi %scan3A_353, %scan3A_354 : i32
      %scan3A_356 = arith.constant 1 : i32
      %scan3A_357:4 = scf.for %scan3A_581 = %scan3A_353 to %scan3A_355 step %scan3A_356 iter_args(%scan3A_582 = %broadcast_in_dim3A_352, %scan3A_583 = %broadcast_in_dim3A_352, %scan3A_584 = %broadcast_in_dim3A_352, %scan3A_585 = %broadcast_in_dim3A_352) -> (vector<16xf32>, vector<16xf32>, vector<16xf32>, vector<16xf32>)  : i32 {
        %mul3A_586 = arith.constant 8 : i32
        %mul3A_587 = arith.muli %scan3A_581, %mul3A_586 : i32
        %add3A_588 = arith.constant 0 : i32
        %add3A_589 = arith.addi %mul3A_587, %add3A_588 : i32
        %get3A = arith.constant 1 : i32
        %get3A_590 = arith.index_cast %get3A : i32 to index
        %get3A_591 = arith.index_cast %add3A_589 : i32 to index
        %get3A_592 = arith.constant 0 : index
        %get3A_593 = tpu.vector_load %arg6[%get3A_590, %get3A_591, %get3A_592] {strides = array<i32>} : memref<4x200x64xf32, #tpu.memory_space<vmem>>, vector<1x1x16xf32>,
        %get3A_594 = vector.shape_cast %get3A_593 : vector<1x1x16xf32> to vector<16xf32>
        %add3A_595 = arith.addf %scan3A_582, %get3A_594 : vector<16xf32>
        %add3A_596 = arith.constant 0 : i32
        %add3A_597 = arith.addi %mul3A_587, %add3A_596 : i32
        %get3A_598 = arith.constant 1 : i32
        %get3A_599 = arith.index_cast %get3A_598 : i32 to index
        %get3A_600 = arith.index_cast %add3A_597 : i32 to index
        %get3A_601 = arith.constant 16 : index
        %get3A_602 = tpu.vector_load %arg6[%get3A_599, %get3A_600, %get3A_601] {strides = array<i32>} : memref<4x200x64xf32, #tpu.memory_space<vmem>>, vector<1x1x16xf32>,
        %get3A_603 = vector.shape_cast %get3A_602 : vector<1x1x16xf32> to vector<16xf32>
        %add3A_604 = arith.addf %scan3A_583, %get3A_603 : vector<16xf32>
        %add3A_605 = arith.constant 0 : i32
        %add3A_606 = arith.addi %mul3A_587, %add3A_605 : i32
        %get3A_607 = arith.constant 1 : i32
        %get3A_608 = arith.index_cast %get3A_607 : i32 to index
        %get3A_609 = arith.index_cast %add3A_606 : i32 to index
        %get3A_610 = arith.constant 32 : index
        %get3A_611 = tpu.vector_load %arg6[%get3A_608, %get3A_609, %get3A_610] {strides = array<i32>} : memref<4x200x64xf32, #tpu.memory_space<vmem>>, vector<1x1x16xf32>,
        %get3A_612 = vector.shape_cast %get3A_611 : vector<1x1x16xf32> to vector<16xf32>
        %add3A_613 = arith.addf %scan3A_584, %get3A_612 : vector<16xf32>
        %add3A_614 = arith.constant 0 : i32
        %add3A_615 = arith.addi %mul3A_587, %add3A_614 : i32
        %get3A_616 = arith.constant 1 : i32
        %get3A_617 = arith.index_cast %get3A_616 : i32 to index
        %get3A_618 = arith.index_cast %add3A_615 : i32 to index
        %get3A_619 = arith.constant 48 : index
        %get3A_620 = tpu.vector_load %arg6[%get3A_617, %get3A_618, %get3A_619] {strides = array<i32>} : memref<4x200x64xf32, #tpu.memory_space<vmem>>, vector<1x1x16xf32>,
        %get3A_621 = vector.shape_cast %get3A_620 : vector<1x1x16xf32> to vector<16xf32>
        %add3A_622 = arith.addf %scan3A_585, %get3A_621 : vector<16xf32>
        %add3A_623 = arith.constant 1 : i32
        %add3A_624 = arith.addi %mul3A_587, %add3A_623 : i32
        %get3A_625 = arith.constant 1 : i32
        %get3A_626 = arith.index_cast %get3A_625 : i32 to index
        %get3A_627 = arith.index_cast %add3A_624 : i32 to index
        %get3A_628 = arith.constant 0 : index
        %get3A_629 = tpu.vector_load %arg6[%get3A_626, %get3A_627, %get3A_628] {strides = array<i32>} : memref<4x200x64xf32, #tpu.memory_space<vmem>>, vector<1x1x16xf32>,
        %get3A_630 = vector.shape_cast %get3A_629 : vector<1x1x16xf32> to vector<16xf32>
        %add3A_631 = arith.addf %add3A_595, %get3A_630 : vector<16xf32>
        %add3A_632 = arith.constant 1 : i32
        %add3A_633 = arith.addi %mul3A_587, %add3A_632 : i32
        %get3A_634 = arith.constant 1 : i32
        %get3A_635 = arith.index_cast %get3A_634 : i32 to index
        %get3A_636 = arith.index_cast %add3A_633 : i32 to index
        %get3A_637 = arith.constant 16 : index
        %get3A_638 = tpu.vector_load %arg6[%get3A_635, %get3A_636, %get3A_637] {strides = array<i32>} : memref<4x200x64xf32, #tpu.memory_space<vmem>>, vector<1x1x16xf32>,
        %get3A_639 = vector.shape_cast %get3A_638 : vector<1x1x16xf32> to vector<16xf32>
        %add3A_640 = arith.addf %add3A_604, %get3A_639 : vector<16xf32>
        %add3A_641 = arith.constant 1 : i32
        %add3A_642 = arith.addi %mul3A_587, %add3A_641 : i32
        %get3A_643 = arith.constant 1 : i32
        %get3A_644 = arith.index_cast %get3A_643 : i32 to index
        %get3A_645 = arith.index_cast %add3A_642 : i32 to index
        %get3A_646 = arith.constant 32 : index
        %get3A_647 = tpu.vector_load %arg6[%get3A_644, %get3A_645, %get3A_646] {strides = array<i32>} : memref<4x200x64xf32, #tpu.memory_space<vmem>>, vector<1x1x16xf32>,
        %get3A_648 = vector.shape_cast %get3A_647 : vector<1x1x16xf32> to vector<16xf32>
        %add3A_649 = arith.addf %add3A_613, %get3A_648 : vector<16xf32>
        %add3A_650 = arith.constant 1 : i32
        %add3A_651 = arith.addi %mul3A_587, %add3A_650 : i32
        %get3A_652 = arith.constant 1 : i32
        %get3A_653 = arith.index_cast %get3A_652 : i32 to index
        %get3A_654 = arith.index_cast %add3A_651 : i32 to index
        %get3A_655 = arith.constant 48 : index
        %get3A_656 = tpu.vector_load %arg6[%get3A_653, %get3A_654, %get3A_655] {strides = array<i32>} : memref<4x200x64xf32, #tpu.memory_space<vmem>>, vector<1x1x16xf32>,
        %get3A_657 = vector.shape_cast %get3A_656 : vector<1x1x16xf32> to vector<16xf32>
        %add3A_658 = arith.addf %add3A_622, %get3A_657 : vector<16xf32>
        %add3A_659 = arith.constant 2 : i32
        %add3A_660 = arith.addi %mul3A_587, %add3A_659 : i32
        %get3A_661 = arith.constant 1 : i32
        %get3A_662 = arith.index_cast %get3A_661 : i32 to index
        %get3A_663 = arith.index_cast %add3A_660 : i32 to index
        %get3A_664 = arith.constant 0 : index
        %get3A_665 = tpu.vector_load %arg6[%get3A_662, %get3A_663, %get3A_664] {strides = array<i32>} : memref<4x200x64xf32, #tpu.memory_space<vmem>>, vector<1x1x16xf32>,
        %get3A_666 = vector.shape_cast %get3A_665 : vector<1x1x16xf32> to vector<16xf32>
        %add3A_667 = arith.addf %add3A_631, %get3A_666 : vector<16xf32>
        %add3A_668 = arith.constant 2 : i32
        %add3A_669 = arith.addi %mul3A_587, %add3A_668 : i32
        %get3A_670 = arith.constant 1 : i32
        %get3A_671 = arith.index_cast %get3A_670 : i32 to index
        %get3A_672 = arith.index_cast %add3A_669 : i32 to index
        %get3A_673 = arith.constant 16 : index
        %get3A_674 = tpu.vector_load %arg6[%get3A_671, %get3A_672, %get3A_673] {strides = array<i32>} : memref<4x200x64xf32, #tpu.memory_space<vmem>>, vector<1x1x16xf32>,
        %get3A_675 = vector.shape_cast %get3A_674 : vector<1x1x16xf32> to vector<16xf32>
        %add3A_676 = arith.addf %add3A_640, %get3A_675 : vector<16xf32>
        %add3A_677 = arith.constant 2 : i32
        %add3A_678 = arith.addi %mul3A_587, %add3A_677 : i32
        %get3A_679 = arith.constant 1 : i32
        %get3A_680 = arith.index_cast %get3A_679 : i32 to index
        %get3A_681 = arith.index_cast %add3A_678 : i32 to index
        %get3A_682 = arith.constant 32 : index
        %get3A_683 = tpu.vector_load %arg6[%get3A_680, %get3A_681, %get3A_682] {strides = array<i32>} : memref<4x200x64xf32, #tpu.memory_space<vmem>>, vector<1x1x16xf32>,
        %get3A_684 = vector.shape_cast %get3A_683 : vector<1x1x16xf32> to vector<16xf32>
        %add3A_685 = arith.addf %add3A_649, %get3A_684 : vector<16xf32>
        %add3A_686 = arith.constant 2 : i32
        %add3A_687 = arith.addi %mul3A_587, %add3A_686 : i32
        %get3A_688 = arith.constant 1 : i32
        %get3A_689 = arith.index_cast %get3A_688 : i32 to index
        %get3A_690 = arith.index_cast %add3A_687 : i32 to index
        %get3A_691 = arith.constant 48 : index
        %get3A_692 = tpu.vector_load %arg6[%get3A_689, %get3A_690, %get3A_691] {strides = array<i32>} : memref<4x200x64xf32, #tpu.memory_space<vmem>>, vector<1x1x16xf32>,
        %get3A_693 = vector.shape_cast %get3A_692 : vector<1x1x16xf32> to vector<16xf32>
        %add3A_694 = arith.addf %add3A_658, %get3A_693 : vector<16xf32>
        %add3A_695 = arith.constant 3 : i32
        %add3A_696 = arith.addi %mul3A_587, %add3A_695 : i32
        %get3A_697 = arith.constant 1 : i32
        %get3A_698 = arith.index_cast %get3A_697 : i32 to index
        %get3A_699 = arith.index_cast %add3A_696 : i32 to index
        %get3A_700 = arith.constant 0 : index
        %get3A_701 = tpu.vector_load %arg6[%get3A_698, %get3A_699, %get3A_700] {strides = array<i32>} : memref<4x200x64xf32, #tpu.memory_space<vmem>>, vector<1x1x16xf32>,
        %get3A_702 = vector.shape_cast %get3A_701 : vector<1x1x16xf32> to vector<16xf32>
        %add3A_703 = arith.addf %add3A_667, %get3A_702 : vector<16xf32>
        %add3A_704 = arith.constant 3 : i32
        %add3A_705 = arith.addi %mul3A_587, %add3A_704 : i32
        %get3A_706 = arith.constant 1 : i32
        %get3A_707 = arith.index_cast %get3A_706 : i32 to index
        %get3A_708 = arith.index_cast %add3A_705 : i32 to index
        %get3A_709 = arith.constant 16 : index
        %get3A_710 = tpu.vector_load %arg6[%get3A_707, %get3A_708, %get3A_709] {strides = array<i32>} : memref<4x200x64xf32, #tpu.memory_space<vmem>>, vector<1x1x16xf32>,
        %get3A_711 = vector.shape_cast %get3A_710 : vector<1x1x16xf32> to vector<16xf32>
        %add3A_712 = arith.addf %add3A_676, %get3A_711 : vector<16xf32>
        %add3A_713 = arith.constant 3 : i32
        %add3A_714 = arith.addi %mul3A_587, %add3A_713 : i32
        %get3A_715 = arith.constant 1 : i32
        %get3A_716 = arith.index_cast %get3A_715 : i32 to index
        %get3A_717 = arith.index_cast %add3A_714 : i32 to index
        %get3A_718 = arith.constant 32 : index
        %get3A_719 = tpu.vector_load %arg6[%get3A_716, %get3A_717, %get3A_718] {strides = array<i32>} : memref<4x200x64xf32, #tpu.memory_space<vmem>>, vector<1x1x16xf32>,
        %get3A_720 = vector.shape_cast %get3A_719 : vector<1x1x16xf32> to vector<16xf32>
        %add3A_721 = arith.addf %add3A_685, %get3A_720 : vector<16xf32>
        %add3A_722 = arith.constant 3 : i32
        %add3A_723 = arith.addi %mul3A_587, %add3A_722 : i32
        %get3A_724 = arith.constant 1 : i32
        %get3A_725 = arith.index_cast %get3A_724 : i32 to index
        %get3A_726 = arith.index_cast %add3A_723 : i32 to index
        %get3A_727 = arith.constant 48 : index
        %get3A_728 = tpu.vector_load %arg6[%get3A_725, %get3A_726, %get3A_727] {strides = array<i32>} : memref<4x200x64xf32, #tpu.memory_space<vmem>>, vector<1x1x16xf32>,
        %get3A_729 = vector.shape_cast %get3A_728 : vector<1x1x16xf32> to vector<16xf32>
        %add3A_730 = arith.addf %add3A_694, %get3A_729 : vector<16xf32>
        %add3A_731 = arith.constant 4 : i32
        %add3A_732 = arith.addi %mul3A_587, %add3A_731 : i32
        %get3A_733 = arith.constant 1 : i32
        %get3A_734 = arith.index_cast %get3A_733 : i32 to index
        %get3A_735 = arith.index_cast %add3A_732 : i32 to index
        %get3A_736 = arith.constant 0 : index
        %get3A_737 = tpu.vector_load %arg6[%get3A_734, %get3A_735, %get3A_736] {strides = array<i32>} : memref<4x200x64xf32, #tpu.memory_space<vmem>>, vector<1x1x16xf32>,
        %get3A_738 = vector.shape_cast %get3A_737 : vector<1x1x16xf32> to vector<16xf32>
        %add3A_739 = arith.addf %add3A_703, %get3A_738 : vector<16xf32>
        %add3A_740 = arith.constant 4 : i32
        %add3A_741 = arith.addi %mul3A_587, %add3A_740 : i32
        %get3A_742 = arith.constant 1 : i32
        %get3A_743 = arith.index_cast %get3A_742 : i32 to index
        %get3A_744 = arith.index_cast %add3A_741 : i32 to index
        %get3A_745 = arith.constant 16 : index
        %get3A_746 = tpu.vector_load %arg6[%get3A_743, %get3A_744, %get3A_745] {strides = array<i32>} : memref<4x200x64xf32, #tpu.memory_space<vmem>>, vector<1x1x16xf32>,
        %get3A_747 = vector.shape_cast %get3A_746 : vector<1x1x16xf32> to vector<16xf32>
        %add3A_748 = arith.addf %add3A_712, %get3A_747 : vector<16xf32>
        %add3A_749 = arith.constant 4 : i32
        %add3A_750 = arith.addi %mul3A_587, %add3A_749 : i32
        %get3A_751 = arith.constant 1 : i32
        %get3A_752 = arith.index_cast %get3A_751 : i32 to index
        %get3A_753 = arith.index_cast %add3A_750 : i32 to index
        %get3A_754 = arith.constant 32 : index
        %get3A_755 = tpu.vector_load %arg6[%get3A_752, %get3A_753, %get3A_754] {strides = array<i32>} : memref<4x200x64xf32, #tpu.memory_space<vmem>>, vector<1x1x16xf32>,
        %get3A_756 = vector.shape_cast %get3A_755 : vector<1x1x16xf32> to vector<16xf32>
        %add3A_757 = arith.addf %add3A_721, %get3A_756 : vector<16xf32>
        %add3A_758 = arith.constant 4 : i32
        %add3A_759 = arith.addi %mul3A_587, %add3A_758 : i32
        %get3A_760 = arith.constant 1 : i32
        %get3A_761 = arith.index_cast %get3A_760 : i32 to index
        %get3A_762 = arith.index_cast %add3A_759 : i32 to index
        %get3A_763 = arith.constant 48 : index
        %get3A_764 = tpu.vector_load %arg6[%get3A_761, %get3A_762, %get3A_763] {strides = array<i32>} : memref<4x200x64xf32, #tpu.memory_space<vmem>>, vector<1x1x16xf32>,
        %get3A_765 = vector.shape_cast %get3A_764 : vector<1x1x16xf32> to vector<16xf32>
        %add3A_766 = arith.addf %add3A_730, %get3A_765 : vector<16xf32>
        %add3A_767 = arith.constant 5 : i32
        %add3A_768 = arith.addi %mul3A_587, %add3A_767 : i32
        %get3A_769 = arith.constant 1 : i32
        %get3A_770 = arith.index_cast %get3A_769 : i32 to index
        %get3A_771 = arith.index_cast %add3A_768 : i32 to index
        %get3A_772 = arith.constant 0 : index
        %get3A_773 = tpu.vector_load %arg6[%get3A_770, %get3A_771, %get3A_772] {strides = array<i32>} : memref<4x200x64xf32, #tpu.memory_space<vmem>>, vector<1x1x16xf32>,
        %get3A_774 = vector.shape_cast %get3A_773 : vector<1x1x16xf32> to vector<16xf32>
        %add3A_775 = arith.addf %add3A_739, %get3A_774 : vector<16xf32>
        %add3A_776 = arith.constant 5 : i32
        %add3A_777 = arith.addi %mul3A_587, %add3A_776 : i32
        %get3A_778 = arith.constant 1 : i32
        %get3A_779 = arith.index_cast %get3A_778 : i32 to index
        %get3A_780 = arith.index_cast %add3A_777 : i32 to index
        %get3A_781 = arith.constant 16 : index
        %get3A_782 = tpu.vector_load %arg6[%get3A_779, %get3A_780, %get3A_781] {strides = array<i32>} : memref<4x200x64xf32, #tpu.memory_space<vmem>>, vector<1x1x16xf32>,
        %get3A_783 = vector.shape_cast %get3A_782 : vector<1x1x16xf32> to vector<16xf32>
        %add3A_784 = arith.addf %add3A_748, %get3A_783 : vector<16xf32>
        %add3A_785 = arith.constant 5 : i32
        %add3A_786 = arith.addi %mul3A_587, %add3A_785 : i32
        %get3A_787 = arith.constant 1 : i32
        %get3A_788 = arith.index_cast %get3A_787 : i32 to index
        %get3A_789 = arith.index_cast %add3A_786 : i32 to index
        %get3A_790 = arith.constant 32 : index
        %get3A_791 = tpu.vector_load %arg6[%get3A_788, %get3A_789, %get3A_790] {strides = array<i32>} : memref<4x200x64xf32, #tpu.memory_space<vmem>>, vector<1x1x16xf32>,
        %get3A_792 = vector.shape_cast %get3A_791 : vector<1x1x16xf32> to vector<16xf32>
        %add3A_793 = arith.addf %add3A_757, %get3A_792 : vector<16xf32>
        %add3A_794 = arith.constant 5 : i32
        %add3A_795 = arith.addi %mul3A_587, %add3A_794 : i32
        %get3A_796 = arith.constant 1 : i32
        %get3A_797 = arith.index_cast %get3A_796 : i32 to index
        %get3A_798 = arith.index_cast %add3A_795 : i32 to index
        %get3A_799 = arith.constant 48 : index
        %get3A_800 = tpu.vector_load %arg6[%get3A_797, %get3A_798, %get3A_799] {strides = array<i32>} : memref<4x200x64xf32, #tpu.memory_space<vmem>>, vector<1x1x16xf32>,
        %get3A_801 = vector.shape_cast %get3A_800 : vector<1x1x16xf32> to vector<16xf32>
        %add3A_802 = arith.addf %add3A_766, %get3A_801 : vector<16xf32>
        %add3A_803 = arith.constant 6 : i32
        %add3A_804 = arith.addi %mul3A_587, %add3A_803 : i32
        %get3A_805 = arith.constant 1 : i32
        %get3A_806 = arith.index_cast %get3A_805 : i32 to index
        %get3A_807 = arith.index_cast %add3A_804 : i32 to index
        %get3A_808 = arith.constant 0 : index
        %get3A_809 = tpu.vector_load %arg6[%get3A_806, %get3A_807, %get3A_808] {strides = array<i32>} : memref<4x200x64xf32, #tpu.memory_space<vmem>>, vector<1x1x16xf32>,
        %get3A_810 = vector.shape_cast %get3A_809 : vector<1x1x16xf32> to vector<16xf32>
        %add3A_811 = arith.addf %add3A_775, %get3A_810 : vector<16xf32>
        %add3A_812 = arith.constant 6 : i32
        %add3A_813 = arith.addi %mul3A_587, %add3A_812 : i32
        %get3A_814 = arith.constant 1 : i32
        %get3A_815 = arith.index_cast %get3A_814 : i32 to index
        %get3A_816 = arith.index_cast %add3A_813 : i32 to index
        %get3A_817 = arith.constant 16 : index
        %get3A_818 = tpu.vector_load %arg6[%get3A_815, %get3A_816, %get3A_817] {strides = array<i32>} : memref<4x200x64xf32, #tpu.memory_space<vmem>>, vector<1x1x16xf32>,
        %get3A_819 = vector.shape_cast %get3A_818 : vector<1x1x16xf32> to vector<16xf32>
        %add3A_820 = arith.addf %add3A_784, %get3A_819 : vector<16xf32>
        %add3A_821 = arith.constant 6 : i32
        %add3A_822 = arith.addi %mul3A_587, %add3A_821 : i32
        %get3A_823 = arith.constant 1 : i32
        %get3A_824 = arith.index_cast %get3A_823 : i32 to index
        %get3A_825 = arith.index_cast %add3A_822 : i32 to index
        %get3A_826 = arith.constant 32 : index
        %get3A_827 = tpu.vector_load %arg6[%get3A_824, %get3A_825, %get3A_826] {strides = array<i32>} : memref<4x200x64xf32, #tpu.memory_space<vmem>>, vector<1x1x16xf32>,
        %get3A_828 = vector.shape_cast %get3A_827 : vector<1x1x16xf32> to vector<16xf32>
        %add3A_829 = arith.addf %add3A_793, %get3A_828 : vector<16xf32>
        %add3A_830 = arith.constant 6 : i32
        %add3A_831 = arith.addi %mul3A_587, %add3A_830 : i32
        %get3A_832 = arith.constant 1 : i32
        %get3A_833 = arith.index_cast %get3A_832 : i32 to index
        %get3A_834 = arith.index_cast %add3A_831 : i32 to index
        %get3A_835 = arith.constant 48 : index
        %get3A_836 = tpu.vector_load %arg6[%get3A_833, %get3A_834, %get3A_835] {strides = array<i32>} : memref<4x200x64xf32, #tpu.memory_space<vmem>>, vector<1x1x16xf32>,
        %get3A_837 = vector.shape_cast %get3A_836 : vector<1x1x16xf32> to vector<16xf32>
        %add3A_838 = arith.addf %add3A_802, %get3A_837 : vector<16xf32>
        %add3A_839 = arith.constant 7 : i32
        %add3A_840 = arith.addi %mul3A_587, %add3A_839 : i32
        %get3A_841 = arith.constant 1 : i32
        %get3A_842 = arith.index_cast %get3A_841 : i32 to index
        %get3A_843 = arith.index_cast %add3A_840 : i32 to index
        %get3A_844 = arith.constant 0 : index
        %get3A_845 = tpu.vector_load %arg6[%get3A_842, %get3A_843, %get3A_844] {strides = array<i32>} : memref<4x200x64xf32, #tpu.memory_space<vmem>>, vector<1x1x16xf32>,
        %get3A_846 = vector.shape_cast %get3A_845 : vector<1x1x16xf32> to vector<16xf32>
        %add3A_847 = arith.addf %add3A_811, %get3A_846 : vector<16xf32>
        %add3A_848 = arith.constant 7 : i32
        %add3A_849 = arith.addi %mul3A_587, %add3A_848 : i32
        %get3A_850 = arith.constant 1 : i32
        %get3A_851 = arith.index_cast %get3A_850 : i32 to index
        %get3A_852 = arith.index_cast %add3A_849 : i32 to index
        %get3A_853 = arith.constant 16 : index
        %get3A_854 = tpu.vector_load %arg6[%get3A_851, %get3A_852, %get3A_853] {strides = array<i32>} : memref<4x200x64xf32, #tpu.memory_space<vmem>>, vector<1x1x16xf32>,
        %get3A_855 = vector.shape_cast %get3A_854 : vector<1x1x16xf32> to vector<16xf32>
        %add3A_856 = arith.addf %add3A_820, %get3A_855 : vector<16xf32>
        %add3A_857 = arith.constant 7 : i32
        %add3A_858 = arith.addi %mul3A_587, %add3A_857 : i32
        %get3A_859 = arith.constant 1 : i32
        %get3A_860 = arith.index_cast %get3A_859 : i32 to index
        %get3A_861 = arith.index_cast %add3A_858 : i32 to index
        %get3A_862 = arith.constant 32 : index
        %get3A_863 = tpu.vector_load %arg6[%get3A_860, %get3A_861, %get3A_862] {strides = array<i32>} : memref<4x200x64xf32, #tpu.memory_space<vmem>>, vector<1x1x16xf32>,
        %get3A_864 = vector.shape_cast %get3A_863 : vector<1x1x16xf32> to vector<16xf32>
        %add3A_865 = arith.addf %add3A_829, %get3A_864 : vector<16xf32>
        %add3A_866 = arith.constant 7 : i32
        %add3A_867 = arith.addi %mul3A_587, %add3A_866 : i32
        %get3A_868 = arith.constant 1 : i32
        %get3A_869 = arith.index_cast %get3A_868 : i32 to index
        %get3A_870 = arith.index_cast %add3A_867 : i32 to index
        %get3A_871 = arith.constant 48 : index
        %get3A_872 = tpu.vector_load %arg6[%get3A_869, %get3A_870, %get3A_871] {strides = array<i32>} : memref<4x200x64xf32, #tpu.memory_space<vmem>>, vector<1x1x16xf32>,
        %get3A_873 = vector.shape_cast %get3A_872 : vector<1x1x16xf32> to vector<16xf32>
        %add3A_874 = arith.addf %add3A_838, %get3A_873 : vector<16xf32>
        scf.yield %add3A_847, %add3A_856, %add3A_865, %add3A_874 : vector<16xf32>, vector<16xf32>, vector<16xf32>, vector<16xf32>
      }
      %scan3A_358 = arith.constant 25 : i32
      %mul3A_359 = arith.constant 64 : i32
      %mul3A_360 = arith.muli %add3A_335, %mul3A_359 : i32
      %swap3A_361 = arith.index_cast %mul3A_360 : i32 to index
      %swap3A_362 = tpu.vector_load %arg7[%swap3A_361] {strides = array<i32>} : memref<8192xf32, #tpu.memory_space<vmem>>, vector<16xf32>,
      %swap3A_363 = vector.shape_cast %swap3A_362 : vector<16xf32> to vector<16xf32>
      %swap3A_364 = vector.shape_cast %scan3A_357#0 : vector<16xf32> to vector<16xf32>
      tpu.vector_store %arg7[%swap3A_361], %swap3A_364 {strides = array<i32>} : memref<8192xf32, #tpu.memory_space<vmem>>, vector<16xf32>,
      %mul3A_365 = arith.constant 64 : i32
      %mul3A_366 = arith.muli %add3A_335, %mul3A_365 : i32
      %add3A_367 = arith.constant 16 : i32
      %add3A_368 = arith.addi %mul3A_366, %add3A_367 : i32
      %swap3A_369 = arith.index_cast %add3A_368 : i32 to index
      %swap3A_370 = tpu.vector_load %arg7[%swap3A_369] {strides = array<i32>} : memref<8192xf32, #tpu.memory_space<vmem>>, vector<16xf32>,
      %swap3A_371 = vector.shape_cast %swap3A_370 : vector<16xf32> to vector<16xf32>
      %swap3A_372 = vector.shape_cast %scan3A_357#1 : vector<16xf32> to vector<16xf32>
      tpu.vector_store %arg7[%swap3A_369], %swap3A_372 {strides = array<i32>} : memref<8192xf32, #tpu.memory_space<vmem>>, vector<16xf32>,
      %mul3A_373 = arith.constant 64 : i32
      %mul3A_374 = arith.muli %add3A_335, %mul3A_373 : i32
      %add3A_375 = arith.constant 32 : i32
      %add3A_376 = arith.addi %mul3A_374, %add3A_375 : i32
      %swap3A_377 = arith.index_cast %add3A_376 : i32 to index
      %swap3A_378 = tpu.vector_load %arg7[%swap3A_377] {strides = array<i32>} : memref<8192xf32, #tpu.memory_space<vmem>>, vector<16xf32>,
      %swap3A_379 = vector.shape_cast %swap3A_378 : vector<16xf32> to vector<16xf32>
      %swap3A_380 = vector.shape_cast %scan3A_357#2 : vector<16xf32> to vector<16xf32>
      tpu.vector_store %arg7[%swap3A_377], %swap3A_380 {strides = array<i32>} : memref<8192xf32, #tpu.memory_space<vmem>>, vector<16xf32>,
      %mul3A_381 = arith.constant 64 : i32
      %mul3A_382 = arith.muli %add3A_335, %mul3A_381 : i32
      %add3A_383 = arith.constant 48 : i32
      %add3A_384 = arith.addi %mul3A_382, %add3A_383 : i32
      %swap3A_385 = arith.index_cast %add3A_384 : i32 to index
      %swap3A_386 = tpu.vector_load %arg7[%swap3A_385] {strides = array<i32>} : memref<8192xf32, #tpu.memory_space<vmem>>, vector<16xf32>,
      %swap3A_387 = vector.shape_cast %swap3A_386 : vector<16xf32> to vector<16xf32>
      %swap3A_388 = vector.shape_cast %scan3A_357#3 : vector<16xf32> to vector<16xf32>
      tpu.vector_store %arg7[%swap3A_385], %swap3A_388 {strides = array<i32>} : memref<8192xf32, #tpu.memory_space<vmem>>, vector<16xf32>,
      %add3A_389 = arith.constant 4 : i32
      %add3A_390 = arith.addi %add3A_335, %add3A_389 : i32
      %mul3A_391 = arith.constant 200 : i32
      %mul3A_392 = arith.muli %add3A_390, %mul3A_391 : i32
      %dma_start3A_393 = arith.constant 1 : i32
      %dma_start3A_394 = arith.constant 0 : i32
      %dma_start3A_395 = arith.constant 0 : i32
      %dma_start3A_396 = tpu.memref_slice %arg6[%dma_start3A_393, %dma_start3A_394, %dma_start3A_395] : memref<4x200x64xf32, #tpu.memory_space<vmem>> -> memref<1x104x64xf32, #tpu.memory_space<vmem>>
      %dma_start3A_397 = tpu.memref_squeeze %dma_start3A_396 : memref<1x104x64xf32, #tpu.memory_space<vmem>> -> memref<104x64xf32, #tpu.memory_space<vmem>>
      %dma_start3A_398 = tpu.memref_slice %arg5[%mul3A_392] : memref<25600xi32, #tpu.memory_space<vmem>> -> memref<104xi32, #tpu.memory_space<vmem>>
      %dma_start3A_399 = arith.constant 0 : i32
      %dma_start3A_400 = arith.constant 0 : i32
      %dma_start3A_401 = tpu.memref_slice %arg3[%dma_start3A_399, %dma_start3A_400] : memref<1007616x64xf32, #tpu.memory_space<hbm>> -> memref<1007616x64xf32, #tpu.memory_space<hbm>>
      tpu.enqueue_indirect_dma source(%dma_start3A_401 : memref<1007616x64xf32, #tpu.memory_space<hbm>>) target(%dma_start3A_397 : memref<104x64xf32, #tpu.memory_space<vmem>>) offsets(%dma_start3A_398 : memref<104xi32, #tpu.memory_space<vmem>>) semaphore(%arg9 : memref<!tpu.dma_semaphore, #tpu.memory_space<semaphore_mem>>)
      %mul3A_402 = arith.constant 200 : i32
      %mul3A_403 = arith.muli %add3A_390, %mul3A_402 : i32
      %add3A_404 = arith.constant 104 : i32
      %add3A_405 = arith.addi %mul3A_403, %add3A_404 : i32
      %dma_start3A_406 = arith.constant 1 : i32
      %dma_start3A_407 = arith.constant 104 : i32
      %dma_start3A_408 = arith.constant 0 : i32
      %dma_start3A_409 = tpu.memref_slice %arg6[%dma_start3A_406, %dma_start3A_407, %dma_start3A_408] : memref<4x200x64xf32, #tpu.memory_space<vmem>> -> memref<1x96x64xf32, #tpu.memory_space<vmem>>
      %dma_start3A_410 = tpu.memref_squeeze %dma_start3A_409 : memref<1x96x64xf32, #tpu.memory_space<vmem>> -> memref<96x64xf32, #tpu.memory_space<vmem>>
      %dma_start3A_411 = tpu.memref_slice %arg5[%add3A_405] : memref<25600xi32, #tpu.memory_space<vmem>> -> memref<96xi32, #tpu.memory_space<vmem>>
      %dma_start3A_412 = arith.constant 0 : i32
      %dma_start3A_413 = arith.constant 0 : i32
      %dma_start3A_414 = tpu.memref_slice %arg3[%dma_start3A_412, %dma_start3A_413] : memref<1007616x64xf32, #tpu.memory_space<hbm>> -> memref<1007616x64xf32, #tpu.memory_space<hbm>>
      tpu.enqueue_indirect_dma source(%dma_start3A_414 : memref<1007616x64xf32, #tpu.memory_space<hbm>>) target(%dma_start3A_410 : memref<96x64xf32, #tpu.memory_space<vmem>>) offsets(%dma_start3A_411 : memref<96xi32, #tpu.memory_space<vmem>>) semaphore(%arg9 : memref<!tpu.dma_semaphore, #tpu.memory_space<semaphore_mem>>)
      %mul3A_415 = arith.constant 4 : i32
      %mul3A_416 = arith.muli %scan3A_248, %mul3A_415 : i32
      %add3A_417 = arith.constant 2 : i32
      %add3A_418 = arith.addi %mul3A_416, %add3A_417 : i32
      %dma_wait3A_419 = arith.constant 2 : i32
      %dma_wait3A_420 = arith.constant 0 : i32
      %dma_wait3A_421 = arith.constant 0 : i32
      %dma_wait3A_422 = tpu.memref_slice %arg6[%dma_wait3A_419, %dma_wait3A_420, %dma_wait3A_421] : memref<4x200x64xf32, #tpu.memory_space<vmem>> -> memref<1x200x64xf32, #tpu.memory_space<vmem>>
      %dma_wait3A_423 = tpu.memref_squeeze %dma_wait3A_422 : memref<1x200x64xf32, #tpu.memory_space<vmem>> -> memref<200x64xf32, #tpu.memory_space<vmem>>
      %dma_wait3A_424 = arith.constant 0 : i32
      %dma_wait3A_425 = arith.constant 0 : i32
      %dma_wait3A_426 = tpu.memref_slice %arg3[%dma_wait3A_424, %dma_wait3A_425] : memref<1007616x64xf32, #tpu.memory_space<hbm>> -> memref<200x64xf32, #tpu.memory_space<hbm>>
      %dma_wait3A_427 = arith.constant 0 : i32
      %dma_wait3A_428 = arith.constant 0 : i32
      %dma_wait3A_429 = tpu.memref_slice %arg6[%dma_wait3A_419, %dma_wait3A_427, %dma_wait3A_428] : memref<4x200x64xf32, #tpu.memory_space<vmem>> -> memref<1x200x64xf32, #tpu.memory_space<vmem>>
      %dma_wait3A_430 = tpu.memref_squeeze %dma_wait3A_429 : memref<1x200x64xf32, #tpu.memory_space<vmem>> -> memref<200x64xf32, #tpu.memory_space<vmem>>
      %dma_wait3A_431 = arith.constant 0 : i32
      %dma_wait3A_432 = arith.constant 0 : i32
      %dma_wait3A_433 = tpu.memref_slice %arg3[%dma_wait3A_431, %dma_wait3A_432] : memref<1007616x64xf32, #tpu.memory_space<hbm>> -> memref<200x64xf32, #tpu.memory_space<hbm>>
      tpu.wait_dma2 semaphore(%arg10 : memref<!tpu.dma_semaphore, #tpu.memory_space<semaphore_mem>>) src(%dma_wait3A_433 : memref<200x64xf32, #tpu.memory_space<hbm>>) dst(%dma_wait3A_430 : memref<200x64xf32, #tpu.memory_space<vmem>>)
      %broadcast_in_dim3A_434 = arith.constant 0.000000e+00 : f32
      %broadcast_in_dim3A_435 = vector.broadcast %broadcast_in_dim3A_434 : f32 to vector<16xf32>
      %scan3A_436 = arith.constant 0 : i32
      %scan3A_437 = arith.constant 25 : i32
      %scan3A_438 = arith.addi %scan3A_436, %scan3A_437 : i32
      %scan3A_439 = arith.constant 1 : i32
      %scan3A_440:4 = scf.for %scan3A_581 = %scan3A_436 to %scan3A_438 step %scan3A_439 iter_args(%scan3A_582 = %broadcast_in_dim3A_435, %scan3A_583 = %broadcast_in_dim3A_435, %scan3A_584 = %broadcast_in_dim3A_435, %scan3A_585 = %broadcast_in_dim3A_435) -> (vector<16xf32>, vector<16xf32>, vector<16xf32>, vector<16xf32>)  : i32 {
        %mul3A_586 = arith.constant 8 : i32
        %mul3A_587 = arith.muli %scan3A_581, %mul3A_586 : i32
        %add3A_588 = arith.constant 0 : i32
        %add3A_589 = arith.addi %mul3A_587, %add3A_588 : i32
        %get3A = arith.constant 2 : i32
        %get3A_590 = arith.index_cast %get3A : i32 to index
        %get3A_591 = arith.index_cast %add3A_589 : i32 to index
        %get3A_592 = arith.constant 0 : index
        %get3A_593 = tpu.vector_load %arg6[%get3A_590, %get3A_591, %get3A_592] {strides = array<i32>} : memref<4x200x64xf32, #tpu.memory_space<vmem>>, vector<1x1x16xf32>,
        %get3A_594 = vector.shape_cast %get3A_593 : vector<1x1x16xf32> to vector<16xf32>
        %add3A_595 = arith.addf %scan3A_582, %get3A_594 : vector<16xf32>
        %add3A_596 = arith.constant 0 : i32
        %add3A_597 = arith.addi %mul3A_587, %add3A_596 : i32
        %get3A_598 = arith.constant 2 : i32
        %get3A_599 = arith.index_cast %get3A_598 : i32 to index
        %get3A_600 = arith.index_cast %add3A_597 : i32 to index
        %get3A_601 = arith.constant 16 : index
        %get3A_602 = tpu.vector_load %arg6[%get3A_599, %get3A_600, %get3A_601] {strides = array<i32>} : memref<4x200x64xf32, #tpu.memory_space<vmem>>, vector<1x1x16xf32>,
        %get3A_603 = vector.shape_cast %get3A_602 : vector<1x1x16xf32> to vector<16xf32>
        %add3A_604 = arith.addf %scan3A_583, %get3A_603 : vector<16xf32>
        %add3A_605 = arith.constant 0 : i32
        %add3A_606 = arith.addi %mul3A_587, %add3A_605 : i32
        %get3A_607 = arith.constant 2 : i32
        %get3A_608 = arith.index_cast %get3A_607 : i32 to index
        %get3A_609 = arith.index_cast %add3A_606 : i32 to index
        %get3A_610 = arith.constant 32 : index
        %get3A_611 = tpu.vector_load %arg6[%get3A_608, %get3A_609, %get3A_610] {strides = array<i32>} : memref<4x200x64xf32, #tpu.memory_space<vmem>>, vector<1x1x16xf32>,
        %get3A_612 = vector.shape_cast %get3A_611 : vector<1x1x16xf32> to vector<16xf32>
        %add3A_613 = arith.addf %scan3A_584, %get3A_612 : vector<16xf32>
        %add3A_614 = arith.constant 0 : i32
        %add3A_615 = arith.addi %mul3A_587, %add3A_614 : i32
        %get3A_616 = arith.constant 2 : i32
        %get3A_617 = arith.index_cast %get3A_616 : i32 to index
        %get3A_618 = arith.index_cast %add3A_615 : i32 to index
        %get3A_619 = arith.constant 48 : index
        %get3A_620 = tpu.vector_load %arg6[%get3A_617, %get3A_618, %get3A_619] {strides = array<i32>} : memref<4x200x64xf32, #tpu.memory_space<vmem>>, vector<1x1x16xf32>,
        %get3A_621 = vector.shape_cast %get3A_620 : vector<1x1x16xf32> to vector<16xf32>
        %add3A_622 = arith.addf %scan3A_585, %get3A_621 : vector<16xf32>
        %add3A_623 = arith.constant 1 : i32
        %add3A_624 = arith.addi %mul3A_587, %add3A_623 : i32
        %get3A_625 = arith.constant 2 : i32
        %get3A_626 = arith.index_cast %get3A_625 : i32 to index
        %get3A_627 = arith.index_cast %add3A_624 : i32 to index
        %get3A_628 = arith.constant 0 : index
        %get3A_629 = tpu.vector_load %arg6[%get3A_626, %get3A_627, %get3A_628] {strides = array<i32>} : memref<4x200x64xf32, #tpu.memory_space<vmem>>, vector<1x1x16xf32>,
        %get3A_630 = vector.shape_cast %get3A_629 : vector<1x1x16xf32> to vector<16xf32>
        %add3A_631 = arith.addf %add3A_595, %get3A_630 : vector<16xf32>
        %add3A_632 = arith.constant 1 : i32
        %add3A_633 = arith.addi %mul3A_587, %add3A_632 : i32
        %get3A_634 = arith.constant 2 : i32
        %get3A_635 = arith.index_cast %get3A_634 : i32 to index
        %get3A_636 = arith.index_cast %add3A_633 : i32 to index
        %get3A_637 = arith.constant 16 : index
        %get3A_638 = tpu.vector_load %arg6[%get3A_635, %get3A_636, %get3A_637] {strides = array<i32>} : memref<4x200x64xf32, #tpu.memory_space<vmem>>, vector<1x1x16xf32>,
        %get3A_639 = vector.shape_cast %get3A_638 : vector<1x1x16xf32> to vector<16xf32>
        %add3A_640 = arith.addf %add3A_604, %get3A_639 : vector<16xf32>
        %add3A_641 = arith.constant 1 : i32
        %add3A_642 = arith.addi %mul3A_587, %add3A_641 : i32
        %get3A_643 = arith.constant 2 : i32
        %get3A_644 = arith.index_cast %get3A_643 : i32 to index
        %get3A_645 = arith.index_cast %add3A_642 : i32 to index
        %get3A_646 = arith.constant 32 : index
        %get3A_647 = tpu.vector_load %arg6[%get3A_644, %get3A_645, %get3A_646] {strides = array<i32>} : memref<4x200x64xf32, #tpu.memory_space<vmem>>, vector<1x1x16xf32>,
        %get3A_648 = vector.shape_cast %get3A_647 : vector<1x1x16xf32> to vector<16xf32>
        %add3A_649 = arith.addf %add3A_613, %get3A_648 : vector<16xf32>
        %add3A_650 = arith.constant 1 : i32
        %add3A_651 = arith.addi %mul3A_587, %add3A_650 : i32
        %get3A_652 = arith.constant 2 : i32
        %get3A_653 = arith.index_cast %get3A_652 : i32 to index
        %get3A_654 = arith.index_cast %add3A_651 : i32 to index
        %get3A_655 = arith.constant 48 : index
        %get3A_656 = tpu.vector_load %arg6[%get3A_653, %get3A_654, %get3A_655] {strides = array<i32>} : memref<4x200x64xf32, #tpu.memory_space<vmem>>, vector<1x1x16xf32>,
        %get3A_657 = vector.shape_cast %get3A_656 : vector<1x1x16xf32> to vector<16xf32>
        %add3A_658 = arith.addf %add3A_622, %get3A_657 : vector<16xf32>
        %add3A_659 = arith.constant 2 : i32
        %add3A_660 = arith.addi %mul3A_587, %add3A_659 : i32
        %get3A_661 = arith.constant 2 : i32
        %get3A_662 = arith.index_cast %get3A_661 : i32 to index
        %get3A_663 = arith.index_cast %add3A_660 : i32 to index
        %get3A_664 = arith.constant 0 : index
        %get3A_665 = tpu.vector_load %arg6[%get3A_662, %get3A_663, %get3A_664] {strides = array<i32>} : memref<4x200x64xf32, #tpu.memory_space<vmem>>, vector<1x1x16xf32>,
        %get3A_666 = vector.shape_cast %get3A_665 : vector<1x1x16xf32> to vector<16xf32>
        %add3A_667 = arith.addf %add3A_631, %get3A_666 : vector<16xf32>
        %add3A_668 = arith.constant 2 : i32
        %add3A_669 = arith.addi %mul3A_587, %add3A_668 : i32
        %get3A_670 = arith.constant 2 : i32
        %get3A_671 = arith.index_cast %get3A_670 : i32 to index
        %get3A_672 = arith.index_cast %add3A_669 : i32 to index
        %get3A_673 = arith.constant 16 : index
        %get3A_674 = tpu.vector_load %arg6[%get3A_671, %get3A_672, %get3A_673] {strides = array<i32>} : memref<4x200x64xf32, #tpu.memory_space<vmem>>, vector<1x1x16xf32>,
        %get3A_675 = vector.shape_cast %get3A_674 : vector<1x1x16xf32> to vector<16xf32>
        %add3A_676 = arith.addf %add3A_640, %get3A_675 : vector<16xf32>
        %add3A_677 = arith.constant 2 : i32
        %add3A_678 = arith.addi %mul3A_587, %add3A_677 : i32
        %get3A_679 = arith.constant 2 : i32
        %get3A_680 = arith.index_cast %get3A_679 : i32 to index
        %get3A_681 = arith.index_cast %add3A_678 : i32 to index
        %get3A_682 = arith.constant 32 : index
        %get3A_683 = tpu.vector_load %arg6[%get3A_680, %get3A_681, %get3A_682] {strides = array<i32>} : memref<4x200x64xf32, #tpu.memory_space<vmem>>, vector<1x1x16xf32>,
        %get3A_684 = vector.shape_cast %get3A_683 : vector<1x1x16xf32> to vector<16xf32>
        %add3A_685 = arith.addf %add3A_649, %get3A_684 : vector<16xf32>
        %add3A_686 = arith.constant 2 : i32
        %add3A_687 = arith.addi %mul3A_587, %add3A_686 : i32
        %get3A_688 = arith.constant 2 : i32
        %get3A_689 = arith.index_cast %get3A_688 : i32 to index
        %get3A_690 = arith.index_cast %add3A_687 : i32 to index
        %get3A_691 = arith.constant 48 : index
        %get3A_692 = tpu.vector_load %arg6[%get3A_689, %get3A_690, %get3A_691] {strides = array<i32>} : memref<4x200x64xf32, #tpu.memory_space<vmem>>, vector<1x1x16xf32>,
        %get3A_693 = vector.shape_cast %get3A_692 : vector<1x1x16xf32> to vector<16xf32>
        %add3A_694 = arith.addf %add3A_658, %get3A_693 : vector<16xf32>
        %add3A_695 = arith.constant 3 : i32
        %add3A_696 = arith.addi %mul3A_587, %add3A_695 : i32
        %get3A_697 = arith.constant 2 : i32
        %get3A_698 = arith.index_cast %get3A_697 : i32 to index
        %get3A_699 = arith.index_cast %add3A_696 : i32 to index
        %get3A_700 = arith.constant 0 : index
        %get3A_701 = tpu.vector_load %arg6[%get3A_698, %get3A_699, %get3A_700] {strides = array<i32>} : memref<4x200x64xf32, #tpu.memory_space<vmem>>, vector<1x1x16xf32>,
        %get3A_702 = vector.shape_cast %get3A_701 : vector<1x1x16xf32> to vector<16xf32>
        %add3A_703 = arith.addf %add3A_667, %get3A_702 : vector<16xf32>
        %add3A_704 = arith.constant 3 : i32
        %add3A_705 = arith.addi %mul3A_587, %add3A_704 : i32
        %get3A_706 = arith.constant 2 : i32
        %get3A_707 = arith.index_cast %get3A_706 : i32 to index
        %get3A_708 = arith.index_cast %add3A_705 : i32 to index
        %get3A_709 = arith.constant 16 : index
        %get3A_710 = tpu.vector_load %arg6[%get3A_707, %get3A_708, %get3A_709] {strides = array<i32>} : memref<4x200x64xf32, #tpu.memory_space<vmem>>, vector<1x1x16xf32>,
        %get3A_711 = vector.shape_cast %get3A_710 : vector<1x1x16xf32> to vector<16xf32>
        %add3A_712 = arith.addf %add3A_676, %get3A_711 : vector<16xf32>
        %add3A_713 = arith.constant 3 : i32
        %add3A_714 = arith.addi %mul3A_587, %add3A_713 : i32
        %get3A_715 = arith.constant 2 : i32
        %get3A_716 = arith.index_cast %get3A_715 : i32 to index
        %get3A_717 = arith.index_cast %add3A_714 : i32 to index
        %get3A_718 = arith.constant 32 : index
        %get3A_719 = tpu.vector_load %arg6[%get3A_716, %get3A_717, %get3A_718] {strides = array<i32>} : memref<4x200x64xf32, #tpu.memory_space<vmem>>, vector<1x1x16xf32>,
        %get3A_720 = vector.shape_cast %get3A_719 : vector<1x1x16xf32> to vector<16xf32>
        %add3A_721 = arith.addf %add3A_685, %get3A_720 : vector<16xf32>
        %add3A_722 = arith.constant 3 : i32
        %add3A_723 = arith.addi %mul3A_587, %add3A_722 : i32
        %get3A_724 = arith.constant 2 : i32
        %get3A_725 = arith.index_cast %get3A_724 : i32 to index
        %get3A_726 = arith.index_cast %add3A_723 : i32 to index
        %get3A_727 = arith.constant 48 : index
        %get3A_728 = tpu.vector_load %arg6[%get3A_725, %get3A_726, %get3A_727] {strides = array<i32>} : memref<4x200x64xf32, #tpu.memory_space<vmem>>, vector<1x1x16xf32>,
        %get3A_729 = vector.shape_cast %get3A_728 : vector<1x1x16xf32> to vector<16xf32>
        %add3A_730 = arith.addf %add3A_694, %get3A_729 : vector<16xf32>
        %add3A_731 = arith.constant 4 : i32
        %add3A_732 = arith.addi %mul3A_587, %add3A_731 : i32
        %get3A_733 = arith.constant 2 : i32
        %get3A_734 = arith.index_cast %get3A_733 : i32 to index
        %get3A_735 = arith.index_cast %add3A_732 : i32 to index
        %get3A_736 = arith.constant 0 : index
        %get3A_737 = tpu.vector_load %arg6[%get3A_734, %get3A_735, %get3A_736] {strides = array<i32>} : memref<4x200x64xf32, #tpu.memory_space<vmem>>, vector<1x1x16xf32>,
        %get3A_738 = vector.shape_cast %get3A_737 : vector<1x1x16xf32> to vector<16xf32>
        %add3A_739 = arith.addf %add3A_703, %get3A_738 : vector<16xf32>
        %add3A_740 = arith.constant 4 : i32
        %add3A_741 = arith.addi %mul3A_587, %add3A_740 : i32
        %get3A_742 = arith.constant 2 : i32
        %get3A_743 = arith.index_cast %get3A_742 : i32 to index
        %get3A_744 = arith.index_cast %add3A_741 : i32 to index
        %get3A_745 = arith.constant 16 : index
        %get3A_746 = tpu.vector_load %arg6[%get3A_743, %get3A_744, %get3A_745] {strides = array<i32>} : memref<4x200x64xf32, #tpu.memory_space<vmem>>, vector<1x1x16xf32>,
        %get3A_747 = vector.shape_cast %get3A_746 : vector<1x1x16xf32> to vector<16xf32>
        %add3A_748 = arith.addf %add3A_712, %get3A_747 : vector<16xf32>
        %add3A_749 = arith.constant 4 : i32
        %add3A_750 = arith.addi %mul3A_587, %add3A_749 : i32
        %get3A_751 = arith.constant 2 : i32
        %get3A_752 = arith.index_cast %get3A_751 : i32 to index
        %get3A_753 = arith.index_cast %add3A_750 : i32 to index
        %get3A_754 = arith.constant 32 : index
        %get3A_755 = tpu.vector_load %arg6[%get3A_752, %get3A_753, %get3A_754] {strides = array<i32>} : memref<4x200x64xf32, #tpu.memory_space<vmem>>, vector<1x1x16xf32>,
        %get3A_756 = vector.shape_cast %get3A_755 : vector<1x1x16xf32> to vector<16xf32>
        %add3A_757 = arith.addf %add3A_721, %get3A_756 : vector<16xf32>
        %add3A_758 = arith.constant 4 : i32
        %add3A_759 = arith.addi %mul3A_587, %add3A_758 : i32
        %get3A_760 = arith.constant 2 : i32
        %get3A_761 = arith.index_cast %get3A_760 : i32 to index
        %get3A_762 = arith.index_cast %add3A_759 : i32 to index
        %get3A_763 = arith.constant 48 : index
        %get3A_764 = tpu.vector_load %arg6[%get3A_761, %get3A_762, %get3A_763] {strides = array<i32>} : memref<4x200x64xf32, #tpu.memory_space<vmem>>, vector<1x1x16xf32>,
        %get3A_765 = vector.shape_cast %get3A_764 : vector<1x1x16xf32> to vector<16xf32>
        %add3A_766 = arith.addf %add3A_730, %get3A_765 : vector<16xf32>
        %add3A_767 = arith.constant 5 : i32
        %add3A_768 = arith.addi %mul3A_587, %add3A_767 : i32
        %get3A_769 = arith.constant 2 : i32
        %get3A_770 = arith.index_cast %get3A_769 : i32 to index
        %get3A_771 = arith.index_cast %add3A_768 : i32 to index
        %get3A_772 = arith.constant 0 : index
        %get3A_773 = tpu.vector_load %arg6[%get3A_770, %get3A_771, %get3A_772] {strides = array<i32>} : memref<4x200x64xf32, #tpu.memory_space<vmem>>, vector<1x1x16xf32>,
        %get3A_774 = vector.shape_cast %get3A_773 : vector<1x1x16xf32> to vector<16xf32>
        %add3A_775 = arith.addf %add3A_739, %get3A_774 : vector<16xf32>
        %add3A_776 = arith.constant 5 : i32
        %add3A_777 = arith.addi %mul3A_587, %add3A_776 : i32
        %get3A_778 = arith.constant 2 : i32
        %get3A_779 = arith.index_cast %get3A_778 : i32 to index
        %get3A_780 = arith.index_cast %add3A_777 : i32 to index
        %get3A_781 = arith.constant 16 : index
        %get3A_782 = tpu.vector_load %arg6[%get3A_779, %get3A_780, %get3A_781] {strides = array<i32>} : memref<4x200x64xf32, #tpu.memory_space<vmem>>, vector<1x1x16xf32>,
        %get3A_783 = vector.shape_cast %get3A_782 : vector<1x1x16xf32> to vector<16xf32>
        %add3A_784 = arith.addf %add3A_748, %get3A_783 : vector<16xf32>
        %add3A_785 = arith.constant 5 : i32
        %add3A_786 = arith.addi %mul3A_587, %add3A_785 : i32
        %get3A_787 = arith.constant 2 : i32
        %get3A_788 = arith.index_cast %get3A_787 : i32 to index
        %get3A_789 = arith.index_cast %add3A_786 : i32 to index
        %get3A_790 = arith.constant 32 : index
        %get3A_791 = tpu.vector_load %arg6[%get3A_788, %get3A_789, %get3A_790] {strides = array<i32>} : memref<4x200x64xf32, #tpu.memory_space<vmem>>, vector<1x1x16xf32>,
        %get3A_792 = vector.shape_cast %get3A_791 : vector<1x1x16xf32> to vector<16xf32>
        %add3A_793 = arith.addf %add3A_757, %get3A_792 : vector<16xf32>
        %add3A_794 = arith.constant 5 : i32
        %add3A_795 = arith.addi %mul3A_587, %add3A_794 : i32
        %get3A_796 = arith.constant 2 : i32
        %get3A_797 = arith.index_cast %get3A_796 : i32 to index
        %get3A_798 = arith.index_cast %add3A_795 : i32 to index
        %get3A_799 = arith.constant 48 : index
        %get3A_800 = tpu.vector_load %arg6[%get3A_797, %get3A_798, %get3A_799] {strides = array<i32>} : memref<4x200x64xf32, #tpu.memory_space<vmem>>, vector<1x1x16xf32>,
        %get3A_801 = vector.shape_cast %get3A_800 : vector<1x1x16xf32> to vector<16xf32>
        %add3A_802 = arith.addf %add3A_766, %get3A_801 : vector<16xf32>
        %add3A_803 = arith.constant 6 : i32
        %add3A_804 = arith.addi %mul3A_587, %add3A_803 : i32
        %get3A_805 = arith.constant 2 : i32
        %get3A_806 = arith.index_cast %get3A_805 : i32 to index
        %get3A_807 = arith.index_cast %add3A_804 : i32 to index
        %get3A_808 = arith.constant 0 : index
        %get3A_809 = tpu.vector_load %arg6[%get3A_806, %get3A_807, %get3A_808] {strides = array<i32>} : memref<4x200x64xf32, #tpu.memory_space<vmem>>, vector<1x1x16xf32>,
        %get3A_810 = vector.shape_cast %get3A_809 : vector<1x1x16xf32> to vector<16xf32>
        %add3A_811 = arith.addf %add3A_775, %get3A_810 : vector<16xf32>
        %add3A_812 = arith.constant 6 : i32
        %add3A_813 = arith.addi %mul3A_587, %add3A_812 : i32
        %get3A_814 = arith.constant 2 : i32
        %get3A_815 = arith.index_cast %get3A_814 : i32 to index
        %get3A_816 = arith.index_cast %add3A_813 : i32 to index
        %get3A_817 = arith.constant 16 : index
        %get3A_818 = tpu.vector_load %arg6[%get3A_815, %get3A_816, %get3A_817] {strides = array<i32>} : memref<4x200x64xf32, #tpu.memory_space<vmem>>, vector<1x1x16xf32>,
        %get3A_819 = vector.shape_cast %get3A_818 : vector<1x1x16xf32> to vector<16xf32>
        %add3A_820 = arith.addf %add3A_784, %get3A_819 : vector<16xf32>
        %add3A_821 = arith.constant 6 : i32
        %add3A_822 = arith.addi %mul3A_587, %add3A_821 : i32
        %get3A_823 = arith.constant 2 : i32
        %get3A_824 = arith.index_cast %get3A_823 : i32 to index
        %get3A_825 = arith.index_cast %add3A_822 : i32 to index
        %get3A_826 = arith.constant 32 : index
        %get3A_827 = tpu.vector_load %arg6[%get3A_824, %get3A_825, %get3A_826] {strides = array<i32>} : memref<4x200x64xf32, #tpu.memory_space<vmem>>, vector<1x1x16xf32>,
        %get3A_828 = vector.shape_cast %get3A_827 : vector<1x1x16xf32> to vector<16xf32>
        %add3A_829 = arith.addf %add3A_793, %get3A_828 : vector<16xf32>
        %add3A_830 = arith.constant 6 : i32
        %add3A_831 = arith.addi %mul3A_587, %add3A_830 : i32
        %get3A_832 = arith.constant 2 : i32
        %get3A_833 = arith.index_cast %get3A_832 : i32 to index
        %get3A_834 = arith.index_cast %add3A_831 : i32 to index
        %get3A_835 = arith.constant 48 : index
        %get3A_836 = tpu.vector_load %arg6[%get3A_833, %get3A_834, %get3A_835] {strides = array<i32>} : memref<4x200x64xf32, #tpu.memory_space<vmem>>, vector<1x1x16xf32>,
        %get3A_837 = vector.shape_cast %get3A_836 : vector<1x1x16xf32> to vector<16xf32>
        %add3A_838 = arith.addf %add3A_802, %get3A_837 : vector<16xf32>
        %add3A_839 = arith.constant 7 : i32
        %add3A_840 = arith.addi %mul3A_587, %add3A_839 : i32
        %get3A_841 = arith.constant 2 : i32
        %get3A_842 = arith.index_cast %get3A_841 : i32 to index
        %get3A_843 = arith.index_cast %add3A_840 : i32 to index
        %get3A_844 = arith.constant 0 : index
        %get3A_845 = tpu.vector_load %arg6[%get3A_842, %get3A_843, %get3A_844] {strides = array<i32>} : memref<4x200x64xf32, #tpu.memory_space<vmem>>, vector<1x1x16xf32>,
        %get3A_846 = vector.shape_cast %get3A_845 : vector<1x1x16xf32> to vector<16xf32>
        %add3A_847 = arith.addf %add3A_811, %get3A_846 : vector<16xf32>
        %add3A_848 = arith.constant 7 : i32
        %add3A_849 = arith.addi %mul3A_587, %add3A_848 : i32
        %get3A_850 = arith.constant 2 : i32
        %get3A_851 = arith.index_cast %get3A_850 : i32 to index
        %get3A_852 = arith.index_cast %add3A_849 : i32 to index
        %get3A_853 = arith.constant 16 : index
        %get3A_854 = tpu.vector_load %arg6[%get3A_851, %get3A_852, %get3A_853] {strides = array<i32>} : memref<4x200x64xf32, #tpu.memory_space<vmem>>, vector<1x1x16xf32>,
        %get3A_855 = vector.shape_cast %get3A_854 : vector<1x1x16xf32> to vector<16xf32>
        %add3A_856 = arith.addf %add3A_820, %get3A_855 : vector<16xf32>
        %add3A_857 = arith.constant 7 : i32
        %add3A_858 = arith.addi %mul3A_587, %add3A_857 : i32
        %get3A_859 = arith.constant 2 : i32
        %get3A_860 = arith.index_cast %get3A_859 : i32 to index
        %get3A_861 = arith.index_cast %add3A_858 : i32 to index
        %get3A_862 = arith.constant 32 : index
        %get3A_863 = tpu.vector_load %arg6[%get3A_860, %get3A_861, %get3A_862] {strides = array<i32>} : memref<4x200x64xf32, #tpu.memory_space<vmem>>, vector<1x1x16xf32>,
        %get3A_864 = vector.shape_cast %get3A_863 : vector<1x1x16xf32> to vector<16xf32>
        %add3A_865 = arith.addf %add3A_829, %get3A_864 : vector<16xf32>
        %add3A_866 = arith.constant 7 : i32
        %add3A_867 = arith.addi %mul3A_587, %add3A_866 : i32
        %get3A_868 = arith.constant 2 : i32
        %get3A_869 = arith.index_cast %get3A_868 : i32 to index
        %get3A_870 = arith.index_cast %add3A_867 : i32 to index
        %get3A_871 = arith.constant 48 : index
        %get3A_872 = tpu.vector_load %arg6[%get3A_869, %get3A_870, %get3A_871] {strides = array<i32>} : memref<4x200x64xf32, #tpu.memory_space<vmem>>, vector<1x1x16xf32>,
        %get3A_873 = vector.shape_cast %get3A_872 : vector<1x1x16xf32> to vector<16xf32>
        %add3A_874 = arith.addf %add3A_838, %get3A_873 : vector<16xf32>
        scf.yield %add3A_847, %add3A_856, %add3A_865, %add3A_874 : vector<16xf32>, vector<16xf32>, vector<16xf32>, vector<16xf32>
      }
      %scan3A_441 = arith.constant 25 : i32
      %mul3A_442 = arith.constant 64 : i32
      %mul3A_443 = arith.muli %add3A_418, %mul3A_442 : i32
      %swap3A_444 = arith.index_cast %mul3A_443 : i32 to index
      %swap3A_445 = tpu.vector_load %arg7[%swap3A_444] {strides = array<i32>} : memref<8192xf32, #tpu.memory_space<vmem>>, vector<16xf32>,
      %swap3A_446 = vector.shape_cast %swap3A_445 : vector<16xf32> to vector<16xf32>
      %swap3A_447 = vector.shape_cast %scan3A_440#0 : vector<16xf32> to vector<16xf32>
      tpu.vector_store %arg7[%swap3A_444], %swap3A_447 {strides = array<i32>} : memref<8192xf32, #tpu.memory_space<vmem>>, vector<16xf32>,
      %mul3A_448 = arith.constant 64 : i32
      %mul3A_449 = arith.muli %add3A_418, %mul3A_448 : i32
      %add3A_450 = arith.constant 16 : i32
      %add3A_451 = arith.addi %mul3A_449, %add3A_450 : i32
      %swap3A_452 = arith.index_cast %add3A_451 : i32 to index
      %swap3A_453 = tpu.vector_load %arg7[%swap3A_452] {strides = array<i32>} : memref<8192xf32, #tpu.memory_space<vmem>>, vector<16xf32>,
      %swap3A_454 = vector.shape_cast %swap3A_453 : vector<16xf32> to vector<16xf32>
      %swap3A_455 = vector.shape_cast %scan3A_440#1 : vector<16xf32> to vector<16xf32>
      tpu.vector_store %arg7[%swap3A_452], %swap3A_455 {strides = array<i32>} : memref<8192xf32, #tpu.memory_space<vmem>>, vector<16xf32>,
      %mul3A_456 = arith.constant 64 : i32
      %mul3A_457 = arith.muli %add3A_418, %mul3A_456 : i32
      %add3A_458 = arith.constant 32 : i32
      %add3A_459 = arith.addi %mul3A_457, %add3A_458 : i32
      %swap3A_460 = arith.index_cast %add3A_459 : i32 to index
      %swap3A_461 = tpu.vector_load %arg7[%swap3A_460] {strides = array<i32>} : memref<8192xf32, #tpu.memory_space<vmem>>, vector<16xf32>,
      %swap3A_462 = vector.shape_cast %swap3A_461 : vector<16xf32> to vector<16xf32>
      %swap3A_463 = vector.shape_cast %scan3A_440#2 : vector<16xf32> to vector<16xf32>
      tpu.vector_store %arg7[%swap3A_460], %swap3A_463 {strides = array<i32>} : memref<8192xf32, #tpu.memory_space<vmem>>, vector<16xf32>,
      %mul3A_464 = arith.constant 64 : i32
      %mul3A_465 = arith.muli %add3A_418, %mul3A_464 : i32
      %add3A_466 = arith.constant 48 : i32
      %add3A_467 = arith.addi %mul3A_465, %add3A_466 : i32
      %swap3A_468 = arith.index_cast %add3A_467 : i32 to index
      %swap3A_469 = tpu.vector_load %arg7[%swap3A_468] {strides = array<i32>} : memref<8192xf32, #tpu.memory_space<vmem>>, vector<16xf32>,
      %swap3A_470 = vector.shape_cast %swap3A_469 : vector<16xf32> to vector<16xf32>
      %swap3A_471 = vector.shape_cast %scan3A_440#3 : vector<16xf32> to vector<16xf32>
      tpu.vector_store %arg7[%swap3A_468], %swap3A_471 {strides = array<i32>} : memref<8192xf32, #tpu.memory_space<vmem>>, vector<16xf32>,
      %add3A_472 = arith.constant 4 : i32
      %add3A_473 = arith.addi %add3A_418, %add3A_472 : i32
      %mul3A_474 = arith.constant 200 : i32
      %mul3A_475 = arith.muli %add3A_473, %mul3A_474 : i32
      %dma_start3A_476 = arith.constant 2 : i32
      %dma_start3A_477 = arith.constant 0 : i32
      %dma_start3A_478 = arith.constant 0 : i32
      %dma_start3A_479 = tpu.memref_slice %arg6[%dma_start3A_476, %dma_start3A_477, %dma_start3A_478] : memref<4x200x64xf32, #tpu.memory_space<vmem>> -> memref<1x104x64xf32, #tpu.memory_space<vmem>>
      %dma_start3A_480 = tpu.memref_squeeze %dma_start3A_479 : memref<1x104x64xf32, #tpu.memory_space<vmem>> -> memref<104x64xf32, #tpu.memory_space<vmem>>
      %dma_start3A_481 = tpu.memref_slice %arg5[%mul3A_475] : memref<25600xi32, #tpu.memory_space<vmem>> -> memref<104xi32, #tpu.memory_space<vmem>>
      %dma_start3A_482 = arith.constant 0 : i32
      %dma_start3A_483 = arith.constant 0 : i32
      %dma_start3A_484 = tpu.memref_slice %arg3[%dma_start3A_482, %dma_start3A_483] : memref<1007616x64xf32, #tpu.memory_space<hbm>> -> memref<1007616x64xf32, #tpu.memory_space<hbm>>
      tpu.enqueue_indirect_dma source(%dma_start3A_484 : memref<1007616x64xf32, #tpu.memory_space<hbm>>) target(%dma_start3A_480 : memref<104x64xf32, #tpu.memory_space<vmem>>) offsets(%dma_start3A_481 : memref<104xi32, #tpu.memory_space<vmem>>) semaphore(%arg10 : memref<!tpu.dma_semaphore, #tpu.memory_space<semaphore_mem>>)
      %mul3A_485 = arith.constant 200 : i32
      %mul3A_486 = arith.muli %add3A_473, %mul3A_485 : i32
      %add3A_487 = arith.constant 104 : i32
      %add3A_488 = arith.addi %mul3A_486, %add3A_487 : i32
      %dma_start3A_489 = arith.constant 2 : i32
      %dma_start3A_490 = arith.constant 104 : i32
      %dma_start3A_491 = arith.constant 0 : i32
      %dma_start3A_492 = tpu.memref_slice %arg6[%dma_start3A_489, %dma_start3A_490, %dma_start3A_491] : memref<4x200x64xf32, #tpu.memory_space<vmem>> -> memref<1x96x64xf32, #tpu.memory_space<vmem>>
      %dma_start3A_493 = tpu.memref_squeeze %dma_start3A_492 : memref<1x96x64xf32, #tpu.memory_space<vmem>> -> memref<96x64xf32, #tpu.memory_space<vmem>>
      %dma_start3A_494 = tpu.memref_slice %arg5[%add3A_488] : memref<25600xi32, #tpu.memory_space<vmem>> -> memref<96xi32, #tpu.memory_space<vmem>>
      %dma_start3A_495 = arith.constant 0 : i32
      %dma_start3A_496 = arith.constant 0 : i32
      %dma_start3A_497 = tpu.memref_slice %arg3[%dma_start3A_495, %dma_start3A_496] : memref<1007616x64xf32, #tpu.memory_space<hbm>> -> memref<1007616x64xf32, #tpu.memory_space<hbm>>
      tpu.enqueue_indirect_dma source(%dma_start3A_497 : memref<1007616x64xf32, #tpu.memory_space<hbm>>) target(%dma_start3A_493 : memref<96x64xf32, #tpu.memory_space<vmem>>) offsets(%dma_start3A_494 : memref<96xi32, #tpu.memory_space<vmem>>) semaphore(%arg10 : memref<!tpu.dma_semaphore, #tpu.memory_space<semaphore_mem>>)
      %mul3A_498 = arith.constant 4 : i32
      %mul3A_499 = arith.muli %scan3A_248, %mul3A_498 : i32
      %add3A_500 = arith.constant 3 : i32
      %add3A_501 = arith.addi %mul3A_499, %add3A_500 : i32
      %dma_wait3A_502 = arith.constant 3 : i32
      %dma_wait3A_503 = arith.constant 0 : i32
      %dma_wait3A_504 = arith.constant 0 : i32
      %dma_wait3A_505 = tpu.memref_slice %arg6[%dma_wait3A_502, %dma_wait3A_503, %dma_wait3A_504] : memref<4x200x64xf32, #tpu.memory_space<vmem>> -> memref<1x200x64xf32, #tpu.memory_space<vmem>>
      %dma_wait3A_506 = tpu.memref_squeeze %dma_wait3A_505 : memref<1x200x64xf32, #tpu.memory_space<vmem>> -> memref<200x64xf32, #tpu.memory_space<vmem>>
      %dma_wait3A_507 = arith.constant 0 : i32
      %dma_wait3A_508 = arith.constant 0 : i32
      %dma_wait3A_509 = tpu.memref_slice %arg3[%dma_wait3A_507, %dma_wait3A_508] : memref<1007616x64xf32, #tpu.memory_space<hbm>> -> memref<200x64xf32, #tpu.memory_space<hbm>>
      %dma_wait3A_510 = arith.constant 0 : i32
      %dma_wait3A_511 = arith.constant 0 : i32
      %dma_wait3A_512 = tpu.memref_slice %arg6[%dma_wait3A_502, %dma_wait3A_510, %dma_wait3A_511] : memref<4x200x64xf32, #tpu.memory_space<vmem>> -> memref<1x200x64xf32, #tpu.memory_space<vmem>>
      %dma_wait3A_513 = tpu.memref_squeeze %dma_wait3A_512 : memref<1x200x64xf32, #tpu.memory_space<vmem>> -> memref<200x64xf32, #tpu.memory_space<vmem>>
      %dma_wait3A_514 = arith.constant 0 : i32
      %dma_wait3A_515 = arith.constant 0 : i32
      %dma_wait3A_516 = tpu.memref_slice %arg3[%dma_wait3A_514, %dma_wait3A_515] : memref<1007616x64xf32, #tpu.memory_space<hbm>> -> memref<200x64xf32, #tpu.memory_space<hbm>>
      tpu.wait_dma2 semaphore(%arg11 : memref<!tpu.dma_semaphore, #tpu.memory_space<semaphore_mem>>) src(%dma_wait3A_516 : memref<200x64xf32, #tpu.memory_space<hbm>>) dst(%dma_wait3A_513 : memref<200x64xf32, #tpu.memory_space<vmem>>)
      %broadcast_in_dim3A_517 = arith.constant 0.000000e+00 : f32
      %broadcast_in_dim3A_518 = vector.broadcast %broadcast_in_dim3A_517 : f32 to vector<16xf32>
      %scan3A_519 = arith.constant 0 : i32
      %scan3A_520 = arith.constant 25 : i32
      %scan3A_521 = arith.addi %scan3A_519, %scan3A_520 : i32
      %scan3A_522 = arith.constant 1 : i32
      %scan3A_523:4 = scf.for %scan3A_581 = %scan3A_519 to %scan3A_521 step %scan3A_522 iter_args(%scan3A_582 = %broadcast_in_dim3A_518, %scan3A_583 = %broadcast_in_dim3A_518, %scan3A_584 = %broadcast_in_dim3A_518, %scan3A_585 = %broadcast_in_dim3A_518) -> (vector<16xf32>, vector<16xf32>, vector<16xf32>, vector<16xf32>)  : i32 {
        %mul3A_586 = arith.constant 8 : i32
        %mul3A_587 = arith.muli %scan3A_581, %mul3A_586 : i32
        %add3A_588 = arith.constant 0 : i32
        %add3A_589 = arith.addi %mul3A_587, %add3A_588 : i32
        %get3A = arith.constant 3 : i32
        %get3A_590 = arith.index_cast %get3A : i32 to index
        %get3A_591 = arith.index_cast %add3A_589 : i32 to index
        %get3A_592 = arith.constant 0 : index
        %get3A_593 = tpu.vector_load %arg6[%get3A_590, %get3A_591, %get3A_592] {strides = array<i32>} : memref<4x200x64xf32, #tpu.memory_space<vmem>>, vector<1x1x16xf32>,
        %get3A_594 = vector.shape_cast %get3A_593 : vector<1x1x16xf32> to vector<16xf32>
        %add3A_595 = arith.addf %scan3A_582, %get3A_594 : vector<16xf32>
        %add3A_596 = arith.constant 0 : i32
        %add3A_597 = arith.addi %mul3A_587, %add3A_596 : i32
        %get3A_598 = arith.constant 3 : i32
        %get3A_599 = arith.index_cast %get3A_598 : i32 to index
        %get3A_600 = arith.index_cast %add3A_597 : i32 to index
        %get3A_601 = arith.constant 16 : index
        %get3A_602 = tpu.vector_load %arg6[%get3A_599, %get3A_600, %get3A_601] {strides = array<i32>} : memref<4x200x64xf32, #tpu.memory_space<vmem>>, vector<1x1x16xf32>,
        %get3A_603 = vector.shape_cast %get3A_602 : vector<1x1x16xf32> to vector<16xf32>
        %add3A_604 = arith.addf %scan3A_583, %get3A_603 : vector<16xf32>
        %add3A_605 = arith.constant 0 : i32
        %add3A_606 = arith.addi %mul3A_587, %add3A_605 : i32
        %get3A_607 = arith.constant 3 : i32
        %get3A_608 = arith.index_cast %get3A_607 : i32 to index
        %get3A_609 = arith.index_cast %add3A_606 : i32 to index
        %get3A_610 = arith.constant 32 : index
        %get3A_611 = tpu.vector_load %arg6[%get3A_608, %get3A_609, %get3A_610] {strides = array<i32>} : memref<4x200x64xf32, #tpu.memory_space<vmem>>, vector<1x1x16xf32>,
        %get3A_612 = vector.shape_cast %get3A_611 : vector<1x1x16xf32> to vector<16xf32>
        %add3A_613 = arith.addf %scan3A_584, %get3A_612 : vector<16xf32>
        %add3A_614 = arith.constant 0 : i32
        %add3A_615 = arith.addi %mul3A_587, %add3A_614 : i32
        %get3A_616 = arith.constant 3 : i32
        %get3A_617 = arith.index_cast %get3A_616 : i32 to index
        %get3A_618 = arith.index_cast %add3A_615 : i32 to index
        %get3A_619 = arith.constant 48 : index
        %get3A_620 = tpu.vector_load %arg6[%get3A_617, %get3A_618, %get3A_619] {strides = array<i32>} : memref<4x200x64xf32, #tpu.memory_space<vmem>>, vector<1x1x16xf32>,
        %get3A_621 = vector.shape_cast %get3A_620 : vector<1x1x16xf32> to vector<16xf32>
        %add3A_622 = arith.addf %scan3A_585, %get3A_621 : vector<16xf32>
        %add3A_623 = arith.constant 1 : i32
        %add3A_624 = arith.addi %mul3A_587, %add3A_623 : i32
        %get3A_625 = arith.constant 3 : i32
        %get3A_626 = arith.index_cast %get3A_625 : i32 to index
        %get3A_627 = arith.index_cast %add3A_624 : i32 to index
        %get3A_628 = arith.constant 0 : index
        %get3A_629 = tpu.vector_load %arg6[%get3A_626, %get3A_627, %get3A_628] {strides = array<i32>} : memref<4x200x64xf32, #tpu.memory_space<vmem>>, vector<1x1x16xf32>,
        %get3A_630 = vector.shape_cast %get3A_629 : vector<1x1x16xf32> to vector<16xf32>
        %add3A_631 = arith.addf %add3A_595, %get3A_630 : vector<16xf32>
        %add3A_632 = arith.constant 1 : i32
        %add3A_633 = arith.addi %mul3A_587, %add3A_632 : i32
        %get3A_634 = arith.constant 3 : i32
        %get3A_635 = arith.index_cast %get3A_634 : i32 to index
        %get3A_636 = arith.index_cast %add3A_633 : i32 to index
        %get3A_637 = arith.constant 16 : index
        %get3A_638 = tpu.vector_load %arg6[%get3A_635, %get3A_636, %get3A_637] {strides = array<i32>} : memref<4x200x64xf32, #tpu.memory_space<vmem>>, vector<1x1x16xf32>,
        %get3A_639 = vector.shape_cast %get3A_638 : vector<1x1x16xf32> to vector<16xf32>
        %add3A_640 = arith.addf %add3A_604, %get3A_639 : vector<16xf32>
        %add3A_641 = arith.constant 1 : i32
        %add3A_642 = arith.addi %mul3A_587, %add3A_641 : i32
        %get3A_643 = arith.constant 3 : i32
        %get3A_644 = arith.index_cast %get3A_643 : i32 to index
        %get3A_645 = arith.index_cast %add3A_642 : i32 to index
        %get3A_646 = arith.constant 32 : index
        %get3A_647 = tpu.vector_load %arg6[%get3A_644, %get3A_645, %get3A_646] {strides = array<i32>} : memref<4x200x64xf32, #tpu.memory_space<vmem>>, vector<1x1x16xf32>,
        %get3A_648 = vector.shape_cast %get3A_647 : vector<1x1x16xf32> to vector<16xf32>
        %add3A_649 = arith.addf %add3A_613, %get3A_648 : vector<16xf32>
        %add3A_650 = arith.constant 1 : i32
        %add3A_651 = arith.addi %mul3A_587, %add3A_650 : i32
        %get3A_652 = arith.constant 3 : i32
        %get3A_653 = arith.index_cast %get3A_652 : i32 to index
        %get3A_654 = arith.index_cast %add3A_651 : i32 to index
        %get3A_655 = arith.constant 48 : index
        %get3A_656 = tpu.vector_load %arg6[%get3A_653, %get3A_654, %get3A_655] {strides = array<i32>} : memref<4x200x64xf32, #tpu.memory_space<vmem>>, vector<1x1x16xf32>,
        %get3A_657 = vector.shape_cast %get3A_656 : vector<1x1x16xf32> to vector<16xf32>
        %add3A_658 = arith.addf %add3A_622, %get3A_657 : vector<16xf32>
        %add3A_659 = arith.constant 2 : i32
        %add3A_660 = arith.addi %mul3A_587, %add3A_659 : i32
        %get3A_661 = arith.constant 3 : i32
        %get3A_662 = arith.index_cast %get3A_661 : i32 to index
        %get3A_663 = arith.index_cast %add3A_660 : i32 to index
        %get3A_664 = arith.constant 0 : index
        %get3A_665 = tpu.vector_load %arg6[%get3A_662, %get3A_663, %get3A_664] {strides = array<i32>} : memref<4x200x64xf32, #tpu.memory_space<vmem>>, vector<1x1x16xf32>,
        %get3A_666 = vector.shape_cast %get3A_665 : vector<1x1x16xf32> to vector<16xf32>
        %add3A_667 = arith.addf %add3A_631, %get3A_666 : vector<16xf32>
        %add3A_668 = arith.constant 2 : i32
        %add3A_669 = arith.addi %mul3A_587, %add3A_668 : i32
        %get3A_670 = arith.constant 3 : i32
        %get3A_671 = arith.index_cast %get3A_670 : i32 to index
        %get3A_672 = arith.index_cast %add3A_669 : i32 to index
        %get3A_673 = arith.constant 16 : index
        %get3A_674 = tpu.vector_load %arg6[%get3A_671, %get3A_672, %get3A_673] {strides = array<i32>} : memref<4x200x64xf32, #tpu.memory_space<vmem>>, vector<1x1x16xf32>,
        %get3A_675 = vector.shape_cast %get3A_674 : vector<1x1x16xf32> to vector<16xf32>
        %add3A_676 = arith.addf %add3A_640, %get3A_675 : vector<16xf32>
        %add3A_677 = arith.constant 2 : i32
        %add3A_678 = arith.addi %mul3A_587, %add3A_677 : i32
        %get3A_679 = arith.constant 3 : i32
        %get3A_680 = arith.index_cast %get3A_679 : i32 to index
        %get3A_681 = arith.index_cast %add3A_678 : i32 to index
        %get3A_682 = arith.constant 32 : index
        %get3A_683 = tpu.vector_load %arg6[%get3A_680, %get3A_681, %get3A_682] {strides = array<i32>} : memref<4x200x64xf32, #tpu.memory_space<vmem>>, vector<1x1x16xf32>,
        %get3A_684 = vector.shape_cast %get3A_683 : vector<1x1x16xf32> to vector<16xf32>
        %add3A_685 = arith.addf %add3A_649, %get3A_684 : vector<16xf32>
        %add3A_686 = arith.constant 2 : i32
        %add3A_687 = arith.addi %mul3A_587, %add3A_686 : i32
        %get3A_688 = arith.constant 3 : i32
        %get3A_689 = arith.index_cast %get3A_688 : i32 to index
        %get3A_690 = arith.index_cast %add3A_687 : i32 to index
        %get3A_691 = arith.constant 48 : index
        %get3A_692 = tpu.vector_load %arg6[%get3A_689, %get3A_690, %get3A_691] {strides = array<i32>} : memref<4x200x64xf32, #tpu.memory_space<vmem>>, vector<1x1x16xf32>,
        %get3A_693 = vector.shape_cast %get3A_692 : vector<1x1x16xf32> to vector<16xf32>
        %add3A_694 = arith.addf %add3A_658, %get3A_693 : vector<16xf32>
        %add3A_695 = arith.constant 3 : i32
        %add3A_696 = arith.addi %mul3A_587, %add3A_695 : i32
        %get3A_697 = arith.constant 3 : i32
        %get3A_698 = arith.index_cast %get3A_697 : i32 to index
        %get3A_699 = arith.index_cast %add3A_696 : i32 to index
        %get3A_700 = arith.constant 0 : index
        %get3A_701 = tpu.vector_load %arg6[%get3A_698, %get3A_699, %get3A_700] {strides = array<i32>} : memref<4x200x64xf32, #tpu.memory_space<vmem>>, vector<1x1x16xf32>,
        %get3A_702 = vector.shape_cast %get3A_701 : vector<1x1x16xf32> to vector<16xf32>
        %add3A_703 = arith.addf %add3A_667, %get3A_702 : vector<16xf32>
        %add3A_704 = arith.constant 3 : i32
        %add3A_705 = arith.addi %mul3A_587, %add3A_704 : i32
        %get3A_706 = arith.constant 3 : i32
        %get3A_707 = arith.index_cast %get3A_706 : i32 to index
        %get3A_708 = arith.index_cast %add3A_705 : i32 to index
        %get3A_709 = arith.constant 16 : index
        %get3A_710 = tpu.vector_load %arg6[%get3A_707, %get3A_708, %get3A_709] {strides = array<i32>} : memref<4x200x64xf32, #tpu.memory_space<vmem>>, vector<1x1x16xf32>,
        %get3A_711 = vector.shape_cast %get3A_710 : vector<1x1x16xf32> to vector<16xf32>
        %add3A_712 = arith.addf %add3A_676, %get3A_711 : vector<16xf32>
        %add3A_713 = arith.constant 3 : i32
        %add3A_714 = arith.addi %mul3A_587, %add3A_713 : i32
        %get3A_715 = arith.constant 3 : i32
        %get3A_716 = arith.index_cast %get3A_715 : i32 to index
        %get3A_717 = arith.index_cast %add3A_714 : i32 to index
        %get3A_718 = arith.constant 32 : index
        %get3A_719 = tpu.vector_load %arg6[%get3A_716, %get3A_717, %get3A_718] {strides = array<i32>} : memref<4x200x64xf32, #tpu.memory_space<vmem>>, vector<1x1x16xf32>,
        %get3A_720 = vector.shape_cast %get3A_719 : vector<1x1x16xf32> to vector<16xf32>
        %add3A_721 = arith.addf %add3A_685, %get3A_720 : vector<16xf32>
        %add3A_722 = arith.constant 3 : i32
        %add3A_723 = arith.addi %mul3A_587, %add3A_722 : i32
        %get3A_724 = arith.constant 3 : i32
        %get3A_725 = arith.index_cast %get3A_724 : i32 to index
        %get3A_726 = arith.index_cast %add3A_723 : i32 to index
        %get3A_727 = arith.constant 48 : index
        %get3A_728 = tpu.vector_load %arg6[%get3A_725, %get3A_726, %get3A_727] {strides = array<i32>} : memref<4x200x64xf32, #tpu.memory_space<vmem>>, vector<1x1x16xf32>,
        %get3A_729 = vector.shape_cast %get3A_728 : vector<1x1x16xf32> to vector<16xf32>
        %add3A_730 = arith.addf %add3A_694, %get3A_729 : vector<16xf32>
        %add3A_731 = arith.constant 4 : i32
        %add3A_732 = arith.addi %mul3A_587, %add3A_731 : i32
        %get3A_733 = arith.constant 3 : i32
        %get3A_734 = arith.index_cast %get3A_733 : i32 to index
        %get3A_735 = arith.index_cast %add3A_732 : i32 to index
        %get3A_736 = arith.constant 0 : index
        %get3A_737 = tpu.vector_load %arg6[%get3A_734, %get3A_735, %get3A_736] {strides = array<i32>} : memref<4x200x64xf32, #tpu.memory_space<vmem>>, vector<1x1x16xf32>,
        %get3A_738 = vector.shape_cast %get3A_737 : vector<1x1x16xf32> to vector<16xf32>
        %add3A_739 = arith.addf %add3A_703, %get3A_738 : vector<16xf32>
        %add3A_740 = arith.constant 4 : i32
        %add3A_741 = arith.addi %mul3A_587, %add3A_740 : i32
        %get3A_742 = arith.constant 3 : i32
        %get3A_743 = arith.index_cast %get3A_742 : i32 to index
        %get3A_744 = arith.index_cast %add3A_741 : i32 to index
        %get3A_745 = arith.constant 16 : index
        %get3A_746 = tpu.vector_load %arg6[%get3A_743, %get3A_744, %get3A_745] {strides = array<i32>} : memref<4x200x64xf32, #tpu.memory_space<vmem>>, vector<1x1x16xf32>,
        %get3A_747 = vector.shape_cast %get3A_746 : vector<1x1x16xf32> to vector<16xf32>
        %add3A_748 = arith.addf %add3A_712, %get3A_747 : vector<16xf32>
        %add3A_749 = arith.constant 4 : i32
        %add3A_750 = arith.addi %mul3A_587, %add3A_749 : i32
        %get3A_751 = arith.constant 3 : i32
        %get3A_752 = arith.index_cast %get3A_751 : i32 to index
        %get3A_753 = arith.index_cast %add3A_750 : i32 to index
        %get3A_754 = arith.constant 32 : index
        %get3A_755 = tpu.vector_load %arg6[%get3A_752, %get3A_753, %get3A_754] {strides = array<i32>} : memref<4x200x64xf32, #tpu.memory_space<vmem>>, vector<1x1x16xf32>,
        %get3A_756 = vector.shape_cast %get3A_755 : vector<1x1x16xf32> to vector<16xf32>
        %add3A_757 = arith.addf %add3A_721, %get3A_756 : vector<16xf32>
        %add3A_758 = arith.constant 4 : i32
        %add3A_759 = arith.addi %mul3A_587, %add3A_758 : i32
        %get3A_760 = arith.constant 3 : i32
        %get3A_761 = arith.index_cast %get3A_760 : i32 to index
        %get3A_762 = arith.index_cast %add3A_759 : i32 to index
        %get3A_763 = arith.constant 48 : index
        %get3A_764 = tpu.vector_load %arg6[%get3A_761, %get3A_762, %get3A_763] {strides = array<i32>} : memref<4x200x64xf32, #tpu.memory_space<vmem>>, vector<1x1x16xf32>,
        %get3A_765 = vector.shape_cast %get3A_764 : vector<1x1x16xf32> to vector<16xf32>
        %add3A_766 = arith.addf %add3A_730, %get3A_765 : vector<16xf32>
        %add3A_767 = arith.constant 5 : i32
        %add3A_768 = arith.addi %mul3A_587, %add3A_767 : i32
        %get3A_769 = arith.constant 3 : i32
        %get3A_770 = arith.index_cast %get3A_769 : i32 to index
        %get3A_771 = arith.index_cast %add3A_768 : i32 to index
        %get3A_772 = arith.constant 0 : index
        %get3A_773 = tpu.vector_load %arg6[%get3A_770, %get3A_771, %get3A_772] {strides = array<i32>} : memref<4x200x64xf32, #tpu.memory_space<vmem>>, vector<1x1x16xf32>,
        %get3A_774 = vector.shape_cast %get3A_773 : vector<1x1x16xf32> to vector<16xf32>
        %add3A_775 = arith.addf %add3A_739, %get3A_774 : vector<16xf32>
        %add3A_776 = arith.constant 5 : i32
        %add3A_777 = arith.addi %mul3A_587, %add3A_776 : i32
        %get3A_778 = arith.constant 3 : i32
        %get3A_779 = arith.index_cast %get3A_778 : i32 to index
        %get3A_780 = arith.index_cast %add3A_777 : i32 to index
        %get3A_781 = arith.constant 16 : index
        %get3A_782 = tpu.vector_load %arg6[%get3A_779, %get3A_780, %get3A_781] {strides = array<i32>} : memref<4x200x64xf32, #tpu.memory_space<vmem>>, vector<1x1x16xf32>,
        %get3A_783 = vector.shape_cast %get3A_782 : vector<1x1x16xf32> to vector<16xf32>
        %add3A_784 = arith.addf %add3A_748, %get3A_783 : vector<16xf32>
        %add3A_785 = arith.constant 5 : i32
        %add3A_786 = arith.addi %mul3A_587, %add3A_785 : i32
        %get3A_787 = arith.constant 3 : i32
        %get3A_788 = arith.index_cast %get3A_787 : i32 to index
        %get3A_789 = arith.index_cast %add3A_786 : i32 to index
        %get3A_790 = arith.constant 32 : index
        %get3A_791 = tpu.vector_load %arg6[%get3A_788, %get3A_789, %get3A_790] {strides = array<i32>} : memref<4x200x64xf32, #tpu.memory_space<vmem>>, vector<1x1x16xf32>,
        %get3A_792 = vector.shape_cast %get3A_791 : vector<1x1x16xf32> to vector<16xf32>
        %add3A_793 = arith.addf %add3A_757, %get3A_792 : vector<16xf32>
        %add3A_794 = arith.constant 5 : i32
        %add3A_795 = arith.addi %mul3A_587, %add3A_794 : i32
        %get3A_796 = arith.constant 3 : i32
        %get3A_797 = arith.index_cast %get3A_796 : i32 to index
        %get3A_798 = arith.index_cast %add3A_795 : i32 to index
        %get3A_799 = arith.constant 48 : index
        %get3A_800 = tpu.vector_load %arg6[%get3A_797, %get3A_798, %get3A_799] {strides = array<i32>} : memref<4x200x64xf32, #tpu.memory_space<vmem>>, vector<1x1x16xf32>,
        %get3A_801 = vector.shape_cast %get3A_800 : vector<1x1x16xf32> to vector<16xf32>
        %add3A_802 = arith.addf %add3A_766, %get3A_801 : vector<16xf32>
        %add3A_803 = arith.constant 6 : i32
        %add3A_804 = arith.addi %mul3A_587, %add3A_803 : i32
        %get3A_805 = arith.constant 3 : i32
        %get3A_806 = arith.index_cast %get3A_805 : i32 to index
        %get3A_807 = arith.index_cast %add3A_804 : i32 to index
        %get3A_808 = arith.constant 0 : index
        %get3A_809 = tpu.vector_load %arg6[%get3A_806, %get3A_807, %get3A_808] {strides = array<i32>} : memref<4x200x64xf32, #tpu.memory_space<vmem>>, vector<1x1x16xf32>,
        %get3A_810 = vector.shape_cast %get3A_809 : vector<1x1x16xf32> to vector<16xf32>
        %add3A_811 = arith.addf %add3A_775, %get3A_810 : vector<16xf32>
        %add3A_812 = arith.constant 6 : i32
        %add3A_813 = arith.addi %mul3A_587, %add3A_812 : i32
        %get3A_814 = arith.constant 3 : i32
        %get3A_815 = arith.index_cast %get3A_814 : i32 to index
        %get3A_816 = arith.index_cast %add3A_813 : i32 to index
        %get3A_817 = arith.constant 16 : index
        %get3A_818 = tpu.vector_load %arg6[%get3A_815, %get3A_816, %get3A_817] {strides = array<i32>} : memref<4x200x64xf32, #tpu.memory_space<vmem>>, vector<1x1x16xf32>,
        %get3A_819 = vector.shape_cast %get3A_818 : vector<1x1x16xf32> to vector<16xf32>
        %add3A_820 = arith.addf %add3A_784, %get3A_819 : vector<16xf32>
        %add3A_821 = arith.constant 6 : i32
        %add3A_822 = arith.addi %mul3A_587, %add3A_821 : i32
        %get3A_823 = arith.constant 3 : i32
        %get3A_824 = arith.index_cast %get3A_823 : i32 to index
        %get3A_825 = arith.index_cast %add3A_822 : i32 to index
        %get3A_826 = arith.constant 32 : index
        %get3A_827 = tpu.vector_load %arg6[%get3A_824, %get3A_825, %get3A_826] {strides = array<i32>} : memref<4x200x64xf32, #tpu.memory_space<vmem>>, vector<1x1x16xf32>,
        %get3A_828 = vector.shape_cast %get3A_827 : vector<1x1x16xf32> to vector<16xf32>
        %add3A_829 = arith.addf %add3A_793, %get3A_828 : vector<16xf32>
        %add3A_830 = arith.constant 6 : i32
        %add3A_831 = arith.addi %mul3A_587, %add3A_830 : i32
        %get3A_832 = arith.constant 3 : i32
        %get3A_833 = arith.index_cast %get3A_832 : i32 to index
        %get3A_834 = arith.index_cast %add3A_831 : i32 to index
        %get3A_835 = arith.constant 48 : index
        %get3A_836 = tpu.vector_load %arg6[%get3A_833, %get3A_834, %get3A_835] {strides = array<i32>} : memref<4x200x64xf32, #tpu.memory_space<vmem>>, vector<1x1x16xf32>,
        %get3A_837 = vector.shape_cast %get3A_836 : vector<1x1x16xf32> to vector<16xf32>
        %add3A_838 = arith.addf %add3A_802, %get3A_837 : vector<16xf32>
        %add3A_839 = arith.constant 7 : i32
        %add3A_840 = arith.addi %mul3A_587, %add3A_839 : i32
        %get3A_841 = arith.constant 3 : i32
        %get3A_842 = arith.index_cast %get3A_841 : i32 to index
        %get3A_843 = arith.index_cast %add3A_840 : i32 to index
        %get3A_844 = arith.constant 0 : index
        %get3A_845 = tpu.vector_load %arg6[%get3A_842, %get3A_843, %get3A_844] {strides = array<i32>} : memref<4x200x64xf32, #tpu.memory_space<vmem>>, vector<1x1x16xf32>,
        %get3A_846 = vector.shape_cast %get3A_845 : vector<1x1x16xf32> to vector<16xf32>
        %add3A_847 = arith.addf %add3A_811, %get3A_846 : vector<16xf32>
        %add3A_848 = arith.constant 7 : i32
        %add3A_849 = arith.addi %mul3A_587, %add3A_848 : i32
        %get3A_850 = arith.constant 3 : i32
        %get3A_851 = arith.index_cast %get3A_850 : i32 to index
        %get3A_852 = arith.index_cast %add3A_849 : i32 to index
        %get3A_853 = arith.constant 16 : index
        %get3A_854 = tpu.vector_load %arg6[%get3A_851, %get3A_852, %get3A_853] {strides = array<i32>} : memref<4x200x64xf32, #tpu.memory_space<vmem>>, vector<1x1x16xf32>,
        %get3A_855 = vector.shape_cast %get3A_854 : vector<1x1x16xf32> to vector<16xf32>
        %add3A_856 = arith.addf %add3A_820, %get3A_855 : vector<16xf32>
        %add3A_857 = arith.constant 7 : i32
        %add3A_858 = arith.addi %mul3A_587, %add3A_857 : i32
        %get3A_859 = arith.constant 3 : i32
        %get3A_860 = arith.index_cast %get3A_859 : i32 to index
        %get3A_861 = arith.index_cast %add3A_858 : i32 to index
        %get3A_862 = arith.constant 32 : index
        %get3A_863 = tpu.vector_load %arg6[%get3A_860, %get3A_861, %get3A_862] {strides = array<i32>} : memref<4x200x64xf32, #tpu.memory_space<vmem>>, vector<1x1x16xf32>,
        %get3A_864 = vector.shape_cast %get3A_863 : vector<1x1x16xf32> to vector<16xf32>
        %add3A_865 = arith.addf %add3A_829, %get3A_864 : vector<16xf32>
        %add3A_866 = arith.constant 7 : i32
        %add3A_867 = arith.addi %mul3A_587, %add3A_866 : i32
        %get3A_868 = arith.constant 3 : i32
        %get3A_869 = arith.index_cast %get3A_868 : i32 to index
        %get3A_870 = arith.index_cast %add3A_867 : i32 to index
        %get3A_871 = arith.constant 48 : index
        %get3A_872 = tpu.vector_load %arg6[%get3A_869, %get3A_870, %get3A_871] {strides = array<i32>} : memref<4x200x64xf32, #tpu.memory_space<vmem>>, vector<1x1x16xf32>,
        %get3A_873 = vector.shape_cast %get3A_872 : vector<1x1x16xf32> to vector<16xf32>
        %add3A_874 = arith.addf %add3A_838, %get3A_873 : vector<16xf32>
        scf.yield %add3A_847, %add3A_856, %add3A_865, %add3A_874 : vector<16xf32>, vector<16xf32>, vector<16xf32>, vector<16xf32>
      }
      %scan3A_524 = arith.constant 25 : i32
      %mul3A_525 = arith.constant 64 : i32
      %mul3A_526 = arith.muli %add3A_501, %mul3A_525 : i32
      %swap3A_527 = arith.index_cast %mul3A_526 : i32 to index
      %swap3A_528 = tpu.vector_load %arg7[%swap3A_527] {strides = array<i32>} : memref<8192xf32, #tpu.memory_space<vmem>>, vector<16xf32>,
      %swap3A_529 = vector.shape_cast %swap3A_528 : vector<16xf32> to vector<16xf32>
      %swap3A_530 = vector.shape_cast %scan3A_523#0 : vector<16xf32> to vector<16xf32>
      tpu.vector_store %arg7[%swap3A_527], %swap3A_530 {strides = array<i32>} : memref<8192xf32, #tpu.memory_space<vmem>>, vector<16xf32>,
      %mul3A_531 = arith.constant 64 : i32
      %mul3A_532 = arith.muli %add3A_501, %mul3A_531 : i32
      %add3A_533 = arith.constant 16 : i32
      %add3A_534 = arith.addi %mul3A_532, %add3A_533 : i32
      %swap3A_535 = arith.index_cast %add3A_534 : i32 to index
      %swap3A_536 = tpu.vector_load %arg7[%swap3A_535] {strides = array<i32>} : memref<8192xf32, #tpu.memory_space<vmem>>, vector<16xf32>,
      %swap3A_537 = vector.shape_cast %swap3A_536 : vector<16xf32> to vector<16xf32>
      %swap3A_538 = vector.shape_cast %scan3A_523#1 : vector<16xf32> to vector<16xf32>
      tpu.vector_store %arg7[%swap3A_535], %swap3A_538 {strides = array<i32>} : memref<8192xf32, #tpu.memory_space<vmem>>, vector<16xf32>,
      %mul3A_539 = arith.constant 64 : i32
      %mul3A_540 = arith.muli %add3A_501, %mul3A_539 : i32
      %add3A_541 = arith.constant 32 : i32
      %add3A_542 = arith.addi %mul3A_540, %add3A_541 : i32
      %swap3A_543 = arith.index_cast %add3A_542 : i32 to index
      %swap3A_544 = tpu.vector_load %arg7[%swap3A_543] {strides = array<i32>} : memref<8192xf32, #tpu.memory_space<vmem>>, vector<16xf32>,
      %swap3A_545 = vector.shape_cast %swap3A_544 : vector<16xf32> to vector<16xf32>
      %swap3A_546 = vector.shape_cast %scan3A_523#2 : vector<16xf32> to vector<16xf32>
      tpu.vector_store %arg7[%swap3A_543], %swap3A_546 {strides = array<i32>} : memref<8192xf32, #tpu.memory_space<vmem>>, vector<16xf32>,
      %mul3A_547 = arith.constant 64 : i32
      %mul3A_548 = arith.muli %add3A_501, %mul3A_547 : i32
      %add3A_549 = arith.constant 48 : i32
      %add3A_550 = arith.addi %mul3A_548, %add3A_549 : i32
      %swap3A_551 = arith.index_cast %add3A_550 : i32 to index
      %swap3A_552 = tpu.vector_load %arg7[%swap3A_551] {strides = array<i32>} : memref<8192xf32, #tpu.memory_space<vmem>>, vector<16xf32>,
      %swap3A_553 = vector.shape_cast %swap3A_552 : vector<16xf32> to vector<16xf32>
      %swap3A_554 = vector.shape_cast %scan3A_523#3 : vector<16xf32> to vector<16xf32>
      tpu.vector_store %arg7[%swap3A_551], %swap3A_554 {strides = array<i32>} : memref<8192xf32, #tpu.memory_space<vmem>>, vector<16xf32>,
      %add3A_555 = arith.constant 4 : i32
      %add3A_556 = arith.addi %add3A_501, %add3A_555 : i32
      %mul3A_557 = arith.constant 200 : i32
      %mul3A_558 = arith.muli %add3A_556, %mul3A_557 : i32
      %dma_start3A_559 = arith.constant 3 : i32
      %dma_start3A_560 = arith.constant 0 : i32
      %dma_start3A_561 = arith.constant 0 : i32
      %dma_start3A_562 = tpu.memref_slice %arg6[%dma_start3A_559, %dma_start3A_560, %dma_start3A_561] : memref<4x200x64xf32, #tpu.memory_space<vmem>> -> memref<1x104x64xf32, #tpu.memory_space<vmem>>
      %dma_start3A_563 = tpu.memref_squeeze %dma_start3A_562 : memref<1x104x64xf32, #tpu.memory_space<vmem>> -> memref<104x64xf32, #tpu.memory_space<vmem>>
      %dma_start3A_564 = tpu.memref_slice %arg5[%mul3A_558] : memref<25600xi32, #tpu.memory_space<vmem>> -> memref<104xi32, #tpu.memory_space<vmem>>
      %dma_start3A_565 = arith.constant 0 : i32
      %dma_start3A_566 = arith.constant 0 : i32
      %dma_start3A_567 = tpu.memref_slice %arg3[%dma_start3A_565, %dma_start3A_566] : memref<1007616x64xf32, #tpu.memory_space<hbm>> -> memref<1007616x64xf32, #tpu.memory_space<hbm>>
      tpu.enqueue_indirect_dma source(%dma_start3A_567 : memref<1007616x64xf32, #tpu.memory_space<hbm>>) target(%dma_start3A_563 : memref<104x64xf32, #tpu.memory_space<vmem>>) offsets(%dma_start3A_564 : memref<104xi32, #tpu.memory_space<vmem>>) semaphore(%arg11 : memref<!tpu.dma_semaphore, #tpu.memory_space<semaphore_mem>>)
      %mul3A_568 = arith.constant 200 : i32
      %mul3A_569 = arith.muli %add3A_556, %mul3A_568 : i32
      %add3A_570 = arith.constant 104 : i32
      %add3A_571 = arith.addi %mul3A_569, %add3A_570 : i32
      %dma_start3A_572 = arith.constant 3 : i32
      %dma_start3A_573 = arith.constant 104 : i32
      %dma_start3A_574 = arith.constant 0 : i32
      %dma_start3A_575 = tpu.memref_slice %arg6[%dma_start3A_572, %dma_start3A_573, %dma_start3A_574] : memref<4x200x64xf32, #tpu.memory_space<vmem>> -> memref<1x96x64xf32, #tpu.memory_space<vmem>>
      %dma_start3A_576 = tpu.memref_squeeze %dma_start3A_575 : memref<1x96x64xf32, #tpu.memory_space<vmem>> -> memref<96x64xf32, #tpu.memory_space<vmem>>
      %dma_start3A_577 = tpu.memref_slice %arg5[%add3A_571] : memref<25600xi32, #tpu.memory_space<vmem>> -> memref<96xi32, #tpu.memory_space<vmem>>
      %dma_start3A_578 = arith.constant 0 : i32
      %dma_start3A_579 = arith.constant 0 : i32
      %dma_start3A_580 = tpu.memref_slice %arg3[%dma_start3A_578, %dma_start3A_579] : memref<1007616x64xf32, #tpu.memory_space<hbm>> -> memref<1007616x64xf32, #tpu.memory_space<hbm>>
      tpu.enqueue_indirect_dma source(%dma_start3A_580 : memref<1007616x64xf32, #tpu.memory_space<hbm>>) target(%dma_start3A_576 : memref<96x64xf32, #tpu.memory_space<vmem>>) offsets(%dma_start3A_577 : memref<96xi32, #tpu.memory_space<vmem>>) semaphore(%arg11 : memref<!tpu.dma_semaphore, #tpu.memory_space<semaphore_mem>>)
    }
    %scan3A_92 = arith.constant 31 : i32
    %dma_wait3A = arith.constant 0 : i32
    %dma_wait3A_93 = arith.constant 0 : i32
    %dma_wait3A_94 = arith.constant 0 : i32
    %dma_wait3A_95 = tpu.memref_slice %arg6[%dma_wait3A, %dma_wait3A_93, %dma_wait3A_94] : memref<4x200x64xf32, #tpu.memory_space<vmem>> -> memref<1x200x64xf32, #tpu.memory_space<vmem>>
    %dma_wait3A_96 = tpu.memref_squeeze %dma_wait3A_95 : memref<1x200x64xf32, #tpu.memory_space<vmem>> -> memref<200x64xf32, #tpu.memory_space<vmem>>
    %dma_wait3A_97 = arith.constant 0 : i32
    %dma_wait3A_98 = arith.constant 0 : i32
    %dma_wait3A_99 = tpu.memref_slice %arg3[%dma_wait3A_97, %dma_wait3A_98] : memref<1007616x64xf32, #tpu.memory_space<hbm>> -> memref<200x64xf32, #tpu.memory_space<hbm>>
    %dma_wait3A_100 = arith.constant 0 : i32
    %dma_wait3A_101 = arith.constant 0 : i32
    %dma_wait3A_102 = tpu.memref_slice %arg6[%dma_wait3A, %dma_wait3A_100, %dma_wait3A_101] : memref<4x200x64xf32, #tpu.memory_space<vmem>> -> memref<1x200x64xf32, #tpu.memory_space<vmem>>
    %dma_wait3A_103 = tpu.memref_squeeze %dma_wait3A_102 : memref<1x200x64xf32, #tpu.memory_space<vmem>> -> memref<200x64xf32, #tpu.memory_space<vmem>>
    %dma_wait3A_104 = arith.constant 0 : i32
    %dma_wait3A_105 = arith.constant 0 : i32
    %dma_wait3A_106 = tpu.memref_slice %arg3[%dma_wait3A_104, %dma_wait3A_105] : memref<1007616x64xf32, #tpu.memory_space<hbm>> -> memref<200x64xf32, #tpu.memory_space<hbm>>
    tpu.wait_dma2 semaphore(%arg8 : memref<!tpu.dma_semaphore, #tpu.memory_space<semaphore_mem>>) src(%dma_wait3A_106 : memref<200x64xf32, #tpu.memory_space<hbm>>) dst(%dma_wait3A_103 : memref<200x64xf32, #tpu.memory_space<vmem>>)
    %broadcast_in_dim3A = arith.constant 0.000000e+00 : f32
    %broadcast_in_dim3A_107 = vector.broadcast %broadcast_in_dim3A : f32 to vector<16xf32>
    %scan3A_108 = arith.constant 0 : i32
    %scan3A_109 = arith.constant 25 : i32
    %scan3A_110 = arith.addi %scan3A_108, %scan3A_109 : i32
    %scan3A_111 = arith.constant 1 : i32
    %scan3A_112:4 = scf.for %scan3A_248 = %scan3A_108 to %scan3A_110 step %scan3A_111 iter_args(%scan3A_249 = %broadcast_in_dim3A_107, %scan3A_250 = %broadcast_in_dim3A_107, %scan3A_251 = %broadcast_in_dim3A_107, %scan3A_252 = %broadcast_in_dim3A_107) -> (vector<16xf32>, vector<16xf32>, vector<16xf32>, vector<16xf32>)  : i32 {
      %mul3A_253 = arith.constant 8 : i32
      %mul3A_254 = arith.muli %scan3A_248, %mul3A_253 : i32
      %add3A_255 = arith.constant 0 : i32
      %add3A_256 = arith.addi %mul3A_254, %add3A_255 : i32
      %get3A = arith.constant 0 : i32
      %get3A_257 = arith.index_cast %get3A : i32 to index
      %get3A_258 = arith.index_cast %add3A_256 : i32 to index
      %get3A_259 = arith.constant 0 : index
      %get3A_260 = tpu.vector_load %arg6[%get3A_257, %get3A_258, %get3A_259] {strides = array<i32>} : memref<4x200x64xf32, #tpu.memory_space<vmem>>, vector<1x1x16xf32>,
      %get3A_261 = vector.shape_cast %get3A_260 : vector<1x1x16xf32> to vector<16xf32>
      %add3A_262 = arith.addf %scan3A_249, %get3A_261 : vector<16xf32>
      %add3A_263 = arith.constant 0 : i32
      %add3A_264 = arith.addi %mul3A_254, %add3A_263 : i32
      %get3A_265 = arith.constant 0 : i32
      %get3A_266 = arith.index_cast %get3A_265 : i32 to index
      %get3A_267 = arith.index_cast %add3A_264 : i32 to index
      %get3A_268 = arith.constant 16 : index
      %get3A_269 = tpu.vector_load %arg6[%get3A_266, %get3A_267, %get3A_268] {strides = array<i32>} : memref<4x200x64xf32, #tpu.memory_space<vmem>>, vector<1x1x16xf32>,
      %get3A_270 = vector.shape_cast %get3A_269 : vector<1x1x16xf32> to vector<16xf32>
      %add3A_271 = arith.addf %scan3A_250, %get3A_270 : vector<16xf32>
      %add3A_272 = arith.constant 0 : i32
      %add3A_273 = arith.addi %mul3A_254, %add3A_272 : i32
      %get3A_274 = arith.constant 0 : i32
      %get3A_275 = arith.index_cast %get3A_274 : i32 to index
      %get3A_276 = arith.index_cast %add3A_273 : i32 to index
      %get3A_277 = arith.constant 32 : index
      %get3A_278 = tpu.vector_load %arg6[%get3A_275, %get3A_276, %get3A_277] {strides = array<i32>} : memref<4x200x64xf32, #tpu.memory_space<vmem>>, vector<1x1x16xf32>,
      %get3A_279 = vector.shape_cast %get3A_278 : vector<1x1x16xf32> to vector<16xf32>
      %add3A_280 = arith.addf %scan3A_251, %get3A_279 : vector<16xf32>
      %add3A_281 = arith.constant 0 : i32
      %add3A_282 = arith.addi %mul3A_254, %add3A_281 : i32
      %get3A_283 = arith.constant 0 : i32
      %get3A_284 = arith.index_cast %get3A_283 : i32 to index
      %get3A_285 = arith.index_cast %add3A_282 : i32 to index
      %get3A_286 = arith.constant 48 : index
      %get3A_287 = tpu.vector_load %arg6[%get3A_284, %get3A_285, %get3A_286] {strides = array<i32>} : memref<4x200x64xf32, #tpu.memory_space<vmem>>, vector<1x1x16xf32>,
      %get3A_288 = vector.shape_cast %get3A_287 : vector<1x1x16xf32> to vector<16xf32>
      %add3A_289 = arith.addf %scan3A_252, %get3A_288 : vector<16xf32>
      %add3A_290 = arith.constant 1 : i32
      %add3A_291 = arith.addi %mul3A_254, %add3A_290 : i32
      %get3A_292 = arith.constant 0 : i32
      %get3A_293 = arith.index_cast %get3A_292 : i32 to index
      %get3A_294 = arith.index_cast %add3A_291 : i32 to index
      %get3A_295 = arith.constant 0 : index
      %get3A_296 = tpu.vector_load %arg6[%get3A_293, %get3A_294, %get3A_295] {strides = array<i32>} : memref<4x200x64xf32, #tpu.memory_space<vmem>>, vector<1x1x16xf32>,
      %get3A_297 = vector.shape_cast %get3A_296 : vector<1x1x16xf32> to vector<16xf32>
      %add3A_298 = arith.addf %add3A_262, %get3A_297 : vector<16xf32>
      %add3A_299 = arith.constant 1 : i32
      %add3A_300 = arith.addi %mul3A_254, %add3A_299 : i32
      %get3A_301 = arith.constant 0 : i32
      %get3A_302 = arith.index_cast %get3A_301 : i32 to index
      %get3A_303 = arith.index_cast %add3A_300 : i32 to index
      %get3A_304 = arith.constant 16 : index
      %get3A_305 = tpu.vector_load %arg6[%get3A_302, %get3A_303, %get3A_304] {strides = array<i32>} : memref<4x200x64xf32, #tpu.memory_space<vmem>>, vector<1x1x16xf32>,
      %get3A_306 = vector.shape_cast %get3A_305 : vector<1x1x16xf32> to vector<16xf32>
      %add3A_307 = arith.addf %add3A_271, %get3A_306 : vector<16xf32>
      %add3A_308 = arith.constant 1 : i32
      %add3A_309 = arith.addi %mul3A_254, %add3A_308 : i32
      %get3A_310 = arith.constant 0 : i32
      %get3A_311 = arith.index_cast %get3A_310 : i32 to index
      %get3A_312 = arith.index_cast %add3A_309 : i32 to index
      %get3A_313 = arith.constant 32 : index
      %get3A_314 = tpu.vector_load %arg6[%get3A_311, %get3A_312, %get3A_313] {strides = array<i32>} : memref<4x200x64xf32, #tpu.memory_space<vmem>>, vector<1x1x16xf32>,
      %get3A_315 = vector.shape_cast %get3A_314 : vector<1x1x16xf32> to vector<16xf32>
      %add3A_316 = arith.addf %add3A_280, %get3A_315 : vector<16xf32>
      %add3A_317 = arith.constant 1 : i32
      %add3A_318 = arith.addi %mul3A_254, %add3A_317 : i32
      %get3A_319 = arith.constant 0 : i32
      %get3A_320 = arith.index_cast %get3A_319 : i32 to index
      %get3A_321 = arith.index_cast %add3A_318 : i32 to index
      %get3A_322 = arith.constant 48 : index
      %get3A_323 = tpu.vector_load %arg6[%get3A_320, %get3A_321, %get3A_322] {strides = array<i32>} : memref<4x200x64xf32, #tpu.memory_space<vmem>>, vector<1x1x16xf32>,
      %get3A_324 = vector.shape_cast %get3A_323 : vector<1x1x16xf32> to vector<16xf32>
      %add3A_325 = arith.addf %add3A_289, %get3A_324 : vector<16xf32>
      %add3A_326 = arith.constant 2 : i32
      %add3A_327 = arith.addi %mul3A_254, %add3A_326 : i32
      %get3A_328 = arith.constant 0 : i32
      %get3A_329 = arith.index_cast %get3A_328 : i32 to index
      %get3A_330 = arith.index_cast %add3A_327 : i32 to index
      %get3A_331 = arith.constant 0 : index
      %get3A_332 = tpu.vector_load %arg6[%get3A_329, %get3A_330, %get3A_331] {strides = array<i32>} : memref<4x200x64xf32, #tpu.memory_space<vmem>>, vector<1x1x16xf32>,
      %get3A_333 = vector.shape_cast %get3A_332 : vector<1x1x16xf32> to vector<16xf32>
      %add3A_334 = arith.addf %add3A_298, %get3A_333 : vector<16xf32>
      %add3A_335 = arith.constant 2 : i32
      %add3A_336 = arith.addi %mul3A_254, %add3A_335 : i32
      %get3A_337 = arith.constant 0 : i32
      %get3A_338 = arith.index_cast %get3A_337 : i32 to index
      %get3A_339 = arith.index_cast %add3A_336 : i32 to index
      %get3A_340 = arith.constant 16 : index
      %get3A_341 = tpu.vector_load %arg6[%get3A_338, %get3A_339, %get3A_340] {strides = array<i32>} : memref<4x200x64xf32, #tpu.memory_space<vmem>>, vector<1x1x16xf32>,
      %get3A_342 = vector.shape_cast %get3A_341 : vector<1x1x16xf32> to vector<16xf32>
      %add3A_343 = arith.addf %add3A_307, %get3A_342 : vector<16xf32>
      %add3A_344 = arith.constant 2 : i32
      %add3A_345 = arith.addi %mul3A_254, %add3A_344 : i32
      %get3A_346 = arith.constant 0 : i32
      %get3A_347 = arith.index_cast %get3A_346 : i32 to index
      %get3A_348 = arith.index_cast %add3A_345 : i32 to index
      %get3A_349 = arith.constant 32 : index
      %get3A_350 = tpu.vector_load %arg6[%get3A_347, %get3A_348, %get3A_349] {strides = array<i32>} : memref<4x200x64xf32, #tpu.memory_space<vmem>>, vector<1x1x16xf32>,
      %get3A_351 = vector.shape_cast %get3A_350 : vector<1x1x16xf32> to vector<16xf32>
      %add3A_352 = arith.addf %add3A_316, %get3A_351 : vector<16xf32>
      %add3A_353 = arith.constant 2 : i32
      %add3A_354 = arith.addi %mul3A_254, %add3A_353 : i32
      %get3A_355 = arith.constant 0 : i32
      %get3A_356 = arith.index_cast %get3A_355 : i32 to index
      %get3A_357 = arith.index_cast %add3A_354 : i32 to index
      %get3A_358 = arith.constant 48 : index
      %get3A_359 = tpu.vector_load %arg6[%get3A_356, %get3A_357, %get3A_358] {strides = array<i32>} : memref<4x200x64xf32, #tpu.memory_space<vmem>>, vector<1x1x16xf32>,
      %get3A_360 = vector.shape_cast %get3A_359 : vector<1x1x16xf32> to vector<16xf32>
      %add3A_361 = arith.addf %add3A_325, %get3A_360 : vector<16xf32>
      %add3A_362 = arith.constant 3 : i32
      %add3A_363 = arith.addi %mul3A_254, %add3A_362 : i32
      %get3A_364 = arith.constant 0 : i32
      %get3A_365 = arith.index_cast %get3A_364 : i32 to index
      %get3A_366 = arith.index_cast %add3A_363 : i32 to index
      %get3A_367 = arith.constant 0 : index
      %get3A_368 = tpu.vector_load %arg6[%get3A_365, %get3A_366, %get3A_367] {strides = array<i32>} : memref<4x200x64xf32, #tpu.memory_space<vmem>>, vector<1x1x16xf32>,
      %get3A_369 = vector.shape_cast %get3A_368 : vector<1x1x16xf32> to vector<16xf32>
      %add3A_370 = arith.addf %add3A_334, %get3A_369 : vector<16xf32>
      %add3A_371 = arith.constant 3 : i32
      %add3A_372 = arith.addi %mul3A_254, %add3A_371 : i32
      %get3A_373 = arith.constant 0 : i32
      %get3A_374 = arith.index_cast %get3A_373 : i32 to index
      %get3A_375 = arith.index_cast %add3A_372 : i32 to index
      %get3A_376 = arith.constant 16 : index
      %get3A_377 = tpu.vector_load %arg6[%get3A_374, %get3A_375, %get3A_376] {strides = array<i32>} : memref<4x200x64xf32, #tpu.memory_space<vmem>>, vector<1x1x16xf32>,
      %get3A_378 = vector.shape_cast %get3A_377 : vector<1x1x16xf32> to vector<16xf32>
      %add3A_379 = arith.addf %add3A_343, %get3A_378 : vector<16xf32>
      %add3A_380 = arith.constant 3 : i32
      %add3A_381 = arith.addi %mul3A_254, %add3A_380 : i32
      %get3A_382 = arith.constant 0 : i32
      %get3A_383 = arith.index_cast %get3A_382 : i32 to index
      %get3A_384 = arith.index_cast %add3A_381 : i32 to index
      %get3A_385 = arith.constant 32 : index
      %get3A_386 = tpu.vector_load %arg6[%get3A_383, %get3A_384, %get3A_385] {strides = array<i32>} : memref<4x200x64xf32, #tpu.memory_space<vmem>>, vector<1x1x16xf32>,
      %get3A_387 = vector.shape_cast %get3A_386 : vector<1x1x16xf32> to vector<16xf32>
      %add3A_388 = arith.addf %add3A_352, %get3A_387 : vector<16xf32>
      %add3A_389 = arith.constant 3 : i32
      %add3A_390 = arith.addi %mul3A_254, %add3A_389 : i32
      %get3A_391 = arith.constant 0 : i32
      %get3A_392 = arith.index_cast %get3A_391 : i32 to index
      %get3A_393 = arith.index_cast %add3A_390 : i32 to index
      %get3A_394 = arith.constant 48 : index
      %get3A_395 = tpu.vector_load %arg6[%get3A_392, %get3A_393, %get3A_394] {strides = array<i32>} : memref<4x200x64xf32, #tpu.memory_space<vmem>>, vector<1x1x16xf32>,
      %get3A_396 = vector.shape_cast %get3A_395 : vector<1x1x16xf32> to vector<16xf32>
      %add3A_397 = arith.addf %add3A_361, %get3A_396 : vector<16xf32>
      %add3A_398 = arith.constant 4 : i32
      %add3A_399 = arith.addi %mul3A_254, %add3A_398 : i32
      %get3A_400 = arith.constant 0 : i32
      %get3A_401 = arith.index_cast %get3A_400 : i32 to index
      %get3A_402 = arith.index_cast %add3A_399 : i32 to index
      %get3A_403 = arith.constant 0 : index
      %get3A_404 = tpu.vector_load %arg6[%get3A_401, %get3A_402, %get3A_403] {strides = array<i32>} : memref<4x200x64xf32, #tpu.memory_space<vmem>>, vector<1x1x16xf32>,
      %get3A_405 = vector.shape_cast %get3A_404 : vector<1x1x16xf32> to vector<16xf32>
      %add3A_406 = arith.addf %add3A_370, %get3A_405 : vector<16xf32>
      %add3A_407 = arith.constant 4 : i32
      %add3A_408 = arith.addi %mul3A_254, %add3A_407 : i32
      %get3A_409 = arith.constant 0 : i32
      %get3A_410 = arith.index_cast %get3A_409 : i32 to index
      %get3A_411 = arith.index_cast %add3A_408 : i32 to index
      %get3A_412 = arith.constant 16 : index
      %get3A_413 = tpu.vector_load %arg6[%get3A_410, %get3A_411, %get3A_412] {strides = array<i32>} : memref<4x200x64xf32, #tpu.memory_space<vmem>>, vector<1x1x16xf32>,
      %get3A_414 = vector.shape_cast %get3A_413 : vector<1x1x16xf32> to vector<16xf32>
      %add3A_415 = arith.addf %add3A_379, %get3A_414 : vector<16xf32>
      %add3A_416 = arith.constant 4 : i32
      %add3A_417 = arith.addi %mul3A_254, %add3A_416 : i32
      %get3A_418 = arith.constant 0 : i32
      %get3A_419 = arith.index_cast %get3A_418 : i32 to index
      %get3A_420 = arith.index_cast %add3A_417 : i32 to index
      %get3A_421 = arith.constant 32 : index
      %get3A_422 = tpu.vector_load %arg6[%get3A_419, %get3A_420, %get3A_421] {strides = array<i32>} : memref<4x200x64xf32, #tpu.memory_space<vmem>>, vector<1x1x16xf32>,
      %get3A_423 = vector.shape_cast %get3A_422 : vector<1x1x16xf32> to vector<16xf32>
      %add3A_424 = arith.addf %add3A_388, %get3A_423 : vector<16xf32>
      %add3A_425 = arith.constant 4 : i32
      %add3A_426 = arith.addi %mul3A_254, %add3A_425 : i32
      %get3A_427 = arith.constant 0 : i32
      %get3A_428 = arith.index_cast %get3A_427 : i32 to index
      %get3A_429 = arith.index_cast %add3A_426 : i32 to index
      %get3A_430 = arith.constant 48 : index
      %get3A_431 = tpu.vector_load %arg6[%get3A_428, %get3A_429, %get3A_430] {strides = array<i32>} : memref<4x200x64xf32, #tpu.memory_space<vmem>>, vector<1x1x16xf32>,
      %get3A_432 = vector.shape_cast %get3A_431 : vector<1x1x16xf32> to vector<16xf32>
      %add3A_433 = arith.addf %add3A_397, %get3A_432 : vector<16xf32>
      %add3A_434 = arith.constant 5 : i32
      %add3A_435 = arith.addi %mul3A_254, %add3A_434 : i32
      %get3A_436 = arith.constant 0 : i32
      %get3A_437 = arith.index_cast %get3A_436 : i32 to index
      %get3A_438 = arith.index_cast %add3A_435 : i32 to index
      %get3A_439 = arith.constant 0 : index
      %get3A_440 = tpu.vector_load %arg6[%get3A_437, %get3A_438, %get3A_439] {strides = array<i32>} : memref<4x200x64xf32, #tpu.memory_space<vmem>>, vector<1x1x16xf32>,
      %get3A_441 = vector.shape_cast %get3A_440 : vector<1x1x16xf32> to vector<16xf32>
      %add3A_442 = arith.addf %add3A_406, %get3A_441 : vector<16xf32>
      %add3A_443 = arith.constant 5 : i32
      %add3A_444 = arith.addi %mul3A_254, %add3A_443 : i32
      %get3A_445 = arith.constant 0 : i32
      %get3A_446 = arith.index_cast %get3A_445 : i32 to index
      %get3A_447 = arith.index_cast %add3A_444 : i32 to index
      %get3A_448 = arith.constant 16 : index
      %get3A_449 = tpu.vector_load %arg6[%get3A_446, %get3A_447, %get3A_448] {strides = array<i32>} : memref<4x200x64xf32, #tpu.memory_space<vmem>>, vector<1x1x16xf32>,
      %get3A_450 = vector.shape_cast %get3A_449 : vector<1x1x16xf32> to vector<16xf32>
      %add3A_451 = arith.addf %add3A_415, %get3A_450 : vector<16xf32>
      %add3A_452 = arith.constant 5 : i32
      %add3A_453 = arith.addi %mul3A_254, %add3A_452 : i32
      %get3A_454 = arith.constant 0 : i32
      %get3A_455 = arith.index_cast %get3A_454 : i32 to index
      %get3A_456 = arith.index_cast %add3A_453 : i32 to index
      %get3A_457 = arith.constant 32 : index
      %get3A_458 = tpu.vector_load %arg6[%get3A_455, %get3A_456, %get3A_457] {strides = array<i32>} : memref<4x200x64xf32, #tpu.memory_space<vmem>>, vector<1x1x16xf32>,
      %get3A_459 = vector.shape_cast %get3A_458 : vector<1x1x16xf32> to vector<16xf32>
      %add3A_460 = arith.addf %add3A_424, %get3A_459 : vector<16xf32>
      %add3A_461 = arith.constant 5 : i32
      %add3A_462 = arith.addi %mul3A_254, %add3A_461 : i32
      %get3A_463 = arith.constant 0 : i32
      %get3A_464 = arith.index_cast %get3A_463 : i32 to index
      %get3A_465 = arith.index_cast %add3A_462 : i32 to index
      %get3A_466 = arith.constant 48 : index
      %get3A_467 = tpu.vector_load %arg6[%get3A_464, %get3A_465, %get3A_466] {strides = array<i32>} : memref<4x200x64xf32, #tpu.memory_space<vmem>>, vector<1x1x16xf32>,
      %get3A_468 = vector.shape_cast %get3A_467 : vector<1x1x16xf32> to vector<16xf32>
      %add3A_469 = arith.addf %add3A_433, %get3A_468 : vector<16xf32>
      %add3A_470 = arith.constant 6 : i32
      %add3A_471 = arith.addi %mul3A_254, %add3A_470 : i32
      %get3A_472 = arith.constant 0 : i32
      %get3A_473 = arith.index_cast %get3A_472 : i32 to index
      %get3A_474 = arith.index_cast %add3A_471 : i32 to index
      %get3A_475 = arith.constant 0 : index
      %get3A_476 = tpu.vector_load %arg6[%get3A_473, %get3A_474, %get3A_475] {strides = array<i32>} : memref<4x200x64xf32, #tpu.memory_space<vmem>>, vector<1x1x16xf32>,
      %get3A_477 = vector.shape_cast %get3A_476 : vector<1x1x16xf32> to vector<16xf32>
      %add3A_478 = arith.addf %add3A_442, %get3A_477 : vector<16xf32>
      %add3A_479 = arith.constant 6 : i32
      %add3A_480 = arith.addi %mul3A_254, %add3A_479 : i32
      %get3A_481 = arith.constant 0 : i32
      %get3A_482 = arith.index_cast %get3A_481 : i32 to index
      %get3A_483 = arith.index_cast %add3A_480 : i32 to index
      %get3A_484 = arith.constant 16 : index
      %get3A_485 = tpu.vector_load %arg6[%get3A_482, %get3A_483, %get3A_484] {strides = array<i32>} : memref<4x200x64xf32, #tpu.memory_space<vmem>>, vector<1x1x16xf32>,
      %get3A_486 = vector.shape_cast %get3A_485 : vector<1x1x16xf32> to vector<16xf32>
      %add3A_487 = arith.addf %add3A_451, %get3A_486 : vector<16xf32>
      %add3A_488 = arith.constant 6 : i32
      %add3A_489 = arith.addi %mul3A_254, %add3A_488 : i32
      %get3A_490 = arith.constant 0 : i32
      %get3A_491 = arith.index_cast %get3A_490 : i32 to index
      %get3A_492 = arith.index_cast %add3A_489 : i32 to index
      %get3A_493 = arith.constant 32 : index
      %get3A_494 = tpu.vector_load %arg6[%get3A_491, %get3A_492, %get3A_493] {strides = array<i32>} : memref<4x200x64xf32, #tpu.memory_space<vmem>>, vector<1x1x16xf32>,
      %get3A_495 = vector.shape_cast %get3A_494 : vector<1x1x16xf32> to vector<16xf32>
      %add3A_496 = arith.addf %add3A_460, %get3A_495 : vector<16xf32>
      %add3A_497 = arith.constant 6 : i32
      %add3A_498 = arith.addi %mul3A_254, %add3A_497 : i32
      %get3A_499 = arith.constant 0 : i32
      %get3A_500 = arith.index_cast %get3A_499 : i32 to index
      %get3A_501 = arith.index_cast %add3A_498 : i32 to index
      %get3A_502 = arith.constant 48 : index
      %get3A_503 = tpu.vector_load %arg6[%get3A_500, %get3A_501, %get3A_502] {strides = array<i32>} : memref<4x200x64xf32, #tpu.memory_space<vmem>>, vector<1x1x16xf32>,
      %get3A_504 = vector.shape_cast %get3A_503 : vector<1x1x16xf32> to vector<16xf32>
      %add3A_505 = arith.addf %add3A_469, %get3A_504 : vector<16xf32>
      %add3A_506 = arith.constant 7 : i32
      %add3A_507 = arith.addi %mul3A_254, %add3A_506 : i32
      %get3A_508 = arith.constant 0 : i32
      %get3A_509 = arith.index_cast %get3A_508 : i32 to index
      %get3A_510 = arith.index_cast %add3A_507 : i32 to index
      %get3A_511 = arith.constant 0 : index
      %get3A_512 = tpu.vector_load %arg6[%get3A_509, %get3A_510, %get3A_511] {strides = array<i32>} : memref<4x200x64xf32, #tpu.memory_space<vmem>>, vector<1x1x16xf32>,
      %get3A_513 = vector.shape_cast %get3A_512 : vector<1x1x16xf32> to vector<16xf32>
      %add3A_514 = arith.addf %add3A_478, %get3A_513 : vector<16xf32>
      %add3A_515 = arith.constant 7 : i32
      %add3A_516 = arith.addi %mul3A_254, %add3A_515 : i32
      %get3A_517 = arith.constant 0 : i32
      %get3A_518 = arith.index_cast %get3A_517 : i32 to index
      %get3A_519 = arith.index_cast %add3A_516 : i32 to index
      %get3A_520 = arith.constant 16 : index
      %get3A_521 = tpu.vector_load %arg6[%get3A_518, %get3A_519, %get3A_520] {strides = array<i32>} : memref<4x200x64xf32, #tpu.memory_space<vmem>>, vector<1x1x16xf32>,
      %get3A_522 = vector.shape_cast %get3A_521 : vector<1x1x16xf32> to vector<16xf32>
      %add3A_523 = arith.addf %add3A_487, %get3A_522 : vector<16xf32>
      %add3A_524 = arith.constant 7 : i32
      %add3A_525 = arith.addi %mul3A_254, %add3A_524 : i32
      %get3A_526 = arith.constant 0 : i32
      %get3A_527 = arith.index_cast %get3A_526 : i32 to index
      %get3A_528 = arith.index_cast %add3A_525 : i32 to index
      %get3A_529 = arith.constant 32 : index
      %get3A_530 = tpu.vector_load %arg6[%get3A_527, %get3A_528, %get3A_529] {strides = array<i32>} : memref<4x200x64xf32, #tpu.memory_space<vmem>>, vector<1x1x16xf32>,
      %get3A_531 = vector.shape_cast %get3A_530 : vector<1x1x16xf32> to vector<16xf32>
      %add3A_532 = arith.addf %add3A_496, %get3A_531 : vector<16xf32>
      %add3A_533 = arith.constant 7 : i32
      %add3A_534 = arith.addi %mul3A_254, %add3A_533 : i32
      %get3A_535 = arith.constant 0 : i32
      %get3A_536 = arith.index_cast %get3A_535 : i32 to index
      %get3A_537 = arith.index_cast %add3A_534 : i32 to index
      %get3A_538 = arith.constant 48 : index
      %get3A_539 = tpu.vector_load %arg6[%get3A_536, %get3A_537, %get3A_538] {strides = array<i32>} : memref<4x200x64xf32, #tpu.memory_space<vmem>>, vector<1x1x16xf32>,
      %get3A_540 = vector.shape_cast %get3A_539 : vector<1x1x16xf32> to vector<16xf32>
      %add3A_541 = arith.addf %add3A_505, %get3A_540 : vector<16xf32>
      scf.yield %add3A_514, %add3A_523, %add3A_532, %add3A_541 : vector<16xf32>, vector<16xf32>, vector<16xf32>, vector<16xf32>
    }
    %scan3A_113 = arith.constant 25 : i32
    %swap3A = arith.constant 7936 : index
    %swap3A_114 = tpu.vector_load %arg7[%swap3A] {strides = array<i32>} : memref<8192xf32, #tpu.memory_space<vmem>>, vector<16xf32>,
    %swap3A_115 = vector.shape_cast %swap3A_114 : vector<16xf32> to vector<16xf32>
    %swap3A_116 = vector.shape_cast %scan3A_112#0 : vector<16xf32> to vector<16xf32>
    tpu.vector_store %arg7[%swap3A], %swap3A_116 {strides = array<i32>} : memref<8192xf32, #tpu.memory_space<vmem>>, vector<16xf32>,
    %swap3A_117 = arith.constant 7952 : index
    %swap3A_118 = tpu.vector_load %arg7[%swap3A_117] {strides = array<i32>} : memref<8192xf32, #tpu.memory_space<vmem>>, vector<16xf32>,
    %swap3A_119 = vector.shape_cast %swap3A_118 : vector<16xf32> to vector<16xf32>
    %swap3A_120 = vector.shape_cast %scan3A_112#1 : vector<16xf32> to vector<16xf32>
    tpu.vector_store %arg7[%swap3A_117], %swap3A_120 {strides = array<i32>} : memref<8192xf32, #tpu.memory_space<vmem>>, vector<16xf32>,
    %swap3A_121 = arith.constant 7968 : index
    %swap3A_122 = tpu.vector_load %arg7[%swap3A_121] {strides = array<i32>} : memref<8192xf32, #tpu.memory_space<vmem>>, vector<16xf32>,
    %swap3A_123 = vector.shape_cast %swap3A_122 : vector<16xf32> to vector<16xf32>
    %swap3A_124 = vector.shape_cast %scan3A_112#2 : vector<16xf32> to vector<16xf32>
    tpu.vector_store %arg7[%swap3A_121], %swap3A_124 {strides = array<i32>} : memref<8192xf32, #tpu.memory_space<vmem>>, vector<16xf32>,
    %swap3A_125 = arith.constant 7984 : index
    %swap3A_126 = tpu.vector_load %arg7[%swap3A_125] {strides = array<i32>} : memref<8192xf32, #tpu.memory_space<vmem>>, vector<16xf32>,
    %swap3A_127 = vector.shape_cast %swap3A_126 : vector<16xf32> to vector<16xf32>
    %swap3A_128 = vector.shape_cast %scan3A_112#3 : vector<16xf32> to vector<16xf32>
    tpu.vector_store %arg7[%swap3A_125], %swap3A_128 {strides = array<i32>} : memref<8192xf32, #tpu.memory_space<vmem>>, vector<16xf32>,
    %dma_wait3A_129 = arith.constant 1 : i32
    %dma_wait3A_130 = arith.constant 0 : i32
    %dma_wait3A_131 = arith.constant 0 : i32
    %dma_wait3A_132 = tpu.memref_slice %arg6[%dma_wait3A_129, %dma_wait3A_130, %dma_wait3A_131] : memref<4x200x64xf32, #tpu.memory_space<vmem>> -> memref<1x200x64xf32, #tpu.memory_space<vmem>>
    %dma_wait3A_133 = tpu.memref_squeeze %dma_wait3A_132 : memref<1x200x64xf32, #tpu.memory_space<vmem>> -> memref<200x64xf32, #tpu.memory_space<vmem>>
    %dma_wait3A_134 = arith.constant 0 : i32
    %dma_wait3A_135 = arith.constant 0 : i32
    %dma_wait3A_136 = tpu.memref_slice %arg3[%dma_wait3A_134, %dma_wait3A_135] : memref<1007616x64xf32, #tpu.memory_space<hbm>> -> memref<200x64xf32, #tpu.memory_space<hbm>>
    %dma_wait3A_137 = arith.constant 0 : i32
    %dma_wait3A_138 = arith.constant 0 : i32
    %dma_wait3A_139 = tpu.memref_slice %arg6[%dma_wait3A_129, %dma_wait3A_137, %dma_wait3A_138] : memref<4x200x64xf32, #tpu.memory_space<vmem>> -> memref<1x200x64xf32, #tpu.memory_space<vmem>>
    %dma_wait3A_140 = tpu.memref_squeeze %dma_wait3A_139 : memref<1x200x64xf32, #tpu.memory_space<vmem>> -> memref<200x64xf32, #tpu.memory_space<vmem>>
    %dma_wait3A_141 = arith.constant 0 : i32
    %dma_wait3A_142 = arith.constant 0 : i32
    %dma_wait3A_143 = tpu.memref_slice %arg3[%dma_wait3A_141, %dma_wait3A_142] : memref<1007616x64xf32, #tpu.memory_space<hbm>> -> memref<200x64xf32, #tpu.memory_space<hbm>>
    tpu.wait_dma2 semaphore(%arg9 : memref<!tpu.dma_semaphore, #tpu.memory_space<semaphore_mem>>) src(%dma_wait3A_143 : memref<200x64xf32, #tpu.memory_space<hbm>>) dst(%dma_wait3A_140 : memref<200x64xf32, #tpu.memory_space<vmem>>)
    %broadcast_in_dim3A_144 = arith.constant 0.000000e+00 : f32
    %broadcast_in_dim3A_145 = vector.broadcast %broadcast_in_dim3A_144 : f32 to vector<16xf32>
    %scan3A_146 = arith.constant 0 : i32
    %scan3A_147 = arith.constant 25 : i32
    %scan3A_148 = arith.addi %scan3A_146, %scan3A_147 : i32
    %scan3A_149 = arith.constant 1 : i32
    %scan3A_150:4 = scf.for %scan3A_248 = %scan3A_146 to %scan3A_148 step %scan3A_149 iter_args(%scan3A_249 = %broadcast_in_dim3A_145, %scan3A_250 = %broadcast_in_dim3A_145, %scan3A_251 = %broadcast_in_dim3A_145, %scan3A_252 = %broadcast_in_dim3A_145) -> (vector<16xf32>, vector<16xf32>, vector<16xf32>, vector<16xf32>)  : i32 {
      %mul3A_253 = arith.constant 8 : i32
      %mul3A_254 = arith.muli %scan3A_248, %mul3A_253 : i32
      %add3A_255 = arith.constant 0 : i32
      %add3A_256 = arith.addi %mul3A_254, %add3A_255 : i32
      %get3A = arith.constant 1 : i32
      %get3A_257 = arith.index_cast %get3A : i32 to index
      %get3A_258 = arith.index_cast %add3A_256 : i32 to index
      %get3A_259 = arith.constant 0 : index
      %get3A_260 = tpu.vector_load %arg6[%get3A_257, %get3A_258, %get3A_259] {strides = array<i32>} : memref<4x200x64xf32, #tpu.memory_space<vmem>>, vector<1x1x16xf32>,
      %get3A_261 = vector.shape_cast %get3A_260 : vector<1x1x16xf32> to vector<16xf32>
      %add3A_262 = arith.addf %scan3A_249, %get3A_261 : vector<16xf32>
      %add3A_263 = arith.constant 0 : i32
      %add3A_264 = arith.addi %mul3A_254, %add3A_263 : i32
      %get3A_265 = arith.constant 1 : i32
      %get3A_266 = arith.index_cast %get3A_265 : i32 to index
      %get3A_267 = arith.index_cast %add3A_264 : i32 to index
      %get3A_268 = arith.constant 16 : index
      %get3A_269 = tpu.vector_load %arg6[%get3A_266, %get3A_267, %get3A_268] {strides = array<i32>} : memref<4x200x64xf32, #tpu.memory_space<vmem>>, vector<1x1x16xf32>,
      %get3A_270 = vector.shape_cast %get3A_269 : vector<1x1x16xf32> to vector<16xf32>
      %add3A_271 = arith.addf %scan3A_250, %get3A_270 : vector<16xf32>
      %add3A_272 = arith.constant 0 : i32
      %add3A_273 = arith.addi %mul3A_254, %add3A_272 : i32
      %get3A_274 = arith.constant 1 : i32
      %get3A_275 = arith.index_cast %get3A_274 : i32 to index
      %get3A_276 = arith.index_cast %add3A_273 : i32 to index
      %get3A_277 = arith.constant 32 : index
      %get3A_278 = tpu.vector_load %arg6[%get3A_275, %get3A_276, %get3A_277] {strides = array<i32>} : memref<4x200x64xf32, #tpu.memory_space<vmem>>, vector<1x1x16xf32>,
      %get3A_279 = vector.shape_cast %get3A_278 : vector<1x1x16xf32> to vector<16xf32>
      %add3A_280 = arith.addf %scan3A_251, %get3A_279 : vector<16xf32>
      %add3A_281 = arith.constant 0 : i32
      %add3A_282 = arith.addi %mul3A_254, %add3A_281 : i32
      %get3A_283 = arith.constant 1 : i32
      %get3A_284 = arith.index_cast %get3A_283 : i32 to index
      %get3A_285 = arith.index_cast %add3A_282 : i32 to index
      %get3A_286 = arith.constant 48 : index
      %get3A_287 = tpu.vector_load %arg6[%get3A_284, %get3A_285, %get3A_286] {strides = array<i32>} : memref<4x200x64xf32, #tpu.memory_space<vmem>>, vector<1x1x16xf32>,
      %get3A_288 = vector.shape_cast %get3A_287 : vector<1x1x16xf32> to vector<16xf32>
      %add3A_289 = arith.addf %scan3A_252, %get3A_288 : vector<16xf32>
      %add3A_290 = arith.constant 1 : i32
      %add3A_291 = arith.addi %mul3A_254, %add3A_290 : i32
      %get3A_292 = arith.constant 1 : i32
      %get3A_293 = arith.index_cast %get3A_292 : i32 to index
      %get3A_294 = arith.index_cast %add3A_291 : i32 to index
      %get3A_295 = arith.constant 0 : index
      %get3A_296 = tpu.vector_load %arg6[%get3A_293, %get3A_294, %get3A_295] {strides = array<i32>} : memref<4x200x64xf32, #tpu.memory_space<vmem>>, vector<1x1x16xf32>,
      %get3A_297 = vector.shape_cast %get3A_296 : vector<1x1x16xf32> to vector<16xf32>
      %add3A_298 = arith.addf %add3A_262, %get3A_297 : vector<16xf32>
      %add3A_299 = arith.constant 1 : i32
      %add3A_300 = arith.addi %mul3A_254, %add3A_299 : i32
      %get3A_301 = arith.constant 1 : i32
      %get3A_302 = arith.index_cast %get3A_301 : i32 to index
      %get3A_303 = arith.index_cast %add3A_300 : i32 to index
      %get3A_304 = arith.constant 16 : index
      %get3A_305 = tpu.vector_load %arg6[%get3A_302, %get3A_303, %get3A_304] {strides = array<i32>} : memref<4x200x64xf32, #tpu.memory_space<vmem>>, vector<1x1x16xf32>,
      %get3A_306 = vector.shape_cast %get3A_305 : vector<1x1x16xf32> to vector<16xf32>
      %add3A_307 = arith.addf %add3A_271, %get3A_306 : vector<16xf32>
      %add3A_308 = arith.constant 1 : i32
      %add3A_309 = arith.addi %mul3A_254, %add3A_308 : i32
      %get3A_310 = arith.constant 1 : i32
      %get3A_311 = arith.index_cast %get3A_310 : i32 to index
      %get3A_312 = arith.index_cast %add3A_309 : i32 to index
      %get3A_313 = arith.constant 32 : index
      %get3A_314 = tpu.vector_load %arg6[%get3A_311, %get3A_312, %get3A_313] {strides = array<i32>} : memref<4x200x64xf32, #tpu.memory_space<vmem>>, vector<1x1x16xf32>,
      %get3A_315 = vector.shape_cast %get3A_314 : vector<1x1x16xf32> to vector<16xf32>
      %add3A_316 = arith.addf %add3A_280, %get3A_315 : vector<16xf32>
      %add3A_317 = arith.constant 1 : i32
      %add3A_318 = arith.addi %mul3A_254, %add3A_317 : i32
      %get3A_319 = arith.constant 1 : i32
      %get3A_320 = arith.index_cast %get3A_319 : i32 to index
      %get3A_321 = arith.index_cast %add3A_318 : i32 to index
      %get3A_322 = arith.constant 48 : index
      %get3A_323 = tpu.vector_load %arg6[%get3A_320, %get3A_321, %get3A_322] {strides = array<i32>} : memref<4x200x64xf32, #tpu.memory_space<vmem>>, vector<1x1x16xf32>,
      %get3A_324 = vector.shape_cast %get3A_323 : vector<1x1x16xf32> to vector<16xf32>
      %add3A_325 = arith.addf %add3A_289, %get3A_324 : vector<16xf32>
      %add3A_326 = arith.constant 2 : i32
      %add3A_327 = arith.addi %mul3A_254, %add3A_326 : i32
      %get3A_328 = arith.constant 1 : i32
      %get3A_329 = arith.index_cast %get3A_328 : i32 to index
      %get3A_330 = arith.index_cast %add3A_327 : i32 to index
      %get3A_331 = arith.constant 0 : index
      %get3A_332 = tpu.vector_load %arg6[%get3A_329, %get3A_330, %get3A_331] {strides = array<i32>} : memref<4x200x64xf32, #tpu.memory_space<vmem>>, vector<1x1x16xf32>,
      %get3A_333 = vector.shape_cast %get3A_332 : vector<1x1x16xf32> to vector<16xf32>
      %add3A_334 = arith.addf %add3A_298, %get3A_333 : vector<16xf32>
      %add3A_335 = arith.constant 2 : i32
      %add3A_336 = arith.addi %mul3A_254, %add3A_335 : i32
      %get3A_337 = arith.constant 1 : i32
      %get3A_338 = arith.index_cast %get3A_337 : i32 to index
      %get3A_339 = arith.index_cast %add3A_336 : i32 to index
      %get3A_340 = arith.constant 16 : index
      %get3A_341 = tpu.vector_load %arg6[%get3A_338, %get3A_339, %get3A_340] {strides = array<i32>} : memref<4x200x64xf32, #tpu.memory_space<vmem>>, vector<1x1x16xf32>,
      %get3A_342 = vector.shape_cast %get3A_341 : vector<1x1x16xf32> to vector<16xf32>
      %add3A_343 = arith.addf %add3A_307, %get3A_342 : vector<16xf32>
      %add3A_344 = arith.constant 2 : i32
      %add3A_345 = arith.addi %mul3A_254, %add3A_344 : i32
      %get3A_346 = arith.constant 1 : i32
      %get3A_347 = arith.index_cast %get3A_346 : i32 to index
      %get3A_348 = arith.index_cast %add3A_345 : i32 to index
      %get3A_349 = arith.constant 32 : index
      %get3A_350 = tpu.vector_load %arg6[%get3A_347, %get3A_348, %get3A_349] {strides = array<i32>} : memref<4x200x64xf32, #tpu.memory_space<vmem>>, vector<1x1x16xf32>,
      %get3A_351 = vector.shape_cast %get3A_350 : vector<1x1x16xf32> to vector<16xf32>
      %add3A_352 = arith.addf %add3A_316, %get3A_351 : vector<16xf32>
      %add3A_353 = arith.constant 2 : i32
      %add3A_354 = arith.addi %mul3A_254, %add3A_353 : i32
      %get3A_355 = arith.constant 1 : i32
      %get3A_356 = arith.index_cast %get3A_355 : i32 to index
      %get3A_357 = arith.index_cast %add3A_354 : i32 to index
      %get3A_358 = arith.constant 48 : index
      %get3A_359 = tpu.vector_load %arg6[%get3A_356, %get3A_357, %get3A_358] {strides = array<i32>} : memref<4x200x64xf32, #tpu.memory_space<vmem>>, vector<1x1x16xf32>,
      %get3A_360 = vector.shape_cast %get3A_359 : vector<1x1x16xf32> to vector<16xf32>
      %add3A_361 = arith.addf %add3A_325, %get3A_360 : vector<16xf32>
      %add3A_362 = arith.constant 3 : i32
      %add3A_363 = arith.addi %mul3A_254, %add3A_362 : i32
      %get3A_364 = arith.constant 1 : i32
      %get3A_365 = arith.index_cast %get3A_364 : i32 to index
      %get3A_366 = arith.index_cast %add3A_363 : i32 to index
      %get3A_367 = arith.constant 0 : index
      %get3A_368 = tpu.vector_load %arg6[%get3A_365, %get3A_366, %get3A_367] {strides = array<i32>} : memref<4x200x64xf32, #tpu.memory_space<vmem>>, vector<1x1x16xf32>,
      %get3A_369 = vector.shape_cast %get3A_368 : vector<1x1x16xf32> to vector<16xf32>
      %add3A_370 = arith.addf %add3A_334, %get3A_369 : vector<16xf32>
      %add3A_371 = arith.constant 3 : i32
      %add3A_372 = arith.addi %mul3A_254, %add3A_371 : i32
      %get3A_373 = arith.constant 1 : i32
      %get3A_374 = arith.index_cast %get3A_373 : i32 to index
      %get3A_375 = arith.index_cast %add3A_372 : i32 to index
      %get3A_376 = arith.constant 16 : index
      %get3A_377 = tpu.vector_load %arg6[%get3A_374, %get3A_375, %get3A_376] {strides = array<i32>} : memref<4x200x64xf32, #tpu.memory_space<vmem>>, vector<1x1x16xf32>,
      %get3A_378 = vector.shape_cast %get3A_377 : vector<1x1x16xf32> to vector<16xf32>
      %add3A_379 = arith.addf %add3A_343, %get3A_378 : vector<16xf32>
      %add3A_380 = arith.constant 3 : i32
      %add3A_381 = arith.addi %mul3A_254, %add3A_380 : i32
      %get3A_382 = arith.constant 1 : i32
      %get3A_383 = arith.index_cast %get3A_382 : i32 to index
      %get3A_384 = arith.index_cast %add3A_381 : i32 to index
      %get3A_385 = arith.constant 32 : index
      %get3A_386 = tpu.vector_load %arg6[%get3A_383, %get3A_384, %get3A_385] {strides = array<i32>} : memref<4x200x64xf32, #tpu.memory_space<vmem>>, vector<1x1x16xf32>,
      %get3A_387 = vector.shape_cast %get3A_386 : vector<1x1x16xf32> to vector<16xf32>
      %add3A_388 = arith.addf %add3A_352, %get3A_387 : vector<16xf32>
      %add3A_389 = arith.constant 3 : i32
      %add3A_390 = arith.addi %mul3A_254, %add3A_389 : i32
      %get3A_391 = arith.constant 1 : i32
      %get3A_392 = arith.index_cast %get3A_391 : i32 to index
      %get3A_393 = arith.index_cast %add3A_390 : i32 to index
      %get3A_394 = arith.constant 48 : index
      %get3A_395 = tpu.vector_load %arg6[%get3A_392, %get3A_393, %get3A_394] {strides = array<i32>} : memref<4x200x64xf32, #tpu.memory_space<vmem>>, vector<1x1x16xf32>,
      %get3A_396 = vector.shape_cast %get3A_395 : vector<1x1x16xf32> to vector<16xf32>
      %add3A_397 = arith.addf %add3A_361, %get3A_396 : vector<16xf32>
      %add3A_398 = arith.constant 4 : i32
      %add3A_399 = arith.addi %mul3A_254, %add3A_398 : i32
      %get3A_400 = arith.constant 1 : i32
      %get3A_401 = arith.index_cast %get3A_400 : i32 to index
      %get3A_402 = arith.index_cast %add3A_399 : i32 to index
      %get3A_403 = arith.constant 0 : index
      %get3A_404 = tpu.vector_load %arg6[%get3A_401, %get3A_402, %get3A_403] {strides = array<i32>} : memref<4x200x64xf32, #tpu.memory_space<vmem>>, vector<1x1x16xf32>,
      %get3A_405 = vector.shape_cast %get3A_404 : vector<1x1x16xf32> to vector<16xf32>
      %add3A_406 = arith.addf %add3A_370, %get3A_405 : vector<16xf32>
      %add3A_407 = arith.constant 4 : i32
      %add3A_408 = arith.addi %mul3A_254, %add3A_407 : i32
      %get3A_409 = arith.constant 1 : i32
      %get3A_410 = arith.index_cast %get3A_409 : i32 to index
      %get3A_411 = arith.index_cast %add3A_408 : i32 to index
      %get3A_412 = arith.constant 16 : index
      %get3A_413 = tpu.vector_load %arg6[%get3A_410, %get3A_411, %get3A_412] {strides = array<i32>} : memref<4x200x64xf32, #tpu.memory_space<vmem>>, vector<1x1x16xf32>,
      %get3A_414 = vector.shape_cast %get3A_413 : vector<1x1x16xf32> to vector<16xf32>
      %add3A_415 = arith.addf %add3A_379, %get3A_414 : vector<16xf32>
      %add3A_416 = arith.constant 4 : i32
      %add3A_417 = arith.addi %mul3A_254, %add3A_416 : i32
      %get3A_418 = arith.constant 1 : i32
      %get3A_419 = arith.index_cast %get3A_418 : i32 to index
      %get3A_420 = arith.index_cast %add3A_417 : i32 to index
      %get3A_421 = arith.constant 32 : index
      %get3A_422 = tpu.vector_load %arg6[%get3A_419, %get3A_420, %get3A_421] {strides = array<i32>} : memref<4x200x64xf32, #tpu.memory_space<vmem>>, vector<1x1x16xf32>,
      %get3A_423 = vector.shape_cast %get3A_422 : vector<1x1x16xf32> to vector<16xf32>
      %add3A_424 = arith.addf %add3A_388, %get3A_423 : vector<16xf32>
      %add3A_425 = arith.constant 4 : i32
      %add3A_426 = arith.addi %mul3A_254, %add3A_425 : i32
      %get3A_427 = arith.constant 1 : i32
      %get3A_428 = arith.index_cast %get3A_427 : i32 to index
      %get3A_429 = arith.index_cast %add3A_426 : i32 to index
      %get3A_430 = arith.constant 48 : index
      %get3A_431 = tpu.vector_load %arg6[%get3A_428, %get3A_429, %get3A_430] {strides = array<i32>} : memref<4x200x64xf32, #tpu.memory_space<vmem>>, vector<1x1x16xf32>,
      %get3A_432 = vector.shape_cast %get3A_431 : vector<1x1x16xf32> to vector<16xf32>
      %add3A_433 = arith.addf %add3A_397, %get3A_432 : vector<16xf32>
      %add3A_434 = arith.constant 5 : i32
      %add3A_435 = arith.addi %mul3A_254, %add3A_434 : i32
      %get3A_436 = arith.constant 1 : i32
      %get3A_437 = arith.index_cast %get3A_436 : i32 to index
      %get3A_438 = arith.index_cast %add3A_435 : i32 to index
      %get3A_439 = arith.constant 0 : index
      %get3A_440 = tpu.vector_load %arg6[%get3A_437, %get3A_438, %get3A_439] {strides = array<i32>} : memref<4x200x64xf32, #tpu.memory_space<vmem>>, vector<1x1x16xf32>,
      %get3A_441 = vector.shape_cast %get3A_440 : vector<1x1x16xf32> to vector<16xf32>
      %add3A_442 = arith.addf %add3A_406, %get3A_441 : vector<16xf32>
      %add3A_443 = arith.constant 5 : i32
      %add3A_444 = arith.addi %mul3A_254, %add3A_443 : i32
      %get3A_445 = arith.constant 1 : i32
      %get3A_446 = arith.index_cast %get3A_445 : i32 to index
      %get3A_447 = arith.index_cast %add3A_444 : i32 to index
      %get3A_448 = arith.constant 16 : index
      %get3A_449 = tpu.vector_load %arg6[%get3A_446, %get3A_447, %get3A_448] {strides = array<i32>} : memref<4x200x64xf32, #tpu.memory_space<vmem>>, vector<1x1x16xf32>,
      %get3A_450 = vector.shape_cast %get3A_449 : vector<1x1x16xf32> to vector<16xf32>
      %add3A_451 = arith.addf %add3A_415, %get3A_450 : vector<16xf32>
      %add3A_452 = arith.constant 5 : i32
      %add3A_453 = arith.addi %mul3A_254, %add3A_452 : i32
      %get3A_454 = arith.constant 1 : i32
      %get3A_455 = arith.index_cast %get3A_454 : i32 to index
      %get3A_456 = arith.index_cast %add3A_453 : i32 to index
      %get3A_457 = arith.constant 32 : index
      %get3A_458 = tpu.vector_load %arg6[%get3A_455, %get3A_456, %get3A_457] {strides = array<i32>} : memref<4x200x64xf32, #tpu.memory_space<vmem>>, vector<1x1x16xf32>,
      %get3A_459 = vector.shape_cast %get3A_458 : vector<1x1x16xf32> to vector<16xf32>
      %add3A_460 = arith.addf %add3A_424, %get3A_459 : vector<16xf32>
      %add3A_461 = arith.constant 5 : i32
      %add3A_462 = arith.addi %mul3A_254, %add3A_461 : i32
      %get3A_463 = arith.constant 1 : i32
      %get3A_464 = arith.index_cast %get3A_463 : i32 to index
      %get3A_465 = arith.index_cast %add3A_462 : i32 to index
      %get3A_466 = arith.constant 48 : index
      %get3A_467 = tpu.vector_load %arg6[%get3A_464, %get3A_465, %get3A_466] {strides = array<i32>} : memref<4x200x64xf32, #tpu.memory_space<vmem>>, vector<1x1x16xf32>,
      %get3A_468 = vector.shape_cast %get3A_467 : vector<1x1x16xf32> to vector<16xf32>
      %add3A_469 = arith.addf %add3A_433, %get3A_468 : vector<16xf32>
      %add3A_470 = arith.constant 6 : i32
      %add3A_471 = arith.addi %mul3A_254, %add3A_470 : i32
      %get3A_472 = arith.constant 1 : i32
      %get3A_473 = arith.index_cast %get3A_472 : i32 to index
      %get3A_474 = arith.index_cast %add3A_471 : i32 to index
      %get3A_475 = arith.constant 0 : index
      %get3A_476 = tpu.vector_load %arg6[%get3A_473, %get3A_474, %get3A_475] {strides = array<i32>} : memref<4x200x64xf32, #tpu.memory_space<vmem>>, vector<1x1x16xf32>,
      %get3A_477 = vector.shape_cast %get3A_476 : vector<1x1x16xf32> to vector<16xf32>
      %add3A_478 = arith.addf %add3A_442, %get3A_477 : vector<16xf32>
      %add3A_479 = arith.constant 6 : i32
      %add3A_480 = arith.addi %mul3A_254, %add3A_479 : i32
      %get3A_481 = arith.constant 1 : i32
      %get3A_482 = arith.index_cast %get3A_481 : i32 to index
      %get3A_483 = arith.index_cast %add3A_480 : i32 to index
      %get3A_484 = arith.constant 16 : index
      %get3A_485 = tpu.vector_load %arg6[%get3A_482, %get3A_483, %get3A_484] {strides = array<i32>} : memref<4x200x64xf32, #tpu.memory_space<vmem>>, vector<1x1x16xf32>,
      %get3A_486 = vector.shape_cast %get3A_485 : vector<1x1x16xf32> to vector<16xf32>
      %add3A_487 = arith.addf %add3A_451, %get3A_486 : vector<16xf32>
      %add3A_488 = arith.constant 6 : i32
      %add3A_489 = arith.addi %mul3A_254, %add3A_488 : i32
      %get3A_490 = arith.constant 1 : i32
      %get3A_491 = arith.index_cast %get3A_490 : i32 to index
      %get3A_492 = arith.index_cast %add3A_489 : i32 to index
      %get3A_493 = arith.constant 32 : index
      %get3A_494 = tpu.vector_load %arg6[%get3A_491, %get3A_492, %get3A_493] {strides = array<i32>} : memref<4x200x64xf32, #tpu.memory_space<vmem>>, vector<1x1x16xf32>,
      %get3A_495 = vector.shape_cast %get3A_494 : vector<1x1x16xf32> to vector<16xf32>
      %add3A_496 = arith.addf %add3A_460, %get3A_495 : vector<16xf32>
      %add3A_497 = arith.constant 6 : i32
      %add3A_498 = arith.addi %mul3A_254, %add3A_497 : i32
      %get3A_499 = arith.constant 1 : i32
      %get3A_500 = arith.index_cast %get3A_499 : i32 to index
      %get3A_501 = arith.index_cast %add3A_498 : i32 to index
      %get3A_502 = arith.constant 48 : index
      %get3A_503 = tpu.vector_load %arg6[%get3A_500, %get3A_501, %get3A_502] {strides = array<i32>} : memref<4x200x64xf32, #tpu.memory_space<vmem>>, vector<1x1x16xf32>,
      %get3A_504 = vector.shape_cast %get3A_503 : vector<1x1x16xf32> to vector<16xf32>
      %add3A_505 = arith.addf %add3A_469, %get3A_504 : vector<16xf32>
      %add3A_506 = arith.constant 7 : i32
      %add3A_507 = arith.addi %mul3A_254, %add3A_506 : i32
      %get3A_508 = arith.constant 1 : i32
      %get3A_509 = arith.index_cast %get3A_508 : i32 to index
      %get3A_510 = arith.index_cast %add3A_507 : i32 to index
      %get3A_511 = arith.constant 0 : index
      %get3A_512 = tpu.vector_load %arg6[%get3A_509, %get3A_510, %get3A_511] {strides = array<i32>} : memref<4x200x64xf32, #tpu.memory_space<vmem>>, vector<1x1x16xf32>,
      %get3A_513 = vector.shape_cast %get3A_512 : vector<1x1x16xf32> to vector<16xf32>
      %add3A_514 = arith.addf %add3A_478, %get3A_513 : vector<16xf32>
      %add3A_515 = arith.constant 7 : i32
      %add3A_516 = arith.addi %mul3A_254, %add3A_515 : i32
      %get3A_517 = arith.constant 1 : i32
      %get3A_518 = arith.index_cast %get3A_517 : i32 to index
      %get3A_519 = arith.index_cast %add3A_516 : i32 to index
      %get3A_520 = arith.constant 16 : index
      %get3A_521 = tpu.vector_load %arg6[%get3A_518, %get3A_519, %get3A_520] {strides = array<i32>} : memref<4x200x64xf32, #tpu.memory_space<vmem>>, vector<1x1x16xf32>,
      %get3A_522 = vector.shape_cast %get3A_521 : vector<1x1x16xf32> to vector<16xf32>
      %add3A_523 = arith.addf %add3A_487, %get3A_522 : vector<16xf32>
      %add3A_524 = arith.constant 7 : i32
      %add3A_525 = arith.addi %mul3A_254, %add3A_524 : i32
      %get3A_526 = arith.constant 1 : i32
      %get3A_527 = arith.index_cast %get3A_526 : i32 to index
      %get3A_528 = arith.index_cast %add3A_525 : i32 to index
      %get3A_529 = arith.constant 32 : index
      %get3A_530 = tpu.vector_load %arg6[%get3A_527, %get3A_528, %get3A_529] {strides = array<i32>} : memref<4x200x64xf32, #tpu.memory_space<vmem>>, vector<1x1x16xf32>,
      %get3A_531 = vector.shape_cast %get3A_530 : vector<1x1x16xf32> to vector<16xf32>
      %add3A_532 = arith.addf %add3A_496, %get3A_531 : vector<16xf32>
      %add3A_533 = arith.constant 7 : i32
      %add3A_534 = arith.addi %mul3A_254, %add3A_533 : i32
      %get3A_535 = arith.constant 1 : i32
      %get3A_536 = arith.index_cast %get3A_535 : i32 to index
      %get3A_537 = arith.index_cast %add3A_534 : i32 to index
      %get3A_538 = arith.constant 48 : index
      %get3A_539 = tpu.vector_load %arg6[%get3A_536, %get3A_537, %get3A_538] {strides = array<i32>} : memref<4x200x64xf32, #tpu.memory_space<vmem>>, vector<1x1x16xf32>,
      %get3A_540 = vector.shape_cast %get3A_539 : vector<1x1x16xf32> to vector<16xf32>
      %add3A_541 = arith.addf %add3A_505, %get3A_540 : vector<16xf32>
      scf.yield %add3A_514, %add3A_523, %add3A_532, %add3A_541 : vector<16xf32>, vector<16xf32>, vector<16xf32>, vector<16xf32>
    }
    %scan3A_151 = arith.constant 25 : i32
    %swap3A_152 = arith.constant 8000 : index
    %swap3A_153 = tpu.vector_load %arg7[%swap3A_152] {strides = array<i32>} : memref<8192xf32, #tpu.memory_space<vmem>>, vector<16xf32>,
    %swap3A_154 = vector.shape_cast %swap3A_153 : vector<16xf32> to vector<16xf32>
    %swap3A_155 = vector.shape_cast %scan3A_150#0 : vector<16xf32> to vector<16xf32>
    tpu.vector_store %arg7[%swap3A_152], %swap3A_155 {strides = array<i32>} : memref<8192xf32, #tpu.memory_space<vmem>>, vector<16xf32>,
    %swap3A_156 = arith.constant 8016 : index
    %swap3A_157 = tpu.vector_load %arg7[%swap3A_156] {strides = array<i32>} : memref<8192xf32, #tpu.memory_space<vmem>>, vector<16xf32>,
    %swap3A_158 = vector.shape_cast %swap3A_157 : vector<16xf32> to vector<16xf32>
    %swap3A_159 = vector.shape_cast %scan3A_150#1 : vector<16xf32> to vector<16xf32>
    tpu.vector_store %arg7[%swap3A_156], %swap3A_159 {strides = array<i32>} : memref<8192xf32, #tpu.memory_space<vmem>>, vector<16xf32>,
    %swap3A_160 = arith.constant 8032 : index
    %swap3A_161 = tpu.vector_load %arg7[%swap3A_160] {strides = array<i32>} : memref<8192xf32, #tpu.memory_space<vmem>>, vector<16xf32>,
    %swap3A_162 = vector.shape_cast %swap3A_161 : vector<16xf32> to vector<16xf32>
    %swap3A_163 = vector.shape_cast %scan3A_150#2 : vector<16xf32> to vector<16xf32>
    tpu.vector_store %arg7[%swap3A_160], %swap3A_163 {strides = array<i32>} : memref<8192xf32, #tpu.memory_space<vmem>>, vector<16xf32>,
    %swap3A_164 = arith.constant 8048 : index
    %swap3A_165 = tpu.vector_load %arg7[%swap3A_164] {strides = array<i32>} : memref<8192xf32, #tpu.memory_space<vmem>>, vector<16xf32>,
    %swap3A_166 = vector.shape_cast %swap3A_165 : vector<16xf32> to vector<16xf32>
    %swap3A_167 = vector.shape_cast %scan3A_150#3 : vector<16xf32> to vector<16xf32>
    tpu.vector_store %arg7[%swap3A_164], %swap3A_167 {strides = array<i32>} : memref<8192xf32, #tpu.memory_space<vmem>>, vector<16xf32>,
    %dma_wait3A_168 = arith.constant 2 : i32
    %dma_wait3A_169 = arith.constant 0 : i32
    %dma_wait3A_170 = arith.constant 0 : i32
    %dma_wait3A_171 = tpu.memref_slice %arg6[%dma_wait3A_168, %dma_wait3A_169, %dma_wait3A_170] : memref<4x200x64xf32, #tpu.memory_space<vmem>> -> memref<1x200x64xf32, #tpu.memory_space<vmem>>
    %dma_wait3A_172 = tpu.memref_squeeze %dma_wait3A_171 : memref<1x200x64xf32, #tpu.memory_space<vmem>> -> memref<200x64xf32, #tpu.memory_space<vmem>>
    %dma_wait3A_173 = arith.constant 0 : i32
    %dma_wait3A_174 = arith.constant 0 : i32
    %dma_wait3A_175 = tpu.memref_slice %arg3[%dma_wait3A_173, %dma_wait3A_174] : memref<1007616x64xf32, #tpu.memory_space<hbm>> -> memref<200x64xf32, #tpu.memory_space<hbm>>
    %dma_wait3A_176 = arith.constant 0 : i32
    %dma_wait3A_177 = arith.constant 0 : i32
    %dma_wait3A_178 = tpu.memref_slice %arg6[%dma_wait3A_168, %dma_wait3A_176, %dma_wait3A_177] : memref<4x200x64xf32, #tpu.memory_space<vmem>> -> memref<1x200x64xf32, #tpu.memory_space<vmem>>
    %dma_wait3A_179 = tpu.memref_squeeze %dma_wait3A_178 : memref<1x200x64xf32, #tpu.memory_space<vmem>> -> memref<200x64xf32, #tpu.memory_space<vmem>>
    %dma_wait3A_180 = arith.constant 0 : i32
    %dma_wait3A_181 = arith.constant 0 : i32
    %dma_wait3A_182 = tpu.memref_slice %arg3[%dma_wait3A_180, %dma_wait3A_181] : memref<1007616x64xf32, #tpu.memory_space<hbm>> -> memref<200x64xf32, #tpu.memory_space<hbm>>
    tpu.wait_dma2 semaphore(%arg10 : memref<!tpu.dma_semaphore, #tpu.memory_space<semaphore_mem>>) src(%dma_wait3A_182 : memref<200x64xf32, #tpu.memory_space<hbm>>) dst(%dma_wait3A_179 : memref<200x64xf32, #tpu.memory_space<vmem>>)
    %broadcast_in_dim3A_183 = arith.constant 0.000000e+00 : f32
    %broadcast_in_dim3A_184 = vector.broadcast %broadcast_in_dim3A_183 : f32 to vector<16xf32>
    %scan3A_185 = arith.constant 0 : i32
    %scan3A_186 = arith.constant 25 : i32
    %scan3A_187 = arith.addi %scan3A_185, %scan3A_186 : i32
    %scan3A_188 = arith.constant 1 : i32
    %scan3A_189:4 = scf.for %scan3A_248 = %scan3A_185 to %scan3A_187 step %scan3A_188 iter_args(%scan3A_249 = %broadcast_in_dim3A_184, %scan3A_250 = %broadcast_in_dim3A_184, %scan3A_251 = %broadcast_in_dim3A_184, %scan3A_252 = %broadcast_in_dim3A_184) -> (vector<16xf32>, vector<16xf32>, vector<16xf32>, vector<16xf32>)  : i32 {
      %mul3A_253 = arith.constant 8 : i32
      %mul3A_254 = arith.muli %scan3A_248, %mul3A_253 : i32
      %add3A_255 = arith.constant 0 : i32
      %add3A_256 = arith.addi %mul3A_254, %add3A_255 : i32
      %get3A = arith.constant 2 : i32
      %get3A_257 = arith.index_cast %get3A : i32 to index
      %get3A_258 = arith.index_cast %add3A_256 : i32 to index
      %get3A_259 = arith.constant 0 : index
      %get3A_260 = tpu.vector_load %arg6[%get3A_257, %get3A_258, %get3A_259] {strides = array<i32>} : memref<4x200x64xf32, #tpu.memory_space<vmem>>, vector<1x1x16xf32>,
      %get3A_261 = vector.shape_cast %get3A_260 : vector<1x1x16xf32> to vector<16xf32>
      %add3A_262 = arith.addf %scan3A_249, %get3A_261 : vector<16xf32>
      %add3A_263 = arith.constant 0 : i32
      %add3A_264 = arith.addi %mul3A_254, %add3A_263 : i32
      %get3A_265 = arith.constant 2 : i32
      %get3A_266 = arith.index_cast %get3A_265 : i32 to index
      %get3A_267 = arith.index_cast %add3A_264 : i32 to index
      %get3A_268 = arith.constant 16 : index
      %get3A_269 = tpu.vector_load %arg6[%get3A_266, %get3A_267, %get3A_268] {strides = array<i32>} : memref<4x200x64xf32, #tpu.memory_space<vmem>>, vector<1x1x16xf32>,
      %get3A_270 = vector.shape_cast %get3A_269 : vector<1x1x16xf32> to vector<16xf32>
      %add3A_271 = arith.addf %scan3A_250, %get3A_270 : vector<16xf32>
      %add3A_272 = arith.constant 0 : i32
      %add3A_273 = arith.addi %mul3A_254, %add3A_272 : i32
      %get3A_274 = arith.constant 2 : i32
      %get3A_275 = arith.index_cast %get3A_274 : i32 to index
      %get3A_276 = arith.index_cast %add3A_273 : i32 to index
      %get3A_277 = arith.constant 32 : index
      %get3A_278 = tpu.vector_load %arg6[%get3A_275, %get3A_276, %get3A_277] {strides = array<i32>} : memref<4x200x64xf32, #tpu.memory_space<vmem>>, vector<1x1x16xf32>,
      %get3A_279 = vector.shape_cast %get3A_278 : vector<1x1x16xf32> to vector<16xf32>
      %add3A_280 = arith.addf %scan3A_251, %get3A_279 : vector<16xf32>
      %add3A_281 = arith.constant 0 : i32
      %add3A_282 = arith.addi %mul3A_254, %add3A_281 : i32
      %get3A_283 = arith.constant 2 : i32
      %get3A_284 = arith.index_cast %get3A_283 : i32 to index
      %get3A_285 = arith.index_cast %add3A_282 : i32 to index
      %get3A_286 = arith.constant 48 : index
      %get3A_287 = tpu.vector_load %arg6[%get3A_284, %get3A_285, %get3A_286] {strides = array<i32>} : memref<4x200x64xf32, #tpu.memory_space<vmem>>, vector<1x1x16xf32>,
      %get3A_288 = vector.shape_cast %get3A_287 : vector<1x1x16xf32> to vector<16xf32>
      %add3A_289 = arith.addf %scan3A_252, %get3A_288 : vector<16xf32>
      %add3A_290 = arith.constant 1 : i32
      %add3A_291 = arith.addi %mul3A_254, %add3A_290 : i32
      %get3A_292 = arith.constant 2 : i32
      %get3A_293 = arith.index_cast %get3A_292 : i32 to index
      %get3A_294 = arith.index_cast %add3A_291 : i32 to index
      %get3A_295 = arith.constant 0 : index
      %get3A_296 = tpu.vector_load %arg6[%get3A_293, %get3A_294, %get3A_295] {strides = array<i32>} : memref<4x200x64xf32, #tpu.memory_space<vmem>>, vector<1x1x16xf32>,
      %get3A_297 = vector.shape_cast %get3A_296 : vector<1x1x16xf32> to vector<16xf32>
      %add3A_298 = arith.addf %add3A_262, %get3A_297 : vector<16xf32>
      %add3A_299 = arith.constant 1 : i32
      %add3A_300 = arith.addi %mul3A_254, %add3A_299 : i32
      %get3A_301 = arith.constant 2 : i32
      %get3A_302 = arith.index_cast %get3A_301 : i32 to index
      %get3A_303 = arith.index_cast %add3A_300 : i32 to index
      %get3A_304 = arith.constant 16 : index
      %get3A_305 = tpu.vector_load %arg6[%get3A_302, %get3A_303, %get3A_304] {strides = array<i32>} : memref<4x200x64xf32, #tpu.memory_space<vmem>>, vector<1x1x16xf32>,
      %get3A_306 = vector.shape_cast %get3A_305 : vector<1x1x16xf32> to vector<16xf32>
      %add3A_307 = arith.addf %add3A_271, %get3A_306 : vector<16xf32>
      %add3A_308 = arith.constant 1 : i32
      %add3A_309 = arith.addi %mul3A_254, %add3A_308 : i32
      %get3A_310 = arith.constant 2 : i32
      %get3A_311 = arith.index_cast %get3A_310 : i32 to index
      %get3A_312 = arith.index_cast %add3A_309 : i32 to index
      %get3A_313 = arith.constant 32 : index
      %get3A_314 = tpu.vector_load %arg6[%get3A_311, %get3A_312, %get3A_313] {strides = array<i32>} : memref<4x200x64xf32, #tpu.memory_space<vmem>>, vector<1x1x16xf32>,
      %get3A_315 = vector.shape_cast %get3A_314 : vector<1x1x16xf32> to vector<16xf32>
      %add3A_316 = arith.addf %add3A_280, %get3A_315 : vector<16xf32>
      %add3A_317 = arith.constant 1 : i32
      %add3A_318 = arith.addi %mul3A_254, %add3A_317 : i32
      %get3A_319 = arith.constant 2 : i32
      %get3A_320 = arith.index_cast %get3A_319 : i32 to index
      %get3A_321 = arith.index_cast %add3A_318 : i32 to index
      %get3A_322 = arith.constant 48 : index
      %get3A_323 = tpu.vector_load %arg6[%get3A_320, %get3A_321, %get3A_322] {strides = array<i32>} : memref<4x200x64xf32, #tpu.memory_space<vmem>>, vector<1x1x16xf32>,
      %get3A_324 = vector.shape_cast %get3A_323 : vector<1x1x16xf32> to vector<16xf32>
      %add3A_325 = arith.addf %add3A_289, %get3A_324 : vector<16xf32>
      %add3A_326 = arith.constant 2 : i32
      %add3A_327 = arith.addi %mul3A_254, %add3A_326 : i32
      %get3A_328 = arith.constant 2 : i32
      %get3A_329 = arith.index_cast %get3A_328 : i32 to index
      %get3A_330 = arith.index_cast %add3A_327 : i32 to index
      %get3A_331 = arith.constant 0 : index
      %get3A_332 = tpu.vector_load %arg6[%get3A_329, %get3A_330, %get3A_331] {strides = array<i32>} : memref<4x200x64xf32, #tpu.memory_space<vmem>>, vector<1x1x16xf32>,
      %get3A_333 = vector.shape_cast %get3A_332 : vector<1x1x16xf32> to vector<16xf32>
      %add3A_334 = arith.addf %add3A_298, %get3A_333 : vector<16xf32>
      %add3A_335 = arith.constant 2 : i32
      %add3A_336 = arith.addi %mul3A_254, %add3A_335 : i32
      %get3A_337 = arith.constant 2 : i32
      %get3A_338 = arith.index_cast %get3A_337 : i32 to index
      %get3A_339 = arith.index_cast %add3A_336 : i32 to index
      %get3A_340 = arith.constant 16 : index
      %get3A_341 = tpu.vector_load %arg6[%get3A_338, %get3A_339, %get3A_340] {strides = array<i32>} : memref<4x200x64xf32, #tpu.memory_space<vmem>>, vector<1x1x16xf32>,
      %get3A_342 = vector.shape_cast %get3A_341 : vector<1x1x16xf32> to vector<16xf32>
      %add3A_343 = arith.addf %add3A_307, %get3A_342 : vector<16xf32>
      %add3A_344 = arith.constant 2 : i32
      %add3A_345 = arith.addi %mul3A_254, %add3A_344 : i32
      %get3A_346 = arith.constant 2 : i32
      %get3A_347 = arith.index_cast %get3A_346 : i32 to index
      %get3A_348 = arith.index_cast %add3A_345 : i32 to index
      %get3A_349 = arith.constant 32 : index
      %get3A_350 = tpu.vector_load %arg6[%get3A_347, %get3A_348, %get3A_349] {strides = array<i32>} : memref<4x200x64xf32, #tpu.memory_space<vmem>>, vector<1x1x16xf32>,
      %get3A_351 = vector.shape_cast %get3A_350 : vector<1x1x16xf32> to vector<16xf32>
      %add3A_352 = arith.addf %add3A_316, %get3A_351 : vector<16xf32>
      %add3A_353 = arith.constant 2 : i32
      %add3A_354 = arith.addi %mul3A_254, %add3A_353 : i32
      %get3A_355 = arith.constant 2 : i32
      %get3A_356 = arith.index_cast %get3A_355 : i32 to index
      %get3A_357 = arith.index_cast %add3A_354 : i32 to index
      %get3A_358 = arith.constant 48 : index
      %get3A_359 = tpu.vector_load %arg6[%get3A_356, %get3A_357, %get3A_358] {strides = array<i32>} : memref<4x200x64xf32, #tpu.memory_space<vmem>>, vector<1x1x16xf32>,
      %get3A_360 = vector.shape_cast %get3A_359 : vector<1x1x16xf32> to vector<16xf32>
      %add3A_361 = arith.addf %add3A_325, %get3A_360 : vector<16xf32>
      %add3A_362 = arith.constant 3 : i32
      %add3A_363 = arith.addi %mul3A_254, %add3A_362 : i32
      %get3A_364 = arith.constant 2 : i32
      %get3A_365 = arith.index_cast %get3A_364 : i32 to index
      %get3A_366 = arith.index_cast %add3A_363 : i32 to index
      %get3A_367 = arith.constant 0 : index
      %get3A_368 = tpu.vector_load %arg6[%get3A_365, %get3A_366, %get3A_367] {strides = array<i32>} : memref<4x200x64xf32, #tpu.memory_space<vmem>>, vector<1x1x16xf32>,
      %get3A_369 = vector.shape_cast %get3A_368 : vector<1x1x16xf32> to vector<16xf32>
      %add3A_370 = arith.addf %add3A_334, %get3A_369 : vector<16xf32>
      %add3A_371 = arith.constant 3 : i32
      %add3A_372 = arith.addi %mul3A_254, %add3A_371 : i32
      %get3A_373 = arith.constant 2 : i32
      %get3A_374 = arith.index_cast %get3A_373 : i32 to index
      %get3A_375 = arith.index_cast %add3A_372 : i32 to index
      %get3A_376 = arith.constant 16 : index
      %get3A_377 = tpu.vector_load %arg6[%get3A_374, %get3A_375, %get3A_376] {strides = array<i32>} : memref<4x200x64xf32, #tpu.memory_space<vmem>>, vector<1x1x16xf32>,
      %get3A_378 = vector.shape_cast %get3A_377 : vector<1x1x16xf32> to vector<16xf32>
      %add3A_379 = arith.addf %add3A_343, %get3A_378 : vector<16xf32>
      %add3A_380 = arith.constant 3 : i32
      %add3A_381 = arith.addi %mul3A_254, %add3A_380 : i32
      %get3A_382 = arith.constant 2 : i32
      %get3A_383 = arith.index_cast %get3A_382 : i32 to index
      %get3A_384 = arith.index_cast %add3A_381 : i32 to index
      %get3A_385 = arith.constant 32 : index
      %get3A_386 = tpu.vector_load %arg6[%get3A_383, %get3A_384, %get3A_385] {strides = array<i32>} : memref<4x200x64xf32, #tpu.memory_space<vmem>>, vector<1x1x16xf32>,
      %get3A_387 = vector.shape_cast %get3A_386 : vector<1x1x16xf32> to vector<16xf32>
      %add3A_388 = arith.addf %add3A_352, %get3A_387 : vector<16xf32>
      %add3A_389 = arith.constant 3 : i32
      %add3A_390 = arith.addi %mul3A_254, %add3A_389 : i32
      %get3A_391 = arith.constant 2 : i32
      %get3A_392 = arith.index_cast %get3A_391 : i32 to index
      %get3A_393 = arith.index_cast %add3A_390 : i32 to index
      %get3A_394 = arith.constant 48 : index
      %get3A_395 = tpu.vector_load %arg6[%get3A_392, %get3A_393, %get3A_394] {strides = array<i32>} : memref<4x200x64xf32, #tpu.memory_space<vmem>>, vector<1x1x16xf32>,
      %get3A_396 = vector.shape_cast %get3A_395 : vector<1x1x16xf32> to vector<16xf32>
      %add3A_397 = arith.addf %add3A_361, %get3A_396 : vector<16xf32>
      %add3A_398 = arith.constant 4 : i32
      %add3A_399 = arith.addi %mul3A_254, %add3A_398 : i32
      %get3A_400 = arith.constant 2 : i32
      %get3A_401 = arith.index_cast %get3A_400 : i32 to index
      %get3A_402 = arith.index_cast %add3A_399 : i32 to index
      %get3A_403 = arith.constant 0 : index
      %get3A_404 = tpu.vector_load %arg6[%get3A_401, %get3A_402, %get3A_403] {strides = array<i32>} : memref<4x200x64xf32, #tpu.memory_space<vmem>>, vector<1x1x16xf32>,
      %get3A_405 = vector.shape_cast %get3A_404 : vector<1x1x16xf32> to vector<16xf32>
      %add3A_406 = arith.addf %add3A_370, %get3A_405 : vector<16xf32>
      %add3A_407 = arith.constant 4 : i32
      %add3A_408 = arith.addi %mul3A_254, %add3A_407 : i32
      %get3A_409 = arith.constant 2 : i32
      %get3A_410 = arith.index_cast %get3A_409 : i32 to index
      %get3A_411 = arith.index_cast %add3A_408 : i32 to index
      %get3A_412 = arith.constant 16 : index
      %get3A_413 = tpu.vector_load %arg6[%get3A_410, %get3A_411, %get3A_412] {strides = array<i32>} : memref<4x200x64xf32, #tpu.memory_space<vmem>>, vector<1x1x16xf32>,
      %get3A_414 = vector.shape_cast %get3A_413 : vector<1x1x16xf32> to vector<16xf32>
      %add3A_415 = arith.addf %add3A_379, %get3A_414 : vector<16xf32>
      %add3A_416 = arith.constant 4 : i32
      %add3A_417 = arith.addi %mul3A_254, %add3A_416 : i32
      %get3A_418 = arith.constant 2 : i32
      %get3A_419 = arith.index_cast %get3A_418 : i32 to index
      %get3A_420 = arith.index_cast %add3A_417 : i32 to index
      %get3A_421 = arith.constant 32 : index
      %get3A_422 = tpu.vector_load %arg6[%get3A_419, %get3A_420, %get3A_421] {strides = array<i32>} : memref<4x200x64xf32, #tpu.memory_space<vmem>>, vector<1x1x16xf32>,
      %get3A_423 = vector.shape_cast %get3A_422 : vector<1x1x16xf32> to vector<16xf32>
      %add3A_424 = arith.addf %add3A_388, %get3A_423 : vector<16xf32>
      %add3A_425 = arith.constant 4 : i32
      %add3A_426 = arith.addi %mul3A_254, %add3A_425 : i32
      %get3A_427 = arith.constant 2 : i32
      %get3A_428 = arith.index_cast %get3A_427 : i32 to index
      %get3A_429 = arith.index_cast %add3A_426 : i32 to index
      %get3A_430 = arith.constant 48 : index
      %get3A_431 = tpu.vector_load %arg6[%get3A_428, %get3A_429, %get3A_430] {strides = array<i32>} : memref<4x200x64xf32, #tpu.memory_space<vmem>>, vector<1x1x16xf32>,
      %get3A_432 = vector.shape_cast %get3A_431 : vector<1x1x16xf32> to vector<16xf32>
      %add3A_433 = arith.addf %add3A_397, %get3A_432 : vector<16xf32>
      %add3A_434 = arith.constant 5 : i32
      %add3A_435 = arith.addi %mul3A_254, %add3A_434 : i32
      %get3A_436 = arith.constant 2 : i32
      %get3A_437 = arith.index_cast %get3A_436 : i32 to index
      %get3A_438 = arith.index_cast %add3A_435 : i32 to index
      %get3A_439 = arith.constant 0 : index
      %get3A_440 = tpu.vector_load %arg6[%get3A_437, %get3A_438, %get3A_439] {strides = array<i32>} : memref<4x200x64xf32, #tpu.memory_space<vmem>>, vector<1x1x16xf32>,
      %get3A_441 = vector.shape_cast %get3A_440 : vector<1x1x16xf32> to vector<16xf32>
      %add3A_442 = arith.addf %add3A_406, %get3A_441 : vector<16xf32>
      %add3A_443 = arith.constant 5 : i32
      %add3A_444 = arith.addi %mul3A_254, %add3A_443 : i32
      %get3A_445 = arith.constant 2 : i32
      %get3A_446 = arith.index_cast %get3A_445 : i32 to index
      %get3A_447 = arith.index_cast %add3A_444 : i32 to index
      %get3A_448 = arith.constant 16 : index
      %get3A_449 = tpu.vector_load %arg6[%get3A_446, %get3A_447, %get3A_448] {strides = array<i32>} : memref<4x200x64xf32, #tpu.memory_space<vmem>>, vector<1x1x16xf32>,
      %get3A_450 = vector.shape_cast %get3A_449 : vector<1x1x16xf32> to vector<16xf32>
      %add3A_451 = arith.addf %add3A_415, %get3A_450 : vector<16xf32>
      %add3A_452 = arith.constant 5 : i32
      %add3A_453 = arith.addi %mul3A_254, %add3A_452 : i32
      %get3A_454 = arith.constant 2 : i32
      %get3A_455 = arith.index_cast %get3A_454 : i32 to index
      %get3A_456 = arith.index_cast %add3A_453 : i32 to index
      %get3A_457 = arith.constant 32 : index
      %get3A_458 = tpu.vector_load %arg6[%get3A_455, %get3A_456, %get3A_457] {strides = array<i32>} : memref<4x200x64xf32, #tpu.memory_space<vmem>>, vector<1x1x16xf32>,
      %get3A_459 = vector.shape_cast %get3A_458 : vector<1x1x16xf32> to vector<16xf32>
      %add3A_460 = arith.addf %add3A_424, %get3A_459 : vector<16xf32>
      %add3A_461 = arith.constant 5 : i32
      %add3A_462 = arith.addi %mul3A_254, %add3A_461 : i32
      %get3A_463 = arith.constant 2 : i32
      %get3A_464 = arith.index_cast %get3A_463 : i32 to index
      %get3A_465 = arith.index_cast %add3A_462 : i32 to index
      %get3A_466 = arith.constant 48 : index
      %get3A_467 = tpu.vector_load %arg6[%get3A_464, %get3A_465, %get3A_466] {strides = array<i32>} : memref<4x200x64xf32, #tpu.memory_space<vmem>>, vector<1x1x16xf32>,
      %get3A_468 = vector.shape_cast %get3A_467 : vector<1x1x16xf32> to vector<16xf32>
      %add3A_469 = arith.addf %add3A_433, %get3A_468 : vector<16xf32>
      %add3A_470 = arith.constant 6 : i32
      %add3A_471 = arith.addi %mul3A_254, %add3A_470 : i32
      %get3A_472 = arith.constant 2 : i32
      %get3A_473 = arith.index_cast %get3A_472 : i32 to index
      %get3A_474 = arith.index_cast %add3A_471 : i32 to index
      %get3A_475 = arith.constant 0 : index
      %get3A_476 = tpu.vector_load %arg6[%get3A_473, %get3A_474, %get3A_475] {strides = array<i32>} : memref<4x200x64xf32, #tpu.memory_space<vmem>>, vector<1x1x16xf32>,
      %get3A_477 = vector.shape_cast %get3A_476 : vector<1x1x16xf32> to vector<16xf32>
      %add3A_478 = arith.addf %add3A_442, %get3A_477 : vector<16xf32>
      %add3A_479 = arith.constant 6 : i32
      %add3A_480 = arith.addi %mul3A_254, %add3A_479 : i32
      %get3A_481 = arith.constant 2 : i32
      %get3A_482 = arith.index_cast %get3A_481 : i32 to index
      %get3A_483 = arith.index_cast %add3A_480 : i32 to index
      %get3A_484 = arith.constant 16 : index
      %get3A_485 = tpu.vector_load %arg6[%get3A_482, %get3A_483, %get3A_484] {strides = array<i32>} : memref<4x200x64xf32, #tpu.memory_space<vmem>>, vector<1x1x16xf32>,
      %get3A_486 = vector.shape_cast %get3A_485 : vector<1x1x16xf32> to vector<16xf32>
      %add3A_487 = arith.addf %add3A_451, %get3A_486 : vector<16xf32>
      %add3A_488 = arith.constant 6 : i32
      %add3A_489 = arith.addi %mul3A_254, %add3A_488 : i32
      %get3A_490 = arith.constant 2 : i32
      %get3A_491 = arith.index_cast %get3A_490 : i32 to index
      %get3A_492 = arith.index_cast %add3A_489 : i32 to index
      %get3A_493 = arith.constant 32 : index
      %get3A_494 = tpu.vector_load %arg6[%get3A_491, %get3A_492, %get3A_493] {strides = array<i32>} : memref<4x200x64xf32, #tpu.memory_space<vmem>>, vector<1x1x16xf32>,
      %get3A_495 = vector.shape_cast %get3A_494 : vector<1x1x16xf32> to vector<16xf32>
      %add3A_496 = arith.addf %add3A_460, %get3A_495 : vector<16xf32>
      %add3A_497 = arith.constant 6 : i32
      %add3A_498 = arith.addi %mul3A_254, %add3A_497 : i32
      %get3A_499 = arith.constant 2 : i32
      %get3A_500 = arith.index_cast %get3A_499 : i32 to index
      %get3A_501 = arith.index_cast %add3A_498 : i32 to index
      %get3A_502 = arith.constant 48 : index
      %get3A_503 = tpu.vector_load %arg6[%get3A_500, %get3A_501, %get3A_502] {strides = array<i32>} : memref<4x200x64xf32, #tpu.memory_space<vmem>>, vector<1x1x16xf32>,
      %get3A_504 = vector.shape_cast %get3A_503 : vector<1x1x16xf32> to vector<16xf32>
      %add3A_505 = arith.addf %add3A_469, %get3A_504 : vector<16xf32>
      %add3A_506 = arith.constant 7 : i32
      %add3A_507 = arith.addi %mul3A_254, %add3A_506 : i32
      %get3A_508 = arith.constant 2 : i32
      %get3A_509 = arith.index_cast %get3A_508 : i32 to index
      %get3A_510 = arith.index_cast %add3A_507 : i32 to index
      %get3A_511 = arith.constant 0 : index
      %get3A_512 = tpu.vector_load %arg6[%get3A_509, %get3A_510, %get3A_511] {strides = array<i32>} : memref<4x200x64xf32, #tpu.memory_space<vmem>>, vector<1x1x16xf32>,
      %get3A_513 = vector.shape_cast %get3A_512 : vector<1x1x16xf32> to vector<16xf32>
      %add3A_514 = arith.addf %add3A_478, %get3A_513 : vector<16xf32>
      %add3A_515 = arith.constant 7 : i32
      %add3A_516 = arith.addi %mul3A_254, %add3A_515 : i32
      %get3A_517 = arith.constant 2 : i32
      %get3A_518 = arith.index_cast %get3A_517 : i32 to index
      %get3A_519 = arith.index_cast %add3A_516 : i32 to index
      %get3A_520 = arith.constant 16 : index
      %get3A_521 = tpu.vector_load %arg6[%get3A_518, %get3A_519, %get3A_520] {strides = array<i32>} : memref<4x200x64xf32, #tpu.memory_space<vmem>>, vector<1x1x16xf32>,
      %get3A_522 = vector.shape_cast %get3A_521 : vector<1x1x16xf32> to vector<16xf32>
      %add3A_523 = arith.addf %add3A_487, %get3A_522 : vector<16xf32>
      %add3A_524 = arith.constant 7 : i32
      %add3A_525 = arith.addi %mul3A_254, %add3A_524 : i32
      %get3A_526 = arith.constant 2 : i32
      %get3A_527 = arith.index_cast %get3A_526 : i32 to index
      %get3A_528 = arith.index_cast %add3A_525 : i32 to index
      %get3A_529 = arith.constant 32 : index
      %get3A_530 = tpu.vector_load %arg6[%get3A_527, %get3A_528, %get3A_529] {strides = array<i32>} : memref<4x200x64xf32, #tpu.memory_space<vmem>>, vector<1x1x16xf32>,
      %get3A_531 = vector.shape_cast %get3A_530 : vector<1x1x16xf32> to vector<16xf32>
      %add3A_532 = arith.addf %add3A_496, %get3A_531 : vector<16xf32>
      %add3A_533 = arith.constant 7 : i32
      %add3A_534 = arith.addi %mul3A_254, %add3A_533 : i32
      %get3A_535 = arith.constant 2 : i32
      %get3A_536 = arith.index_cast %get3A_535 : i32 to index
      %get3A_537 = arith.index_cast %add3A_534 : i32 to index
      %get3A_538 = arith.constant 48 : index
      %get3A_539 = tpu.vector_load %arg6[%get3A_536, %get3A_537, %get3A_538] {strides = array<i32>} : memref<4x200x64xf32, #tpu.memory_space<vmem>>, vector<1x1x16xf32>,
      %get3A_540 = vector.shape_cast %get3A_539 : vector<1x1x16xf32> to vector<16xf32>
      %add3A_541 = arith.addf %add3A_505, %get3A_540 : vector<16xf32>
      scf.yield %add3A_514, %add3A_523, %add3A_532, %add3A_541 : vector<16xf32>, vector<16xf32>, vector<16xf32>, vector<16xf32>
    }
    %scan3A_190 = arith.constant 25 : i32
    %swap3A_191 = arith.constant 8064 : index
    %swap3A_192 = tpu.vector_load %arg7[%swap3A_191] {strides = array<i32>} : memref<8192xf32, #tpu.memory_space<vmem>>, vector<16xf32>,
    %swap3A_193 = vector.shape_cast %swap3A_192 : vector<16xf32> to vector<16xf32>
    %swap3A_194 = vector.shape_cast %scan3A_189#0 : vector<16xf32> to vector<16xf32>
    tpu.vector_store %arg7[%swap3A_191], %swap3A_194 {strides = array<i32>} : memref<8192xf32, #tpu.memory_space<vmem>>, vector<16xf32>,
    %swap3A_195 = arith.constant 8080 : index
    %swap3A_196 = tpu.vector_load %arg7[%swap3A_195] {strides = array<i32>} : memref<8192xf32, #tpu.memory_space<vmem>>, vector<16xf32>,
    %swap3A_197 = vector.shape_cast %swap3A_196 : vector<16xf32> to vector<16xf32>
    %swap3A_198 = vector.shape_cast %scan3A_189#1 : vector<16xf32> to vector<16xf32>
    tpu.vector_store %arg7[%swap3A_195], %swap3A_198 {strides = array<i32>} : memref<8192xf32, #tpu.memory_space<vmem>>, vector<16xf32>,
    %swap3A_199 = arith.constant 8096 : index
    %swap3A_200 = tpu.vector_load %arg7[%swap3A_199] {strides = array<i32>} : memref<8192xf32, #tpu.memory_space<vmem>>, vector<16xf32>,
    %swap3A_201 = vector.shape_cast %swap3A_200 : vector<16xf32> to vector<16xf32>
    %swap3A_202 = vector.shape_cast %scan3A_189#2 : vector<16xf32> to vector<16xf32>
    tpu.vector_store %arg7[%swap3A_199], %swap3A_202 {strides = array<i32>} : memref<8192xf32, #tpu.memory_space<vmem>>, vector<16xf32>,
    %swap3A_203 = arith.constant 8112 : index
    %swap3A_204 = tpu.vector_load %arg7[%swap3A_203] {strides = array<i32>} : memref<8192xf32, #tpu.memory_space<vmem>>, vector<16xf32>,
    %swap3A_205 = vector.shape_cast %swap3A_204 : vector<16xf32> to vector<16xf32>
    %swap3A_206 = vector.shape_cast %scan3A_189#3 : vector<16xf32> to vector<16xf32>
    tpu.vector_store %arg7[%swap3A_203], %swap3A_206 {strides = array<i32>} : memref<8192xf32, #tpu.memory_space<vmem>>, vector<16xf32>,
    %dma_wait3A_207 = arith.constant 3 : i32
    %dma_wait3A_208 = arith.constant 0 : i32
    %dma_wait3A_209 = arith.constant 0 : i32
    %dma_wait3A_210 = tpu.memref_slice %arg6[%dma_wait3A_207, %dma_wait3A_208, %dma_wait3A_209] : memref<4x200x64xf32, #tpu.memory_space<vmem>> -> memref<1x200x64xf32, #tpu.memory_space<vmem>>
    %dma_wait3A_211 = tpu.memref_squeeze %dma_wait3A_210 : memref<1x200x64xf32, #tpu.memory_space<vmem>> -> memref<200x64xf32, #tpu.memory_space<vmem>>
    %dma_wait3A_212 = arith.constant 0 : i32
    %dma_wait3A_213 = arith.constant 0 : i32
    %dma_wait3A_214 = tpu.memref_slice %arg3[%dma_wait3A_212, %dma_wait3A_213] : memref<1007616x64xf32, #tpu.memory_space<hbm>> -> memref<200x64xf32, #tpu.memory_space<hbm>>
    %dma_wait3A_215 = arith.constant 0 : i32
    %dma_wait3A_216 = arith.constant 0 : i32
    %dma_wait3A_217 = tpu.memref_slice %arg6[%dma_wait3A_207, %dma_wait3A_215, %dma_wait3A_216] : memref<4x200x64xf32, #tpu.memory_space<vmem>> -> memref<1x200x64xf32, #tpu.memory_space<vmem>>
    %dma_wait3A_218 = tpu.memref_squeeze %dma_wait3A_217 : memref<1x200x64xf32, #tpu.memory_space<vmem>> -> memref<200x64xf32, #tpu.memory_space<vmem>>
    %dma_wait3A_219 = arith.constant 0 : i32
    %dma_wait3A_220 = arith.constant 0 : i32
    %dma_wait3A_221 = tpu.memref_slice %arg3[%dma_wait3A_219, %dma_wait3A_220] : memref<1007616x64xf32, #tpu.memory_space<hbm>> -> memref<200x64xf32, #tpu.memory_space<hbm>>
    tpu.wait_dma2 semaphore(%arg11 : memref<!tpu.dma_semaphore, #tpu.memory_space<semaphore_mem>>) src(%dma_wait3A_221 : memref<200x64xf32, #tpu.memory_space<hbm>>) dst(%dma_wait3A_218 : memref<200x64xf32, #tpu.memory_space<vmem>>)
    %broadcast_in_dim3A_222 = arith.constant 0.000000e+00 : f32
    %broadcast_in_dim3A_223 = vector.broadcast %broadcast_in_dim3A_222 : f32 to vector<16xf32>
    %scan3A_224 = arith.constant 0 : i32
    %scan3A_225 = arith.constant 25 : i32
    %scan3A_226 = arith.addi %scan3A_224, %scan3A_225 : i32
    %scan3A_227 = arith.constant 1 : i32
    %scan3A_228:4 = scf.for %scan3A_248 = %scan3A_224 to %scan3A_226 step %scan3A_227 iter_args(%scan3A_249 = %broadcast_in_dim3A_223, %scan3A_250 = %broadcast_in_dim3A_223, %scan3A_251 = %broadcast_in_dim3A_223, %scan3A_252 = %broadcast_in_dim3A_223) -> (vector<16xf32>, vector<16xf32>, vector<16xf32>, vector<16xf32>)  : i32 {
      %mul3A_253 = arith.constant 8 : i32
      %mul3A_254 = arith.muli %scan3A_248, %mul3A_253 : i32
      %add3A_255 = arith.constant 0 : i32
      %add3A_256 = arith.addi %mul3A_254, %add3A_255 : i32
      %get3A = arith.constant 3 : i32
      %get3A_257 = arith.index_cast %get3A : i32 to index
      %get3A_258 = arith.index_cast %add3A_256 : i32 to index
      %get3A_259 = arith.constant 0 : index
      %get3A_260 = tpu.vector_load %arg6[%get3A_257, %get3A_258, %get3A_259] {strides = array<i32>} : memref<4x200x64xf32, #tpu.memory_space<vmem>>, vector<1x1x16xf32>,
      %get3A_261 = vector.shape_cast %get3A_260 : vector<1x1x16xf32> to vector<16xf32>
      %add3A_262 = arith.addf %scan3A_249, %get3A_261 : vector<16xf32>
      %add3A_263 = arith.constant 0 : i32
      %add3A_264 = arith.addi %mul3A_254, %add3A_263 : i32
      %get3A_265 = arith.constant 3 : i32
      %get3A_266 = arith.index_cast %get3A_265 : i32 to index
      %get3A_267 = arith.index_cast %add3A_264 : i32 to index
      %get3A_268 = arith.constant 16 : index
      %get3A_269 = tpu.vector_load %arg6[%get3A_266, %get3A_267, %get3A_268] {strides = array<i32>} : memref<4x200x64xf32, #tpu.memory_space<vmem>>, vector<1x1x16xf32>,
      %get3A_270 = vector.shape_cast %get3A_269 : vector<1x1x16xf32> to vector<16xf32>
      %add3A_271 = arith.addf %scan3A_250, %get3A_270 : vector<16xf32>
      %add3A_272 = arith.constant 0 : i32
      %add3A_273 = arith.addi %mul3A_254, %add3A_272 : i32
      %get3A_274 = arith.constant 3 : i32
      %get3A_275 = arith.index_cast %get3A_274 : i32 to index
      %get3A_276 = arith.index_cast %add3A_273 : i32 to index
      %get3A_277 = arith.constant 32 : index
      %get3A_278 = tpu.vector_load %arg6[%get3A_275, %get3A_276, %get3A_277] {strides = array<i32>} : memref<4x200x64xf32, #tpu.memory_space<vmem>>, vector<1x1x16xf32>,
      %get3A_279 = vector.shape_cast %get3A_278 : vector<1x1x16xf32> to vector<16xf32>
      %add3A_280 = arith.addf %scan3A_251, %get3A_279 : vector<16xf32>
      %add3A_281 = arith.constant 0 : i32
      %add3A_282 = arith.addi %mul3A_254, %add3A_281 : i32
      %get3A_283 = arith.constant 3 : i32
      %get3A_284 = arith.index_cast %get3A_283 : i32 to index
      %get3A_285 = arith.index_cast %add3A_282 : i32 to index
      %get3A_286 = arith.constant 48 : index
      %get3A_287 = tpu.vector_load %arg6[%get3A_284, %get3A_285, %get3A_286] {strides = array<i32>} : memref<4x200x64xf32, #tpu.memory_space<vmem>>, vector<1x1x16xf32>,
      %get3A_288 = vector.shape_cast %get3A_287 : vector<1x1x16xf32> to vector<16xf32>
      %add3A_289 = arith.addf %scan3A_252, %get3A_288 : vector<16xf32>
      %add3A_290 = arith.constant 1 : i32
      %add3A_291 = arith.addi %mul3A_254, %add3A_290 : i32
      %get3A_292 = arith.constant 3 : i32
      %get3A_293 = arith.index_cast %get3A_292 : i32 to index
      %get3A_294 = arith.index_cast %add3A_291 : i32 to index
      %get3A_295 = arith.constant 0 : index
      %get3A_296 = tpu.vector_load %arg6[%get3A_293, %get3A_294, %get3A_295] {strides = array<i32>} : memref<4x200x64xf32, #tpu.memory_space<vmem>>, vector<1x1x16xf32>,
      %get3A_297 = vector.shape_cast %get3A_296 : vector<1x1x16xf32> to vector<16xf32>
      %add3A_298 = arith.addf %add3A_262, %get3A_297 : vector<16xf32>
      %add3A_299 = arith.constant 1 : i32
      %add3A_300 = arith.addi %mul3A_254, %add3A_299 : i32
      %get3A_301 = arith.constant 3 : i32
      %get3A_302 = arith.index_cast %get3A_301 : i32 to index
      %get3A_303 = arith.index_cast %add3A_300 : i32 to index
      %get3A_304 = arith.constant 16 : index
      %get3A_305 = tpu.vector_load %arg6[%get3A_302, %get3A_303, %get3A_304] {strides = array<i32>} : memref<4x200x64xf32, #tpu.memory_space<vmem>>, vector<1x1x16xf32>,
      %get3A_306 = vector.shape_cast %get3A_305 : vector<1x1x16xf32> to vector<16xf32>
      %add3A_307 = arith.addf %add3A_271, %get3A_306 : vector<16xf32>
      %add3A_308 = arith.constant 1 : i32
      %add3A_309 = arith.addi %mul3A_254, %add3A_308 : i32
      %get3A_310 = arith.constant 3 : i32
      %get3A_311 = arith.index_cast %get3A_310 : i32 to index
      %get3A_312 = arith.index_cast %add3A_309 : i32 to index
      %get3A_313 = arith.constant 32 : index
      %get3A_314 = tpu.vector_load %arg6[%get3A_311, %get3A_312, %get3A_313] {strides = array<i32>} : memref<4x200x64xf32, #tpu.memory_space<vmem>>, vector<1x1x16xf32>,
      %get3A_315 = vector.shape_cast %get3A_314 : vector<1x1x16xf32> to vector<16xf32>
      %add3A_316 = arith.addf %add3A_280, %get3A_315 : vector<16xf32>
      %add3A_317 = arith.constant 1 : i32
      %add3A_318 = arith.addi %mul3A_254, %add3A_317 : i32
      %get3A_319 = arith.constant 3 : i32
      %get3A_320 = arith.index_cast %get3A_319 : i32 to index
      %get3A_321 = arith.index_cast %add3A_318 : i32 to index
      %get3A_322 = arith.constant 48 : index
      %get3A_323 = tpu.vector_load %arg6[%get3A_320, %get3A_321, %get3A_322] {strides = array<i32>} : memref<4x200x64xf32, #tpu.memory_space<vmem>>, vector<1x1x16xf32>,
      %get3A_324 = vector.shape_cast %get3A_323 : vector<1x1x16xf32> to vector<16xf32>
      %add3A_325 = arith.addf %add3A_289, %get3A_324 : vector<16xf32>
      %add3A_326 = arith.constant 2 : i32
      %add3A_327 = arith.addi %mul3A_254, %add3A_326 : i32
      %get3A_328 = arith.constant 3 : i32
      %get3A_329 = arith.index_cast %get3A_328 : i32 to index
      %get3A_330 = arith.index_cast %add3A_327 : i32 to index
      %get3A_331 = arith.constant 0 : index
      %get3A_332 = tpu.vector_load %arg6[%get3A_329, %get3A_330, %get3A_331] {strides = array<i32>} : memref<4x200x64xf32, #tpu.memory_space<vmem>>, vector<1x1x16xf32>,
      %get3A_333 = vector.shape_cast %get3A_332 : vector<1x1x16xf32> to vector<16xf32>
      %add3A_334 = arith.addf %add3A_298, %get3A_333 : vector<16xf32>
      %add3A_335 = arith.constant 2 : i32
      %add3A_336 = arith.addi %mul3A_254, %add3A_335 : i32
      %get3A_337 = arith.constant 3 : i32
      %get3A_338 = arith.index_cast %get3A_337 : i32 to index
      %get3A_339 = arith.index_cast %add3A_336 : i32 to index
      %get3A_340 = arith.constant 16 : index
      %get3A_341 = tpu.vector_load %arg6[%get3A_338, %get3A_339, %get3A_340] {strides = array<i32>} : memref<4x200x64xf32, #tpu.memory_space<vmem>>, vector<1x1x16xf32>,
      %get3A_342 = vector.shape_cast %get3A_341 : vector<1x1x16xf32> to vector<16xf32>
      %add3A_343 = arith.addf %add3A_307, %get3A_342 : vector<16xf32>
      %add3A_344 = arith.constant 2 : i32
      %add3A_345 = arith.addi %mul3A_254, %add3A_344 : i32
      %get3A_346 = arith.constant 3 : i32
      %get3A_347 = arith.index_cast %get3A_346 : i32 to index
      %get3A_348 = arith.index_cast %add3A_345 : i32 to index
      %get3A_349 = arith.constant 32 : index
      %get3A_350 = tpu.vector_load %arg6[%get3A_347, %get3A_348, %get3A_349] {strides = array<i32>} : memref<4x200x64xf32, #tpu.memory_space<vmem>>, vector<1x1x16xf32>,
      %get3A_351 = vector.shape_cast %get3A_350 : vector<1x1x16xf32> to vector<16xf32>
      %add3A_352 = arith.addf %add3A_316, %get3A_351 : vector<16xf32>
      %add3A_353 = arith.constant 2 : i32
      %add3A_354 = arith.addi %mul3A_254, %add3A_353 : i32
      %get3A_355 = arith.constant 3 : i32
      %get3A_356 = arith.index_cast %get3A_355 : i32 to index
      %get3A_357 = arith.index_cast %add3A_354 : i32 to index
      %get3A_358 = arith.constant 48 : index
      %get3A_359 = tpu.vector_load %arg6[%get3A_356, %get3A_357, %get3A_358] {strides = array<i32>} : memref<4x200x64xf32, #tpu.memory_space<vmem>>, vector<1x1x16xf32>,
      %get3A_360 = vector.shape_cast %get3A_359 : vector<1x1x16xf32> to vector<16xf32>
      %add3A_361 = arith.addf %add3A_325, %get3A_360 : vector<16xf32>
      %add3A_362 = arith.constant 3 : i32
      %add3A_363 = arith.addi %mul3A_254, %add3A_362 : i32
      %get3A_364 = arith.constant 3 : i32
      %get3A_365 = arith.index_cast %get3A_364 : i32 to index
      %get3A_366 = arith.index_cast %add3A_363 : i32 to index
      %get3A_367 = arith.constant 0 : index
      %get3A_368 = tpu.vector_load %arg6[%get3A_365, %get3A_366, %get3A_367] {strides = array<i32>} : memref<4x200x64xf32, #tpu.memory_space<vmem>>, vector<1x1x16xf32>,
      %get3A_369 = vector.shape_cast %get3A_368 : vector<1x1x16xf32> to vector<16xf32>
      %add3A_370 = arith.addf %add3A_334, %get3A_369 : vector<16xf32>
      %add3A_371 = arith.constant 3 : i32
      %add3A_372 = arith.addi %mul3A_254, %add3A_371 : i32
      %get3A_373 = arith.constant 3 : i32
      %get3A_374 = arith.index_cast %get3A_373 : i32 to index
      %get3A_375 = arith.index_cast %add3A_372 : i32 to index
      %get3A_376 = arith.constant 16 : index
      %get3A_377 = tpu.vector_load %arg6[%get3A_374, %get3A_375, %get3A_376] {strides = array<i32>} : memref<4x200x64xf32, #tpu.memory_space<vmem>>, vector<1x1x16xf32>,
      %get3A_378 = vector.shape_cast %get3A_377 : vector<1x1x16xf32> to vector<16xf32>
      %add3A_379 = arith.addf %add3A_343, %get3A_378 : vector<16xf32>
      %add3A_380 = arith.constant 3 : i32
      %add3A_381 = arith.addi %mul3A_254, %add3A_380 : i32
      %get3A_382 = arith.constant 3 : i32
      %get3A_383 = arith.index_cast %get3A_382 : i32 to index
      %get3A_384 = arith.index_cast %add3A_381 : i32 to index
      %get3A_385 = arith.constant 32 : index
      %get3A_386 = tpu.vector_load %arg6[%get3A_383, %get3A_384, %get3A_385] {strides = array<i32>} : memref<4x200x64xf32, #tpu.memory_space<vmem>>, vector<1x1x16xf32>,
      %get3A_387 = vector.shape_cast %get3A_386 : vector<1x1x16xf32> to vector<16xf32>
      %add3A_388 = arith.addf %add3A_352, %get3A_387 : vector<16xf32>
      %add3A_389 = arith.constant 3 : i32
      %add3A_390 = arith.addi %mul3A_254, %add3A_389 : i32
      %get3A_391 = arith.constant 3 : i32
      %get3A_392 = arith.index_cast %get3A_391 : i32 to index
      %get3A_393 = arith.index_cast %add3A_390 : i32 to index
      %get3A_394 = arith.constant 48 : index
      %get3A_395 = tpu.vector_load %arg6[%get3A_392, %get3A_393, %get3A_394] {strides = array<i32>} : memref<4x200x64xf32, #tpu.memory_space<vmem>>, vector<1x1x16xf32>,
      %get3A_396 = vector.shape_cast %get3A_395 : vector<1x1x16xf32> to vector<16xf32>
      %add3A_397 = arith.addf %add3A_361, %get3A_396 : vector<16xf32>
      %add3A_398 = arith.constant 4 : i32
      %add3A_399 = arith.addi %mul3A_254, %add3A_398 : i32
      %get3A_400 = arith.constant 3 : i32
      %get3A_401 = arith.index_cast %get3A_400 : i32 to index
      %get3A_402 = arith.index_cast %add3A_399 : i32 to index
      %get3A_403 = arith.constant 0 : index
      %get3A_404 = tpu.vector_load %arg6[%get3A_401, %get3A_402, %get3A_403] {strides = array<i32>} : memref<4x200x64xf32, #tpu.memory_space<vmem>>, vector<1x1x16xf32>,
      %get3A_405 = vector.shape_cast %get3A_404 : vector<1x1x16xf32> to vector<16xf32>
      %add3A_406 = arith.addf %add3A_370, %get3A_405 : vector<16xf32>
      %add3A_407 = arith.constant 4 : i32
      %add3A_408 = arith.addi %mul3A_254, %add3A_407 : i32
      %get3A_409 = arith.constant 3 : i32
      %get3A_410 = arith.index_cast %get3A_409 : i32 to index
      %get3A_411 = arith.index_cast %add3A_408 : i32 to index
      %get3A_412 = arith.constant 16 : index
      %get3A_413 = tpu.vector_load %arg6[%get3A_410, %get3A_411, %get3A_412] {strides = array<i32>} : memref<4x200x64xf32, #tpu.memory_space<vmem>>, vector<1x1x16xf32>,
      %get3A_414 = vector.shape_cast %get3A_413 : vector<1x1x16xf32> to vector<16xf32>
      %add3A_415 = arith.addf %add3A_379, %get3A_414 : vector<16xf32>
      %add3A_416 = arith.constant 4 : i32
      %add3A_417 = arith.addi %mul3A_254, %add3A_416 : i32
      %get3A_418 = arith.constant 3 : i32
      %get3A_419 = arith.index_cast %get3A_418 : i32 to index
      %get3A_420 = arith.index_cast %add3A_417 : i32 to index
      %get3A_421 = arith.constant 32 : index
      %get3A_422 = tpu.vector_load %arg6[%get3A_419, %get3A_420, %get3A_421] {strides = array<i32>} : memref<4x200x64xf32, #tpu.memory_space<vmem>>, vector<1x1x16xf32>,
      %get3A_423 = vector.shape_cast %get3A_422 : vector<1x1x16xf32> to vector<16xf32>
      %add3A_424 = arith.addf %add3A_388, %get3A_423 : vector<16xf32>
      %add3A_425 = arith.constant 4 : i32
      %add3A_426 = arith.addi %mul3A_254, %add3A_425 : i32
      %get3A_427 = arith.constant 3 : i32
      %get3A_428 = arith.index_cast %get3A_427 : i32 to index
      %get3A_429 = arith.index_cast %add3A_426 : i32 to index
      %get3A_430 = arith.constant 48 : index
      %get3A_431 = tpu.vector_load %arg6[%get3A_428, %get3A_429, %get3A_430] {strides = array<i32>} : memref<4x200x64xf32, #tpu.memory_space<vmem>>, vector<1x1x16xf32>,
      %get3A_432 = vector.shape_cast %get3A_431 : vector<1x1x16xf32> to vector<16xf32>
      %add3A_433 = arith.addf %add3A_397, %get3A_432 : vector<16xf32>
      %add3A_434 = arith.constant 5 : i32
      %add3A_435 = arith.addi %mul3A_254, %add3A_434 : i32
      %get3A_436 = arith.constant 3 : i32
      %get3A_437 = arith.index_cast %get3A_436 : i32 to index
      %get3A_438 = arith.index_cast %add3A_435 : i32 to index
      %get3A_439 = arith.constant 0 : index
      %get3A_440 = tpu.vector_load %arg6[%get3A_437, %get3A_438, %get3A_439] {strides = array<i32>} : memref<4x200x64xf32, #tpu.memory_space<vmem>>, vector<1x1x16xf32>,
      %get3A_441 = vector.shape_cast %get3A_440 : vector<1x1x16xf32> to vector<16xf32>
      %add3A_442 = arith.addf %add3A_406, %get3A_441 : vector<16xf32>
      %add3A_443 = arith.constant 5 : i32
      %add3A_444 = arith.addi %mul3A_254, %add3A_443 : i32
      %get3A_445 = arith.constant 3 : i32
      %get3A_446 = arith.index_cast %get3A_445 : i32 to index
      %get3A_447 = arith.index_cast %add3A_444 : i32 to index
      %get3A_448 = arith.constant 16 : index
      %get3A_449 = tpu.vector_load %arg6[%get3A_446, %get3A_447, %get3A_448] {strides = array<i32>} : memref<4x200x64xf32, #tpu.memory_space<vmem>>, vector<1x1x16xf32>,
      %get3A_450 = vector.shape_cast %get3A_449 : vector<1x1x16xf32> to vector<16xf32>
      %add3A_451 = arith.addf %add3A_415, %get3A_450 : vector<16xf32>
      %add3A_452 = arith.constant 5 : i32
      %add3A_453 = arith.addi %mul3A_254, %add3A_452 : i32
      %get3A_454 = arith.constant 3 : i32
      %get3A_455 = arith.index_cast %get3A_454 : i32 to index
      %get3A_456 = arith.index_cast %add3A_453 : i32 to index
      %get3A_457 = arith.constant 32 : index
      %get3A_458 = tpu.vector_load %arg6[%get3A_455, %get3A_456, %get3A_457] {strides = array<i32>} : memref<4x200x64xf32, #tpu.memory_space<vmem>>, vector<1x1x16xf32>,
      %get3A_459 = vector.shape_cast %get3A_458 : vector<1x1x16xf32> to vector<16xf32>
      %add3A_460 = arith.addf %add3A_424, %get3A_459 : vector<16xf32>
      %add3A_461 = arith.constant 5 : i32
      %add3A_462 = arith.addi %mul3A_254, %add3A_461 : i32
      %get3A_463 = arith.constant 3 : i32
      %get3A_464 = arith.index_cast %get3A_463 : i32 to index
      %get3A_465 = arith.index_cast %add3A_462 : i32 to index
      %get3A_466 = arith.constant 48 : index
      %get3A_467 = tpu.vector_load %arg6[%get3A_464, %get3A_465, %get3A_466] {strides = array<i32>} : memref<4x200x64xf32, #tpu.memory_space<vmem>>, vector<1x1x16xf32>,
      %get3A_468 = vector.shape_cast %get3A_467 : vector<1x1x16xf32> to vector<16xf32>
      %add3A_469 = arith.addf %add3A_433, %get3A_468 : vector<16xf32>
      %add3A_470 = arith.constant 6 : i32
      %add3A_471 = arith.addi %mul3A_254, %add3A_470 : i32
      %get3A_472 = arith.constant 3 : i32
      %get3A_473 = arith.index_cast %get3A_472 : i32 to index
      %get3A_474 = arith.index_cast %add3A_471 : i32 to index
      %get3A_475 = arith.constant 0 : index
      %get3A_476 = tpu.vector_load %arg6[%get3A_473, %get3A_474, %get3A_475] {strides = array<i32>} : memref<4x200x64xf32, #tpu.memory_space<vmem>>, vector<1x1x16xf32>,
      %get3A_477 = vector.shape_cast %get3A_476 : vector<1x1x16xf32> to vector<16xf32>
      %add3A_478 = arith.addf %add3A_442, %get3A_477 : vector<16xf32>
      %add3A_479 = arith.constant 6 : i32
      %add3A_480 = arith.addi %mul3A_254, %add3A_479 : i32
      %get3A_481 = arith.constant 3 : i32
      %get3A_482 = arith.index_cast %get3A_481 : i32 to index
      %get3A_483 = arith.index_cast %add3A_480 : i32 to index
      %get3A_484 = arith.constant 16 : index
      %get3A_485 = tpu.vector_load %arg6[%get3A_482, %get3A_483, %get3A_484] {strides = array<i32>} : memref<4x200x64xf32, #tpu.memory_space<vmem>>, vector<1x1x16xf32>,
      %get3A_486 = vector.shape_cast %get3A_485 : vector<1x1x16xf32> to vector<16xf32>
      %add3A_487 = arith.addf %add3A_451, %get3A_486 : vector<16xf32>
      %add3A_488 = arith.constant 6 : i32
      %add3A_489 = arith.addi %mul3A_254, %add3A_488 : i32
      %get3A_490 = arith.constant 3 : i32
      %get3A_491 = arith.index_cast %get3A_490 : i32 to index
      %get3A_492 = arith.index_cast %add3A_489 : i32 to index
      %get3A_493 = arith.constant 32 : index
      %get3A_494 = tpu.vector_load %arg6[%get3A_491, %get3A_492, %get3A_493] {strides = array<i32>} : memref<4x200x64xf32, #tpu.memory_space<vmem>>, vector<1x1x16xf32>,
      %get3A_495 = vector.shape_cast %get3A_494 : vector<1x1x16xf32> to vector<16xf32>
      %add3A_496 = arith.addf %add3A_460, %get3A_495 : vector<16xf32>
      %add3A_497 = arith.constant 6 : i32
      %add3A_498 = arith.addi %mul3A_254, %add3A_497 : i32
      %get3A_499 = arith.constant 3 : i32
      %get3A_500 = arith.index_cast %get3A_499 : i32 to index
      %get3A_501 = arith.index_cast %add3A_498 : i32 to index
      %get3A_502 = arith.constant 48 : index
      %get3A_503 = tpu.vector_load %arg6[%get3A_500, %get3A_501, %get3A_502] {strides = array<i32>} : memref<4x200x64xf32, #tpu.memory_space<vmem>>, vector<1x1x16xf32>,
      %get3A_504 = vector.shape_cast %get3A_503 : vector<1x1x16xf32> to vector<16xf32>
      %add3A_505 = arith.addf %add3A_469, %get3A_504 : vector<16xf32>
      %add3A_506 = arith.constant 7 : i32
      %add3A_507 = arith.addi %mul3A_254, %add3A_506 : i32
      %get3A_508 = arith.constant 3 : i32
      %get3A_509 = arith.index_cast %get3A_508 : i32 to index
      %get3A_510 = arith.index_cast %add3A_507 : i32 to index
      %get3A_511 = arith.constant 0 : index
      %get3A_512 = tpu.vector_load %arg6[%get3A_509, %get3A_510, %get3A_511] {strides = array<i32>} : memref<4x200x64xf32, #tpu.memory_space<vmem>>, vector<1x1x16xf32>,
      %get3A_513 = vector.shape_cast %get3A_512 : vector<1x1x16xf32> to vector<16xf32>
      %add3A_514 = arith.addf %add3A_478, %get3A_513 : vector<16xf32>
      %add3A_515 = arith.constant 7 : i32
      %add3A_516 = arith.addi %mul3A_254, %add3A_515 : i32
      %get3A_517 = arith.constant 3 : i32
      %get3A_518 = arith.index_cast %get3A_517 : i32 to index
      %get3A_519 = arith.index_cast %add3A_516 : i32 to index
      %get3A_520 = arith.constant 16 : index
      %get3A_521 = tpu.vector_load %arg6[%get3A_518, %get3A_519, %get3A_520] {strides = array<i32>} : memref<4x200x64xf32, #tpu.memory_space<vmem>>, vector<1x1x16xf32>,
      %get3A_522 = vector.shape_cast %get3A_521 : vector<1x1x16xf32> to vector<16xf32>
      %add3A_523 = arith.addf %add3A_487, %get3A_522 : vector<16xf32>
      %add3A_524 = arith.constant 7 : i32
      %add3A_525 = arith.addi %mul3A_254, %add3A_524 : i32
      %get3A_526 = arith.constant 3 : i32
      %get3A_527 = arith.index_cast %get3A_526 : i32 to index
      %get3A_528 = arith.index_cast %add3A_525 : i32 to index
      %get3A_529 = arith.constant 32 : index
      %get3A_530 = tpu.vector_load %arg6[%get3A_527, %get3A_528, %get3A_529] {strides = array<i32>} : memref<4x200x64xf32, #tpu.memory_space<vmem>>, vector<1x1x16xf32>,
      %get3A_531 = vector.shape_cast %get3A_530 : vector<1x1x16xf32> to vector<16xf32>
      %add3A_532 = arith.addf %add3A_496, %get3A_531 : vector<16xf32>
      %add3A_533 = arith.constant 7 : i32
      %add3A_534 = arith.addi %mul3A_254, %add3A_533 : i32
      %get3A_535 = arith.constant 3 : i32
      %get3A_536 = arith.index_cast %get3A_535 : i32 to index
      %get3A_537 = arith.index_cast %add3A_534 : i32 to index
      %get3A_538 = arith.constant 48 : index
      %get3A_539 = tpu.vector_load %arg6[%get3A_536, %get3A_537, %get3A_538] {strides = array<i32>} : memref<4x200x64xf32, #tpu.memory_space<vmem>>, vector<1x1x16xf32>,
      %get3A_540 = vector.shape_cast %get3A_539 : vector<1x1x16xf32> to vector<16xf32>
      %add3A_541 = arith.addf %add3A_505, %get3A_540 : vector<16xf32>
      scf.yield %add3A_514, %add3A_523, %add3A_532, %add3A_541 : vector<16xf32>, vector<16xf32>, vector<16xf32>, vector<16xf32>
    }
    %scan3A_229 = arith.constant 25 : i32
    %swap3A_230 = arith.constant 8128 : index
    %swap3A_231 = tpu.vector_load %arg7[%swap3A_230] {strides = array<i32>} : memref<8192xf32, #tpu.memory_space<vmem>>, vector<16xf32>,
    %swap3A_232 = vector.shape_cast %swap3A_231 : vector<16xf32> to vector<16xf32>
    %swap3A_233 = vector.shape_cast %scan3A_228#0 : vector<16xf32> to vector<16xf32>
    tpu.vector_store %arg7[%swap3A_230], %swap3A_233 {strides = array<i32>} : memref<8192xf32, #tpu.memory_space<vmem>>, vector<16xf32>,
    %swap3A_234 = arith.constant 8144 : index
    %swap3A_235 = tpu.vector_load %arg7[%swap3A_234] {strides = array<i32>} : memref<8192xf32, #tpu.memory_space<vmem>>, vector<16xf32>,
    %swap3A_236 = vector.shape_cast %swap3A_235 : vector<16xf32> to vector<16xf32>
    %swap3A_237 = vector.shape_cast %scan3A_228#1 : vector<16xf32> to vector<16xf32>
    tpu.vector_store %arg7[%swap3A_234], %swap3A_237 {strides = array<i32>} : memref<8192xf32, #tpu.memory_space<vmem>>, vector<16xf32>,
    %swap3A_238 = arith.constant 8160 : index
    %swap3A_239 = tpu.vector_load %arg7[%swap3A_238] {strides = array<i32>} : memref<8192xf32, #tpu.memory_space<vmem>>, vector<16xf32>,
    %swap3A_240 = vector.shape_cast %swap3A_239 : vector<16xf32> to vector<16xf32>
    %swap3A_241 = vector.shape_cast %scan3A_228#2 : vector<16xf32> to vector<16xf32>
    tpu.vector_store %arg7[%swap3A_238], %swap3A_241 {strides = array<i32>} : memref<8192xf32, #tpu.memory_space<vmem>>, vector<16xf32>,
    %swap3A_242 = arith.constant 8176 : index
    %swap3A_243 = tpu.vector_load %arg7[%swap3A_242] {strides = array<i32>} : memref<8192xf32, #tpu.memory_space<vmem>>, vector<16xf32>,
    %swap3A_244 = vector.shape_cast %swap3A_243 : vector<16xf32> to vector<16xf32>
    %swap3A_245 = vector.shape_cast %scan3A_228#3 : vector<16xf32> to vector<16xf32>
    tpu.vector_store %arg7[%swap3A_242], %swap3A_245 {strides = array<i32>} : memref<8192xf32, #tpu.memory_space<vmem>>, vector<16xf32>,
    %mul3A_246 = arith.constant 64 : i32
    %mul3A_247 = arith.muli %mul3A_2, %mul3A_246 : i32
    "tpu.region"() ({
      %run_scoped3A = tpu.sem_alloc : memref<!tpu.dma_semaphore, #tpu.memory_space<semaphore_mem>>
      %dma_start3A_248 = tpu.memref_slice %arg4[%mul3A_247] : memref<262144xf32, #tpu.memory_space<hbm>> -> memref<8192xf32, #tpu.memory_space<hbm>>
      %dma_start3A_249 = tpu.memref_slice %arg4[%mul3A_247] : memref<262144xf32, #tpu.memory_space<hbm>> -> memref<8192xf32, #tpu.memory_space<hbm>>
      tpu.enqueue_dma source(%arg7 : memref<8192xf32, #tpu.memory_space<vmem>>) target(%dma_start3A_249 : memref<8192xf32, #tpu.memory_space<hbm>>) target_semaphore(%run_scoped3A : memref<!tpu.dma_semaphore, #tpu.memory_space<semaphore_mem>>)
      %dma_wait3A_250 = tpu.memref_slice %arg4[%mul3A_247] : memref<262144xf32, #tpu.memory_space<hbm>> -> memref<8192xf32, #tpu.memory_space<hbm>>
      %dma_wait3A_251 = tpu.memref_slice %arg4[%mul3A_247] : memref<262144xf32, #tpu.memory_space<hbm>> -> memref<8192xf32, #tpu.memory_space<hbm>>
      tpu.wait_dma2 semaphore(%run_scoped3A : memref<!tpu.dma_semaphore, #tpu.memory_space<semaphore_mem>>) src(%arg7 : memref<8192xf32, #tpu.memory_space<vmem>>) dst(%dma_wait3A_251 : memref<8192xf32, #tpu.memory_space<hbm>>)
      tpu.yield
    }) : () -> ()
    return
  }
}

module attributes {stable_mosaic.version = 14 : i64} {
  func.func @_repack_kernel(%arg0: i32, %arg1: memref<64x8192xf32, #tpu.memory_space<vmem>>, %arg2: memref<64x64xf32, #tpu.memory_space<vmem>>, %arg3: memref<4096x128xf32, #tpu.memory_space<vmem>>) attributes {dimension_semantics = [#tpu.dimension_semantics<arbitrary>], iteration_bounds = array<i64: 123>, scalar_prefetch = 0 : i64, scratch_operands = 0 : i64, tpu.core_type = #tpu.core_type<tc>, window_params = [{transform_indices = @transform_0, window_bounds = array<i64: 64, 8192>}, {pipeline_mode = #tpu.pipeline_mode<synchronous>, transform_indices = @transform_1, window_bounds = array<i64: 64, 64>}, {transform_indices = @transform_2, window_bounds = array<i64: 4096, 128>}]} {
    %get3A = arith.constant 0 : index
    %get3A_0 = arith.constant 0 : index
    %get3A_1 = vector.load %arg1[%get3A, %get3A_0] : memref<64x8192xf32, #tpu.memory_space<vmem>>, vector<64x8192xf32>
    %get3A_2 = arith.constant 0 : index
    %get3A_3 = arith.constant 0 : index
    %get3A_4 = vector.load %arg2[%get3A_2, %get3A_3] : memref<64x64xf32, #tpu.memory_space<vmem>>, vector<64x64xf32>
    %dot_general3A = arith.constant dense<0.000000e+00> : vector<8192x64xf32>
    %dot_general3A_5 = tpu.matmul %get3A_1, %get3A_4, %dot_general3A {dimension_numbers = #tpu.dot_dimension_numbers<[0], [0], [1], [1], [0, 1, 1, 1], [], []>, precision = #tpu.contract_precision<fp32>, transpose_lhs_hint = false} : vector<64x8192xf32>, vector<64x64xf32>, vector<8192x64xf32> -> vector<8192x64xf32>
    %slice3A = vector.extract_strided_slice %dot_general3A_5 {offsets = [0, 0], sizes = [4096, 64], strides = [1, 1]} : vector<8192x64xf32> to vector<4096x64xf32>
    %slice3A_6 = vector.extract_strided_slice %dot_general3A_5 {offsets = [4096, 0], sizes = [4096, 64], strides = [1, 1]} : vector<8192x64xf32> to vector<4096x64xf32>
    %concatenate3A = tpu.concatenate %slice3A, %slice3A_6 in 1 : vector<4096x64xf32>, vector<4096x64xf32> -> vector<4096x128xf32>
    %swap3A = arith.constant 0 : index
    %swap3A_7 = arith.constant 0 : index
    %swap3A_8 = vector.load %arg3[%swap3A, %swap3A_7] : memref<4096x128xf32, #tpu.memory_space<vmem>>, vector<4096x128xf32>
    tpu.vector_store %arg3[%swap3A, %swap3A_7], %concatenate3A {strides = array<i32>} : memref<4096x128xf32, #tpu.memory_space<vmem>>, vector<4096x128xf32>,
    return
  }
  func.func @transform_0(%arg0: i32) -> (i32, i32) {
    %c0_i32 = arith.constant 0 : i32
    %c0_i32_0 = arith.constant 0 : i32
    return %c0_i32, %arg0 : i32, i32
  }
  func.func @transform_1(%arg0: i32) -> (i32, i32) {
    %c0_i32 = arith.constant 0 : i32
    %c0_i32_0 = arith.constant 0 : i32
    %c0_i32_1 = arith.constant 0 : i32
    return %c0_i32, %c0_i32_0 : i32, i32
  }
  func.func @transform_2(%arg0: i32) -> (i32, i32) {
    %c0_i32 = arith.constant 0 : i32
    %c0_i32_0 = arith.constant 0 : i32
    return %arg0, %c0_i32 : i32, i32
  }
}

module attributes {stable_mosaic.version = 14 : i64} {
  func.func @_mlp_kernel(%arg0: memref<4096x64xf32, #tpu.memory_space<vmem>>, %arg1: memref<64x100xf32, #tpu.memory_space<vmem>>, %arg2: memref<1x100xf32, #tpu.memory_space<vmem>>, %arg3: memref<100x4xf32, #tpu.memory_space<vmem>>, %arg4: memref<1x4xf32, #tpu.memory_space<vmem>>, %arg5: memref<4096x4xf32, #tpu.memory_space<vmem>>) attributes {dimension_semantics = [], scalar_prefetch = 0 : i64, scratch_operands = 0 : i64, tpu.core_type = #tpu.core_type<tc>} {
    %get3A = arith.constant 0 : index
    %get3A_0 = arith.constant 0 : index
    %get3A_1 = vector.load %arg0[%get3A, %get3A_0] : memref<4096x64xf32, #tpu.memory_space<vmem>>, vector<4096x64xf32>
    %get3A_2 = arith.constant 0 : index
    %get3A_3 = arith.constant 0 : index
    %get3A_4 = vector.load %arg1[%get3A_2, %get3A_3] : memref<64x100xf32, #tpu.memory_space<vmem>>, vector<64x100xf32>
    %dot_general3A = arith.constant dense<0.000000e+00> : vector<4096x100xf32>
    %dot_general3A_5 = tpu.matmul %get3A_1, %get3A_4, %dot_general3A {dimension_numbers = #tpu.dot_dimension_numbers<[1], [0], [0], [1], [0, 0, 1, 1], [], []>, transpose_lhs_hint = false} : vector<4096x64xf32>, vector<64x100xf32>, vector<4096x100xf32> -> vector<4096x100xf32>
    %get3A_6 = arith.constant 0 : index
    %get3A_7 = arith.constant 0 : index
    %get3A_8 = vector.load %arg2[%get3A_6, %get3A_7] : memref<1x100xf32, #tpu.memory_space<vmem>>, vector<1x100xf32>
    %add3A = vector.broadcast %get3A_8 : vector<1x100xf32> to vector<4096x100xf32>
    %add3A_9 = arith.addf %dot_general3A_5, %add3A : vector<4096x100xf32>
    %max3A = arith.constant 0.000000e+00 : f32
    %max3A_10 = vector.broadcast %max3A : f32 to vector<4096x100xf32>
    %max3A_11 = arith.maximumf %add3A_9, %max3A_10 : vector<4096x100xf32>
    %get3A_12 = arith.constant 0 : index
    %get3A_13 = arith.constant 0 : index
    %get3A_14 = vector.load %arg3[%get3A_12, %get3A_13] : memref<100x4xf32, #tpu.memory_space<vmem>>, vector<100x4xf32>
    %dot_general3A_15 = arith.constant dense<0.000000e+00> : vector<4096x4xf32>
    %dot_general3A_16 = tpu.matmul %max3A_11, %get3A_14, %dot_general3A_15 {dimension_numbers = #tpu.dot_dimension_numbers<[1], [0], [0], [1], [0, 0, 1, 1], [], []>, transpose_lhs_hint = false} : vector<4096x100xf32>, vector<100x4xf32>, vector<4096x4xf32> -> vector<4096x4xf32>
    %get3A_17 = arith.constant 0 : index
    %get3A_18 = arith.constant 0 : index
    %get3A_19 = vector.load %arg4[%get3A_17, %get3A_18] : memref<1x4xf32, #tpu.memory_space<vmem>>, vector<1x4xf32>
    %add3A_20 = vector.broadcast %get3A_19 : vector<1x4xf32> to vector<4096x4xf32>
    %add3A_21 = arith.addf %dot_general3A_16, %add3A_20 : vector<4096x4xf32>
    %swap3A = arith.constant 0 : index
    %swap3A_22 = arith.constant 0 : index
    %swap3A_23 = vector.load %arg5[%swap3A, %swap3A_22] : memref<4096x4xf32, #tpu.memory_space<vmem>>, vector<4096x4xf32>
    tpu.vector_store %arg5[%swap3A, %swap3A_22], %add3A_21 {strides = array<i32>} : memref<4096x4xf32, #tpu.memory_space<vmem>>, vector<4096x4xf32>,
    return
  }
}

</mosaic_0001>

<sc_bundles>
// kernel: kernel.5.cloned.1.call-start
scs
__scs_entry_jumppad:
0x0: {  	(pc) =	sbr.rel $0x88, $3  }
0x1: {  	(tag) =	ssettag $0x0;
	lr =	simm.s32 $0x1  }
0x2: {  	[smem:$0x3F9B] =	sst lr;
	_ =	strace $0xD0000000  }
0x3: {  	_ = 	snop  }
0x4: {  	_ = 	snop  }
0x5: {  	_ = 	snop  }
0x6: {  	_ = 	snop  }
0x7: {  	_ = 	snop  }
__scs_overlays_trampoline_lowered:
0x8: {  	[smem:$0x3FAA] =	sst s0  }
0x9: {  	[smem:$0x3FAB] =	sst s1  }
0xa: {  	[smem:$0x3FAC] =	sst s2  }
0xb: {  	[smem:$0x3FAD] =	sst s3  }
0xc: {  	[smem:$0x3FAE] =	sst s4  }
0xd: {  	[smem:$0x3FAF] =	sst s5  }
0xe: {  	[smem:$0x3FB0] =	sst s6  }
0xf: {  	[smem:$0x3FB1] =	sst s7  }
0x10: {  	[smem:$0x3FB2] =	sst s8  }
0x11: {  	[smem:$0x3FB3] =	sst s9;
	s0 =	simm.s32 @!p0 $0x0  }
0x12: {  	s1 =	sld [smem:$0x3F99];
	s0 =	simm.s32 @p0 $0x1  }
0x13: {  	[smem:$0x3FB4] =	sst s0;
	s0 =	simm.s32 @!p1 $0x0  }
0x14: {  	s2 =	sld [smem:$0x3F98];
	s0 =	simm.s32 @p1 $0x1  }
0x15: {  	[smem:$0x3FB5] =	sst s0;
	s0 =	simm.s32 @!p2 $0x0  }
0x16: {  	s3 =	sld [smem:$0x3FDB];
	s0 =	simm.s32 @p2 $0x1  }
0x17: {  	s4 =	simm.s32 $0x1BF5;
	[smem:$0x3FB7] =	sst s0  }
0x18: {  	s0 =	sld [smem:$0x3F9A];
	_ =	swait.ge [sflag:s4], $0x0  }
0x19: {  	s7 =	sld [smem:$0x3F9B]  }
0x1a: {  	s8 =	sadd.s32 $0xFFFFE003, lr  }
0x1b: {  	s9 =	sadd.s32 $0xFFFFFEF7, lr;
	s5 =	simm.s32 $0xFFFFFFFF;
	p2 =	slt.u32 s8, $0xFFFFF086  }
0x1c: {  	p1 =	slt.u32 s9, $0xF7A;
	s5 =	simm.s32 @!p2 $0x0  }
0x1d: {  	s5 =	simm.s32 @p1 $0x1;
	p0 =	seq.s32 s7, s2  }
0x1e: {  	s7 =	smul.u32 @!p0 $0xF7A, s2;
	p2 =	seq.s32 @!p0 s5, $0x0  }
0x1f: {  	s9 =	smul.u32 $0xF7A, s1;
	s8 =	simm.s32 @!p0 $0x1BF5;
	p2 =	por !p2, p0  }
0x20: {  	[sflag:s8] =	ssyncset.s32 @!p0 $0xFFFFF086;
	s6 =	sadd.s32 @!p0 s3, s7;
	s7 =	simm.s32 @!p0 $0x108  }
0x21: {  	s3 =	sadd.s32 s3, s9;
	s6 =	sadd.s32 @!p0 $0x88, s6;
	s7 =	simm.s32 @p2 $0x1082  }
0x22: {  	[simem:s7], [sflag:s8] =	dma.local @!p0 [hbm:s6], $0xF7A  }
0x23: {  	s9 =	sor.u32 $0xD0000000, s2;
	s6 =	simm.s32 $0x108;
	_ =	swait.ge @!p0 [sflag:s8], $0x0  }
0x24: {  	s3 =	sadd.s32 $0x88, s3;
	s6 =	simm.s32 @!p1 $0x1082;
	[sflag:s4] =	ssyncset.s32 $0xFFFFF086  }
0x25: {  	[simem:s6], [sflag:s4] =	dma.local [hbm:s3], $0xF7A  }
0x26: {  	[smem:$0x3F9B] =	sst s1;
	(tag) =	ssettag s2;
	_ =	strace s9  }
0x27: {  	s1 =	sld [smem:$0x3FAB]  }
0x28: {  	s2 =	sld [smem:$0x3FAC]  }
0x29: {  	s4 =	sld [smem:$0x3FAE]  }
0x2a: {  	p0 =	seq.s32 s5, $0x0;
	s5 =	sld [smem:$0x3FAF]  }
0x2b: {  	s6 =	sld [smem:$0x3FB0]  }
0x2c: {  	s7 =	sld [smem:$0x3FB1]  }
0x2d: {  	s3 =	simm.s32 $0x108;
	s8 =	sld [smem:$0x3FB2]  }
0x2e: {  	s3 =	simm.s32 @!p0 $0x1082;
	s9 =	sld [smem:$0x3FB3]  }
0x2f: {  	lr =	sadd.s32 s0, s3;
	s0 =	sld [smem:$0x3FAA]  }
0x30: {  	s3 =	sld [smem:$0x3FAD]  }
0x31: {  	[smem:$0x3FB6] =	sst s10  }
0x32: {  	s10 =	sld [smem:$0x3FB4];
	_ =	sdelay $0x3  }
0x33: {  	p0 =	seq.s32 s10, $0x1;
	s10 =	sld [smem:$0x3FB6];
	_ =	sdelay $0x3  }
0x34: {  	[smem:$0x3FB6] =	sst s10  }
0x35: {  	s10 =	sld [smem:$0x3FB5];
	_ =	sdelay $0x3  }
0x36: {  	p1 =	seq.s32 s10, $0x1;
	s10 =	sld [smem:$0x3FB6];
	_ =	sdelay $0x3  }
0x37: {  	[smem:$0x3FB6] =	sst s10  }
0x38: {  	s10 =	sld [smem:$0x3FB7]  }
0x39: {  	_ = 	snop;
	(pc) =	sbr.ind lr, $3  }
0x3a: {  	_ = 	snop  }
0x3b: {  	_ = 	snop  }
0x3c: {  	p2 =	seq.s32 s10, $0x1;
	s10 =	sld [smem:$0x3FB6]  }
0x3d: {  	_ =	shalt  }
0x3e: {  	_ =	shalt  }
0x3f: {  	_ =	shalt  }
0x40: {  	_ =	shalt  }
0x41: {  	_ =	shalt  }
0x42: {  	_ =	shalt  }
0x43: {  	_ =	shalt  }
0x44: {  	_ =	shalt  }
0x45: {  	_ =	shalt  }
0x46: {  	_ =	shalt  }
0x47: {  	_ =	shalt  }
0x48: {  	_ =	shalt  }
0x49: {  	_ =	shalt  }
0x4a: {  	_ =	shalt  }
0x4b: {  	_ =	shalt  }
0x4c: {  	_ =	shalt  }
0x4d: {  	_ =	shalt  }
0x4e: {  	_ =	shalt  }
0x4f: {  	_ =	shalt  }
0x50: {  	_ =	shalt  }
0x51: {  	_ =	shalt  }
0x52: {  	_ =	shalt  }
0x53: {  	_ =	shalt  }
0x54: {  	_ =	shalt  }
0x55: {  	_ =	shalt  }
0x56: {  	_ =	shalt  }
0x57: {  	_ =	shalt  }
0x58: {  	_ =	shalt  }
0x59: {  	_ =	shalt  }
0x5a: {  	_ =	shalt  }
0x5b: {  	_ =	shalt  }
0x5c: {  	_ =	shalt  }
0x5d: {  	_ =	shalt  }
0x5e: {  	_ =	shalt  }
0x5f: {  	_ =	shalt  }
0x60: {  	_ =	shalt  }
0x61: {  	_ =	shalt  }
0x62: {  	_ =	shalt  }
0x63: {  	_ =	shalt  }
0x64: {  	_ =	shalt  }
0x65: {  	_ =	shalt  }
0x66: {  	_ =	shalt  }
0x67: {  	_ =	shalt  }
0x68: {  	_ =	shalt  }
0x69: {  	_ =	shalt  }
0x6a: {  	_ =	shalt  }
0x6b: {  	_ =	shalt  }
0x6c: {  	_ =	shalt  }
0x6d: {  	_ =	shalt  }
0x6e: {  	_ =	shalt  }
0x6f: {  	_ =	shalt  }
0x70: {  	_ =	shalt  }
0x71: {  	_ =	shalt  }
0x72: {  	_ =	shalt  }
0x73: {  	_ =	shalt  }
0x74: {  	_ =	shalt  }
0x75: {  	_ =	shalt  }
0x76: {  	_ =	shalt  }
0x77: {  	_ =	shalt  }
0x78: {  	_ =	shalt  }
0x79: {  	_ =	shalt  }
0x7a: {  	_ =	shalt  }
0x7b: {  	_ =	shalt  }
0x7c: {  	_ =	shalt  }
0x7d: {  	_ =	shalt  }
0x7e: {  	_ =	shalt  }
0x7f: {  	_ =	shalt  }
0x80: {  	_ =	shalt  }
0x81: {  	_ =	shalt  }
0x82: {  	_ =	shalt  }
0x83: {  	_ =	shalt  }
0x84: {  	_ =	shalt  }
0x85: {  	_ =	shalt  }
0x86: {  	_ =	shalt  }
0x87: {  	_ =	shalt  }
.Lfunc_end0:
.L_simem_size_0:
called_computation_lowered:
.L_overlay_start_0:
0x88: {  	s2 =	sld [smem:$0x3FD9]  }
0x89: {  	s3 =	sld [smem:$0x3FFE];
	_ =	sdelay $0x1  }
0x8a: {  	s1 =	srdreg.scid  }
0x8b: {  	s0 =	sand.u32 $0x1, s1  }
0x8c: {  	s16 =	sshll.u32 s0, $0xA;
	s2 =	sadd.s32 s3, s2  }
0x8d: {  	s2 =	sadd.s32 s2, s16  }
0x8e: {  	[smem:$0x3FC2] =	sst s2  }
0x8f: {  	_ = 	snop  }
0x90: {  	(tm) =	ssettm $0x1  }
0x91: {  	s17 =	sld [smem:$0x3FFB];
	_ =	sdelay $0x3  }
0x92: {  	_ =	strace s17  }
0x93: {  	s2 =	sld [smem:$0x3FFC];
	_ =	sdelay $0x3  }
0x94: {  	_ =	strace s2  }
0x95: {  	s2 =	sld [smem:$0x3FFD];
	_ =	sdelay $0x3  }
0x96: {  	_ =	strace s2  }
0x97: {  	_ =	strace $0x8FFFFFFF  }
0x98: {  	s18 =	sld [smem:$0x3FDB];
	_ =	sdelay $0x1  }
0x99: {  	s19 =	simm.s32 $_scs_section_size  }
0x9a: {  	s4 =	simm.s32 $_size__tile_overlayer_lowered;
	s5 =	simm.s32 $_tile_overlayer_lowered  }
0x9b: {  	s22 =	simm.s32 $0x1BFF;
	s21 =	sshll.u32 s5, $0x1;
	s2 =	sadd.s32 s19, s18  }
0x9c: {  	s6 =	simm.s32 $0x0;
	s20 =	sshll.u32 s4, $0x1;
	s4 =	sadd.s32 s21, s2  }
0x9d: {  	[timem:s6], [sflag:s22] =	dma.local [hbm:s4], s20  }
0x9e: {  	_ =	swait.ge [sflag:s22], s20  }
0x9f: {  	s3 =	ssub.s32 $0x0, s20;
	[sflag:s22] =	ssyncset.done $0x0  }
0xa0: {  	[sflag:s22] =	ssyncadd.s32 s3;
	_ =	sdelay $0x1  }
0xa1: {  	s23 =	simm.s32 $0x1B8B  }
0xa2: {  	_ =	swait.ge [sflag:s23], $0x1  }
0xa3: {  	[sflag:s23] =	ssyncset.done $0x0  }
0xa4: {  	s25 =	simm.s32 $0x1B8E;
	s24 =	sld [smem:$0x3FFE];
	[sflag:s23] =	ssyncadd.s32 $0xFFFFFFFF  }
0xa5: {  	s26 =	simm.s32 $execute0_lowered;
	[smem:$0x3FD2] =	sst s25  }
0xa6: {  	s4 =	sshll.u32 s26, $0x1;
	_ =	strace $0x80000046;
	[dreg:$0x1] =	wrdreg $0xFFFFFFFF  }
0xa7: {  	s28 =	simm.s32 $_size_execute0_lowered;
	s2 =	sadd.s32 s2, s4;
	[dreg:$0x0] =	wrdreg $0x0  }
0xa8: {  	s4 =	sshll.u32 s28, $0x1;
	[dreg:$0x2] =	wrdreg s2  }
0xa9: {  	[dreg:$0x3] =	wrdreg s4  }
0xaa: {  	[dreg:$0x4] =	wrdreg $0xC0  }
0xab: {  	_ =	task [dreg:s6], $0x5FFFF  }
0xac: {  	[dreg:$0x1] =	wrdreg $0xFFFFFFFF  }
0xad: {  	[dreg:$0x0] =	wrdreg $0x60  }
0xae: {  	[dreg:$0x2] =	wrdreg s24  }
0xaf: {  	[dreg:$0x3] =	wrdreg $0x9  }
0xb0: {  	_ =	task.clear_ibuf [dreg:s6], $0x4FFFF;
	_ =	strace $0x90000046  }
0xb1: {  	s29 =	simm.s32 $0x9;
	_ =	strace $0x80000048  }
0xb2: {  	_ =	swait.ge [sflag:s29], $0x1  }
0xb3: {  	[sflag:s29] =	ssyncadd.s32 $0xFFFFFFFF  }
0xb4: {  	_ =	strace $0x90000048  }
0xb5: {  	_ =	sfence  }
0xb6: {  	s30 =	sld [smem:$0x0];
	_ =	sdelay $0x2  }
0xb7: {  	s31 =	sshll.u32 s1, $0xD;
	s1 =	sshrl.u32 s1, $0x2  }
0xb8: {  	s3 =	sand.u32 $0x4000, s31;
	s1 =	sadd.s32 s1, s30  }
0xb9: {  	s0 =	sor.u32 s3, s0;
	s1 =	sshll.u32 s1, $0x11  }
0xba: {  	s0 =	sor.u32 s1, s0  }
0xbb: {  	s0 =	sadd.s32 $0x8F2B, s0  }
0xbc: {  	[sflag:s0] =	ssyncadd.remote.s32 $0x1  }
0xbd: {  	_ =	sfence.sel $0xFFFF  }
0xbe: {  	[dreg:$0x0] =	wrdreg $0xFFFFFFFF;
	(pc) =	sbr.abs _section_cstart, $3  }
0xbf: {  	[dreg:$0x1] =	wrdreg $0xFFFFFFFF  }
0xc0: {  	_ =	task.clear_ibuf [dreg:s6], $0x2FFFF;
	_ =	strace $0x9FFFFFFF  }
0xc1: {  	(tm) =	ssettm $0x7FFFFFFF  }
tec
execute0_lowered:
.L_overlay_start_1:
0x0: {  	(tag) =	ssettag $0x1  }
0x1: {  	s0 =	srdreg.scid;
	s2 =	stileid.u32  }
0x2: {  	s1 =	rddreg [dreg:$0x0];
	s7 =	simm.s32 $0x5;
	s8 =	simm.s32 $0x68  }
0x3: {  	s9 =	simm.s32 $0x6400;
	s10 =	simm.s32 $0x60;
	s11 =	simm.s32 $0x7E00  }
0x4: {  	s13 =	simm.s32 $0x9600;
	s15 =	simm.s32 $0xB000;
	s16 =	simm.s32 $0x190  }
0x5: {  	s17 =	simm.s32 $0xC800;
	s18 =	simm.s32 $0x1F8;
	s19 =	simm.s32 $0xE200  }
0x6: {  	s20 =	simm.s32 $0x258;
	s21 =	simm.s32 $0xFA00;
	s22 =	simm.s32 $0x2C0  }
0x7: {  	s23 =	simm.s32 $0x11400;
	s24 =	simm.s32 $0x1;
	s25 =	simm.s32 $0x2  }
0x8: {  	s26 =	simm.s32 $0x3;
	s28 =	simm.s32 $0x4;
	s29 =	simm.s32 $0x12C00  }
0x9: {  	s0 =	sand.u32 $0x1, s0;
	s3 =	sshll.u32 s2, $0x1;
	s2 =	simm.s32 $0x0  }
0xa: {  	s30 =	simm.s32 $0x0;
	s3 =	sor.u32 s0, s3;
	[smem:$0x7FF] =	sst s2  }
0xb: {  	s0 =	ssub.s32 $0x2, s0;
	s4 =	smul.u32 $0xC80, s3;
	_ =	strace $0x80000047  }
0xc: {  	s5 =	sshll.u32 s3, $0xA;
	s3 =	sadd.s32 $0x19C00, s1;
	s31 =	sshrl.u32 s0, $0x1  }
0xd: {  	s0 =	ssub.s32 s0, s31;
	s4 =	sadd.s32 s4, s1;
	s1 =	sadd.s32 s5, s1  }
0xe: {  	s6 =	smax.u32 s0, $0x1;
	s4 =	sadd.s32 $0xC00, s4;
	s5 =	sadd.s32 $0x7C9C00, s1  }
.LBB2_1:
0xf: {  	[tilespmem:s2], [sflag:$0x5] =	stream.linear.gather [hbm4b:s4+s2], $0x6400, $0x38;
	[tilespmem:$0x14C00] =	vst v63  }
0x10: {  	_ =	swait.ge [sflag:s7], $0x6400  }
0x11: {  	[sflag:s7] =	ssyncset.done $0x0  }
0x12: {  	s0 =	simm.s32 $0x0;
	[sflag:s7] =	ssyncadd.s32 $0xFFFF9C00  }
0x13: {  	v0 =	vld [tilespmem:s0+$0x0]  }
0x14: {  	v1 =	vld [tilespmem:s0+$0x10]  }
0x15: {  	v5 =	vld [tilespmem:s0+$0x30];
	_ =	sdelay $0x2  }
0x16: {  	v2 =	vshll.u32 v0, $0x1  }
0x17: {  	v3 =	vld [tilespmem:s0+$0x20];
	v4 =	vand.u32 $0xFFFFE000, v0;
	v0 =	vshrl.u32 v0, $0xC;
	v6 =	vand.u32 $0xFFFFE000, v1  }
0x18: {  	v7 =	vshll.u32 v5, $0x1;
	v9 =	vand.u32 $0xFFFFE000, v5;
	v5 =	vshrl.u32 v5, $0xC  }
0x19: {  	v2 =	vand.u32 $0x1FFE, v2;
	v0 =	vand.u32 $0x1, v0;
	v7 =	vand.u32 $0x1FFE, v7  }
0x1a: {  	v8 =	vld [tilespmem:s0+$0x40];
	v2 =	vor.u32 v4, v2;
	v4 =	vshll.u32 v1, $0x1;
	v1 =	vshrl.u32 v1, $0xC  }
0x1b: {  	v7 =	vor.u32 v9, v7;
	v9 =	vand.u32 $0x1, v5;
	v4 =	vand.u32 $0x1FFE, v4  }
0x1c: {  	v5 =	vld [tilespmem:s0+$0x50];
	v0 =	vor.u32 v0, v2;
	v2 =	vor.u32 v6, v4;
	v6 =	vshll.u32 v3, $0x1  }
0x1d: {  	v4 =	vand.u32 $0xFFFFE000, v3;
	v3 =	vshrl.u32 v3, $0xC;
	v6 =	vand.u32 $0x1FFE, v6  }
0x1e: {  	v1 =	vand.u32 $0x1, v1;
	v3 =	vand.u32 $0x1, v3;
	v6 =	vor.u32 v4, v6  }
0x1f: {  	v4 =	vor.u32 v1, v2;
	v1 =	vor.u32 v9, v7;
	v2 =	vld [tilespmem:s0+$0x60];
	v7 =	vshll.u32 v8, $0x1  }
0x20: {  	s1 =	simm.s32 $0x200;
	v3 =	vor.u32 v3, v6;
	v6 =	vand.u32 $0xFFFFE000, v8;
	v8 =	vshrl.u32 v8, $0xC  }
.LBB2_2:
0x21: {  	p0 =	sne.s32 s1, $0x18E00;
	v7 =	vand.u32 $0x1FFE, v7;
	v8 =	vand.u32 $0x1, v8;
	v9 =	vshll.u32 v5, $0x1;
	v10 =	vld [tilespmem:s0+$0x70]  }
0x22: {  	v11 =	vand.u32 $0xFFFFE000, v5;
	v5 =	vshrl.u32 v5, $0xC;
	v9 =	vand.u32 $0x1FFE, v9  }
0x23: {  	s12 =	sshra.s32 s1, $0x2;
	v5 =	vand.u32 $0x1, v5;
	[tilespmem:s0+$0x0] =	vst v0;
	v0 =	vor.u32 v6, v7;
	v6 =	vor.u32 v11, v9  }
0x24: {  	v7 =	vld [tilespmem:s12+$0x0];
	[tilespmem:s0+$0x10] =	vst v4;
	v0 =	vor.u32 v8, v0;
	v4 =	vor.u32 v5, v6;
	v5 =	vshll.u32 v2, $0x1  }
0x25: {  	[tilespmem:s0+$0x20] =	vst v3;
	v3 =	vand.u32 $0xFFFFE000, v2;
	v5 =	vand.u32 $0x1FFE, v5;
	v2 =	vshrl.u32 v2, $0xC  }
0x26: {  	v6 =	vld [tilespmem:s12+$0x10];
	[tilespmem:s0+$0x30] =	vst v1;
	v1 =	vor.u32 v3, v5;
	v2 =	vand.u32 $0x1, v2;
	v3 =	vshll.u32 v10, $0x1  }
0x27: {  	v5 =	vshrl.u32 v10, $0xC;
	[tilespmem:s0+$0x40] =	vst v0;
	v0 =	vand.u32 $0xFFFFE000, v10;
	v3 =	vand.u32 $0x1FFE, v3  }
0x28: {  	v1 =	vor.u32 v2, v1;
	v2 =	vand.u32 $0x1, v5;
	[tilespmem:s0+$0x50] =	vst v4;
	v0 =	vor.u32 v0, v3  }
0x29: {  	v3 =	vshll.u32 v7, $0x1;
	v4 =	vld [tilespmem:s12+$0x20];
	[tilespmem:s0+$0x60] =	vst v1;
	v0 =	vor.u32 v2, v0  }
0x2a: {  	v1 =	vand.u32 $0xFFFFE000, v7;
	v2 =	vand.u32 $0x1FFE, v3;
	v3 =	vshrl.u32 v7, $0xC;
	v7 =	vld [tilespmem:s12+$0x30];
	[tilespmem:s0+$0x70] =	vst v0;
	s0 =	smov.u32 s12  }
0x2b: {  	v0 =	vor.u32 v1, v2;
	v1 =	vand.u32 $0x1, v3;
	v2 =	vshll.u32 v6, $0x1  }
0x2c: {  	v3 =	vand.u32 $0xFFFFE000, v6;
	v5 =	vshrl.u32 v6, $0xC;
	v2 =	vand.u32 $0x1FFE, v2  }
0x2d: {  	v0 =	vor.u32 v1, v0;
	v1 =	vor.u32 v3, v2;
	v2 =	vand.u32 $0x1, v5  }
0x2e: {  	v3 =	vand.u32 $0xFFFFE000, v4;
	v5 =	vshll.u32 v4, $0x1;
	v4 =	vshrl.u32 v4, $0xC;
	v8 =	vld [tilespmem:s0+$0x40]  }
.Ltmp0:
0x2f: {  	v6 =	vand.u32 $0x1FFE, v5;
	v9 =	vand.u32 $0x1, v4;
	v4 =	vshll.u32 v7, $0x1;
	v5 =	vld [tilespmem:s0+$0x50];
	(pc) =	sbr.rel @p0 .LBB2_2-.Ltmp0, $4  }
0x30: {  	v10 =	vand.u32 $0xFFFFE000, v7;
	v7 =	vshrl.u32 v7, $0xC;
	v4 =	vand.u32 $0x1FFE, v4  }
0x31: {  	v3 =	vor.u32 v3, v6;
	v7 =	vand.u32 $0x1, v7;
	v6 =	vor.u32 v10, v4  }
0x32: {  	v4 =	vor.u32 v2, v1;
	v3 =	vor.u32 v9, v3;
	v1 =	vor.u32 v7, v6;
	v2 =	vld [tilespmem:s0+$0x60]  }
0x33: {  	s1 =	sadd.s32 $0x200, s1;
	v6 =	vand.u32 $0xFFFFE000, v8;
	v7 =	vshll.u32 v8, $0x1;
	v8 =	vshrl.u32 v8, $0xC  }
0x34: {  	v7 =	vand.u32 $0x1FFE, v7;
	v8 =	vand.u32 $0x1, v8;
	v9 =	vshll.u32 v5, $0x1;
	v10 =	vld [tilespmem:s0+$0x70]  }
0x35: {  	v11 =	vand.u32 $0xFFFFE000, v5;
	v52 =	vshrl.u32 v5, $0xC;
	v9 =	vand.u32 $0x1FFE, v9  }
0x36: {  	[tilespmem:s0+$0x0] =	vst v0;
	v53 =	vor.u32 v6, v7;
	v5 =	vand.u32 $0x1, v52;
	v54 =	vor.u32 v11, v9  }
0x37: {  	[tilespmem:s0+$0x10] =	vst v4;
	v0 =	vor.u32 v8, v53;
	v55 =	vor.u32 v5, v54;
	v56 =	vshll.u32 v2, $0x1  }
0x38: {  	[tilespmem:s0+$0x20] =	vst v3;
	v57 =	vand.u32 $0xFFFFE000, v2;
	v58 =	vshrl.u32 v2, $0xC;
	v5 =	vand.u32 $0x1FFE, v56  }
0x39: {  	[tilespmem:s0+$0x30] =	vst v1;
	v2 =	vand.u32 $0x1, v58;
	v59 =	vor.u32 v57, v5;
	v60 =	vshll.u32 v10, $0x1  }
0x3a: {  	[tilespmem:s0+$0x40] =	vst v0;
	v61 =	vand.u32 $0xFFFFE000, v10;
	v62 =	vshrl.u32 v10, $0xC;
	v3 =	vand.u32 $0x1FFE, v60  }
0x3b: {  	[tilespmem:s0+$0x50] =	vst v55;
	v1 =	vor.u32 v2, v59;
	v63 =	vand.u32 $0x1, v62;
	v0 =	vor.u32 v61, v3  }
0x3c: {  	[tilespmem:s0+$0x60] =	vst v1;
	v0 =	vor.u32 v63, v0  }
0x3d: {  	s31 =	simm.s32 $0x0;
	[tilespmem:s0+$0x70] =	vst v0  }
0x3e: {  	[tilespmem:s9], [sflag:$0x1] =	stream.indirect.gather [hbm4b:s3+s8], $0x40, s31, s8, $0xb8;
	[tilespmem:$0x14C00] =	vst v63  }
0x3f: {  	_ = 	snop  }
0x40: {  	[tilespmem:s11], [sflag:$0x1] =	stream.indirect.gather [hbm4b:s3+s10], $0x40, s8, s10, $0xb8;
	[tilespmem:$0x14C00] =	vst v63  }
0x41: {  	s12 =	simm.s32 $0xC8  }
0x42: {  	[tilespmem:s13], [sflag:$0x2] =	stream.indirect.gather [hbm4b:s3+s8], $0x40, s12, s8, $0xb8;
	[tilespmem:$0x14C00] =	vst v63  }
0x43: {  	s14 =	simm.s32 $0x130  }
0x44: {  	[tilespmem:s15], [sflag:$0x2] =	stream.indirect.gather [hbm4b:s3+s10], $0x40, s14, s10, $0xb8;
	[tilespmem:$0x14C00] =	vst v63  }
0x45: {  	_ = 	snop  }
0x46: {  	[tilespmem:s17], [sflag:$0x3] =	stream.indirect.gather [hbm4b:s3+s8], $0x40, s16, s8, $0xb8;
	[tilespmem:$0x14C00] =	vst v63  }
0x47: {  	_ = 	snop  }
0x48: {  	[tilespmem:s19], [sflag:$0x3] =	stream.indirect.gather [hbm4b:s3+s10], $0x40, s18, s10, $0xb8;
	[tilespmem:$0x14C00] =	vst v63  }
0x49: {  	_ = 	snop  }
0x4a: {  	[tilespmem:s21], [sflag:$0x4] =	stream.indirect.gather [hbm4b:s3+s8], $0x40, s20, s8, $0xb8;
	[tilespmem:$0x14C00] =	vst v63  }
0x4b: {  	_ = 	snop  }
0x4c: {  	[tilespmem:s23], [sflag:$0x4] =	stream.indirect.gather [hbm4b:s3+s10], $0x40, s22, s10, $0xb8;
	[tilespmem:$0x14C00] =	vst v63  }
.LBB2_4:
0x4d: {  	_ =	swait.ge [sflag:s24], $0x3200  }
0x4e: {  	[sflag:s24] =	ssyncset.done $0x0  }
0x4f: {  	s0 =	simm.s32 $0x0;
	[sflag:s24] =	ssyncadd.s32 $0xFFFFCE00  }
0x50: {  	v0 =	vld [tilespmem:s0+$0x65C0]  }
0x51: {  	v1 =	vld [tilespmem:s0+$0x65D0]  }
0x52: {  	v2 =	vld [tilespmem:s0+$0x6580]  }
0x53: {  	v3 =	vld [tilespmem:s0+$0x6590]  }
0x54: {  	v4 =	vld [tilespmem:s0+$0x6540]  }
0x55: {  	v5 =	vld [tilespmem:s0+$0x6550]  }
0x56: {  	v6 =	vld [tilespmem:s0+$0x6500]  }
0x57: {  	v7 =	vld [tilespmem:s0+$0x6510]  }
0x58: {  	v9 =	vld [tilespmem:s0+$0x64C0]  }
0x59: {  	v8 =	vld [tilespmem:s0+$0x64D0]  }
0x5a: {  	v11 =	vld [tilespmem:s0+$0x6480]  }
0x5b: {  	v10 =	vld [tilespmem:s0+$0x6490]  }
0x5c: {  	v17 =	vld [tilespmem:s0+$0x6440]  }
0x5d: {  	v16 =	vld [tilespmem:s0+$0x6450]  }
0x5e: {  	v19 =	vld [tilespmem:s0+$0x6400]  }
0x5f: {  	v12 =	vimm.f32 $0.0e+00;
	v20 =	vld [tilespmem:s0+$0x6410]  }
0x60: {  	s1 =	simm.s32 $0x800;
	v15 =	vimm.f32 $0.0e+00;
	v14 =	vimm.f32 $0.0e+00;
	v13 =	vimm.f32 $0.0e+00;
	v18 =	vld [tilespmem:s0+$0x6420]  }
.LBB2_5:
0x61: {  	p0 =	sne.s32 s1, $0xC000;
	v21 =	vld [tilespmem:s0+$0x6430]  }
0x62: {  	v22 =	vld [tilespmem:s0+$0x6460]  }
0x63: {  	v23 =	vld [tilespmem:s0+$0x6470]  }
0x64: {  	v24 =	vld [tilespmem:s0+$0x64A0]  }
0x65: {  	v12 =	vadd.f32 v19, v12;
	v15 =	vadd.f32 v20, v15;
	v19 =	vld [tilespmem:s0+$0x64B0]  }
0x66: {  	v14 =	vadd.f32 v18, v14;
	v13 =	vadd.f32 v21, v13;
	v18 =	vld [tilespmem:s0+$0x64E0]  }
0x67: {  	v12 =	vadd.f32 v17, v12;
	v15 =	vadd.f32 v16, v15;
	v16 =	vld [tilespmem:s0+$0x64F0]  }
0x68: {  	v14 =	vadd.f32 v22, v14;
	v13 =	vadd.f32 v23, v13;
	v17 =	vld [tilespmem:s0+$0x6520]  }
0x69: {  	v11 =	vadd.f32 v11, v12;
	v10 =	vadd.f32 v10, v15;
	v12 =	vld [tilespmem:s0+$0x6530]  }
0x6a: {  	v14 =	vadd.f32 v24, v14;
	v13 =	vadd.f32 v19, v13;
	v15 =	vld [tilespmem:s0+$0x6560]  }
0x6b: {  	v9 =	vadd.f32 v9, v11;
	v8 =	vadd.f32 v8, v10;
	v10 =	vld [tilespmem:s0+$0x6570]  }
0x6c: {  	v11 =	vadd.f32 v18, v14;
	v13 =	vadd.f32 v16, v13;
	v14 =	vld [tilespmem:s0+$0x65A0]  }
0x6d: {  	v6 =	vadd.f32 v6, v9;
	v7 =	vadd.f32 v7, v8;
	v8 =	vld [tilespmem:s0+$0x65B0]  }
0x6e: {  	v9 =	vadd.f32 v17, v11;
	v11 =	vadd.f32 v12, v13;
	v13 =	vld [tilespmem:s0+$0x65E0]  }
0x6f: {  	v4 =	vadd.f32 v4, v6;
	v5 =	vadd.f32 v5, v7;
	v6 =	vld [tilespmem:s0+$0x65F0];
	s0 =	sshra.s32 s1, $0x2  }
0x70: {  	v9 =	vadd.f32 v15, v9;
	v7 =	vld [tilespmem:s0+$0x65C0];
	v10 =	vadd.f32 v10, v11  }
0x71: {  	v4 =	vadd.f32 v2, v4;
	v5 =	vadd.f32 v3, v5;
	v11 =	vld [tilespmem:s0+$0x65D0]  }
0x72: {  	v9 =	vadd.f32 v14, v9;
	v2 =	vld [tilespmem:s0+$0x6580];
	v8 =	vadd.f32 v8, v10  }
0x73: {  	v12 =	vadd.f32 v0, v4;
	v15 =	vadd.f32 v1, v5;
	v3 =	vld [tilespmem:s0+$0x6590]  }
0x74: {  	v14 =	vadd.f32 v13, v9;
	v4 =	vld [tilespmem:s0+$0x6540];
	v13 =	vadd.f32 v6, v8  }
0x75: {  	v5 =	vld [tilespmem:s0+$0x6550];
	v0 =	vmov v7  }
0x76: {  	v6 =	vld [tilespmem:s0+$0x6500];
	v1 =	vmov v11  }
0x77: {  	v7 =	vld [tilespmem:s0+$0x6510]  }
0x78: {  	v9 =	vld [tilespmem:s0+$0x64C0]  }
0x79: {  	v8 =	vld [tilespmem:s0+$0x64D0]  }
0x7a: {  	v11 =	vld [tilespmem:s0+$0x6480]  }
0x7b: {  	v10 =	vld [tilespmem:s0+$0x6490]  }
.Ltmp1:
0x7c: {  	v17 =	vld [tilespmem:s0+$0x6440];
	(pc) =	sbr.rel @p0 .LBB2_5-.Ltmp1, $4  }
0x7d: {  	v16 =	vld [tilespmem:s0+$0x6450]  }
0x7e: {  	v19 =	vld [tilespmem:s0+$0x6400]  }
0x7f: {  	v20 =	vld [tilespmem:s0+$0x6410]  }
0x80: {  	s1 =	sadd.s32 $0x800, s1;
	v18 =	vld [tilespmem:s0+$0x6420]  }
0x81: {  	v21 =	vld [tilespmem:s0+$0x6430]  }
0x82: {  	v22 =	vld [tilespmem:s0+$0x6460]  }
0x83: {  	v23 =	vld [tilespmem:s0+$0x6470];
	v12 =	vadd.f32 v19, v12  }
0x84: {  	v19 =	vld [tilespmem:s0+$0x64A0];
	v15 =	vadd.f32 v20, v15  }
0x85: {  	v20 =	vld [tilespmem:s0+$0x64B0];
	v14 =	vadd.f32 v18, v14;
	v12 =	vadd.f32 v17, v12  }
0x86: {  	v17 =	vld [tilespmem:s0+$0x64E0];
	v13 =	vadd.f32 v21, v13;
	v15 =	vadd.f32 v16, v15  }
0x87: {  	v16 =	vld [tilespmem:s0+$0x64F0];
	v14 =	vadd.f32 v22, v14;
	v11 =	vadd.f32 v11, v12  }
0x88: {  	v12 =	vadd.f32 v23, v13;
	v13 =	vld [tilespmem:s0+$0x6520];
	v10 =	vadd.f32 v10, v15  }
0x89: {  	v15 =	vld [tilespmem:s0+$0x6530];
	v14 =	vadd.f32 v19, v14;
	v9 =	vadd.f32 v9, v11  }
0x8a: {  	v11 =	vadd.f32 v20, v12;
	v12 =	vld [tilespmem:s0+$0x6560];
	v8 =	vadd.f32 v8, v10  }
0x8b: {  	v10 =	vld [tilespmem:s0+$0x6570];
	v14 =	vadd.f32 v17, v14;
	v6 =	vadd.f32 v6, v9  }
0x8c: {  	v9 =	vadd.f32 v16, v11;
	v11 =	vld [tilespmem:s0+$0x65A0];
	v7 =	vadd.f32 v7, v8  }
0x8d: {  	v8 =	vld [tilespmem:s0+$0x65B0];
	v13 =	vadd.f32 v13, v14;
	v4 =	vadd.f32 v4, v6  }
0x8e: {  	v6 =	vadd.f32 v15, v9;
	v9 =	vld [tilespmem:s0+$0x65E0];
	v5 =	vadd.f32 v5, v7  }
0x8f: {  	v7 =	vld [tilespmem:s0+$0x65F0];
	v12 =	vadd.f32 v12, v13;
	v2 =	vadd.f32 v2, v4  }
0x90: {  	v4 =	vadd.f32 v10, v6;
	v3 =	vadd.f32 v3, v5  }
0x91: {  	s1 =	sshll.u32 s31, $0x8;
	v5 =	vadd.f32 v11, v12;
	v0 =	vadd.f32 v0, v2  }
0x92: {  	s1 =	sand.u32 $0x3FFFFF00, s1;
	v2 =	vadd.f32 v8, v4;
	v1 =	vadd.f32 v1, v3  }
0x93: {  	s12 =	smul.u32 $0xC80, s31;
	v3 =	vadd.f32 v9, v5;
	[tilespmem:s1+$0x12C00] =	vst v0  }
0x94: {  	v0 =	vadd.f32 v7, v2;
	[tilespmem:s1+$0x12C10] =	vst v1  }
0x95: {  	s0 =	sshra.s32 s12, $0x2;
	[tilespmem:s1+$0x12C20] =	vst v3  }
0x96: {  	s12 =	sadd.s32 $0x320, s0;
	[tilespmem:s1+$0x12C30] =	vst v0  }
0x97: {  	[tilespmem:s9], [sflag:$0x1] =	stream.indirect.gather [hbm4b:s3+s8], $0x40, s12, s8, $0xb8;
	[tilespmem:$0x14C00] =	vst v63  }
0x98: {  	s14 =	sadd.s32 $0x388, s0  }
0x99: {  	[tilespmem:s11], [sflag:$0x1] =	stream.indirect.gather [hbm4b:s3+s10], $0x40, s14, s10, $0xb8;
	[tilespmem:$0x14C00] =	vst v63  }
0x9a: {  	_ =	swait.ge [sflag:s25], $0x3200  }
0x9b: {  	[sflag:s25] =	ssyncset.done $0x0  }
0x9c: {  	s12 =	simm.s32 $0x0;
	[sflag:s25] =	ssyncadd.s32 $0xFFFFCE00  }
0x9d: {  	v0 =	vld [tilespmem:s12+$0x97C0]  }
0x9e: {  	v1 =	vld [tilespmem:s12+$0x97D0]  }
0x9f: {  	v2 =	vld [tilespmem:s12+$0x9780]  }
0xa0: {  	v3 =	vld [tilespmem:s12+$0x9790]  }
0xa1: {  	v4 =	vld [tilespmem:s12+$0x9740]  }
0xa2: {  	v5 =	vld [tilespmem:s12+$0x9750]  }
0xa3: {  	v6 =	vld [tilespmem:s12+$0x9700]  }
0xa4: {  	v7 =	vld [tilespmem:s12+$0x9710]  }
0xa5: {  	v9 =	vld [tilespmem:s12+$0x96C0]  }
0xa6: {  	v8 =	vld [tilespmem:s12+$0x96D0]  }
0xa7: {  	v11 =	vld [tilespmem:s12+$0x9680]  }
0xa8: {  	v10 =	vld [tilespmem:s12+$0x9690]  }
0xa9: {  	v17 =	vld [tilespmem:s12+$0x9640]  }
0xaa: {  	v16 =	vld [tilespmem:s12+$0x9650]  }
0xab: {  	v19 =	vld [tilespmem:s12+$0x9600]  }
0xac: {  	v14 =	vimm.f32 $0.0e+00;
	v20 =	vld [tilespmem:s12+$0x9610]  }
0xad: {  	v15 =	vimm.f32 $0.0e+00;
	v13 =	vimm.f32 $0.0e+00;
	v12 =	vimm.f32 $0.0e+00;
	s14 =	simm.s32 $0x800;
	v18 =	vld [tilespmem:s12+$0x9620]  }
.LBB2_7:
0xae: {  	p0 =	sne.s32 s14, $0xC000;
	v21 =	vld [tilespmem:s12+$0x9630]  }
0xaf: {  	v22 =	vld [tilespmem:s12+$0x9660]  }
0xb0: {  	v23 =	vld [tilespmem:s12+$0x9670]  }
0xb1: {  	v24 =	vld [tilespmem:s12+$0x96A0]  }
0xb2: {  	v12 =	vadd.f32 v19, v12;
	v15 =	vadd.f32 v20, v15;
	v19 =	vld [tilespmem:s12+$0x96B0]  }
0xb3: {  	v14 =	vadd.f32 v18, v14;
	v13 =	vadd.f32 v21, v13;
	v18 =	vld [tilespmem:s12+$0x96E0]  }
0xb4: {  	v12 =	vadd.f32 v17, v12;
	v15 =	vadd.f32 v16, v15;
	v16 =	vld [tilespmem:s12+$0x96F0]  }
0xb5: {  	v14 =	vadd.f32 v22, v14;
	v13 =	vadd.f32 v23, v13;
	v17 =	vld [tilespmem:s12+$0x9720]  }
0xb6: {  	v11 =	vadd.f32 v11, v12;
	v10 =	vadd.f32 v10, v15;
	v12 =	vld [tilespmem:s12+$0x9730]  }
0xb7: {  	v14 =	vadd.f32 v24, v14;
	v13 =	vadd.f32 v19, v13;
	v15 =	vld [tilespmem:s12+$0x9760]  }
0xb8: {  	v9 =	vadd.f32 v9, v11;
	v8 =	vadd.f32 v8, v10;
	v10 =	vld [tilespmem:s12+$0x9770]  }
0xb9: {  	v11 =	vadd.f32 v18, v14;
	v13 =	vadd.f32 v16, v13;
	v14 =	vld [tilespmem:s12+$0x97A0]  }
0xba: {  	v6 =	vadd.f32 v6, v9;
	v7 =	vadd.f32 v7, v8;
	v8 =	vld [tilespmem:s12+$0x97B0]  }
0xbb: {  	v9 =	vadd.f32 v17, v11;
	v11 =	vadd.f32 v12, v13;
	v13 =	vld [tilespmem:s12+$0x97E0]  }
0xbc: {  	v4 =	vadd.f32 v4, v6;
	v5 =	vadd.f32 v5, v7;
	v6 =	vld [tilespmem:s12+$0x97F0];
	s12 =	sshra.s32 s14, $0x2  }
0xbd: {  	v9 =	vadd.f32 v15, v9;
	v7 =	vld [tilespmem:s12+$0x97C0];
	v10 =	vadd.f32 v10, v11  }
0xbe: {  	v4 =	vadd.f32 v2, v4;
	v5 =	vadd.f32 v3, v5;
	v11 =	vld [tilespmem:s12+$0x97D0]  }
0xbf: {  	v9 =	vadd.f32 v14, v9;
	v2 =	vld [tilespmem:s12+$0x9780];
	v8 =	vadd.f32 v8, v10  }
0xc0: {  	v12 =	vadd.f32 v0, v4;
	v15 =	vadd.f32 v1, v5;
	v3 =	vld [tilespmem:s12+$0x9790]  }
0xc1: {  	v14 =	vadd.f32 v13, v9;
	v4 =	vld [tilespmem:s12+$0x9740];
	v13 =	vadd.f32 v6, v8  }
0xc2: {  	v5 =	vld [tilespmem:s12+$0x9750];
	v0 =	vmov v7  }
0xc3: {  	v6 =	vld [tilespmem:s12+$0x9700];
	v1 =	vmov v11  }
0xc4: {  	v7 =	vld [tilespmem:s12+$0x9710]  }
0xc5: {  	v9 =	vld [tilespmem:s12+$0x96C0]  }
0xc6: {  	v8 =	vld [tilespmem:s12+$0x96D0]  }
0xc7: {  	v11 =	vld [tilespmem:s12+$0x9680]  }
0xc8: {  	v10 =	vld [tilespmem:s12+$0x9690]  }
.Ltmp2:
0xc9: {  	v17 =	vld [tilespmem:s12+$0x9640];
	(pc) =	sbr.rel @p0 .LBB2_7-.Ltmp2, $4  }
0xca: {  	v16 =	vld [tilespmem:s12+$0x9650]  }
0xcb: {  	v19 =	vld [tilespmem:s12+$0x9600]  }
0xcc: {  	v20 =	vld [tilespmem:s12+$0x9610]  }
0xcd: {  	s14 =	sadd.s32 $0x800, s14;
	v18 =	vld [tilespmem:s12+$0x9620]  }
0xce: {  	v21 =	vld [tilespmem:s12+$0x9630]  }
0xcf: {  	v22 =	vld [tilespmem:s12+$0x9660]  }
0xd0: {  	v23 =	vld [tilespmem:s12+$0x9670];
	v12 =	vadd.f32 v19, v12  }
0xd1: {  	v19 =	vld [tilespmem:s12+$0x96A0];
	v15 =	vadd.f32 v20, v15  }
0xd2: {  	v20 =	vld [tilespmem:s12+$0x96B0];
	v14 =	vadd.f32 v18, v14;
	v12 =	vadd.f32 v17, v12  }
0xd3: {  	v17 =	vld [tilespmem:s12+$0x96E0];
	v13 =	vadd.f32 v21, v13;
	v15 =	vadd.f32 v16, v15  }
0xd4: {  	v16 =	vld [tilespmem:s12+$0x96F0];
	v14 =	vadd.f32 v22, v14;
	v11 =	vadd.f32 v11, v12  }
0xd5: {  	v12 =	vadd.f32 v23, v13;
	v13 =	vld [tilespmem:s12+$0x9720];
	v10 =	vadd.f32 v10, v15  }
0xd6: {  	v15 =	vld [tilespmem:s12+$0x9730];
	v14 =	vadd.f32 v19, v14;
	v9 =	vadd.f32 v9, v11  }
0xd7: {  	v11 =	vadd.f32 v20, v12;
	v12 =	vld [tilespmem:s12+$0x9760];
	v8 =	vadd.f32 v8, v10  }
0xd8: {  	v10 =	vld [tilespmem:s12+$0x9770];
	v14 =	vadd.f32 v17, v14;
	v6 =	vadd.f32 v6, v9  }
0xd9: {  	v9 =	vadd.f32 v16, v11;
	v11 =	vld [tilespmem:s12+$0x97A0];
	v7 =	vadd.f32 v7, v8  }
0xda: {  	v8 =	vld [tilespmem:s12+$0x97B0];
	v13 =	vadd.f32 v13, v14;
	v4 =	vadd.f32 v4, v6  }
0xdb: {  	v6 =	vadd.f32 v15, v9;
	v9 =	vld [tilespmem:s12+$0x97E0];
	v5 =	vadd.f32 v5, v7  }
0xdc: {  	v7 =	vld [tilespmem:s12+$0x97F0];
	v12 =	vadd.f32 v12, v13;
	v2 =	vadd.f32 v2, v4  }
0xdd: {  	v4 =	vadd.f32 v10, v6;
	v3 =	vadd.f32 v3, v5  }
0xde: {  	v5 =	vadd.f32 v11, v12;
	v0 =	vadd.f32 v0, v2  }
0xdf: {  	v2 =	vadd.f32 v8, v4;
	v1 =	vadd.f32 v1, v3  }
0xe0: {  	v3 =	vadd.f32 v9, v5;
	[tilespmem:s1+$0x12C40] =	vst v0  }
0xe1: {  	v0 =	vadd.f32 v7, v2;
	[tilespmem:s1+$0x12C50] =	vst v1  }
0xe2: {  	[tilespmem:s1+$0x12C60] =	vst v3  }
0xe3: {  	s14 =	sadd.s32 $0x3E8, s0;
	[tilespmem:s1+$0x12C70] =	vst v0  }
0xe4: {  	[tilespmem:s13], [sflag:$0x2] =	stream.indirect.gather [hbm4b:s3+s8], $0x40, s14, s8, $0xb8;
	[tilespmem:$0x14C00] =	vst v63  }
0xe5: {  	s14 =	sadd.s32 $0x450, s0  }
0xe6: {  	[tilespmem:s15], [sflag:$0x2] =	stream.indirect.gather [hbm4b:s3+s10], $0x40, s14, s10, $0xb8;
	[tilespmem:$0x14C00] =	vst v63  }
0xe7: {  	_ =	swait.ge [sflag:s26], $0x3200  }
0xe8: {  	[sflag:s26] =	ssyncset.done $0x0  }
0xe9: {  	s12 =	simm.s32 $0x0;
	[sflag:s26] =	ssyncadd.s32 $0xFFFFCE00  }
0xea: {  	v0 =	vld [tilespmem:s12+$0xC9C0]  }
0xeb: {  	v1 =	vld [tilespmem:s12+$0xC9D0]  }
0xec: {  	v2 =	vld [tilespmem:s12+$0xC980]  }
0xed: {  	v3 =	vld [tilespmem:s12+$0xC990]  }
0xee: {  	v4 =	vld [tilespmem:s12+$0xC940]  }
0xef: {  	v5 =	vld [tilespmem:s12+$0xC950]  }
0xf0: {  	v6 =	vld [tilespmem:s12+$0xC900]  }
0xf1: {  	v7 =	vld [tilespmem:s12+$0xC910]  }
0xf2: {  	v9 =	vld [tilespmem:s12+$0xC8C0]  }
0xf3: {  	v8 =	vld [tilespmem:s12+$0xC8D0]  }
0xf4: {  	v11 =	vld [tilespmem:s12+$0xC880]  }
0xf5: {  	v10 =	vld [tilespmem:s12+$0xC890]  }
0xf6: {  	v17 =	vld [tilespmem:s12+$0xC840]  }
0xf7: {  	v16 =	vld [tilespmem:s12+$0xC850]  }
0xf8: {  	v19 =	vld [tilespmem:s12+$0xC800]  }
0xf9: {  	v14 =	vimm.f32 $0.0e+00;
	v20 =	vld [tilespmem:s12+$0xC810]  }
0xfa: {  	v15 =	vimm.f32 $0.0e+00;
	v13 =	vimm.f32 $0.0e+00;
	v12 =	vimm.f32 $0.0e+00;
	s14 =	simm.s32 $0x800;
	v18 =	vld [tilespmem:s12+$0xC820]  }
.LBB2_9:
0xfb: {  	p0 =	sne.s32 s14, $0xC000;
	v21 =	vld [tilespmem:s12+$0xC830]  }
0xfc: {  	v22 =	vld [tilespmem:s12+$0xC860]  }
0xfd: {  	v23 =	vld [tilespmem:s12+$0xC870]  }
0xfe: {  	v24 =	vld [tilespmem:s12+$0xC8A0]  }
0xff: {  	v12 =	vadd.f32 v19, v12;
	v15 =	vadd.f32 v20, v15;
	v19 =	vld [tilespmem:s12+$0xC8B0]  }
0x100: {  	v14 =	vadd.f32 v18, v14;
	v13 =	vadd.f32 v21, v13;
	v18 =	vld [tilespmem:s12+$0xC8E0]  }
0x101: {  	v12 =	vadd.f32 v17, v12;
	v15 =	vadd.f32 v16, v15;
	v16 =	vld [tilespmem:s12+$0xC8F0]  }
0x102: {  	v14 =	vadd.f32 v22, v14;
	v13 =	vadd.f32 v23, v13;
	v17 =	vld [tilespmem:s12+$0xC920]  }
0x103: {  	v11 =	vadd.f32 v11, v12;
	v10 =	vadd.f32 v10, v15;
	v12 =	vld [tilespmem:s12+$0xC930]  }
0x104: {  	v14 =	vadd.f32 v24, v14;
	v13 =	vadd.f32 v19, v13;
	v15 =	vld [tilespmem:s12+$0xC960]  }
0x105: {  	v9 =	vadd.f32 v9, v11;
	v8 =	vadd.f32 v8, v10;
	v10 =	vld [tilespmem:s12+$0xC970]  }
0x106: {  	v11 =	vadd.f32 v18, v14;
	v13 =	vadd.f32 v16, v13;
	v14 =	vld [tilespmem:s12+$0xC9A0]  }
0x107: {  	v6 =	vadd.f32 v6, v9;
	v7 =	vadd.f32 v7, v8;
	v8 =	vld [tilespmem:s12+$0xC9B0]  }
0x108: {  	v9 =	vadd.f32 v17, v11;
	v11 =	vadd.f32 v12, v13;
	v13 =	vld [tilespmem:s12+$0xC9E0]  }
0x109: {  	v4 =	vadd.f32 v4, v6;
	v5 =	vadd.f32 v5, v7;
	v6 =	vld [tilespmem:s12+$0xC9F0];
	s12 =	sshra.s32 s14, $0x2  }
0x10a: {  	v9 =	vadd.f32 v15, v9;
	v7 =	vld [tilespmem:s12+$0xC9C0];
	v10 =	vadd.f32 v10, v11  }
0x10b: {  	v4 =	vadd.f32 v2, v4;
	v5 =	vadd.f32 v3, v5;
	v11 =	vld [tilespmem:s12+$0xC9D0]  }
0x10c: {  	v9 =	vadd.f32 v14, v9;
	v2 =	vld [tilespmem:s12+$0xC980];
	v8 =	vadd.f32 v8, v10  }
0x10d: {  	v12 =	vadd.f32 v0, v4;
	v15 =	vadd.f32 v1, v5;
	v3 =	vld [tilespmem:s12+$0xC990]  }
0x10e: {  	v14 =	vadd.f32 v13, v9;
	v4 =	vld [tilespmem:s12+$0xC940];
	v13 =	vadd.f32 v6, v8  }
0x10f: {  	v5 =	vld [tilespmem:s12+$0xC950];
	v0 =	vmov v7  }
0x110: {  	v6 =	vld [tilespmem:s12+$0xC900];
	v1 =	vmov v11  }
0x111: {  	v7 =	vld [tilespmem:s12+$0xC910]  }
0x112: {  	v9 =	vld [tilespmem:s12+$0xC8C0]  }
0x113: {  	v8 =	vld [tilespmem:s12+$0xC8D0]  }
0x114: {  	v11 =	vld [tilespmem:s12+$0xC880]  }
0x115: {  	v10 =	vld [tilespmem:s12+$0xC890]  }
.Ltmp3:
0x116: {  	v17 =	vld [tilespmem:s12+$0xC840];
	(pc) =	sbr.rel @p0 .LBB2_9-.Ltmp3, $4  }
0x117: {  	v16 =	vld [tilespmem:s12+$0xC850]  }
0x118: {  	v19 =	vld [tilespmem:s12+$0xC800]  }
0x119: {  	v20 =	vld [tilespmem:s12+$0xC810]  }
0x11a: {  	s14 =	sadd.s32 $0x800, s14;
	v18 =	vld [tilespmem:s12+$0xC820]  }
0x11b: {  	v21 =	vld [tilespmem:s12+$0xC830]  }
0x11c: {  	v22 =	vld [tilespmem:s12+$0xC860]  }
0x11d: {  	v23 =	vld [tilespmem:s12+$0xC870];
	v12 =	vadd.f32 v19, v12  }
0x11e: {  	v19 =	vld [tilespmem:s12+$0xC8A0];
	v15 =	vadd.f32 v20, v15  }
0x11f: {  	v20 =	vld [tilespmem:s12+$0xC8B0];
	v14 =	vadd.f32 v18, v14;
	v12 =	vadd.f32 v17, v12  }
0x120: {  	v17 =	vld [tilespmem:s12+$0xC8E0];
	v13 =	vadd.f32 v21, v13;
	v15 =	vadd.f32 v16, v15  }
0x121: {  	v16 =	vld [tilespmem:s12+$0xC8F0];
	v14 =	vadd.f32 v22, v14;
	v11 =	vadd.f32 v11, v12  }
0x122: {  	v12 =	vadd.f32 v23, v13;
	v13 =	vld [tilespmem:s12+$0xC920];
	v10 =	vadd.f32 v10, v15  }
0x123: {  	v15 =	vld [tilespmem:s12+$0xC930];
	v14 =	vadd.f32 v19, v14;
	v9 =	vadd.f32 v9, v11  }
0x124: {  	v11 =	vadd.f32 v20, v12;
	v12 =	vld [tilespmem:s12+$0xC960];
	v8 =	vadd.f32 v8, v10  }
0x125: {  	v10 =	vld [tilespmem:s12+$0xC970];
	v14 =	vadd.f32 v17, v14;
	v6 =	vadd.f32 v6, v9  }
0x126: {  	v9 =	vadd.f32 v16, v11;
	v11 =	vld [tilespmem:s12+$0xC9A0];
	v7 =	vadd.f32 v7, v8  }
0x127: {  	v8 =	vld [tilespmem:s12+$0xC9B0];
	v13 =	vadd.f32 v13, v14;
	v4 =	vadd.f32 v4, v6  }
0x128: {  	v6 =	vadd.f32 v15, v9;
	v9 =	vld [tilespmem:s12+$0xC9E0];
	v5 =	vadd.f32 v5, v7  }
0x129: {  	v7 =	vld [tilespmem:s12+$0xC9F0];
	v12 =	vadd.f32 v12, v13;
	v2 =	vadd.f32 v2, v4  }
0x12a: {  	v4 =	vadd.f32 v10, v6;
	v3 =	vadd.f32 v3, v5  }
0x12b: {  	v5 =	vadd.f32 v11, v12;
	v0 =	vadd.f32 v0, v2  }
0x12c: {  	v2 =	vadd.f32 v8, v4;
	v1 =	vadd.f32 v1, v3  }
0x12d: {  	v3 =	vadd.f32 v9, v5;
	[tilespmem:s1+$0x12C80] =	vst v0  }
0x12e: {  	v0 =	vadd.f32 v7, v2;
	[tilespmem:s1+$0x12C90] =	vst v1  }
0x12f: {  	[tilespmem:s1+$0x12CA0] =	vst v3  }
0x130: {  	s14 =	sadd.s32 $0x4B0, s0;
	[tilespmem:s1+$0x12CB0] =	vst v0  }
0x131: {  	[tilespmem:s17], [sflag:$0x3] =	stream.indirect.gather [hbm4b:s3+s8], $0x40, s14, s8, $0xb8;
	[tilespmem:$0x14C00] =	vst v63  }
0x132: {  	s14 =	sadd.s32 $0x518, s0  }
0x133: {  	[tilespmem:s19], [sflag:$0x3] =	stream.indirect.gather [hbm4b:s3+s10], $0x40, s14, s10, $0xb8;
	[tilespmem:$0x14C00] =	vst v63  }
0x134: {  	_ =	swait.ge [sflag:s28], $0x3200  }
0x135: {  	[sflag:s28] =	ssyncset.done $0x0  }
0x136: {  	s12 =	simm.s32 $0x0;
	[sflag:s28] =	ssyncadd.s32 $0xFFFFCE00  }
0x137: {  	v0 =	vld [tilespmem:s12+$0xFBC0]  }
0x138: {  	v1 =	vld [tilespmem:s12+$0xFBD0]  }
0x139: {  	v2 =	vld [tilespmem:s12+$0xFB80]  }
0x13a: {  	v3 =	vld [tilespmem:s12+$0xFB90]  }
0x13b: {  	v4 =	vld [tilespmem:s12+$0xFB40]  }
0x13c: {  	v5 =	vld [tilespmem:s12+$0xFB50]  }
0x13d: {  	v6 =	vld [tilespmem:s12+$0xFB00]  }
0x13e: {  	v7 =	vld [tilespmem:s12+$0xFB10]  }
0x13f: {  	v9 =	vld [tilespmem:s12+$0xFAC0]  }
0x140: {  	v8 =	vld [tilespmem:s12+$0xFAD0]  }
0x141: {  	v11 =	vld [tilespmem:s12+$0xFA80]  }
0x142: {  	v10 =	vld [tilespmem:s12+$0xFA90]  }
0x143: {  	v17 =	vld [tilespmem:s12+$0xFA40]  }
0x144: {  	v16 =	vld [tilespmem:s12+$0xFA50]  }
0x145: {  	v19 =	vld [tilespmem:s12+$0xFA00]  }
0x146: {  	v14 =	vimm.f32 $0.0e+00;
	v20 =	vld [tilespmem:s12+$0xFA10]  }
0x147: {  	v15 =	vimm.f32 $0.0e+00;
	v13 =	vimm.f32 $0.0e+00;
	v12 =	vimm.f32 $0.0e+00;
	s14 =	simm.s32 $0x800;
	v18 =	vld [tilespmem:s12+$0xFA20]  }
.LBB2_11:
0x148: {  	p0 =	sne.s32 s14, $0xC000;
	v21 =	vld [tilespmem:s12+$0xFA30]  }
0x149: {  	v22 =	vld [tilespmem:s12+$0xFA60]  }
0x14a: {  	v23 =	vld [tilespmem:s12+$0xFA70]  }
0x14b: {  	v24 =	vld [tilespmem:s12+$0xFAA0]  }
0x14c: {  	v12 =	vadd.f32 v19, v12;
	v15 =	vadd.f32 v20, v15;
	v19 =	vld [tilespmem:s12+$0xFAB0]  }
0x14d: {  	v14 =	vadd.f32 v18, v14;
	v13 =	vadd.f32 v21, v13;
	v18 =	vld [tilespmem:s12+$0xFAE0]  }
0x14e: {  	v12 =	vadd.f32 v17, v12;
	v15 =	vadd.f32 v16, v15;
	v16 =	vld [tilespmem:s12+$0xFAF0]  }
0x14f: {  	v14 =	vadd.f32 v22, v14;
	v13 =	vadd.f32 v23, v13;
	v17 =	vld [tilespmem:s12+$0xFB20]  }
0x150: {  	v11 =	vadd.f32 v11, v12;
	v10 =	vadd.f32 v10, v15;
	v12 =	vld [tilespmem:s12+$0xFB30]  }
0x151: {  	v14 =	vadd.f32 v24, v14;
	v13 =	vadd.f32 v19, v13;
	v15 =	vld [tilespmem:s12+$0xFB60]  }
0x152: {  	v9 =	vadd.f32 v9, v11;
	v8 =	vadd.f32 v8, v10;
	v10 =	vld [tilespmem:s12+$0xFB70]  }
0x153: {  	v11 =	vadd.f32 v18, v14;
	v13 =	vadd.f32 v16, v13;
	v14 =	vld [tilespmem:s12+$0xFBA0]  }
0x154: {  	v6 =	vadd.f32 v6, v9;
	v7 =	vadd.f32 v7, v8;
	v8 =	vld [tilespmem:s12+$0xFBB0]  }
0x155: {  	v9 =	vadd.f32 v17, v11;
	v11 =	vadd.f32 v12, v13;
	v13 =	vld [tilespmem:s12+$0xFBE0]  }
0x156: {  	v4 =	vadd.f32 v4, v6;
	v5 =	vadd.f32 v5, v7;
	v6 =	vld [tilespmem:s12+$0xFBF0];
	s12 =	sshra.s32 s14, $0x2  }
0x157: {  	v9 =	vadd.f32 v15, v9;
	v7 =	vld [tilespmem:s12+$0xFBC0];
	v10 =	vadd.f32 v10, v11  }
0x158: {  	v4 =	vadd.f32 v2, v4;
	v5 =	vadd.f32 v3, v5;
	v11 =	vld [tilespmem:s12+$0xFBD0]  }
0x159: {  	v9 =	vadd.f32 v14, v9;
	v2 =	vld [tilespmem:s12+$0xFB80];
	v8 =	vadd.f32 v8, v10  }
0x15a: {  	v12 =	vadd.f32 v0, v4;
	v15 =	vadd.f32 v1, v5;
	v3 =	vld [tilespmem:s12+$0xFB90]  }
0x15b: {  	v14 =	vadd.f32 v13, v9;
	v4 =	vld [tilespmem:s12+$0xFB40];
	v13 =	vadd.f32 v6, v8  }
0x15c: {  	v5 =	vld [tilespmem:s12+$0xFB50];
	v0 =	vmov v7  }
0x15d: {  	v6 =	vld [tilespmem:s12+$0xFB00];
	v1 =	vmov v11  }
0x15e: {  	v7 =	vld [tilespmem:s12+$0xFB10]  }
0x15f: {  	v9 =	vld [tilespmem:s12+$0xFAC0]  }
0x160: {  	v8 =	vld [tilespmem:s12+$0xFAD0]  }
0x161: {  	v11 =	vld [tilespmem:s12+$0xFA80]  }
0x162: {  	v10 =	vld [tilespmem:s12+$0xFA90]  }
.Ltmp4:
0x163: {  	v17 =	vld [tilespmem:s12+$0xFA40];
	(pc) =	sbr.rel @p0 .LBB2_11-.Ltmp4, $4  }
0x164: {  	v16 =	vld [tilespmem:s12+$0xFA50]  }
0x165: {  	v19 =	vld [tilespmem:s12+$0xFA00]  }
0x166: {  	v20 =	vld [tilespmem:s12+$0xFA10]  }
0x167: {  	s14 =	sadd.s32 $0x800, s14;
	v18 =	vld [tilespmem:s12+$0xFA20]  }
0x168: {  	v21 =	vld [tilespmem:s12+$0xFA30]  }
0x169: {  	v22 =	vld [tilespmem:s12+$0xFA60]  }
0x16a: {  	v23 =	vld [tilespmem:s12+$0xFA70];
	v12 =	vadd.f32 v19, v12  }
0x16b: {  	v43 =	vld [tilespmem:s12+$0xFAA0];
	v15 =	vadd.f32 v20, v15  }
0x16c: {  	v44 =	vld [tilespmem:s12+$0xFAB0];
	v14 =	vadd.f32 v18, v14;
	v12 =	vadd.f32 v17, v12  }
0x16d: {  	v45 =	vld [tilespmem:s12+$0xFAE0];
	v13 =	vadd.f32 v21, v13;
	v15 =	vadd.f32 v16, v15  }
0x16e: {  	v46 =	vld [tilespmem:s12+$0xFAF0];
	v14 =	vadd.f32 v22, v14;
	v11 =	vadd.f32 v11, v12  }
0x16f: {  	v48 =	vld [tilespmem:s12+$0xFB20];
	v47 =	vadd.f32 v23, v13;
	v10 =	vadd.f32 v10, v15  }
0x170: {  	v49 =	vld [tilespmem:s12+$0xFB30];
	v14 =	vadd.f32 v43, v14;
	v9 =	vadd.f32 v9, v11  }
0x171: {  	v51 =	vld [tilespmem:s12+$0xFB60];
	v50 =	vadd.f32 v44, v47;
	v8 =	vadd.f32 v8, v10  }
0x172: {  	v52 =	vld [tilespmem:s12+$0xFB70];
	v14 =	vadd.f32 v45, v14;
	v6 =	vadd.f32 v6, v9  }
0x173: {  	v54 =	vld [tilespmem:s12+$0xFBA0];
	v53 =	vadd.f32 v46, v50;
	v7 =	vadd.f32 v7, v8  }
0x174: {  	v55 =	vld [tilespmem:s12+$0xFBB0];
	v13 =	vadd.f32 v48, v14;
	v4 =	vadd.f32 v4, v6  }
0x175: {  	v57 =	vld [tilespmem:s12+$0xFBE0];
	v56 =	vadd.f32 v49, v53;
	v5 =	vadd.f32 v5, v7  }
0x176: {  	v58 =	vld [tilespmem:s12+$0xFBF0];
	v12 =	vadd.f32 v51, v13;
	v2 =	vadd.f32 v2, v4  }
0x177: {  	v59 =	vadd.f32 v52, v56;
	v3 =	vadd.f32 v3, v5  }
0x178: {  	v60 =	vadd.f32 v54, v12;
	v0 =	vadd.f32 v0, v2  }
0x179: {  	v61 =	vadd.f32 v55, v59;
	v1 =	vadd.f32 v1, v3  }
0x17a: {  	s31 =	sadd.s32 $0x1, s31;
	v62 =	vadd.f32 v57, v60;
	[tilespmem:s1+$0x12CC0] =	vst v0  }
0x17b: {  	p0 =	sne.s32 s31, $0x1F;
	v63 =	vadd.f32 v58, v61;
	[tilespmem:s1+$0x12CD0] =	vst v1  }
.Ltmp5:
0x17c: {  	[tilespmem:s1+$0x12CE0] =	vst v62;
	(pc) =	sbr.rel @p0 .LBB2_4-.Ltmp5, $4  }
0x17d: {  	s12 =	sadd.s32 $0x578, s0;
	[tilespmem:s1+$0x12CF0] =	vst v63  }
0x17e: {  	[tilespmem:s21], [sflag:$0x4] =	stream.indirect.gather [hbm4b:s3+s8], $0x40, s12, s8, $0xb8;
	[tilespmem:$0x14C00] =	vst v63  }
0x17f: {  	s14 =	sadd.s32 $0x5E0, s0  }
0x180: {  	[tilespmem:s23], [sflag:$0x4] =	stream.indirect.gather [hbm4b:s3+s10], $0x40, s14, s10, $0xb8;
	[tilespmem:$0x14C00] =	vst v63  }
0x181: {  	_ =	swait.ge [sflag:s24], $0x3200  }
0x182: {  	[sflag:s24] =	ssyncset.done $0x0  }
0x183: {  	s0 =	simm.s32 $0x0;
	[sflag:s24] =	ssyncadd.s32 $0xFFFFCE00  }
0x184: {  	v0 =	vld [tilespmem:s0+$0x65C0]  }
0x185: {  	v1 =	vld [tilespmem:s0+$0x65D0]  }
0x186: {  	v2 =	vld [tilespmem:s0+$0x6580]  }
0x187: {  	v3 =	vld [tilespmem:s0+$0x6590]  }
0x188: {  	v4 =	vld [tilespmem:s0+$0x6540]  }
0x189: {  	v5 =	vld [tilespmem:s0+$0x6550]  }
0x18a: {  	v6 =	vld [tilespmem:s0+$0x6500]  }
0x18b: {  	v7 =	vld [tilespmem:s0+$0x6510]  }
0x18c: {  	v9 =	vld [tilespmem:s0+$0x64C0]  }
0x18d: {  	v8 =	vld [tilespmem:s0+$0x64D0]  }
0x18e: {  	v11 =	vld [tilespmem:s0+$0x6480]  }
0x18f: {  	v10 =	vld [tilespmem:s0+$0x6490]  }
0x190: {  	v17 =	vld [tilespmem:s0+$0x6440]  }
0x191: {  	v16 =	vld [tilespmem:s0+$0x6450]  }
0x192: {  	v19 =	vld [tilespmem:s0+$0x6400]  }
0x193: {  	v12 =	vimm.f32 $0.0e+00;
	v20 =	vld [tilespmem:s0+$0x6410]  }
0x194: {  	s1 =	simm.s32 $0x800;
	v15 =	vimm.f32 $0.0e+00;
	v14 =	vimm.f32 $0.0e+00;
	v13 =	vimm.f32 $0.0e+00;
	v18 =	vld [tilespmem:s0+$0x6420]  }
.LBB2_14:
0x195: {  	p0 =	sne.s32 s1, $0xC000;
	v21 =	vld [tilespmem:s0+$0x6430]  }
0x196: {  	v22 =	vld [tilespmem:s0+$0x6460]  }
0x197: {  	v23 =	vld [tilespmem:s0+$0x6470]  }
0x198: {  	v24 =	vld [tilespmem:s0+$0x64A0]  }
0x199: {  	v12 =	vadd.f32 v19, v12;
	v15 =	vadd.f32 v20, v15;
	v19 =	vld [tilespmem:s0+$0x64B0]  }
0x19a: {  	v14 =	vadd.f32 v18, v14;
	v13 =	vadd.f32 v21, v13;
	v18 =	vld [tilespmem:s0+$0x64E0]  }
0x19b: {  	v12 =	vadd.f32 v17, v12;
	v15 =	vadd.f32 v16, v15;
	v16 =	vld [tilespmem:s0+$0x64F0]  }
0x19c: {  	v14 =	vadd.f32 v22, v14;
	v13 =	vadd.f32 v23, v13;
	v17 =	vld [tilespmem:s0+$0x6520]  }
0x19d: {  	v11 =	vadd.f32 v11, v12;
	v10 =	vadd.f32 v10, v15;
	v12 =	vld [tilespmem:s0+$0x6530]  }
0x19e: {  	v14 =	vadd.f32 v24, v14;
	v13 =	vadd.f32 v19, v13;
	v15 =	vld [tilespmem:s0+$0x6560]  }
0x19f: {  	v9 =	vadd.f32 v9, v11;
	v8 =	vadd.f32 v8, v10;
	v10 =	vld [tilespmem:s0+$0x6570]  }
0x1a0: {  	v11 =	vadd.f32 v18, v14;
	v13 =	vadd.f32 v16, v13;
	v14 =	vld [tilespmem:s0+$0x65A0]  }
0x1a1: {  	v6 =	vadd.f32 v6, v9;
	v7 =	vadd.f32 v7, v8;
	v8 =	vld [tilespmem:s0+$0x65B0]  }
0x1a2: {  	v9 =	vadd.f32 v17, v11;
	v11 =	vadd.f32 v12, v13;
	v13 =	vld [tilespmem:s0+$0x65E0]  }
0x1a3: {  	v4 =	vadd.f32 v4, v6;
	v5 =	vadd.f32 v5, v7;
	v6 =	vld [tilespmem:s0+$0x65F0];
	s0 =	sshra.s32 s1, $0x2  }
0x1a4: {  	v9 =	vadd.f32 v15, v9;
	v7 =	vld [tilespmem:s0+$0x65C0];
	v10 =	vadd.f32 v10, v11  }
0x1a5: {  	v4 =	vadd.f32 v2, v4;
	v5 =	vadd.f32 v3, v5;
	v11 =	vld [tilespmem:s0+$0x65D0]  }
0x1a6: {  	v9 =	vadd.f32 v14, v9;
	v2 =	vld [tilespmem:s0+$0x6580];
	v8 =	vadd.f32 v8, v10  }
0x1a7: {  	v12 =	vadd.f32 v0, v4;
	v15 =	vadd.f32 v1, v5;
	v3 =	vld [tilespmem:s0+$0x6590]  }
0x1a8: {  	v14 =	vadd.f32 v13, v9;
	v4 =	vld [tilespmem:s0+$0x6540];
	v13 =	vadd.f32 v6, v8  }
0x1a9: {  	v5 =	vld [tilespmem:s0+$0x6550];
	v0 =	vmov v7  }
0x1aa: {  	v6 =	vld [tilespmem:s0+$0x6500];
	v1 =	vmov v11  }
0x1ab: {  	v7 =	vld [tilespmem:s0+$0x6510]  }
0x1ac: {  	v9 =	vld [tilespmem:s0+$0x64C0]  }
0x1ad: {  	v8 =	vld [tilespmem:s0+$0x64D0]  }
0x1ae: {  	v11 =	vld [tilespmem:s0+$0x6480]  }
0x1af: {  	v10 =	vld [tilespmem:s0+$0x6490]  }
.Ltmp6:
0x1b0: {  	v17 =	vld [tilespmem:s0+$0x6440];
	(pc) =	sbr.rel @p0 .LBB2_14-.Ltmp6, $4  }
0x1b1: {  	v16 =	vld [tilespmem:s0+$0x6450]  }
0x1b2: {  	v19 =	vld [tilespmem:s0+$0x6400]  }
0x1b3: {  	v20 =	vld [tilespmem:s0+$0x6410]  }
0x1b4: {  	s1 =	sadd.s32 $0x800, s1;
	v18 =	vld [tilespmem:s0+$0x6420]  }
0x1b5: {  	v21 =	vld [tilespmem:s0+$0x6430]  }
0x1b6: {  	v22 =	vld [tilespmem:s0+$0x6460]  }
0x1b7: {  	v23 =	vld [tilespmem:s0+$0x6470];
	v12 =	vadd.f32 v19, v12  }
0x1b8: {  	v19 =	vld [tilespmem:s0+$0x64A0];
	v15 =	vadd.f32 v20, v15  }
0x1b9: {  	v20 =	vld [tilespmem:s0+$0x64B0];
	v14 =	vadd.f32 v18, v14;
	v12 =	vadd.f32 v17, v12  }
0x1ba: {  	v17 =	vld [tilespmem:s0+$0x64E0];
	v13 =	vadd.f32 v21, v13;
	v15 =	vadd.f32 v16, v15  }
0x1bb: {  	v16 =	vld [tilespmem:s0+$0x64F0];
	v14 =	vadd.f32 v22, v14;
	v11 =	vadd.f32 v11, v12  }
0x1bc: {  	v12 =	vadd.f32 v23, v13;
	v13 =	vld [tilespmem:s0+$0x6520];
	v10 =	vadd.f32 v10, v15  }
0x1bd: {  	v15 =	vld [tilespmem:s0+$0x6530];
	v14 =	vadd.f32 v19, v14;
	v9 =	vadd.f32 v9, v11  }
0x1be: {  	v11 =	vadd.f32 v20, v12;
	v12 =	vld [tilespmem:s0+$0x6560];
	v8 =	vadd.f32 v8, v10  }
0x1bf: {  	v10 =	vld [tilespmem:s0+$0x6570];
	v14 =	vadd.f32 v17, v14;
	v6 =	vadd.f32 v6, v9  }
0x1c0: {  	v9 =	vadd.f32 v16, v11;
	v11 =	vld [tilespmem:s0+$0x65A0];
	v7 =	vadd.f32 v7, v8  }
0x1c1: {  	v8 =	vld [tilespmem:s0+$0x65B0];
	v13 =	vadd.f32 v13, v14;
	v4 =	vadd.f32 v4, v6  }
0x1c2: {  	v6 =	vadd.f32 v15, v9;
	v9 =	vld [tilespmem:s0+$0x65E0];
	v5 =	vadd.f32 v5, v7  }
0x1c3: {  	v7 =	vld [tilespmem:s0+$0x65F0];
	v12 =	vadd.f32 v12, v13;
	v2 =	vadd.f32 v2, v4  }
0x1c4: {  	v4 =	vadd.f32 v10, v6;
	v3 =	vadd.f32 v3, v5  }
0x1c5: {  	v5 =	vadd.f32 v11, v12;
	v0 =	vadd.f32 v0, v2  }
0x1c6: {  	v2 =	vadd.f32 v8, v4;
	v1 =	vadd.f32 v1, v3  }
0x1c7: {  	v3 =	vadd.f32 v9, v5;
	[tilespmem:$0x14B00] =	vst v0  }
0x1c8: {  	v0 =	vadd.f32 v7, v2;
	[tilespmem:$0x14B10] =	vst v1  }
0x1c9: {  	[tilespmem:$0x14B20] =	vst v3  }
0x1ca: {  	[tilespmem:$0x14B30] =	vst v0  }
0x1cb: {  	_ =	swait.ge [sflag:s25], $0x3200  }
0x1cc: {  	[sflag:s25] =	ssyncset.done $0x0  }
0x1cd: {  	s0 =	simm.s32 $0x0;
	[sflag:s25] =	ssyncadd.s32 $0xFFFFCE00  }
0x1ce: {  	v0 =	vld [tilespmem:s0+$0x97C0]  }
0x1cf: {  	v1 =	vld [tilespmem:s0+$0x97D0]  }
0x1d0: {  	v2 =	vld [tilespmem:s0+$0x9780]  }
0x1d1: {  	v3 =	vld [tilespmem:s0+$0x9790]  }
0x1d2: {  	v4 =	vld [tilespmem:s0+$0x9740]  }
0x1d3: {  	v5 =	vld [tilespmem:s0+$0x9750]  }
0x1d4: {  	v6 =	vld [tilespmem:s0+$0x9700]  }
0x1d5: {  	v7 =	vld [tilespmem:s0+$0x9710]  }
0x1d6: {  	v9 =	vld [tilespmem:s0+$0x96C0]  }
0x1d7: {  	v8 =	vld [tilespmem:s0+$0x96D0]  }
0x1d8: {  	v11 =	vld [tilespmem:s0+$0x9680]  }
0x1d9: {  	v10 =	vld [tilespmem:s0+$0x9690]  }
0x1da: {  	v17 =	vld [tilespmem:s0+$0x9640]  }
0x1db: {  	v16 =	vld [tilespmem:s0+$0x9650]  }
0x1dc: {  	v19 =	vld [tilespmem:s0+$0x9600]  }
0x1dd: {  	v14 =	vimm.f32 $0.0e+00;
	v20 =	vld [tilespmem:s0+$0x9610]  }
0x1de: {  	s1 =	simm.s32 $0x800;
	v15 =	vimm.f32 $0.0e+00;
	v13 =	vimm.f32 $0.0e+00;
	v12 =	vimm.f32 $0.0e+00;
	v18 =	vld [tilespmem:s0+$0x9620]  }
.LBB2_16:
0x1df: {  	p0 =	sne.s32 s1, $0xC000;
	v21 =	vld [tilespmem:s0+$0x9630]  }
0x1e0: {  	v22 =	vld [tilespmem:s0+$0x9660]  }
0x1e1: {  	v23 =	vld [tilespmem:s0+$0x9670]  }
0x1e2: {  	v24 =	vld [tilespmem:s0+$0x96A0]  }
0x1e3: {  	v12 =	vadd.f32 v19, v12;
	v15 =	vadd.f32 v20, v15;
	v19 =	vld [tilespmem:s0+$0x96B0]  }
0x1e4: {  	v14 =	vadd.f32 v18, v14;
	v13 =	vadd.f32 v21, v13;
	v18 =	vld [tilespmem:s0+$0x96E0]  }
0x1e5: {  	v12 =	vadd.f32 v17, v12;
	v15 =	vadd.f32 v16, v15;
	v16 =	vld [tilespmem:s0+$0x96F0]  }
0x1e6: {  	v14 =	vadd.f32 v22, v14;
	v13 =	vadd.f32 v23, v13;
	v17 =	vld [tilespmem:s0+$0x9720]  }
0x1e7: {  	v11 =	vadd.f32 v11, v12;
	v10 =	vadd.f32 v10, v15;
	v12 =	vld [tilespmem:s0+$0x9730]  }
0x1e8: {  	v14 =	vadd.f32 v24, v14;
	v13 =	vadd.f32 v19, v13;
	v15 =	vld [tilespmem:s0+$0x9760]  }
0x1e9: {  	v9 =	vadd.f32 v9, v11;
	v8 =	vadd.f32 v8, v10;
	v10 =	vld [tilespmem:s0+$0x9770]  }
0x1ea: {  	v11 =	vadd.f32 v18, v14;
	v13 =	vadd.f32 v16, v13;
	v14 =	vld [tilespmem:s0+$0x97A0]  }
0x1eb: {  	v6 =	vadd.f32 v6, v9;
	v7 =	vadd.f32 v7, v8;
	v8 =	vld [tilespmem:s0+$0x97B0]  }
0x1ec: {  	v9 =	vadd.f32 v17, v11;
	v11 =	vadd.f32 v12, v13;
	v13 =	vld [tilespmem:s0+$0x97E0]  }
0x1ed: {  	v4 =	vadd.f32 v4, v6;
	v5 =	vadd.f32 v5, v7;
	v6 =	vld [tilespmem:s0+$0x97F0];
	s0 =	sshra.s32 s1, $0x2  }
0x1ee: {  	v9 =	vadd.f32 v15, v9;
	v7 =	vld [tilespmem:s0+$0x97C0];
	v10 =	vadd.f32 v10, v11  }
0x1ef: {  	v4 =	vadd.f32 v2, v4;
	v5 =	vadd.f32 v3, v5;
	v11 =	vld [tilespmem:s0+$0x97D0]  }
0x1f0: {  	v9 =	vadd.f32 v14, v9;
	v2 =	vld [tilespmem:s0+$0x9780];
	v8 =	vadd.f32 v8, v10  }
0x1f1: {  	v12 =	vadd.f32 v0, v4;
	v15 =	vadd.f32 v1, v5;
	v3 =	vld [tilespmem:s0+$0x9790]  }
0x1f2: {  	v14 =	vadd.f32 v13, v9;
	v4 =	vld [tilespmem:s0+$0x9740];
	v13 =	vadd.f32 v6, v8  }
0x1f3: {  	v5 =	vld [tilespmem:s0+$0x9750];
	v0 =	vmov v7  }
0x1f4: {  	v6 =	vld [tilespmem:s0+$0x9700];
	v1 =	vmov v11  }
0x1f5: {  	v7 =	vld [tilespmem:s0+$0x9710]  }
0x1f6: {  	v9 =	vld [tilespmem:s0+$0x96C0]  }
0x1f7: {  	v8 =	vld [tilespmem:s0+$0x96D0]  }
0x1f8: {  	v11 =	vld [tilespmem:s0+$0x9680]  }
0x1f9: {  	v10 =	vld [tilespmem:s0+$0x9690]  }
.Ltmp7:
0x1fa: {  	v17 =	vld [tilespmem:s0+$0x9640];
	(pc) =	sbr.rel @p0 .LBB2_16-.Ltmp7, $4  }
0x1fb: {  	v16 =	vld [tilespmem:s0+$0x9650]  }
0x1fc: {  	v19 =	vld [tilespmem:s0+$0x9600]  }
0x1fd: {  	v20 =	vld [tilespmem:s0+$0x9610]  }
0x1fe: {  	s1 =	sadd.s32 $0x800, s1;
	v18 =	vld [tilespmem:s0+$0x9620]  }
0x1ff: {  	v21 =	vld [tilespmem:s0+$0x9630]  }
0x200: {  	v22 =	vld [tilespmem:s0+$0x9660]  }
0x201: {  	v23 =	vld [tilespmem:s0+$0x9670];
	v12 =	vadd.f32 v19, v12  }
0x202: {  	v19 =	vld [tilespmem:s0+$0x96A0];
	v15 =	vadd.f32 v20, v15  }
0x203: {  	v20 =	vld [tilespmem:s0+$0x96B0];
	v14 =	vadd.f32 v18, v14;
	v12 =	vadd.f32 v17, v12  }
0x204: {  	v17 =	vld [tilespmem:s0+$0x96E0];
	v13 =	vadd.f32 v21, v13;
	v15 =	vadd.f32 v16, v15  }
0x205: {  	v16 =	vld [tilespmem:s0+$0x96F0];
	v14 =	vadd.f32 v22, v14;
	v11 =	vadd.f32 v11, v12  }
0x206: {  	v12 =	vadd.f32 v23, v13;
	v13 =	vld [tilespmem:s0+$0x9720];
	v10 =	vadd.f32 v10, v15  }
0x207: {  	v15 =	vld [tilespmem:s0+$0x9730];
	v14 =	vadd.f32 v19, v14;
	v9 =	vadd.f32 v9, v11  }
0x208: {  	v11 =	vadd.f32 v20, v12;
	v12 =	vld [tilespmem:s0+$0x9760];
	v8 =	vadd.f32 v8, v10  }
0x209: {  	v10 =	vld [tilespmem:s0+$0x9770];
	v14 =	vadd.f32 v17, v14;
	v6 =	vadd.f32 v6, v9  }
0x20a: {  	v9 =	vadd.f32 v16, v11;
	v11 =	vld [tilespmem:s0+$0x97A0];
	v7 =	vadd.f32 v7, v8  }
0x20b: {  	v8 =	vld [tilespmem:s0+$0x97B0];
	v13 =	vadd.f32 v13, v14;
	v4 =	vadd.f32 v4, v6  }
0x20c: {  	v6 =	vadd.f32 v15, v9;
	v9 =	vld [tilespmem:s0+$0x97E0];
	v5 =	vadd.f32 v5, v7  }
0x20d: {  	v7 =	vld [tilespmem:s0+$0x97F0];
	v12 =	vadd.f32 v12, v13;
	v2 =	vadd.f32 v2, v4  }
0x20e: {  	v4 =	vadd.f32 v10, v6;
	v3 =	vadd.f32 v3, v5  }
0x20f: {  	v5 =	vadd.f32 v11, v12;
	v0 =	vadd.f32 v0, v2  }
0x210: {  	v2 =	vadd.f32 v8, v4;
	v1 =	vadd.f32 v1, v3  }
0x211: {  	v3 =	vadd.f32 v9, v5;
	[tilespmem:$0x14B40] =	vst v0  }
0x212: {  	v0 =	vadd.f32 v7, v2;
	[tilespmem:$0x14B50] =	vst v1  }
0x213: {  	[tilespmem:$0x14B60] =	vst v3  }
0x214: {  	[tilespmem:$0x14B70] =	vst v0  }
0x215: {  	_ =	swait.ge [sflag:s26], $0x3200  }
0x216: {  	[sflag:s26] =	ssyncset.done $0x0  }
0x217: {  	s0 =	simm.s32 $0x0;
	[sflag:s26] =	ssyncadd.s32 $0xFFFFCE00  }
0x218: {  	v0 =	vld [tilespmem:s0+$0xC9C0]  }
0x219: {  	v1 =	vld [tilespmem:s0+$0xC9D0]  }
0x21a: {  	v2 =	vld [tilespmem:s0+$0xC980]  }
0x21b: {  	v3 =	vld [tilespmem:s0+$0xC990]  }
0x21c: {  	v4 =	vld [tilespmem:s0+$0xC940]  }
0x21d: {  	v5 =	vld [tilespmem:s0+$0xC950]  }
0x21e: {  	v6 =	vld [tilespmem:s0+$0xC900]  }
0x21f: {  	v7 =	vld [tilespmem:s0+$0xC910]  }
0x220: {  	v9 =	vld [tilespmem:s0+$0xC8C0]  }
0x221: {  	v8 =	vld [tilespmem:s0+$0xC8D0]  }
0x222: {  	v11 =	vld [tilespmem:s0+$0xC880]  }
0x223: {  	v10 =	vld [tilespmem:s0+$0xC890]  }
0x224: {  	v17 =	vld [tilespmem:s0+$0xC840]  }
0x225: {  	v16 =	vld [tilespmem:s0+$0xC850]  }
0x226: {  	v19 =	vld [tilespmem:s0+$0xC800]  }
0x227: {  	v14 =	vimm.f32 $0.0e+00;
	v20 =	vld [tilespmem:s0+$0xC810]  }
0x228: {  	s1 =	simm.s32 $0x800;
	v15 =	vimm.f32 $0.0e+00;
	v13 =	vimm.f32 $0.0e+00;
	v12 =	vimm.f32 $0.0e+00;
	v18 =	vld [tilespmem:s0+$0xC820]  }
.LBB2_18:
0x229: {  	p0 =	sne.s32 s1, $0xC000;
	v21 =	vld [tilespmem:s0+$0xC830]  }
0x22a: {  	v22 =	vld [tilespmem:s0+$0xC860]  }
0x22b: {  	v23 =	vld [tilespmem:s0+$0xC870]  }
0x22c: {  	v24 =	vld [tilespmem:s0+$0xC8A0]  }
0x22d: {  	v12 =	vadd.f32 v19, v12;
	v15 =	vadd.f32 v20, v15;
	v19 =	vld [tilespmem:s0+$0xC8B0]  }
0x22e: {  	v14 =	vadd.f32 v18, v14;
	v13 =	vadd.f32 v21, v13;
	v18 =	vld [tilespmem:s0+$0xC8E0]  }
0x22f: {  	v12 =	vadd.f32 v17, v12;
	v15 =	vadd.f32 v16, v15;
	v16 =	vld [tilespmem:s0+$0xC8F0]  }
0x230: {  	v14 =	vadd.f32 v22, v14;
	v13 =	vadd.f32 v23, v13;
	v17 =	vld [tilespmem:s0+$0xC920]  }
0x231: {  	v11 =	vadd.f32 v11, v12;
	v10 =	vadd.f32 v10, v15;
	v12 =	vld [tilespmem:s0+$0xC930]  }
0x232: {  	v14 =	vadd.f32 v24, v14;
	v13 =	vadd.f32 v19, v13;
	v15 =	vld [tilespmem:s0+$0xC960]  }
0x233: {  	v9 =	vadd.f32 v9, v11;
	v8 =	vadd.f32 v8, v10;
	v10 =	vld [tilespmem:s0+$0xC970]  }
0x234: {  	v11 =	vadd.f32 v18, v14;
	v13 =	vadd.f32 v16, v13;
	v14 =	vld [tilespmem:s0+$0xC9A0]  }
0x235: {  	v6 =	vadd.f32 v6, v9;
	v7 =	vadd.f32 v7, v8;
	v8 =	vld [tilespmem:s0+$0xC9B0]  }
0x236: {  	v9 =	vadd.f32 v17, v11;
	v11 =	vadd.f32 v12, v13;
	v13 =	vld [tilespmem:s0+$0xC9E0]  }
0x237: {  	v4 =	vadd.f32 v4, v6;
	v5 =	vadd.f32 v5, v7;
	v6 =	vld [tilespmem:s0+$0xC9F0];
	s0 =	sshra.s32 s1, $0x2  }
0x238: {  	v9 =	vadd.f32 v15, v9;
	v7 =	vld [tilespmem:s0+$0xC9C0];
	v10 =	vadd.f32 v10, v11  }
0x239: {  	v4 =	vadd.f32 v2, v4;
	v5 =	vadd.f32 v3, v5;
	v11 =	vld [tilespmem:s0+$0xC9D0]  }
0x23a: {  	v9 =	vadd.f32 v14, v9;
	v2 =	vld [tilespmem:s0+$0xC980];
	v8 =	vadd.f32 v8, v10  }
0x23b: {  	v12 =	vadd.f32 v0, v4;
	v15 =	vadd.f32 v1, v5;
	v3 =	vld [tilespmem:s0+$0xC990]  }
0x23c: {  	v14 =	vadd.f32 v13, v9;
	v4 =	vld [tilespmem:s0+$0xC940];
	v13 =	vadd.f32 v6, v8  }
0x23d: {  	v5 =	vld [tilespmem:s0+$0xC950];
	v0 =	vmov v7  }
0x23e: {  	v6 =	vld [tilespmem:s0+$0xC900];
	v1 =	vmov v11  }
0x23f: {  	v7 =	vld [tilespmem:s0+$0xC910]  }
0x240: {  	v9 =	vld [tilespmem:s0+$0xC8C0]  }
0x241: {  	v8 =	vld [tilespmem:s0+$0xC8D0]  }
0x242: {  	v11 =	vld [tilespmem:s0+$0xC880]  }
0x243: {  	v10 =	vld [tilespmem:s0+$0xC890]  }
.Ltmp8:
0x244: {  	v17 =	vld [tilespmem:s0+$0xC840];
	(pc) =	sbr.rel @p0 .LBB2_18-.Ltmp8, $4  }
0x245: {  	v16 =	vld [tilespmem:s0+$0xC850]  }
0x246: {  	v19 =	vld [tilespmem:s0+$0xC800]  }
0x247: {  	v20 =	vld [tilespmem:s0+$0xC810]  }
0x248: {  	s1 =	sadd.s32 $0x800, s1;
	v18 =	vld [tilespmem:s0+$0xC820]  }
0x249: {  	v21 =	vld [tilespmem:s0+$0xC830]  }
0x24a: {  	v22 =	vld [tilespmem:s0+$0xC860]  }
0x24b: {  	v23 =	vld [tilespmem:s0+$0xC870];
	v12 =	vadd.f32 v19, v12  }
0x24c: {  	v19 =	vld [tilespmem:s0+$0xC8A0];
	v15 =	vadd.f32 v20, v15  }
0x24d: {  	v20 =	vld [tilespmem:s0+$0xC8B0];
	v14 =	vadd.f32 v18, v14;
	v12 =	vadd.f32 v17, v12  }
0x24e: {  	v17 =	vld [tilespmem:s0+$0xC8E0];
	v13 =	vadd.f32 v21, v13;
	v15 =	vadd.f32 v16, v15  }
0x24f: {  	v16 =	vld [tilespmem:s0+$0xC8F0];
	v14 =	vadd.f32 v22, v14;
	v11 =	vadd.f32 v11, v12  }
0x250: {  	v12 =	vadd.f32 v23, v13;
	v13 =	vld [tilespmem:s0+$0xC920];
	v10 =	vadd.f32 v10, v15  }
0x251: {  	v15 =	vld [tilespmem:s0+$0xC930];
	v14 =	vadd.f32 v19, v14;
	v9 =	vadd.f32 v9, v11  }
0x252: {  	v11 =	vadd.f32 v20, v12;
	v12 =	vld [tilespmem:s0+$0xC960];
	v8 =	vadd.f32 v8, v10  }
0x253: {  	v10 =	vld [tilespmem:s0+$0xC970];
	v14 =	vadd.f32 v17, v14;
	v6 =	vadd.f32 v6, v9  }
0x254: {  	v9 =	vadd.f32 v16, v11;
	v11 =	vld [tilespmem:s0+$0xC9A0];
	v7 =	vadd.f32 v7, v8  }
0x255: {  	v8 =	vld [tilespmem:s0+$0xC9B0];
	v13 =	vadd.f32 v13, v14;
	v4 =	vadd.f32 v4, v6  }
0x256: {  	v6 =	vadd.f32 v15, v9;
	v9 =	vld [tilespmem:s0+$0xC9E0];
	v5 =	vadd.f32 v5, v7  }
0x257: {  	v7 =	vld [tilespmem:s0+$0xC9F0];
	v12 =	vadd.f32 v12, v13;
	v2 =	vadd.f32 v2, v4  }
0x258: {  	v4 =	vadd.f32 v10, v6;
	v3 =	vadd.f32 v3, v5  }
0x259: {  	v5 =	vadd.f32 v11, v12;
	v0 =	vadd.f32 v0, v2  }
0x25a: {  	v2 =	vadd.f32 v8, v4;
	v1 =	vadd.f32 v1, v3  }
0x25b: {  	v3 =	vadd.f32 v9, v5;
	[tilespmem:$0x14B80] =	vst v0  }
0x25c: {  	v0 =	vadd.f32 v7, v2;
	[tilespmem:$0x14B90] =	vst v1  }
0x25d: {  	[tilespmem:$0x14BA0] =	vst v3  }
0x25e: {  	[tilespmem:$0x14BB0] =	vst v0  }
0x25f: {  	_ =	swait.ge [sflag:s28], $0x3200  }
0x260: {  	[sflag:s28] =	ssyncset.done $0x0  }
0x261: {  	s0 =	simm.s32 $0x0;
	[sflag:s28] =	ssyncadd.s32 $0xFFFFCE00  }
0x262: {  	v0 =	vld [tilespmem:s0+$0xFBC0]  }
0x263: {  	v1 =	vld [tilespmem:s0+$0xFBD0]  }
0x264: {  	v2 =	vld [tilespmem:s0+$0xFB80]  }
0x265: {  	v3 =	vld [tilespmem:s0+$0xFB90]  }
0x266: {  	v4 =	vld [tilespmem:s0+$0xFB40]  }
0x267: {  	v5 =	vld [tilespmem:s0+$0xFB50]  }
0x268: {  	v6 =	vld [tilespmem:s0+$0xFB00]  }
0x269: {  	v7 =	vld [tilespmem:s0+$0xFB10]  }
0x26a: {  	v9 =	vld [tilespmem:s0+$0xFAC0]  }
0x26b: {  	v8 =	vld [tilespmem:s0+$0xFAD0]  }
0x26c: {  	v11 =	vld [tilespmem:s0+$0xFA80]  }
0x26d: {  	v10 =	vld [tilespmem:s0+$0xFA90]  }
0x26e: {  	v17 =	vld [tilespmem:s0+$0xFA40]  }
0x26f: {  	v16 =	vld [tilespmem:s0+$0xFA50]  }
0x270: {  	v19 =	vld [tilespmem:s0+$0xFA00]  }
0x271: {  	v14 =	vimm.f32 $0.0e+00;
	v20 =	vld [tilespmem:s0+$0xFA10]  }
0x272: {  	s1 =	simm.s32 $0x800;
	v15 =	vimm.f32 $0.0e+00;
	v13 =	vimm.f32 $0.0e+00;
	v12 =	vimm.f32 $0.0e+00;
	v18 =	vld [tilespmem:s0+$0xFA20]  }
.LBB2_20:
0x273: {  	p0 =	sne.s32 s1, $0xC000;
	v21 =	vld [tilespmem:s0+$0xFA30]  }
0x274: {  	v22 =	vld [tilespmem:s0+$0xFA60]  }
0x275: {  	v23 =	vld [tilespmem:s0+$0xFA70]  }
0x276: {  	v24 =	vld [tilespmem:s0+$0xFAA0]  }
0x277: {  	v12 =	vadd.f32 v19, v12;
	v15 =	vadd.f32 v20, v15;
	v19 =	vld [tilespmem:s0+$0xFAB0]  }
0x278: {  	v14 =	vadd.f32 v18, v14;
	v13 =	vadd.f32 v21, v13;
	v18 =	vld [tilespmem:s0+$0xFAE0]  }
0x279: {  	v12 =	vadd.f32 v17, v12;
	v15 =	vadd.f32 v16, v15;
	v16 =	vld [tilespmem:s0+$0xFAF0]  }
0x27a: {  	v14 =	vadd.f32 v22, v14;
	v13 =	vadd.f32 v23, v13;
	v17 =	vld [tilespmem:s0+$0xFB20]  }
0x27b: {  	v11 =	vadd.f32 v11, v12;
	v10 =	vadd.f32 v10, v15;
	v12 =	vld [tilespmem:s0+$0xFB30]  }
0x27c: {  	v14 =	vadd.f32 v24, v14;
	v13 =	vadd.f32 v19, v13;
	v15 =	vld [tilespmem:s0+$0xFB60]  }
0x27d: {  	v9 =	vadd.f32 v9, v11;
	v8 =	vadd.f32 v8, v10;
	v10 =	vld [tilespmem:s0+$0xFB70]  }
0x27e: {  	v11 =	vadd.f32 v18, v14;
	v13 =	vadd.f32 v16, v13;
	v14 =	vld [tilespmem:s0+$0xFBA0]  }
0x27f: {  	v6 =	vadd.f32 v6, v9;
	v7 =	vadd.f32 v7, v8;
	v8 =	vld [tilespmem:s0+$0xFBB0]  }
0x280: {  	v9 =	vadd.f32 v17, v11;
	v11 =	vadd.f32 v12, v13;
	v13 =	vld [tilespmem:s0+$0xFBE0]  }
0x281: {  	v4 =	vadd.f32 v4, v6;
	v5 =	vadd.f32 v5, v7;
	v6 =	vld [tilespmem:s0+$0xFBF0];
	s0 =	sshra.s32 s1, $0x2  }
0x282: {  	v9 =	vadd.f32 v15, v9;
	v7 =	vld [tilespmem:s0+$0xFBC0];
	v10 =	vadd.f32 v10, v11  }
0x283: {  	v4 =	vadd.f32 v2, v4;
	v5 =	vadd.f32 v3, v5;
	v11 =	vld [tilespmem:s0+$0xFBD0]  }
0x284: {  	v9 =	vadd.f32 v14, v9;
	v2 =	vld [tilespmem:s0+$0xFB80];
	v8 =	vadd.f32 v8, v10  }
0x285: {  	v12 =	vadd.f32 v0, v4;
	v15 =	vadd.f32 v1, v5;
	v3 =	vld [tilespmem:s0+$0xFB90]  }
0x286: {  	v14 =	vadd.f32 v13, v9;
	v4 =	vld [tilespmem:s0+$0xFB40];
	v13 =	vadd.f32 v6, v8  }
0x287: {  	v5 =	vld [tilespmem:s0+$0xFB50];
	v0 =	vmov v7  }
0x288: {  	v6 =	vld [tilespmem:s0+$0xFB00];
	v1 =	vmov v11  }
0x289: {  	v7 =	vld [tilespmem:s0+$0xFB10]  }
0x28a: {  	v9 =	vld [tilespmem:s0+$0xFAC0]  }
0x28b: {  	v8 =	vld [tilespmem:s0+$0xFAD0]  }
0x28c: {  	v11 =	vld [tilespmem:s0+$0xFA80]  }
0x28d: {  	v10 =	vld [tilespmem:s0+$0xFA90]  }
.Ltmp9:
0x28e: {  	v17 =	vld [tilespmem:s0+$0xFA40];
	(pc) =	sbr.rel @p0 .LBB2_20-.Ltmp9, $4  }
0x28f: {  	v16 =	vld [tilespmem:s0+$0xFA50]  }
0x290: {  	v19 =	vld [tilespmem:s0+$0xFA00]  }
0x291: {  	v20 =	vld [tilespmem:s0+$0xFA10]  }
0x292: {  	s1 =	sadd.s32 $0x800, s1;
	v18 =	vld [tilespmem:s0+$0xFA20]  }
0x293: {  	v21 =	vld [tilespmem:s0+$0xFA30]  }
0x294: {  	v22 =	vld [tilespmem:s0+$0xFA60]  }
0x295: {  	v23 =	vld [tilespmem:s0+$0xFA70];
	v12 =	vadd.f32 v19, v12  }
0x296: {  	v43 =	vld [tilespmem:s0+$0xFAA0];
	v15 =	vadd.f32 v20, v15  }
0x297: {  	v44 =	vld [tilespmem:s0+$0xFAB0];
	v14 =	vadd.f32 v18, v14;
	v12 =	vadd.f32 v17, v12  }
0x298: {  	v45 =	vld [tilespmem:s0+$0xFAE0];
	v13 =	vadd.f32 v21, v13;
	v15 =	vadd.f32 v16, v15  }
0x299: {  	v46 =	vld [tilespmem:s0+$0xFAF0];
	v14 =	vadd.f32 v22, v14;
	v11 =	vadd.f32 v11, v12  }
0x29a: {  	v48 =	vld [tilespmem:s0+$0xFB20];
	v47 =	vadd.f32 v23, v13;
	v10 =	vadd.f32 v10, v15  }
0x29b: {  	v49 =	vld [tilespmem:s0+$0xFB30];
	v14 =	vadd.f32 v43, v14;
	v9 =	vadd.f32 v9, v11  }
0x29c: {  	v51 =	vld [tilespmem:s0+$0xFB60];
	v50 =	vadd.f32 v44, v47;
	v8 =	vadd.f32 v8, v10  }
0x29d: {  	v52 =	vld [tilespmem:s0+$0xFB70];
	v14 =	vadd.f32 v45, v14;
	v6 =	vadd.f32 v6, v9  }
0x29e: {  	v54 =	vld [tilespmem:s0+$0xFBA0];
	v53 =	vadd.f32 v46, v50;
	v7 =	vadd.f32 v7, v8  }
0x29f: {  	v55 =	vld [tilespmem:s0+$0xFBB0];
	v13 =	vadd.f32 v48, v14;
	v4 =	vadd.f32 v4, v6  }
0x2a0: {  	v57 =	vld [tilespmem:s0+$0xFBE0];
	v56 =	vadd.f32 v49, v53;
	v5 =	vadd.f32 v5, v7  }
0x2a1: {  	v58 =	vld [tilespmem:s0+$0xFBF0];
	v12 =	vadd.f32 v51, v13;
	v2 =	vadd.f32 v2, v4  }
0x2a2: {  	v59 =	vadd.f32 v52, v56;
	v3 =	vadd.f32 v3, v5  }
0x2a3: {  	v60 =	vadd.f32 v54, v12;
	v0 =	vadd.f32 v0, v2  }
0x2a4: {  	v61 =	vadd.f32 v55, v59;
	v1 =	vadd.f32 v1, v3  }
0x2a5: {  	v62 =	vadd.f32 v57, v60;
	[tilespmem:$0x14BC0] =	vst v0  }
0x2a6: {  	s30 =	sadd.s32 $0x1, s30;
	v63 =	vadd.f32 v58, v61;
	[tilespmem:$0x14BD0] =	vst v1  }
0x2a7: {  	p0 =	sne.s32 s30, s6;
	[tilespmem:$0x14BE0] =	vst v62  }
.Ltmp10:
0x2a8: {  	[tilespmem:$0x14BF0] =	vst v63;
	(pc) =	sbr.rel @p0 .LBB2_1-.Ltmp10, $4  }
0x2a9: {  	[hbm4b:s5+s2] =	stream.linear.scatter [tilespmem:s29], [sflag:$0x5], $0x2000, $0x38;
	[tilespmem:$0x14C00] =	vst v63  }
0x2aa: {  	_ =	swait.ge [sflag:s7], $0x2000  }
0x2ab: {  	[sflag:s7] =	ssyncset.done $0x0  }
0x2ac: {  	[sflag:s7] =	ssyncadd.s32 $0xFFFFE000  }
0x2ad: {  	_ =	sfence.sel $0x180000  }
0x2ae: {  	[bflag:$0x0] =	sbarrier.arrive $0xFFFF  }
0x2af: {  	_ =	strace $0x90000047  }
0x2b0: {  	s0 =	stileid.u32;
	[bflag:$0x2] =	sbarrier.arrive $0xFFFF  }
0x2b1: {  	p0 =	sne.s32 s0, $0x0;
	s0 =	rddreg [dreg:$0x1]  }
0x2b2: {  	s0 =	sadd.s32 @!p0 $0x100000, s0  }
0x2b3: {  	[sflag:s0] =	ssyncadd.tile.s32 @!p0 $0x1;
	_ =	shalt  }
.Lfunc_end2:
_tile_overlayer_lowered:
.L_overlay_start_2:
0x2b4: {  	(tag) =	ssettag $0x2  }
0x2b5: {  	s0 =	rddreg [dreg:$0x0];
	s2 =	stileid.u32  }
0x2b6: {  	s1 =	rddreg [dreg:$0x1];
	p0 =	sne.s32 s2, $0x0  }
0x2b7: {  	s3 =	rddreg [dreg:$0x2];
	[bflag:$0x3] =	sbarrier.arrive $0xFFFF;
	s2 =	simm.s32 @!p0 $0x1C05  }
0x2b8: {  	[timem:s3], [sflag:s2] =	dma.local @!p0 [hbm:s0], s1  }
0x2b9: {  	s0 =	simm.s32 @!p0 $0x5  }
0x2ba: {  	_ =	swait.ge @!p0 [sflag:s0], s1  }
0x2bb: {  	s1 =	ssub.s32 @!p0 $0x0, s1;
	[sflag:s0] =	ssyncset.done @!p0 $0x0  }
0x2bc: {  	[sflag:s0] =	ssyncadd.s32 @!p0 s1  }
0x2bd: {  	[bflag:$0x3] =	sbarrier.arrive $0xFFFF  }
0x2be: {  	_ =	shalt  }

</sc_bundles>
